<compile_context>
chip_gen: v7x
topology: tpu7x:2x2x1
jax: 0.10.2.dev20260603
libtpu: 0.0.44.dev20260713+nightly
codegen_flags: <defaults>
</compile_context>

<pallas_src>
import functools

import jax
import jax.numpy as jnp
from jax import lax
from jax.experimental import pallas as pl
from jax.experimental.pallas import tpu as pltpu
from jax.experimental.pallas import tpu_sc as plsc

_N_E = 8192
_E_DIM = 256
_BETA = 0.25
_N_B = 8
_TOK = 1024
_N_TOK = _N_B * _TOK
_CK = 512
_N_CHUNK = _N_E // _CK
_GRP = _CK // 8


def _dist_argmin_body(z_ref, e_ref, idx_ref, loss_ref, b2_ref, acc_ref):
    b = pl.program_id(0)

    @pl.when(b == 0)
    def _():
        e = e_ref[...]
        b2_ref[:, 0] = jnp.sum(e * e, axis=1)
        acc_ref[0] = 0.0

    zf = z_ref[0]
    zneg = zf * (-2.0)
    a2 = jnp.sum(zf * zf, axis=0)

    def get_s(c):
        ec = e_ref[pl.ds(c * _CK, _CK), :]
        return lax.dot_general(ec, zneg, (((1,), (0,)), ((), ())),
                               preferred_element_type=jnp.float32)

    a2b = a2[None, :]

    def tournament(c, s, m, mi):
        b2c = b2_ref[pl.ds(c * _CK, _CK), :]
        for g in range(_GRP):
            sv = lax.slice(s, (g * 8, 0), (g * 8 + 8, _TOK))
            b2g = lax.slice(b2c, (g * 8, 0), (g * 8 + 8, 1))
            dv = (a2b + b2g) + sv
            lt = dv < m
            m = jnp.where(lt, dv, m)
            mi = jnp.where(lt, c * _GRP + g, mi)
        return m, mi

    def chunk(i, carry):
        m, mi = carry
        c = i * 4
        ss = [get_s(c + j) for j in range(4)]
        for j in range(4):
            m, mi = tournament(c + j, ss[j], m, mi)
        return m, mi

    m0 = jnp.full((8, _TOK), jnp.inf, jnp.float32)
    mi0 = jnp.zeros((8, _TOK), jnp.int32)
    m, mi = lax.fori_loop(0, _N_CHUNK // 4, chunk, (m0, mi0))

    srow = lax.broadcasted_iota(jnp.int32, (8, _TOK), 0)
    k = mi * 8 + srow
    m8 = jnp.min(m, axis=0)
    kk = jnp.where(m == m8[None, :], k, _N_E)
    idx_ref[0, 0, :] = jnp.min(kk, axis=0)

    acc_ref[0] += jnp.sum(m8)

    @pl.when(b == pl.num_programs(0) - 1)
    def _():
        loss_ref[0, 0] = acc_ref[0] * ((1.0 + _BETA) / (_N_TOK * _E_DIM))


def _dist_argmin(z_r, embedding_weight, *, interpret=False):
    return pl.pallas_call(
        _dist_argmin_body,
        grid=(_N_B,),
        in_specs=[
            pl.BlockSpec((1, _E_DIM, _TOK), lambda b: (b, 0, 0)),
            pl.BlockSpec((_N_E, _E_DIM), lambda b: (0, 0)),
        ],
        out_specs=[
            pl.BlockSpec((1, 1, _TOK), lambda b: (b, 0, 0)),
            pl.BlockSpec(memory_space=pltpu.SMEM),
        ],
        out_shape=[
            jax.ShapeDtypeStruct((_N_B, 1, _TOK), jnp.int32),
            jax.ShapeDtypeStruct((1, 1), jnp.float32),
        ],
        scratch_shapes=[
            pltpu.VMEM((_N_E, 1), jnp.float32),
            pltpu.SMEM((1,), jnp.float32),
        ],
        interpret=interpret,
    )(z_r, embedding_weight)


_SC_NW = 32
_SC_ROWS = _N_TOK // _SC_NW


def _sc_gather_body(table_hbm, idx_hbm, out_hbm, idx_v, rows_v, sem):
    wid = lax.axis_index("s") * 2 + lax.axis_index("c")
    base = wid * _SC_ROWS
    pltpu.sync_copy(idx_hbm.at[pl.ds(base, _SC_ROWS)], idx_v)
    pltpu.async_copy(table_hbm.at[idx_v], rows_v, sem).wait()
    pltpu.sync_copy(rows_v, out_hbm.at[pl.ds(base, _SC_ROWS)])


@functools.cache
def _sc_gather():
    return pl.kernel(
        _sc_gather_body,
        out_type=jax.ShapeDtypeStruct((_N_TOK, _E_DIM), jnp.float32),
        mesh=plsc.VectorSubcoreMesh(core_axis_name="c", subcore_axis_name="s"),
        scratch_types=[
            pltpu.VMEM((_SC_ROWS,), jnp.int32),
            pltpu.VMEM((_SC_ROWS, _E_DIM), jnp.float32),
            pltpu.SemaphoreType.DMA,
        ],
    )


def kernel(z, embedding_weight):
    z_r = z.reshape(_N_B, _E_DIM, _TOK)
    idx3, loss11 = _dist_argmin(z_r, embedding_weight)
    z_indices = idx3.reshape(_N_TOK)
    zq_rows = _sc_gather()(embedding_weight, z_indices)
    z_q = zq_rows.reshape(_N_B, 32, 32, _E_DIM)
    z_q = jnp.transpose(z_q, (0, 3, 1, 2))
    return (z_q, loss11[0, 0], z_indices)

# --- scband reference (transcript-rebuilt; emitter-appended) ---
"""Pipeline reference for scband-vector-quantize2-35923106464026 (READ-ONLY COPY).

The authoritative reference and input builder live on the scoring server;
editing this copy changes nothing except your own understanding.
"""

import jax, jax.numpy as jnp
import numpy as np

N_E = 8192
E_DIM = 256
BETA = 0.25

def setup_inputs(seed: int = 0):
    key = jax.random.key(seed)
    k1, k2 = jax.random.split(key)
    z = jax.random.normal(k1, (8, E_DIM, 32, 32), dtype=jnp.float32)
    embedding_weight = jax.random.uniform(k2, (N_E, E_DIM), dtype=jnp.float32, minval=-1.0 / N_E, maxval=1.0 / N_E)
    return {"z": z, "embedding_weight": embedding_weight}

def reference(z, embedding_weight):
    # b c h w -> b h w c
    zt = jnp.transpose(z, (0, 2, 3, 1))
    zf = zt.reshape(-1, E_DIM)
    # squared L2 distances to all codebook entries
    d = (jnp.sum(zf ** 2, axis=1, keepdims=True)
         + jnp.sum(embedding_weight ** 2, axis=1)
         - 2.0 * jnp.einsum('bd,dn->bn', zf, embedding_weight.T))
    z_indices = jnp.argmin(d, axis=1)
    z_q = jnp.take(embedding_weight, z_indices, axis=0).reshape(zt.shape)
    # legacy=True loss
    loss = (jnp.mean((jax.lax.stop_gradient(z_q) - zt) ** 2)
            + BETA * jnp.mean((z_q - jax.lax.stop_gradient(zt)) ** 2))
    # straight-through estimator
    z_q = zt + jax.lax.stop_gradient(z_q - zt)
    # b h w c -> b c h w
    z_q = jnp.transpose(z_q, (0, 3, 1, 2))
    return (z_q, loss, z_indices)

if __name__ == "__main__":
    import jax
    _d = setup_inputs()
    print(jax.jit(kernel)(*tuple(_d.values())))

</pallas_src>

<mosaic_0001>
#map = affine_map<(d0, d1) -> (0, 0)>
#map1 = affine_map<(d0, d1) -> (0)>
module attributes {stable_mosaic.version = 14 : i64} {
  func.func @_sc_gather_body(%arg0: i32, %arg1: i32, %arg2: memref<8192x256xf32, #tpu.memory_space<hbm>>, %arg3: memref<8192xi32, #tpu.memory_space<hbm>>, %arg4: memref<8192x256xf32, #tpu.memory_space<hbm>>, %arg5: memref<256xi32, #tpu.memory_space<vmem>>, %arg6: memref<256x256xf32, #tpu.memory_space<vmem>>, %arg7: memref<!tpu.dma_semaphore, #tpu.memory_space<semaphore_mem>>) attributes {dimension_semantics = [#tpu.dimension_semantics<core_parallel>, #tpu.dimension_semantics<subcore_parallel>], iteration_bounds = array<i64: 2, 16>, scalar_prefetch = 0 : i64, scratch_operands = 3 : i64, tpu.core_type = #tpu.core_type<sc_vector_subcore>, window_params = [{transform_indices = #map}, {transform_indices = #map1}, {transform_indices = #map}]} {
    %mul3A = arith.constant 2 : i32
    %mul3A_0 = arith.muli %arg1, %mul3A : i32
    %add3A = arith.addi %mul3A_0, %arg0 : i32
    %mul3A_1 = arith.constant 256 : i32
    %mul3A_2 = arith.muli %add3A, %mul3A_1 : i32
    "tpu.region"() ({
      %run_scoped3A = tpu.sem_alloc : memref<!tpu.dma_semaphore, #tpu.memory_space<semaphore_mem>>
      %dma_start3A_7 = tpu.memref_slice %arg3[%mul3A_2] : memref<8192xi32, #tpu.memory_space<hbm>> -> memref<256xi32, #tpu.memory_space<hbm>>
      %dma_start3A_8 = tpu.memref_slice %arg3[%mul3A_2] : memref<8192xi32, #tpu.memory_space<hbm>> -> memref<256xi32, #tpu.memory_space<hbm>>
      tpu.enqueue_dma source(%dma_start3A_8 : memref<256xi32, #tpu.memory_space<hbm>>) target(%arg5 : memref<256xi32, #tpu.memory_space<vmem>>) target_semaphore(%run_scoped3A : memref<!tpu.dma_semaphore, #tpu.memory_space<semaphore_mem>>)
      %dma_wait3A_9 = tpu.memref_slice %arg3[%mul3A_2] : memref<8192xi32, #tpu.memory_space<hbm>> -> memref<256xi32, #tpu.memory_space<hbm>>
      %dma_wait3A_10 = tpu.memref_slice %arg3[%mul3A_2] : memref<8192xi32, #tpu.memory_space<hbm>> -> memref<256xi32, #tpu.memory_space<hbm>>
      tpu.wait_dma2 semaphore(%run_scoped3A : memref<!tpu.dma_semaphore, #tpu.memory_space<semaphore_mem>>) src(%dma_wait3A_10 : memref<256xi32, #tpu.memory_space<hbm>>) dst(%arg5 : memref<256xi32, #tpu.memory_space<vmem>>)
      tpu.yield
    }) : () -> ()
    %dma_start3A = arith.constant 0 : i32
    %dma_start3A_3 = arith.constant 0 : i32
    %dma_start3A_4 = tpu.memref_slice %arg2[%dma_start3A, %dma_start3A_3] : memref<8192x256xf32, #tpu.memory_space<hbm>> -> memref<8192x256xf32, #tpu.memory_space<hbm>>
    tpu.enqueue_indirect_dma source(%dma_start3A_4 : memref<8192x256xf32, #tpu.memory_space<hbm>>) target(%arg6 : memref<256x256xf32, #tpu.memory_space<vmem>>) offsets(%arg5 : memref<256xi32, #tpu.memory_space<vmem>>) semaphore(%arg7 : memref<!tpu.dma_semaphore, #tpu.memory_space<semaphore_mem>>)
    %dma_wait3A = arith.constant 0 : i32
    %dma_wait3A_5 = arith.constant 0 : i32
    %dma_wait3A_6 = tpu.memref_slice %arg2[%dma_wait3A, %dma_wait3A_5] : memref<8192x256xf32, #tpu.memory_space<hbm>> -> memref<8192x256xf32, #tpu.memory_space<hbm>>
    tpu.wait_indirect_dma semaphore(%arg7 : memref<!tpu.dma_semaphore, #tpu.memory_space<semaphore_mem>>) src(%dma_wait3A_6 : memref<8192x256xf32, #tpu.memory_space<hbm>>) dst(%arg6 : memref<256x256xf32, #tpu.memory_space<vmem>>)
    "tpu.region"() ({
      %run_scoped3A = tpu.sem_alloc : memref<!tpu.dma_semaphore, #tpu.memory_space<semaphore_mem>>
      %dma_start3A_7 = arith.constant 0 : i32
      %dma_start3A_8 = tpu.memref_slice %arg4[%mul3A_2, %dma_start3A_7] : memref<8192x256xf32, #tpu.memory_space<hbm>> -> memref<256x256xf32, #tpu.memory_space<hbm>>
      %dma_start3A_9 = arith.constant 0 : i32
      %dma_start3A_10 = tpu.memref_slice %arg4[%mul3A_2, %dma_start3A_9] : memref<8192x256xf32, #tpu.memory_space<hbm>> -> memref<256x256xf32, #tpu.memory_space<hbm>>
      tpu.enqueue_dma source(%arg6 : memref<256x256xf32, #tpu.memory_space<vmem>>) target(%dma_start3A_10 : memref<256x256xf32, #tpu.memory_space<hbm>>) target_semaphore(%run_scoped3A : memref<!tpu.dma_semaphore, #tpu.memory_space<semaphore_mem>>)
      %dma_wait3A_11 = arith.constant 0 : i32
      %dma_wait3A_12 = tpu.memref_slice %arg4[%mul3A_2, %dma_wait3A_11] : memref<8192x256xf32, #tpu.memory_space<hbm>> -> memref<256x256xf32, #tpu.memory_space<hbm>>
      %dma_wait3A_13 = arith.constant 0 : i32
      %dma_wait3A_14 = tpu.memref_slice %arg4[%mul3A_2, %dma_wait3A_13] : memref<8192x256xf32, #tpu.memory_space<hbm>> -> memref<256x256xf32, #tpu.memory_space<hbm>>
      tpu.wait_dma2 semaphore(%run_scoped3A : memref<!tpu.dma_semaphore, #tpu.memory_space<semaphore_mem>>) src(%arg6 : memref<256x256xf32, #tpu.memory_space<vmem>>) dst(%dma_wait3A_14 : memref<256x256xf32, #tpu.memory_space<hbm>>)
      tpu.yield
    }) : () -> ()
    return
  }
}

module attributes {stable_mosaic.version = 14 : i64} {
  func.func @_dist_argmin_body(%arg0: i32, %arg1: memref<1x256x1024xf32, #tpu.memory_space<vmem>>, %arg2: memref<8192x256xf32, #tpu.memory_space<vmem>>, %arg3: memref<1x1x1024xi32, #tpu.memory_space<vmem>>, %arg4: memref<1x1xf32, #tpu.memory_space<smem>>, %arg5: memref<8192x1xf32, #tpu.memory_space<vmem>>, %arg6: memref<1xf32, #tpu.memory_space<smem>>) attributes {dimension_semantics = [#tpu.dimension_semantics<arbitrary>], iteration_bounds = array<i64: 8>, scalar_prefetch = 0 : i64, scratch_operands = 2 : i64, tpu.core_type = #tpu.core_type<tc>, window_params = [{transform_indices = @transform_0, window_bounds = array<i64: 1, 256, 1024>}, {pipeline_mode = #tpu.pipeline_mode<synchronous>, transform_indices = @transform_1, window_bounds = array<i64: 8192, 256>}, {transform_indices = @transform_2, window_bounds = array<i64: 1, 1, 1024>}, {transform_indices = @transform_3, window_bounds = array<i64: 1, 1>}]} {
    %eq3A = arith.constant 0 : i32
    %eq3A_0 = arith.cmpi eq, %arg0, %eq3A : i32
    %convert_element_type3A = arith.extui %eq3A_0 : i1 to i32
    %cond3A = arith.constant 0 : i32
    %cond3A_1 = arith.cmpi ne, %convert_element_type3A, %cond3A : i32
    scf.if %cond3A_1 {
      %get3A_49 = arith.constant 0 : index
      %get3A_50 = arith.constant 0 : index
      %get3A_51 = vector.load %arg2[%get3A_49, %get3A_50] : memref<8192x256xf32, #tpu.memory_space<vmem>>, vector<8192x256xf32>
      %mul3A_52 = arith.mulf %get3A_51, %get3A_51 : vector<8192x256xf32>
      %reduce_sum3A_53 = arith.constant dense<0.000000e+00> : vector<8192xf32>
      %reduce_sum3A_54 = vector.multi_reduction <add>, %mul3A_52, %reduce_sum3A_53 [1] : vector<8192x256xf32> to vector<8192xf32>
      %swap3A_55 = arith.constant 0 : index
      %swap3A_56 = arith.constant 0 : index
      %swap3A_57 = vector.load %arg5[%swap3A_55, %swap3A_56] : memref<8192x1xf32, #tpu.memory_space<vmem>>, vector<8192x1xf32>
      %swap3A_58 = vector.shape_cast %swap3A_57 : vector<8192x1xf32> to vector<8192xf32>
      %swap3A_59 = vector.shape_cast %reduce_sum3A_54 : vector<8192xf32> to vector<8192x1xf32>
      tpu.vector_store %arg5[%swap3A_55, %swap3A_56], %swap3A_59 {strides = array<i32>} : memref<8192x1xf32, #tpu.memory_space<vmem>>, vector<8192x1xf32>,
      %swap3A_60 = arith.constant 0.000000e+00 : f32
      %swap3A_61 = arith.constant 0 : index
      %swap3A_62 = memref.load %arg6[%swap3A_61] : memref<1xf32, #tpu.memory_space<smem>>
      memref.store %swap3A_60, %arg6[%swap3A_61] : memref<1xf32, #tpu.memory_space<smem>>
    } else {
    }
    %get3A = arith.constant 0 : index
    %get3A_2 = arith.constant 0 : index
    %get3A_3 = arith.constant 0 : index
    %get3A_4 = vector.load %arg1[%get3A, %get3A_2, %get3A_3] : memref<1x256x1024xf32, #tpu.memory_space<vmem>>, vector<1x256x1024xf32>
    %get3A_5 = vector.shape_cast %get3A_4 : vector<1x256x1024xf32> to vector<256x1024xf32>
    %mul3A = arith.constant -2.000000e+00 : f32
    %mul3A_6 = vector.broadcast %mul3A : f32 to vector<256x1024xf32>
    %mul3A_7 = arith.mulf %get3A_5, %mul3A_6 : vector<256x1024xf32>
    %mul3A_8 = arith.mulf %get3A_5, %get3A_5 : vector<256x1024xf32>
    %reduce_sum3A = arith.constant dense<0.000000e+00> : vector<1024xf32>
    %reduce_sum3A_9 = vector.multi_reduction <add>, %mul3A_8, %reduce_sum3A [0] : vector<256x1024xf32> to vector<1024xf32>
    %broadcast_in_dim3A = vector.shape_cast %reduce_sum3A_9 : vector<1024xf32> to vector<1x1024xf32>
    %broadcast_in_dim3A_10 = arith.constant 0x7F800000 : f32
    %broadcast_in_dim3A_11 = vector.broadcast %broadcast_in_dim3A_10 : f32 to vector<8x1024xf32>
    %broadcast_in_dim3A_12 = arith.constant 0 : i32
    %broadcast_in_dim3A_13 = vector.broadcast %broadcast_in_dim3A_12 : i32 to vector<8x1024xi32>
    %scan3A = arith.constant 0 : i32
    %scan3A_14 = arith.constant 4 : i32
    %scan3A_15 = arith.addi %scan3A, %scan3A_14 : i32
    %scan3A_16 = arith.constant 1 : i32
    %scan3A_17:2 = scf.for %scan3A_49 = %scan3A to %scan3A_15 step %scan3A_16 iter_args(%scan3A_50 = %broadcast_in_dim3A_11, %scan3A_51 = %broadcast_in_dim3A_13) -> (vector<8x1024xf32>, vector<8x1024xi32>)  : i32 {
      %mul3A_52 = arith.constant 4 : i32
      %mul3A_53 = arith.muli %scan3A_49, %mul3A_52 : i32
      %add3A_54 = arith.constant 0 : i32
      %add3A_55 = arith.addi %mul3A_53, %add3A_54 : i32
      %mul3A_56 = arith.constant 512 : i32
      %mul3A_57 = arith.muli %add3A_55, %mul3A_56 : i32
      %get3A_58 = arith.index_cast %mul3A_57 : i32 to index
      %get3A_59 = arith.constant 0 : index
      %get3A_60 = vector.load %arg2[%get3A_58, %get3A_59] : memref<8192x256xf32, #tpu.memory_space<vmem>>, vector<512x256xf32>
      %dot_general3A = arith.constant dense<0.000000e+00> : vector<512x1024xf32>
      %dot_general3A_61 = tpu.matmul %get3A_60, %mul3A_7, %dot_general3A {dimension_numbers = #tpu.dot_dimension_numbers<[1], [0], [0], [1], [0, 0, 1, 1], [], []>, transpose_lhs_hint = false} : vector<512x256xf32>, vector<256x1024xf32>, vector<512x1024xf32> -> vector<512x1024xf32>
      %add3A_62 = arith.constant 1 : i32
      %add3A_63 = arith.addi %mul3A_53, %add3A_62 : i32
      %mul3A_64 = arith.constant 512 : i32
      %mul3A_65 = arith.muli %add3A_63, %mul3A_64 : i32
      %get3A_66 = arith.index_cast %mul3A_65 : i32 to index
      %get3A_67 = arith.constant 0 : index
      %get3A_68 = vector.load %arg2[%get3A_66, %get3A_67] : memref<8192x256xf32, #tpu.memory_space<vmem>>, vector<512x256xf32>
      %dot_general3A_69 = arith.constant dense<0.000000e+00> : vector<512x1024xf32>
      %dot_general3A_70 = tpu.matmul %get3A_68, %mul3A_7, %dot_general3A_69 {dimension_numbers = #tpu.dot_dimension_numbers<[1], [0], [0], [1], [0, 0, 1, 1], [], []>, transpose_lhs_hint = false} : vector<512x256xf32>, vector<256x1024xf32>, vector<512x1024xf32> -> vector<512x1024xf32>
      %add3A_71 = arith.constant 2 : i32
      %add3A_72 = arith.addi %mul3A_53, %add3A_71 : i32
      %mul3A_73 = arith.constant 512 : i32
      %mul3A_74 = arith.muli %add3A_72, %mul3A_73 : i32
      %get3A_75 = arith.index_cast %mul3A_74 : i32 to index
      %get3A_76 = arith.constant 0 : index
      %get3A_77 = vector.load %arg2[%get3A_75, %get3A_76] : memref<8192x256xf32, #tpu.memory_space<vmem>>, vector<512x256xf32>
      %dot_general3A_78 = arith.constant dense<0.000000e+00> : vector<512x1024xf32>
      %dot_general3A_79 = tpu.matmul %get3A_77, %mul3A_7, %dot_general3A_78 {dimension_numbers = #tpu.dot_dimension_numbers<[1], [0], [0], [1], [0, 0, 1, 1], [], []>, transpose_lhs_hint = false} : vector<512x256xf32>, vector<256x1024xf32>, vector<512x1024xf32> -> vector<512x1024xf32>
      %add3A_80 = arith.constant 3 : i32
      %add3A_81 = arith.addi %mul3A_53, %add3A_80 : i32
      %mul3A_82 = arith.constant 512 : i32
      %mul3A_83 = arith.muli %add3A_81, %mul3A_82 : i32
      %get3A_84 = arith.index_cast %mul3A_83 : i32 to index
      %get3A_85 = arith.constant 0 : index
      %get3A_86 = vector.load %arg2[%get3A_84, %get3A_85] : memref<8192x256xf32, #tpu.memory_space<vmem>>, vector<512x256xf32>
      %dot_general3A_87 = arith.constant dense<0.000000e+00> : vector<512x1024xf32>
      %dot_general3A_88 = tpu.matmul %get3A_86, %mul3A_7, %dot_general3A_87 {dimension_numbers = #tpu.dot_dimension_numbers<[1], [0], [0], [1], [0, 0, 1, 1], [], []>, transpose_lhs_hint = false} : vector<512x256xf32>, vector<256x1024xf32>, vector<512x1024xf32> -> vector<512x1024xf32>
      %add3A_89 = arith.constant 0 : i32
      %add3A_90 = arith.addi %mul3A_53, %add3A_89 : i32
      %mul3A_91 = arith.constant 512 : i32
      %mul3A_92 = arith.muli %add3A_90, %mul3A_91 : i32
      %get3A_93 = arith.index_cast %mul3A_92 : i32 to index
      %get3A_94 = arith.constant 0 : index
      %get3A_95 = vector.load %arg5[%get3A_93, %get3A_94] : memref<8192x1xf32, #tpu.memory_space<vmem>>, vector<512x1xf32>
      %slice3A = vector.extract_strided_slice %dot_general3A_61 {offsets = [0, 0], sizes = [8, 1024], strides = [1, 1]} : vector<512x1024xf32> to vector<8x1024xf32>
      %slice3A_96 = vector.extract_strided_slice %get3A_95 {offsets = [0, 0], sizes = [8, 1], strides = [1, 1]} : vector<512x1xf32> to vector<8x1xf32>
      %add3A_97 = vector.broadcast %broadcast_in_dim3A : vector<1x1024xf32> to vector<8x1024xf32>
      %add3A_98 = vector.broadcast %slice3A_96 : vector<8x1xf32> to vector<8x1024xf32>
      %add3A_99 = arith.addf %add3A_97, %add3A_98 : vector<8x1024xf32>
      %add3A_100 = arith.addf %add3A_99, %slice3A : vector<8x1024xf32>
      %lt3A = arith.cmpf olt, %add3A_100, %scan3A_50 : vector<8x1024xf32>
      %select_n3A_101 = arith.select %lt3A, %add3A_100, %scan3A_50 : vector<8x1024xi1>, vector<8x1024xf32>
      %mul3A_102 = arith.constant 64 : i32
      %mul3A_103 = arith.muli %add3A_90, %mul3A_102 : i32
      %add3A_104 = arith.constant 0 : i32
      %add3A_105 = arith.addi %mul3A_103, %add3A_104 : i32
      %broadcast_in_dim3A_106 = vector.broadcast %add3A_105 : i32 to vector<8x1024xi32>
      %select_n3A_107 = arith.select %lt3A, %broadcast_in_dim3A_106, %scan3A_51 : vector<8x1024xi1>, vector<8x1024xi32>
      %slice3A_108 = vector.extract_strided_slice %dot_general3A_61 {offsets = [8, 0], sizes = [8, 1024], strides = [1, 1]} : vector<512x1024xf32> to vector<8x1024xf32>
      %slice3A_109 = vector.extract_strided_slice %get3A_95 {offsets = [8, 0], sizes = [8, 1], strides = [1, 1]} : vector<512x1xf32> to vector<8x1xf32>
      %add3A_110 = vector.broadcast %broadcast_in_dim3A : vector<1x1024xf32> to vector<8x1024xf32>
      %add3A_111 = vector.broadcast %slice3A_109 : vector<8x1xf32> to vector<8x1024xf32>
      %add3A_112 = arith.addf %add3A_110, %add3A_111 : vector<8x1024xf32>
      %add3A_113 = arith.addf %add3A_112, %slice3A_108 : vector<8x1024xf32>
      %lt3A_114 = arith.cmpf olt, %add3A_113, %select_n3A_101 : vector<8x1024xf32>
      %select_n3A_115 = arith.select %lt3A_114, %add3A_113, %select_n3A_101 : vector<8x1024xi1>, vector<8x1024xf32>
      %mul3A_116 = arith.constant 64 : i32
      %mul3A_117 = arith.muli %add3A_90, %mul3A_116 : i32
      %add3A_118 = arith.constant 1 : i32
      %add3A_119 = arith.addi %mul3A_117, %add3A_118 : i32
      %broadcast_in_dim3A_120 = vector.broadcast %add3A_119 : i32 to vector<8x1024xi32>
      %select_n3A_121 = arith.select %lt3A_114, %broadcast_in_dim3A_120, %select_n3A_107 : vector<8x1024xi1>, vector<8x1024xi32>
      %slice3A_122 = vector.extract_strided_slice %dot_general3A_61 {offsets = [16, 0], sizes = [8, 1024], strides = [1, 1]} : vector<512x1024xf32> to vector<8x1024xf32>
      %slice3A_123 = vector.extract_strided_slice %get3A_95 {offsets = [16, 0], sizes = [8, 1], strides = [1, 1]} : vector<512x1xf32> to vector<8x1xf32>
      %add3A_124 = vector.broadcast %broadcast_in_dim3A : vector<1x1024xf32> to vector<8x1024xf32>
      %add3A_125 = vector.broadcast %slice3A_123 : vector<8x1xf32> to vector<8x1024xf32>
      %add3A_126 = arith.addf %add3A_124, %add3A_125 : vector<8x1024xf32>
      %add3A_127 = arith.addf %add3A_126, %slice3A_122 : vector<8x1024xf32>
      %lt3A_128 = arith.cmpf olt, %add3A_127, %select_n3A_115 : vector<8x1024xf32>
      %select_n3A_129 = arith.select %lt3A_128, %add3A_127, %select_n3A_115 : vector<8x1024xi1>, vector<8x1024xf32>
      %mul3A_130 = arith.constant 64 : i32
      %mul3A_131 = arith.muli %add3A_90, %mul3A_130 : i32
      %add3A_132 = arith.constant 2 : i32
      %add3A_133 = arith.addi %mul3A_131, %add3A_132 : i32
      %broadcast_in_dim3A_134 = vector.broadcast %add3A_133 : i32 to vector<8x1024xi32>
      %select_n3A_135 = arith.select %lt3A_128, %broadcast_in_dim3A_134, %select_n3A_121 : vector<8x1024xi1>, vector<8x1024xi32>
      %slice3A_136 = vector.extract_strided_slice %dot_general3A_61 {offsets = [24, 0], sizes = [8, 1024], strides = [1, 1]} : vector<512x1024xf32> to vector<8x1024xf32>
      %slice3A_137 = vector.extract_strided_slice %get3A_95 {offsets = [24, 0], sizes = [8, 1], strides = [1, 1]} : vector<512x1xf32> to vector<8x1xf32>
      %add3A_138 = vector.broadcast %broadcast_in_dim3A : vector<1x1024xf32> to vector<8x1024xf32>
      %add3A_139 = vector.broadcast %slice3A_137 : vector<8x1xf32> to vector<8x1024xf32>
      %add3A_140 = arith.addf %add3A_138, %add3A_139 : vector<8x1024xf32>
      %add3A_141 = arith.addf %add3A_140, %slice3A_136 : vector<8x1024xf32>
      %lt3A_142 = arith.cmpf olt, %add3A_141, %select_n3A_129 : vector<8x1024xf32>
      %select_n3A_143 = arith.select %lt3A_142, %add3A_141, %select_n3A_129 : vector<8x1024xi1>, vector<8x1024xf32>
      %mul3A_144 = arith.constant 64 : i32
      %mul3A_145 = arith.muli %add3A_90, %mul3A_144 : i32
      %add3A_146 = arith.constant 3 : i32
      %add3A_147 = arith.addi %mul3A_145, %add3A_146 : i32
      %broadcast_in_dim3A_148 = vector.broadcast %add3A_147 : i32 to vector<8x1024xi32>
      %select_n3A_149 = arith.select %lt3A_142, %broadcast_in_dim3A_148, %select_n3A_135 : vector<8x1024xi1>, vector<8x1024xi32>
      %slice3A_150 = vector.extract_strided_slice %dot_general3A_61 {offsets = [32, 0], sizes = [8, 1024], strides = [1, 1]} : vector<512x1024xf32> to vector<8x1024xf32>
      %slice3A_151 = vector.extract_strided_slice %get3A_95 {offsets = [32, 0], sizes = [8, 1], strides = [1, 1]} : vector<512x1xf32> to vector<8x1xf32>
      %add3A_152 = vector.broadcast %broadcast_in_dim3A : vector<1x1024xf32> to vector<8x1024xf32>
      %add3A_153 = vector.broadcast %slice3A_151 : vector<8x1xf32> to vector<8x1024xf32>
      %add3A_154 = arith.addf %add3A_152, %add3A_153 : vector<8x1024xf32>
      %add3A_155 = arith.addf %add3A_154, %slice3A_150 : vector<8x1024xf32>
      %lt3A_156 = arith.cmpf olt, %add3A_155, %select_n3A_143 : vector<8x1024xf32>
      %select_n3A_157 = arith.select %lt3A_156, %add3A_155, %select_n3A_143 : vector<8x1024xi1>, vector<8x1024xf32>
      %mul3A_158 = arith.constant 64 : i32
      %mul3A_159 = arith.muli %add3A_90, %mul3A_158 : i32
      %add3A_160 = arith.constant 4 : i32
      %add3A_161 = arith.addi %mul3A_159, %add3A_160 : i32
      %broadcast_in_dim3A_162 = vector.broadcast %add3A_161 : i32 to vector<8x1024xi32>
      %select_n3A_163 = arith.select %lt3A_156, %broadcast_in_dim3A_162, %select_n3A_149 : vector<8x1024xi1>, vector<8x1024xi32>
      %slice3A_164 = vector.extract_strided_slice %dot_general3A_61 {offsets = [40, 0], sizes = [8, 1024], strides = [1, 1]} : vector<512x1024xf32> to vector<8x1024xf32>
      %slice3A_165 = vector.extract_strided_slice %get3A_95 {offsets = [40, 0], sizes = [8, 1], strides = [1, 1]} : vector<512x1xf32> to vector<8x1xf32>
      %add3A_166 = vector.broadcast %broadcast_in_dim3A : vector<1x1024xf32> to vector<8x1024xf32>
      %add3A_167 = vector.broadcast %slice3A_165 : vector<8x1xf32> to vector<8x1024xf32>
      %add3A_168 = arith.addf %add3A_166, %add3A_167 : vector<8x1024xf32>
      %add3A_169 = arith.addf %add3A_168, %slice3A_164 : vector<8x1024xf32>
      %lt3A_170 = arith.cmpf olt, %add3A_169, %select_n3A_157 : vector<8x1024xf32>
      %select_n3A_171 = arith.select %lt3A_170, %add3A_169, %select_n3A_157 : vector<8x1024xi1>, vector<8x1024xf32>
      %mul3A_172 = arith.constant 64 : i32
      %mul3A_173 = arith.muli %add3A_90, %mul3A_172 : i32
      %add3A_174 = arith.constant 5 : i32
      %add3A_175 = arith.addi %mul3A_173, %add3A_174 : i32
      %broadcast_in_dim3A_176 = vector.broadcast %add3A_175 : i32 to vector<8x1024xi32>
      %select_n3A_177 = arith.select %lt3A_170, %broadcast_in_dim3A_176, %select_n3A_163 : vector<8x1024xi1>, vector<8x1024xi32>
      %slice3A_178 = vector.extract_strided_slice %dot_general3A_61 {offsets = [48, 0], sizes = [8, 1024], strides = [1, 1]} : vector<512x1024xf32> to vector<8x1024xf32>
      %slice3A_179 = vector.extract_strided_slice %get3A_95 {offsets = [48, 0], sizes = [8, 1], strides = [1, 1]} : vector<512x1xf32> to vector<8x1xf32>
      %add3A_180 = vector.broadcast %broadcast_in_dim3A : vector<1x1024xf32> to vector<8x1024xf32>
      %add3A_181 = vector.broadcast %slice3A_179 : vector<8x1xf32> to vector<8x1024xf32>
      %add3A_182 = arith.addf %add3A_180, %add3A_181 : vector<8x1024xf32>
      %add3A_183 = arith.addf %add3A_182, %slice3A_178 : vector<8x1024xf32>
      %lt3A_184 = arith.cmpf olt, %add3A_183, %select_n3A_171 : vector<8x1024xf32>
      %select_n3A_185 = arith.select %lt3A_184, %add3A_183, %select_n3A_171 : vector<8x1024xi1>, vector<8x1024xf32>
      %mul3A_186 = arith.constant 64 : i32
      %mul3A_187 = arith.muli %add3A_90, %mul3A_186 : i32
      %add3A_188 = arith.constant 6 : i32
      %add3A_189 = arith.addi %mul3A_187, %add3A_188 : i32
      %broadcast_in_dim3A_190 = vector.broadcast %add3A_189 : i32 to vector<8x1024xi32>
      %select_n3A_191 = arith.select %lt3A_184, %broadcast_in_dim3A_190, %select_n3A_177 : vector<8x1024xi1>, vector<8x1024xi32>
      %slice3A_192 = vector.extract_strided_slice %dot_general3A_61 {offsets = [56, 0], sizes = [8, 1024], strides = [1, 1]} : vector<512x1024xf32> to vector<8x1024xf32>
      %slice3A_193 = vector.extract_strided_slice %get3A_95 {offsets = [56, 0], sizes = [8, 1], strides = [1, 1]} : vector<512x1xf32> to vector<8x1xf32>
      %add3A_194 = vector.broadcast %broadcast_in_dim3A : vector<1x1024xf32> to vector<8x1024xf32>
      %add3A_195 = vector.broadcast %slice3A_193 : vector<8x1xf32> to vector<8x1024xf32>
      %add3A_196 = arith.addf %add3A_194, %add3A_195 : vector<8x1024xf32>
      %add3A_197 = arith.addf %add3A_196, %slice3A_192 : vector<8x1024xf32>
      %lt3A_198 = arith.cmpf olt, %add3A_197, %select_n3A_185 : vector<8x1024xf32>
      %select_n3A_199 = arith.select %lt3A_198, %add3A_197, %select_n3A_185 : vector<8x1024xi1>, vector<8x1024xf32>
      %mul3A_200 = arith.constant 64 : i32
      %mul3A_201 = arith.muli %add3A_90, %mul3A_200 : i32
      %add3A_202 = arith.constant 7 : i32
      %add3A_203 = arith.addi %mul3A_201, %add3A_202 : i32
      %broadcast_in_dim3A_204 = vector.broadcast %add3A_203 : i32 to vector<8x1024xi32>
      %select_n3A_205 = arith.select %lt3A_198, %broadcast_in_dim3A_204, %select_n3A_191 : vector<8x1024xi1>, vector<8x1024xi32>
      %slice3A_206 = vector.extract_strided_slice %dot_general3A_61 {offsets = [64, 0], sizes = [8, 1024], strides = [1, 1]} : vector<512x1024xf32> to vector<8x1024xf32>
      %slice3A_207 = vector.extract_strided_slice %get3A_95 {offsets = [64, 0], sizes = [8, 1], strides = [1, 1]} : vector<512x1xf32> to vector<8x1xf32>
      %add3A_208 = vector.broadcast %broadcast_in_dim3A : vector<1x1024xf32> to vector<8x1024xf32>
      %add3A_209 = vector.broadcast %slice3A_207 : vector<8x1xf32> to vector<8x1024xf32>
      %add3A_210 = arith.addf %add3A_208, %add3A_209 : vector<8x1024xf32>
      %add3A_211 = arith.addf %add3A_210, %slice3A_206 : vector<8x1024xf32>
      %lt3A_212 = arith.cmpf olt, %add3A_211, %select_n3A_199 : vector<8x1024xf32>
      %select_n3A_213 = arith.select %lt3A_212, %add3A_211, %select_n3A_199 : vector<8x1024xi1>, vector<8x1024xf32>
      %mul3A_214 = arith.constant 64 : i32
      %mul3A_215 = arith.muli %add3A_90, %mul3A_214 : i32
      %add3A_216 = arith.constant 8 : i32
      %add3A_217 = arith.addi %mul3A_215, %add3A_216 : i32
      %broadcast_in_dim3A_218 = vector.broadcast %add3A_217 : i32 to vector<8x1024xi32>
      %select_n3A_219 = arith.select %lt3A_212, %broadcast_in_dim3A_218, %select_n3A_205 : vector<8x1024xi1>, vector<8x1024xi32>
      %slice3A_220 = vector.extract_strided_slice %dot_general3A_61 {offsets = [72, 0], sizes = [8, 1024], strides = [1, 1]} : vector<512x1024xf32> to vector<8x1024xf32>
      %slice3A_221 = vector.extract_strided_slice %get3A_95 {offsets = [72, 0], sizes = [8, 1], strides = [1, 1]} : vector<512x1xf32> to vector<8x1xf32>
      %add3A_222 = vector.broadcast %broadcast_in_dim3A : vector<1x1024xf32> to vector<8x1024xf32>
      %add3A_223 = vector.broadcast %slice3A_221 : vector<8x1xf32> to vector<8x1024xf32>
      %add3A_224 = arith.addf %add3A_222, %add3A_223 : vector<8x1024xf32>
      %add3A_225 = arith.addf %add3A_224, %slice3A_220 : vector<8x1024xf32>
      %lt3A_226 = arith.cmpf olt, %add3A_225, %select_n3A_213 : vector<8x1024xf32>
      %select_n3A_227 = arith.select %lt3A_226, %add3A_225, %select_n3A_213 : vector<8x1024xi1>, vector<8x1024xf32>
      %mul3A_228 = arith.constant 64 : i32
      %mul3A_229 = arith.muli %add3A_90, %mul3A_228 : i32
      %add3A_230 = arith.constant 9 : i32
      %add3A_231 = arith.addi %mul3A_229, %add3A_230 : i32
      %broadcast_in_dim3A_232 = vector.broadcast %add3A_231 : i32 to vector<8x1024xi32>
      %select_n3A_233 = arith.select %lt3A_226, %broadcast_in_dim3A_232, %select_n3A_219 : vector<8x1024xi1>, vector<8x1024xi32>
      %slice3A_234 = vector.extract_strided_slice %dot_general3A_61 {offsets = [80, 0], sizes = [8, 1024], strides = [1, 1]} : vector<512x1024xf32> to vector<8x1024xf32>
      %slice3A_235 = vector.extract_strided_slice %get3A_95 {offsets = [80, 0], sizes = [8, 1], strides = [1, 1]} : vector<512x1xf32> to vector<8x1xf32>
      %add3A_236 = vector.broadcast %broadcast_in_dim3A : vector<1x1024xf32> to vector<8x1024xf32>
      %add3A_237 = vector.broadcast %slice3A_235 : vector<8x1xf32> to vector<8x1024xf32>
      %add3A_238 = arith.addf %add3A_236, %add3A_237 : vector<8x1024xf32>
      %add3A_239 = arith.addf %add3A_238, %slice3A_234 : vector<8x1024xf32>
      %lt3A_240 = arith.cmpf olt, %add3A_239, %select_n3A_227 : vector<8x1024xf32>
      %select_n3A_241 = arith.select %lt3A_240, %add3A_239, %select_n3A_227 : vector<8x1024xi1>, vector<8x1024xf32>
      %mul3A_242 = arith.constant 64 : i32
      %mul3A_243 = arith.muli %add3A_90, %mul3A_242 : i32
      %add3A_244 = arith.constant 10 : i32
      %add3A_245 = arith.addi %mul3A_243, %add3A_244 : i32
      %broadcast_in_dim3A_246 = vector.broadcast %add3A_245 : i32 to vector<8x1024xi32>
      %select_n3A_247 = arith.select %lt3A_240, %broadcast_in_dim3A_246, %select_n3A_233 : vector<8x1024xi1>, vector<8x1024xi32>
      %slice3A_248 = vector.extract_strided_slice %dot_general3A_61 {offsets = [88, 0], sizes = [8, 1024], strides = [1, 1]} : vector<512x1024xf32> to vector<8x1024xf32>
      %slice3A_249 = vector.extract_strided_slice %get3A_95 {offsets = [88, 0], sizes = [8, 1], strides = [1, 1]} : vector<512x1xf32> to vector<8x1xf32>
      %add3A_250 = vector.broadcast %broadcast_in_dim3A : vector<1x1024xf32> to vector<8x1024xf32>
      %add3A_251 = vector.broadcast %slice3A_249 : vector<8x1xf32> to vector<8x1024xf32>
      %add3A_252 = arith.addf %add3A_250, %add3A_251 : vector<8x1024xf32>
      %add3A_253 = arith.addf %add3A_252, %slice3A_248 : vector<8x1024xf32>
      %lt3A_254 = arith.cmpf olt, %add3A_253, %select_n3A_241 : vector<8x1024xf32>
      %select_n3A_255 = arith.select %lt3A_254, %add3A_253, %select_n3A_241 : vector<8x1024xi1>, vector<8x1024xf32>
      %mul3A_256 = arith.constant 64 : i32
      %mul3A_257 = arith.muli %add3A_90, %mul3A_256 : i32
      %add3A_258 = arith.constant 11 : i32
      %add3A_259 = arith.addi %mul3A_257, %add3A_258 : i32
      %broadcast_in_dim3A_260 = vector.broadcast %add3A_259 : i32 to vector<8x1024xi32>
      %select_n3A_261 = arith.select %lt3A_254, %broadcast_in_dim3A_260, %select_n3A_247 : vector<8x1024xi1>, vector<8x1024xi32>
      %slice3A_262 = vector.extract_strided_slice %dot_general3A_61 {offsets = [96, 0], sizes = [8, 1024], strides = [1, 1]} : vector<512x1024xf32> to vector<8x1024xf32>
      %slice3A_263 = vector.extract_strided_slice %get3A_95 {offsets = [96, 0], sizes = [8, 1], strides = [1, 1]} : vector<512x1xf32> to vector<8x1xf32>
      %add3A_264 = vector.broadcast %broadcast_in_dim3A : vector<1x1024xf32> to vector<8x1024xf32>
      %add3A_265 = vector.broadcast %slice3A_263 : vector<8x1xf32> to vector<8x1024xf32>
      %add3A_266 = arith.addf %add3A_264, %add3A_265 : vector<8x1024xf32>
      %add3A_267 = arith.addf %add3A_266, %slice3A_262 : vector<8x1024xf32>
      %lt3A_268 = arith.cmpf olt, %add3A_267, %select_n3A_255 : vector<8x1024xf32>
      %select_n3A_269 = arith.select %lt3A_268, %add3A_267, %select_n3A_255 : vector<8x1024xi1>, vector<8x1024xf32>
      %mul3A_270 = arith.constant 64 : i32
      %mul3A_271 = arith.muli %add3A_90, %mul3A_270 : i32
      %add3A_272 = arith.constant 12 : i32
      %add3A_273 = arith.addi %mul3A_271, %add3A_272 : i32
      %broadcast_in_dim3A_274 = vector.broadcast %add3A_273 : i32 to vector<8x1024xi32>
      %select_n3A_275 = arith.select %lt3A_268, %broadcast_in_dim3A_274, %select_n3A_261 : vector<8x1024xi1>, vector<8x1024xi32>
      %slice3A_276 = vector.extract_strided_slice %dot_general3A_61 {offsets = [104, 0], sizes = [8, 1024], strides = [1, 1]} : vector<512x1024xf32> to vector<8x1024xf32>
      %slice3A_277 = vector.extract_strided_slice %get3A_95 {offsets = [104, 0], sizes = [8, 1], strides = [1, 1]} : vector<512x1xf32> to vector<8x1xf32>
      %add3A_278 = vector.broadcast %broadcast_in_dim3A : vector<1x1024xf32> to vector<8x1024xf32>
      %add3A_279 = vector.broadcast %slice3A_277 : vector<8x1xf32> to vector<8x1024xf32>
      %add3A_280 = arith.addf %add3A_278, %add3A_279 : vector<8x1024xf32>
      %add3A_281 = arith.addf %add3A_280, %slice3A_276 : vector<8x1024xf32>
      %lt3A_282 = arith.cmpf olt, %add3A_281, %select_n3A_269 : vector<8x1024xf32>
      %select_n3A_283 = arith.select %lt3A_282, %add3A_281, %select_n3A_269 : vector<8x1024xi1>, vector<8x1024xf32>
      %mul3A_284 = arith.constant 64 : i32
      %mul3A_285 = arith.muli %add3A_90, %mul3A_284 : i32
      %add3A_286 = arith.constant 13 : i32
      %add3A_287 = arith.addi %mul3A_285, %add3A_286 : i32
      %broadcast_in_dim3A_288 = vector.broadcast %add3A_287 : i32 to vector<8x1024xi32>
      %select_n3A_289 = arith.select %lt3A_282, %broadcast_in_dim3A_288, %select_n3A_275 : vector<8x1024xi1>, vector<8x1024xi32>
      %slice3A_290 = vector.extract_strided_slice %dot_general3A_61 {offsets = [112, 0], sizes = [8, 1024], strides = [1, 1]} : vector<512x1024xf32> to vector<8x1024xf32>
      %slice3A_291 = vector.extract_strided_slice %get3A_95 {offsets = [112, 0], sizes = [8, 1], strides = [1, 1]} : vector<512x1xf32> to vector<8x1xf32>
      %add3A_292 = vector.broadcast %broadcast_in_dim3A : vector<1x1024xf32> to vector<8x1024xf32>
      %add3A_293 = vector.broadcast %slice3A_291 : vector<8x1xf32> to vector<8x1024xf32>
      %add3A_294 = arith.addf %add3A_292, %add3A_293 : vector<8x1024xf32>
      %add3A_295 = arith.addf %add3A_294, %slice3A_290 : vector<8x1024xf32>
      %lt3A_296 = arith.cmpf olt, %add3A_295, %select_n3A_283 : vector<8x1024xf32>
      %select_n3A_297 = arith.select %lt3A_296, %add3A_295, %select_n3A_283 : vector<8x1024xi1>, vector<8x1024xf32>
      %mul3A_298 = arith.constant 64 : i32
      %mul3A_299 = arith.muli %add3A_90, %mul3A_298 : i32
      %add3A_300 = arith.constant 14 : i32
      %add3A_301 = arith.addi %mul3A_299, %add3A_300 : i32
      %broadcast_in_dim3A_302 = vector.broadcast %add3A_301 : i32 to vector<8x1024xi32>
      %select_n3A_303 = arith.select %lt3A_296, %broadcast_in_dim3A_302, %select_n3A_289 : vector<8x1024xi1>, vector<8x1024xi32>
      %slice3A_304 = vector.extract_strided_slice %dot_general3A_61 {offsets = [120, 0], sizes = [8, 1024], strides = [1, 1]} : vector<512x1024xf32> to vector<8x1024xf32>
      %slice3A_305 = vector.extract_strided_slice %get3A_95 {offsets = [120, 0], sizes = [8, 1], strides = [1, 1]} : vector<512x1xf32> to vector<8x1xf32>
      %add3A_306 = vector.broadcast %broadcast_in_dim3A : vector<1x1024xf32> to vector<8x1024xf32>
      %add3A_307 = vector.broadcast %slice3A_305 : vector<8x1xf32> to vector<8x1024xf32>
      %add3A_308 = arith.addf %add3A_306, %add3A_307 : vector<8x1024xf32>
      %add3A_309 = arith.addf %add3A_308, %slice3A_304 : vector<8x1024xf32>
      %lt3A_310 = arith.cmpf olt, %add3A_309, %select_n3A_297 : vector<8x1024xf32>
      %select_n3A_311 = arith.select %lt3A_310, %add3A_309, %select_n3A_297 : vector<8x1024xi1>, vector<8x1024xf32>
      %mul3A_312 = arith.constant 64 : i32
      %mul3A_313 = arith.muli %add3A_90, %mul3A_312 : i32
      %add3A_314 = arith.constant 15 : i32
      %add3A_315 = arith.addi %mul3A_313, %add3A_314 : i32
      %broadcast_in_dim3A_316 = vector.broadcast %add3A_315 : i32 to vector<8x1024xi32>
      %select_n3A_317 = arith.select %lt3A_310, %broadcast_in_dim3A_316, %select_n3A_303 : vector<8x1024xi1>, vector<8x1024xi32>
      %slice3A_318 = vector.extract_strided_slice %dot_general3A_61 {offsets = [128, 0], sizes = [8, 1024], strides = [1, 1]} : vector<512x1024xf32> to vector<8x1024xf32>
      %slice3A_319 = vector.extract_strided_slice %get3A_95 {offsets = [128, 0], sizes = [8, 1], strides = [1, 1]} : vector<512x1xf32> to vector<8x1xf32>
      %add3A_320 = vector.broadcast %broadcast_in_dim3A : vector<1x1024xf32> to vector<8x1024xf32>
      %add3A_321 = vector.broadcast %slice3A_319 : vector<8x1xf32> to vector<8x1024xf32>
      %add3A_322 = arith.addf %add3A_320, %add3A_321 : vector<8x1024xf32>
      %add3A_323 = arith.addf %add3A_322, %slice3A_318 : vector<8x1024xf32>
      %lt3A_324 = arith.cmpf olt, %add3A_323, %select_n3A_311 : vector<8x1024xf32>
      %select_n3A_325 = arith.select %lt3A_324, %add3A_323, %select_n3A_311 : vector<8x1024xi1>, vector<8x1024xf32>
      %mul3A_326 = arith.constant 64 : i32
      %mul3A_327 = arith.muli %add3A_90, %mul3A_326 : i32
      %add3A_328 = arith.constant 16 : i32
      %add3A_329 = arith.addi %mul3A_327, %add3A_328 : i32
      %broadcast_in_dim3A_330 = vector.broadcast %add3A_329 : i32 to vector<8x1024xi32>
      %select_n3A_331 = arith.select %lt3A_324, %broadcast_in_dim3A_330, %select_n3A_317 : vector<8x1024xi1>, vector<8x1024xi32>
      %slice3A_332 = vector.extract_strided_slice %dot_general3A_61 {offsets = [136, 0], sizes = [8, 1024], strides = [1, 1]} : vector<512x1024xf32> to vector<8x1024xf32>
      %slice3A_333 = vector.extract_strided_slice %get3A_95 {offsets = [136, 0], sizes = [8, 1], strides = [1, 1]} : vector<512x1xf32> to vector<8x1xf32>
      %add3A_334 = vector.broadcast %broadcast_in_dim3A : vector<1x1024xf32> to vector<8x1024xf32>
      %add3A_335 = vector.broadcast %slice3A_333 : vector<8x1xf32> to vector<8x1024xf32>
      %add3A_336 = arith.addf %add3A_334, %add3A_335 : vector<8x1024xf32>
      %add3A_337 = arith.addf %add3A_336, %slice3A_332 : vector<8x1024xf32>
      %lt3A_338 = arith.cmpf olt, %add3A_337, %select_n3A_325 : vector<8x1024xf32>
      %select_n3A_339 = arith.select %lt3A_338, %add3A_337, %select_n3A_325 : vector<8x1024xi1>, vector<8x1024xf32>
      %mul3A_340 = arith.constant 64 : i32
      %mul3A_341 = arith.muli %add3A_90, %mul3A_340 : i32
      %add3A_342 = arith.constant 17 : i32
      %add3A_343 = arith.addi %mul3A_341, %add3A_342 : i32
      %broadcast_in_dim3A_344 = vector.broadcast %add3A_343 : i32 to vector<8x1024xi32>
      %select_n3A_345 = arith.select %lt3A_338, %broadcast_in_dim3A_344, %select_n3A_331 : vector<8x1024xi1>, vector<8x1024xi32>
      %slice3A_346 = vector.extract_strided_slice %dot_general3A_61 {offsets = [144, 0], sizes = [8, 1024], strides = [1, 1]} : vector<512x1024xf32> to vector<8x1024xf32>
      %slice3A_347 = vector.extract_strided_slice %get3A_95 {offsets = [144, 0], sizes = [8, 1], strides = [1, 1]} : vector<512x1xf32> to vector<8x1xf32>
      %add3A_348 = vector.broadcast %broadcast_in_dim3A : vector<1x1024xf32> to vector<8x1024xf32>
      %add3A_349 = vector.broadcast %slice3A_347 : vector<8x1xf32> to vector<8x1024xf32>
      %add3A_350 = arith.addf %add3A_348, %add3A_349 : vector<8x1024xf32>
      %add3A_351 = arith.addf %add3A_350, %slice3A_346 : vector<8x1024xf32>
      %lt3A_352 = arith.cmpf olt, %add3A_351, %select_n3A_339 : vector<8x1024xf32>
      %select_n3A_353 = arith.select %lt3A_352, %add3A_351, %select_n3A_339 : vector<8x1024xi1>, vector<8x1024xf32>
      %mul3A_354 = arith.constant 64 : i32
      %mul3A_355 = arith.muli %add3A_90, %mul3A_354 : i32
      %add3A_356 = arith.constant 18 : i32
      %add3A_357 = arith.addi %mul3A_355, %add3A_356 : i32
      %broadcast_in_dim3A_358 = vector.broadcast %add3A_357 : i32 to vector<8x1024xi32>
      %select_n3A_359 = arith.select %lt3A_352, %broadcast_in_dim3A_358, %select_n3A_345 : vector<8x1024xi1>, vector<8x1024xi32>
      %slice3A_360 = vector.extract_strided_slice %dot_general3A_61 {offsets = [152, 0], sizes = [8, 1024], strides = [1, 1]} : vector<512x1024xf32> to vector<8x1024xf32>
      %slice3A_361 = vector.extract_strided_slice %get3A_95 {offsets = [152, 0], sizes = [8, 1], strides = [1, 1]} : vector<512x1xf32> to vector<8x1xf32>
      %add3A_362 = vector.broadcast %broadcast_in_dim3A : vector<1x1024xf32> to vector<8x1024xf32>
      %add3A_363 = vector.broadcast %slice3A_361 : vector<8x1xf32> to vector<8x1024xf32>
      %add3A_364 = arith.addf %add3A_362, %add3A_363 : vector<8x1024xf32>
      %add3A_365 = arith.addf %add3A_364, %slice3A_360 : vector<8x1024xf32>
      %lt3A_366 = arith.cmpf olt, %add3A_365, %select_n3A_353 : vector<8x1024xf32>
      %select_n3A_367 = arith.select %lt3A_366, %add3A_365, %select_n3A_353 : vector<8x1024xi1>, vector<8x1024xf32>
      %mul3A_368 = arith.constant 64 : i32
      %mul3A_369 = arith.muli %add3A_90, %mul3A_368 : i32
      %add3A_370 = arith.constant 19 : i32
      %add3A_371 = arith.addi %mul3A_369, %add3A_370 : i32
      %broadcast_in_dim3A_372 = vector.broadcast %add3A_371 : i32 to vector<8x1024xi32>
      %select_n3A_373 = arith.select %lt3A_366, %broadcast_in_dim3A_372, %select_n3A_359 : vector<8x1024xi1>, vector<8x1024xi32>
      %slice3A_374 = vector.extract_strided_slice %dot_general3A_61 {offsets = [160, 0], sizes = [8, 1024], strides = [1, 1]} : vector<512x1024xf32> to vector<8x1024xf32>
      %slice3A_375 = vector.extract_strided_slice %get3A_95 {offsets = [160, 0], sizes = [8, 1], strides = [1, 1]} : vector<512x1xf32> to vector<8x1xf32>
      %add3A_376 = vector.broadcast %broadcast_in_dim3A : vector<1x1024xf32> to vector<8x1024xf32>
      %add3A_377 = vector.broadcast %slice3A_375 : vector<8x1xf32> to vector<8x1024xf32>
      %add3A_378 = arith.addf %add3A_376, %add3A_377 : vector<8x1024xf32>
      %add3A_379 = arith.addf %add3A_378, %slice3A_374 : vector<8x1024xf32>
      %lt3A_380 = arith.cmpf olt, %add3A_379, %select_n3A_367 : vector<8x1024xf32>
      %select_n3A_381 = arith.select %lt3A_380, %add3A_379, %select_n3A_367 : vector<8x1024xi1>, vector<8x1024xf32>
      %mul3A_382 = arith.constant 64 : i32
      %mul3A_383 = arith.muli %add3A_90, %mul3A_382 : i32
      %add3A_384 = arith.constant 20 : i32
      %add3A_385 = arith.addi %mul3A_383, %add3A_384 : i32
      %broadcast_in_dim3A_386 = vector.broadcast %add3A_385 : i32 to vector<8x1024xi32>
      %select_n3A_387 = arith.select %lt3A_380, %broadcast_in_dim3A_386, %select_n3A_373 : vector<8x1024xi1>, vector<8x1024xi32>
      %slice3A_388 = vector.extract_strided_slice %dot_general3A_61 {offsets = [168, 0], sizes = [8, 1024], strides = [1, 1]} : vector<512x1024xf32> to vector<8x1024xf32>
      %slice3A_389 = vector.extract_strided_slice %get3A_95 {offsets = [168, 0], sizes = [8, 1], strides = [1, 1]} : vector<512x1xf32> to vector<8x1xf32>
      %add3A_390 = vector.broadcast %broadcast_in_dim3A : vector<1x1024xf32> to vector<8x1024xf32>
      %add3A_391 = vector.broadcast %slice3A_389 : vector<8x1xf32> to vector<8x1024xf32>
      %add3A_392 = arith.addf %add3A_390, %add3A_391 : vector<8x1024xf32>
      %add3A_393 = arith.addf %add3A_392, %slice3A_388 : vector<8x1024xf32>
      %lt3A_394 = arith.cmpf olt, %add3A_393, %select_n3A_381 : vector<8x1024xf32>
      %select_n3A_395 = arith.select %lt3A_394, %add3A_393, %select_n3A_381 : vector<8x1024xi1>, vector<8x1024xf32>
      %mul3A_396 = arith.constant 64 : i32
      %mul3A_397 = arith.muli %add3A_90, %mul3A_396 : i32
      %add3A_398 = arith.constant 21 : i32
      %add3A_399 = arith.addi %mul3A_397, %add3A_398 : i32
      %broadcast_in_dim3A_400 = vector.broadcast %add3A_399 : i32 to vector<8x1024xi32>
      %select_n3A_401 = arith.select %lt3A_394, %broadcast_in_dim3A_400, %select_n3A_387 : vector<8x1024xi1>, vector<8x1024xi32>
      %slice3A_402 = vector.extract_strided_slice %dot_general3A_61 {offsets = [176, 0], sizes = [8, 1024], strides = [1, 1]} : vector<512x1024xf32> to vector<8x1024xf32>
      %slice3A_403 = vector.extract_strided_slice %get3A_95 {offsets = [176, 0], sizes = [8, 1], strides = [1, 1]} : vector<512x1xf32> to vector<8x1xf32>
      %add3A_404 = vector.broadcast %broadcast_in_dim3A : vector<1x1024xf32> to vector<8x1024xf32>
      %add3A_405 = vector.broadcast %slice3A_403 : vector<8x1xf32> to vector<8x1024xf32>
      %add3A_406 = arith.addf %add3A_404, %add3A_405 : vector<8x1024xf32>
      %add3A_407 = arith.addf %add3A_406, %slice3A_402 : vector<8x1024xf32>
      %lt3A_408 = arith.cmpf olt, %add3A_407, %select_n3A_395 : vector<8x1024xf32>
      %select_n3A_409 = arith.select %lt3A_408, %add3A_407, %select_n3A_395 : vector<8x1024xi1>, vector<8x1024xf32>
      %mul3A_410 = arith.constant 64 : i32
      %mul3A_411 = arith.muli %add3A_90, %mul3A_410 : i32
      %add3A_412 = arith.constant 22 : i32
      %add3A_413 = arith.addi %mul3A_411, %add3A_412 : i32
      %broadcast_in_dim3A_414 = vector.broadcast %add3A_413 : i32 to vector<8x1024xi32>
      %select_n3A_415 = arith.select %lt3A_408, %broadcast_in_dim3A_414, %select_n3A_401 : vector<8x1024xi1>, vector<8x1024xi32>
      %slice3A_416 = vector.extract_strided_slice %dot_general3A_61 {offsets = [184, 0], sizes = [8, 1024], strides = [1, 1]} : vector<512x1024xf32> to vector<8x1024xf32>
      %slice3A_417 = vector.extract_strided_slice %get3A_95 {offsets = [184, 0], sizes = [8, 1], strides = [1, 1]} : vector<512x1xf32> to vector<8x1xf32>
      %add3A_418 = vector.broadcast %broadcast_in_dim3A : vector<1x1024xf32> to vector<8x1024xf32>
      %add3A_419 = vector.broadcast %slice3A_417 : vector<8x1xf32> to vector<8x1024xf32>
      %add3A_420 = arith.addf %add3A_418, %add3A_419 : vector<8x1024xf32>
      %add3A_421 = arith.addf %add3A_420, %slice3A_416 : vector<8x1024xf32>
      %lt3A_422 = arith.cmpf olt, %add3A_421, %select_n3A_409 : vector<8x1024xf32>
      %select_n3A_423 = arith.select %lt3A_422, %add3A_421, %select_n3A_409 : vector<8x1024xi1>, vector<8x1024xf32>
      %mul3A_424 = arith.constant 64 : i32
      %mul3A_425 = arith.muli %add3A_90, %mul3A_424 : i32
      %add3A_426 = arith.constant 23 : i32
      %add3A_427 = arith.addi %mul3A_425, %add3A_426 : i32
      %broadcast_in_dim3A_428 = vector.broadcast %add3A_427 : i32 to vector<8x1024xi32>
      %select_n3A_429 = arith.select %lt3A_422, %broadcast_in_dim3A_428, %select_n3A_415 : vector<8x1024xi1>, vector<8x1024xi32>
      %slice3A_430 = vector.extract_strided_slice %dot_general3A_61 {offsets = [192, 0], sizes = [8, 1024], strides = [1, 1]} : vector<512x1024xf32> to vector<8x1024xf32>
      %slice3A_431 = vector.extract_strided_slice %get3A_95 {offsets = [192, 0], sizes = [8, 1], strides = [1, 1]} : vector<512x1xf32> to vector<8x1xf32>
      %add3A_432 = vector.broadcast %broadcast_in_dim3A : vector<1x1024xf32> to vector<8x1024xf32>
      %add3A_433 = vector.broadcast %slice3A_431 : vector<8x1xf32> to vector<8x1024xf32>
      %add3A_434 = arith.addf %add3A_432, %add3A_433 : vector<8x1024xf32>
      %add3A_435 = arith.addf %add3A_434, %slice3A_430 : vector<8x1024xf32>
      %lt3A_436 = arith.cmpf olt, %add3A_435, %select_n3A_423 : vector<8x1024xf32>
      %select_n3A_437 = arith.select %lt3A_436, %add3A_435, %select_n3A_423 : vector<8x1024xi1>, vector<8x1024xf32>
      %mul3A_438 = arith.constant 64 : i32
      %mul3A_439 = arith.muli %add3A_90, %mul3A_438 : i32
      %add3A_440 = arith.constant 24 : i32
      %add3A_441 = arith.addi %mul3A_439, %add3A_440 : i32
      %broadcast_in_dim3A_442 = vector.broadcast %add3A_441 : i32 to vector<8x1024xi32>
      %select_n3A_443 = arith.select %lt3A_436, %broadcast_in_dim3A_442, %select_n3A_429 : vector<8x1024xi1>, vector<8x1024xi32>
      %slice3A_444 = vector.extract_strided_slice %dot_general3A_61 {offsets = [200, 0], sizes = [8, 1024], strides = [1, 1]} : vector<512x1024xf32> to vector<8x1024xf32>
      %slice3A_445 = vector.extract_strided_slice %get3A_95 {offsets = [200, 0], sizes = [8, 1], strides = [1, 1]} : vector<512x1xf32> to vector<8x1xf32>
      %add3A_446 = vector.broadcast %broadcast_in_dim3A : vector<1x1024xf32> to vector<8x1024xf32>
      %add3A_447 = vector.broadcast %slice3A_445 : vector<8x1xf32> to vector<8x1024xf32>
      %add3A_448 = arith.addf %add3A_446, %add3A_447 : vector<8x1024xf32>
      %add3A_449 = arith.addf %add3A_448, %slice3A_444 : vector<8x1024xf32>
      %lt3A_450 = arith.cmpf olt, %add3A_449, %select_n3A_437 : vector<8x1024xf32>
      %select_n3A_451 = arith.select %lt3A_450, %add3A_449, %select_n3A_437 : vector<8x1024xi1>, vector<8x1024xf32>
      %mul3A_452 = arith.constant 64 : i32
      %mul3A_453 = arith.muli %add3A_90, %mul3A_452 : i32
      %add3A_454 = arith.constant 25 : i32
      %add3A_455 = arith.addi %mul3A_453, %add3A_454 : i32
      %broadcast_in_dim3A_456 = vector.broadcast %add3A_455 : i32 to vector<8x1024xi32>
      %select_n3A_457 = arith.select %lt3A_450, %broadcast_in_dim3A_456, %select_n3A_443 : vector<8x1024xi1>, vector<8x1024xi32>
      %slice3A_458 = vector.extract_strided_slice %dot_general3A_61 {offsets = [208, 0], sizes = [8, 1024], strides = [1, 1]} : vector<512x1024xf32> to vector<8x1024xf32>
      %slice3A_459 = vector.extract_strided_slice %get3A_95 {offsets = [208, 0], sizes = [8, 1], strides = [1, 1]} : vector<512x1xf32> to vector<8x1xf32>
      %add3A_460 = vector.broadcast %broadcast_in_dim3A : vector<1x1024xf32> to vector<8x1024xf32>
      %add3A_461 = vector.broadcast %slice3A_459 : vector<8x1xf32> to vector<8x1024xf32>
      %add3A_462 = arith.addf %add3A_460, %add3A_461 : vector<8x1024xf32>
      %add3A_463 = arith.addf %add3A_462, %slice3A_458 : vector<8x1024xf32>
      %lt3A_464 = arith.cmpf olt, %add3A_463, %select_n3A_451 : vector<8x1024xf32>
      %select_n3A_465 = arith.select %lt3A_464, %add3A_463, %select_n3A_451 : vector<8x1024xi1>, vector<8x1024xf32>
      %mul3A_466 = arith.constant 64 : i32
      %mul3A_467 = arith.muli %add3A_90, %mul3A_466 : i32
      %add3A_468 = arith.constant 26 : i32
      %add3A_469 = arith.addi %mul3A_467, %add3A_468 : i32
      %broadcast_in_dim3A_470 = vector.broadcast %add3A_469 : i32 to vector<8x1024xi32>
      %select_n3A_471 = arith.select %lt3A_464, %broadcast_in_dim3A_470, %select_n3A_457 : vector<8x1024xi1>, vector<8x1024xi32>
      %slice3A_472 = vector.extract_strided_slice %dot_general3A_61 {offsets = [216, 0], sizes = [8, 1024], strides = [1, 1]} : vector<512x1024xf32> to vector<8x1024xf32>
      %slice3A_473 = vector.extract_strided_slice %get3A_95 {offsets = [216, 0], sizes = [8, 1], strides = [1, 1]} : vector<512x1xf32> to vector<8x1xf32>
      %add3A_474 = vector.broadcast %broadcast_in_dim3A : vector<1x1024xf32> to vector<8x1024xf32>
      %add3A_475 = vector.broadcast %slice3A_473 : vector<8x1xf32> to vector<8x1024xf32>
      %add3A_476 = arith.addf %add3A_474, %add3A_475 : vector<8x1024xf32>
      %add3A_477 = arith.addf %add3A_476, %slice3A_472 : vector<8x1024xf32>
      %lt3A_478 = arith.cmpf olt, %add3A_477, %select_n3A_465 : vector<8x1024xf32>
      %select_n3A_479 = arith.select %lt3A_478, %add3A_477, %select_n3A_465 : vector<8x1024xi1>, vector<8x1024xf32>
      %mul3A_480 = arith.constant 64 : i32
      %mul3A_481 = arith.muli %add3A_90, %mul3A_480 : i32
      %add3A_482 = arith.constant 27 : i32
      %add3A_483 = arith.addi %mul3A_481, %add3A_482 : i32
      %broadcast_in_dim3A_484 = vector.broadcast %add3A_483 : i32 to vector<8x1024xi32>
      %select_n3A_485 = arith.select %lt3A_478, %broadcast_in_dim3A_484, %select_n3A_471 : vector<8x1024xi1>, vector<8x1024xi32>
      %slice3A_486 = vector.extract_strided_slice %dot_general3A_61 {offsets = [224, 0], sizes = [8, 1024], strides = [1, 1]} : vector<512x1024xf32> to vector<8x1024xf32>
      %slice3A_487 = vector.extract_strided_slice %get3A_95 {offsets = [224, 0], sizes = [8, 1], strides = [1, 1]} : vector<512x1xf32> to vector<8x1xf32>
      %add3A_488 = vector.broadcast %broadcast_in_dim3A : vector<1x1024xf32> to vector<8x1024xf32>
      %add3A_489 = vector.broadcast %slice3A_487 : vector<8x1xf32> to vector<8x1024xf32>
      %add3A_490 = arith.addf %add3A_488, %add3A_489 : vector<8x1024xf32>
      %add3A_491 = arith.addf %add3A_490, %slice3A_486 : vector<8x1024xf32>
      %lt3A_492 = arith.cmpf olt, %add3A_491, %select_n3A_479 : vector<8x1024xf32>
      %select_n3A_493 = arith.select %lt3A_492, %add3A_491, %select_n3A_479 : vector<8x1024xi1>, vector<8x1024xf32>
      %mul3A_494 = arith.constant 64 : i32
      %mul3A_495 = arith.muli %add3A_90, %mul3A_494 : i32
      %add3A_496 = arith.constant 28 : i32
      %add3A_497 = arith.addi %mul3A_495, %add3A_496 : i32
      %broadcast_in_dim3A_498 = vector.broadcast %add3A_497 : i32 to vector<8x1024xi32>
      %select_n3A_499 = arith.select %lt3A_492, %broadcast_in_dim3A_498, %select_n3A_485 : vector<8x1024xi1>, vector<8x1024xi32>
      %slice3A_500 = vector.extract_strided_slice %dot_general3A_61 {offsets = [232, 0], sizes = [8, 1024], strides = [1, 1]} : vector<512x1024xf32> to vector<8x1024xf32>
      %slice3A_501 = vector.extract_strided_slice %get3A_95 {offsets = [232, 0], sizes = [8, 1], strides = [1, 1]} : vector<512x1xf32> to vector<8x1xf32>
      %add3A_502 = vector.broadcast %broadcast_in_dim3A : vector<1x1024xf32> to vector<8x1024xf32>
      %add3A_503 = vector.broadcast %slice3A_501 : vector<8x1xf32> to vector<8x1024xf32>
      %add3A_504 = arith.addf %add3A_502, %add3A_503 : vector<8x1024xf32>
      %add3A_505 = arith.addf %add3A_504, %slice3A_500 : vector<8x1024xf32>
      %lt3A_506 = arith.cmpf olt, %add3A_505, %select_n3A_493 : vector<8x1024xf32>
      %select_n3A_507 = arith.select %lt3A_506, %add3A_505, %select_n3A_493 : vector<8x1024xi1>, vector<8x1024xf32>
      %mul3A_508 = arith.constant 64 : i32
      %mul3A_509 = arith.muli %add3A_90, %mul3A_508 : i32
      %add3A_510 = arith.constant 29 : i32
      %add3A_511 = arith.addi %mul3A_509, %add3A_510 : i32
      %broadcast_in_dim3A_512 = vector.broadcast %add3A_511 : i32 to vector<8x1024xi32>
      %select_n3A_513 = arith.select %lt3A_506, %broadcast_in_dim3A_512, %select_n3A_499 : vector<8x1024xi1>, vector<8x1024xi32>
      %slice3A_514 = vector.extract_strided_slice %dot_general3A_61 {offsets = [240, 0], sizes = [8, 1024], strides = [1, 1]} : vector<512x1024xf32> to vector<8x1024xf32>
      %slice3A_515 = vector.extract_strided_slice %get3A_95 {offsets = [240, 0], sizes = [8, 1], strides = [1, 1]} : vector<512x1xf32> to vector<8x1xf32>
      %add3A_516 = vector.broadcast %broadcast_in_dim3A : vector<1x1024xf32> to vector<8x1024xf32>
      %add3A_517 = vector.broadcast %slice3A_515 : vector<8x1xf32> to vector<8x1024xf32>
      %add3A_518 = arith.addf %add3A_516, %add3A_517 : vector<8x1024xf32>
      %add3A_519 = arith.addf %add3A_518, %slice3A_514 : vector<8x1024xf32>
      %lt3A_520 = arith.cmpf olt, %add3A_519, %select_n3A_507 : vector<8x1024xf32>
      %select_n3A_521 = arith.select %lt3A_520, %add3A_519, %select_n3A_507 : vector<8x1024xi1>, vector<8x1024xf32>
      %mul3A_522 = arith.constant 64 : i32
      %mul3A_523 = arith.muli %add3A_90, %mul3A_522 : i32
      %add3A_524 = arith.constant 30 : i32
      %add3A_525 = arith.addi %mul3A_523, %add3A_524 : i32
      %broadcast_in_dim3A_526 = vector.broadcast %add3A_525 : i32 to vector<8x1024xi32>
      %select_n3A_527 = arith.select %lt3A_520, %broadcast_in_dim3A_526, %select_n3A_513 : vector<8x1024xi1>, vector<8x1024xi32>
      %slice3A_528 = vector.extract_strided_slice %dot_general3A_61 {offsets = [248, 0], sizes = [8, 1024], strides = [1, 1]} : vector<512x1024xf32> to vector<8x1024xf32>
      %slice3A_529 = vector.extract_strided_slice %get3A_95 {offsets = [248, 0], sizes = [8, 1], strides = [1, 1]} : vector<512x1xf32> to vector<8x1xf32>
      %add3A_530 = vector.broadcast %broadcast_in_dim3A : vector<1x1024xf32> to vector<8x1024xf32>
      %add3A_531 = vector.broadcast %slice3A_529 : vector<8x1xf32> to vector<8x1024xf32>
      %add3A_532 = arith.addf %add3A_530, %add3A_531 : vector<8x1024xf32>
      %add3A_533 = arith.addf %add3A_532, %slice3A_528 : vector<8x1024xf32>
      %lt3A_534 = arith.cmpf olt, %add3A_533, %select_n3A_521 : vector<8x1024xf32>
      %select_n3A_535 = arith.select %lt3A_534, %add3A_533, %select_n3A_521 : vector<8x1024xi1>, vector<8x1024xf32>
      %mul3A_536 = arith.constant 64 : i32
      %mul3A_537 = arith.muli %add3A_90, %mul3A_536 : i32
      %add3A_538 = arith.constant 31 : i32
      %add3A_539 = arith.addi %mul3A_537, %add3A_538 : i32
      %broadcast_in_dim3A_540 = vector.broadcast %add3A_539 : i32 to vector<8x1024xi32>
      %select_n3A_541 = arith.select %lt3A_534, %broadcast_in_dim3A_540, %select_n3A_527 : vector<8x1024xi1>, vector<8x1024xi32>
      %slice3A_542 = vector.extract_strided_slice %dot_general3A_61 {offsets = [256, 0], sizes = [8, 1024], strides = [1, 1]} : vector<512x1024xf32> to vector<8x1024xf32>
      %slice3A_543 = vector.extract_strided_slice %get3A_95 {offsets = [256, 0], sizes = [8, 1], strides = [1, 1]} : vector<512x1xf32> to vector<8x1xf32>
      %add3A_544 = vector.broadcast %broadcast_in_dim3A : vector<1x1024xf32> to vector<8x1024xf32>
      %add3A_545 = vector.broadcast %slice3A_543 : vector<8x1xf32> to vector<8x1024xf32>
      %add3A_546 = arith.addf %add3A_544, %add3A_545 : vector<8x1024xf32>
      %add3A_547 = arith.addf %add3A_546, %slice3A_542 : vector<8x1024xf32>
      %lt3A_548 = arith.cmpf olt, %add3A_547, %select_n3A_535 : vector<8x1024xf32>
      %select_n3A_549 = arith.select %lt3A_548, %add3A_547, %select_n3A_535 : vector<8x1024xi1>, vector<8x1024xf32>
      %mul3A_550 = arith.constant 64 : i32
      %mul3A_551 = arith.muli %add3A_90, %mul3A_550 : i32
      %add3A_552 = arith.constant 32 : i32
      %add3A_553 = arith.addi %mul3A_551, %add3A_552 : i32
      %broadcast_in_dim3A_554 = vector.broadcast %add3A_553 : i32 to vector<8x1024xi32>
      %select_n3A_555 = arith.select %lt3A_548, %broadcast_in_dim3A_554, %select_n3A_541 : vector<8x1024xi1>, vector<8x1024xi32>
      %slice3A_556 = vector.extract_strided_slice %dot_general3A_61 {offsets = [264, 0], sizes = [8, 1024], strides = [1, 1]} : vector<512x1024xf32> to vector<8x1024xf32>
      %slice3A_557 = vector.extract_strided_slice %get3A_95 {offsets = [264, 0], sizes = [8, 1], strides = [1, 1]} : vector<512x1xf32> to vector<8x1xf32>
      %add3A_558 = vector.broadcast %broadcast_in_dim3A : vector<1x1024xf32> to vector<8x1024xf32>
      %add3A_559 = vector.broadcast %slice3A_557 : vector<8x1xf32> to vector<8x1024xf32>
      %add3A_560 = arith.addf %add3A_558, %add3A_559 : vector<8x1024xf32>
      %add3A_561 = arith.addf %add3A_560, %slice3A_556 : vector<8x1024xf32>
      %lt3A_562 = arith.cmpf olt, %add3A_561, %select_n3A_549 : vector<8x1024xf32>
      %select_n3A_563 = arith.select %lt3A_562, %add3A_561, %select_n3A_549 : vector<8x1024xi1>, vector<8x1024xf32>
      %mul3A_564 = arith.constant 64 : i32
      %mul3A_565 = arith.muli %add3A_90, %mul3A_564 : i32
      %add3A_566 = arith.constant 33 : i32
      %add3A_567 = arith.addi %mul3A_565, %add3A_566 : i32
      %broadcast_in_dim3A_568 = vector.broadcast %add3A_567 : i32 to vector<8x1024xi32>
      %select_n3A_569 = arith.select %lt3A_562, %broadcast_in_dim3A_568, %select_n3A_555 : vector<8x1024xi1>, vector<8x1024xi32>
      %slice3A_570 = vector.extract_strided_slice %dot_general3A_61 {offsets = [272, 0], sizes = [8, 1024], strides = [1, 1]} : vector<512x1024xf32> to vector<8x1024xf32>
      %slice3A_571 = vector.extract_strided_slice %get3A_95 {offsets = [272, 0], sizes = [8, 1], strides = [1, 1]} : vector<512x1xf32> to vector<8x1xf32>
      %add3A_572 = vector.broadcast %broadcast_in_dim3A : vector<1x1024xf32> to vector<8x1024xf32>
      %add3A_573 = vector.broadcast %slice3A_571 : vector<8x1xf32> to vector<8x1024xf32>
      %add3A_574 = arith.addf %add3A_572, %add3A_573 : vector<8x1024xf32>
      %add3A_575 = arith.addf %add3A_574, %slice3A_570 : vector<8x1024xf32>
      %lt3A_576 = arith.cmpf olt, %add3A_575, %select_n3A_563 : vector<8x1024xf32>
      %select_n3A_577 = arith.select %lt3A_576, %add3A_575, %select_n3A_563 : vector<8x1024xi1>, vector<8x1024xf32>
      %mul3A_578 = arith.constant 64 : i32
      %mul3A_579 = arith.muli %add3A_90, %mul3A_578 : i32
      %add3A_580 = arith.constant 34 : i32
      %add3A_581 = arith.addi %mul3A_579, %add3A_580 : i32
      %broadcast_in_dim3A_582 = vector.broadcast %add3A_581 : i32 to vector<8x1024xi32>
      %select_n3A_583 = arith.select %lt3A_576, %broadcast_in_dim3A_582, %select_n3A_569 : vector<8x1024xi1>, vector<8x1024xi32>
      %slice3A_584 = vector.extract_strided_slice %dot_general3A_61 {offsets = [280, 0], sizes = [8, 1024], strides = [1, 1]} : vector<512x1024xf32> to vector<8x1024xf32>
      %slice3A_585 = vector.extract_strided_slice %get3A_95 {offsets = [280, 0], sizes = [8, 1], strides = [1, 1]} : vector<512x1xf32> to vector<8x1xf32>
      %add3A_586 = vector.broadcast %broadcast_in_dim3A : vector<1x1024xf32> to vector<8x1024xf32>
      %add3A_587 = vector.broadcast %slice3A_585 : vector<8x1xf32> to vector<8x1024xf32>
      %add3A_588 = arith.addf %add3A_586, %add3A_587 : vector<8x1024xf32>
      %add3A_589 = arith.addf %add3A_588, %slice3A_584 : vector<8x1024xf32>
      %lt3A_590 = arith.cmpf olt, %add3A_589, %select_n3A_577 : vector<8x1024xf32>
      %select_n3A_591 = arith.select %lt3A_590, %add3A_589, %select_n3A_577 : vector<8x1024xi1>, vector<8x1024xf32>
      %mul3A_592 = arith.constant 64 : i32
      %mul3A_593 = arith.muli %add3A_90, %mul3A_592 : i32
      %add3A_594 = arith.constant 35 : i32
      %add3A_595 = arith.addi %mul3A_593, %add3A_594 : i32
      %broadcast_in_dim3A_596 = vector.broadcast %add3A_595 : i32 to vector<8x1024xi32>
      %select_n3A_597 = arith.select %lt3A_590, %broadcast_in_dim3A_596, %select_n3A_583 : vector<8x1024xi1>, vector<8x1024xi32>
      %slice3A_598 = vector.extract_strided_slice %dot_general3A_61 {offsets = [288, 0], sizes = [8, 1024], strides = [1, 1]} : vector<512x1024xf32> to vector<8x1024xf32>
      %slice3A_599 = vector.extract_strided_slice %get3A_95 {offsets = [288, 0], sizes = [8, 1], strides = [1, 1]} : vector<512x1xf32> to vector<8x1xf32>
      %add3A_600 = vector.broadcast %broadcast_in_dim3A : vector<1x1024xf32> to vector<8x1024xf32>
      %add3A_601 = vector.broadcast %slice3A_599 : vector<8x1xf32> to vector<8x1024xf32>
      %add3A_602 = arith.addf %add3A_600, %add3A_601 : vector<8x1024xf32>
      %add3A_603 = arith.addf %add3A_602, %slice3A_598 : vector<8x1024xf32>
      %lt3A_604 = arith.cmpf olt, %add3A_603, %select_n3A_591 : vector<8x1024xf32>
      %select_n3A_605 = arith.select %lt3A_604, %add3A_603, %select_n3A_591 : vector<8x1024xi1>, vector<8x1024xf32>
      %mul3A_606 = arith.constant 64 : i32
      %mul3A_607 = arith.muli %add3A_90, %mul3A_606 : i32
      %add3A_608 = arith.constant 36 : i32
      %add3A_609 = arith.addi %mul3A_607, %add3A_608 : i32
      %broadcast_in_dim3A_610 = vector.broadcast %add3A_609 : i32 to vector<8x1024xi32>
      %select_n3A_611 = arith.select %lt3A_604, %broadcast_in_dim3A_610, %select_n3A_597 : vector<8x1024xi1>, vector<8x1024xi32>
      %slice3A_612 = vector.extract_strided_slice %dot_general3A_61 {offsets = [296, 0], sizes = [8, 1024], strides = [1, 1]} : vector<512x1024xf32> to vector<8x1024xf32>
      %slice3A_613 = vector.extract_strided_slice %get3A_95 {offsets = [296, 0], sizes = [8, 1], strides = [1, 1]} : vector<512x1xf32> to vector<8x1xf32>
      %add3A_614 = vector.broadcast %broadcast_in_dim3A : vector<1x1024xf32> to vector<8x1024xf32>
      %add3A_615 = vector.broadcast %slice3A_613 : vector<8x1xf32> to vector<8x1024xf32>
      %add3A_616 = arith.addf %add3A_614, %add3A_615 : vector<8x1024xf32>
      %add3A_617 = arith.addf %add3A_616, %slice3A_612 : vector<8x1024xf32>
      %lt3A_618 = arith.cmpf olt, %add3A_617, %select_n3A_605 : vector<8x1024xf32>
      %select_n3A_619 = arith.select %lt3A_618, %add3A_617, %select_n3A_605 : vector<8x1024xi1>, vector<8x1024xf32>
      %mul3A_620 = arith.constant 64 : i32
      %mul3A_621 = arith.muli %add3A_90, %mul3A_620 : i32
      %add3A_622 = arith.constant 37 : i32
      %add3A_623 = arith.addi %mul3A_621, %add3A_622 : i32
      %broadcast_in_dim3A_624 = vector.broadcast %add3A_623 : i32 to vector<8x1024xi32>
      %select_n3A_625 = arith.select %lt3A_618, %broadcast_in_dim3A_624, %select_n3A_611 : vector<8x1024xi1>, vector<8x1024xi32>
      %slice3A_626 = vector.extract_strided_slice %dot_general3A_61 {offsets = [304, 0], sizes = [8, 1024], strides = [1, 1]} : vector<512x1024xf32> to vector<8x1024xf32>
      %slice3A_627 = vector.extract_strided_slice %get3A_95 {offsets = [304, 0], sizes = [8, 1], strides = [1, 1]} : vector<512x1xf32> to vector<8x1xf32>
      %add3A_628 = vector.broadcast %broadcast_in_dim3A : vector<1x1024xf32> to vector<8x1024xf32>
      %add3A_629 = vector.broadcast %slice3A_627 : vector<8x1xf32> to vector<8x1024xf32>
      %add3A_630 = arith.addf %add3A_628, %add3A_629 : vector<8x1024xf32>
      %add3A_631 = arith.addf %add3A_630, %slice3A_626 : vector<8x1024xf32>
      %lt3A_632 = arith.cmpf olt, %add3A_631, %select_n3A_619 : vector<8x1024xf32>
      %select_n3A_633 = arith.select %lt3A_632, %add3A_631, %select_n3A_619 : vector<8x1024xi1>, vector<8x1024xf32>
      %mul3A_634 = arith.constant 64 : i32
      %mul3A_635 = arith.muli %add3A_90, %mul3A_634 : i32
      %add3A_636 = arith.constant 38 : i32
      %add3A_637 = arith.addi %mul3A_635, %add3A_636 : i32
      %broadcast_in_dim3A_638 = vector.broadcast %add3A_637 : i32 to vector<8x1024xi32>
      %select_n3A_639 = arith.select %lt3A_632, %broadcast_in_dim3A_638, %select_n3A_625 : vector<8x1024xi1>, vector<8x1024xi32>
      %slice3A_640 = vector.extract_strided_slice %dot_general3A_61 {offsets = [312, 0], sizes = [8, 1024], strides = [1, 1]} : vector<512x1024xf32> to vector<8x1024xf32>
      %slice3A_641 = vector.extract_strided_slice %get3A_95 {offsets = [312, 0], sizes = [8, 1], strides = [1, 1]} : vector<512x1xf32> to vector<8x1xf32>
      %add3A_642 = vector.broadcast %broadcast_in_dim3A : vector<1x1024xf32> to vector<8x1024xf32>
      %add3A_643 = vector.broadcast %slice3A_641 : vector<8x1xf32> to vector<8x1024xf32>
      %add3A_644 = arith.addf %add3A_642, %add3A_643 : vector<8x1024xf32>
      %add3A_645 = arith.addf %add3A_644, %slice3A_640 : vector<8x1024xf32>
      %lt3A_646 = arith.cmpf olt, %add3A_645, %select_n3A_633 : vector<8x1024xf32>
      %select_n3A_647 = arith.select %lt3A_646, %add3A_645, %select_n3A_633 : vector<8x1024xi1>, vector<8x1024xf32>
      %mul3A_648 = arith.constant 64 : i32
      %mul3A_649 = arith.muli %add3A_90, %mul3A_648 : i32
      %add3A_650 = arith.constant 39 : i32
      %add3A_651 = arith.addi %mul3A_649, %add3A_650 : i32
      %broadcast_in_dim3A_652 = vector.broadcast %add3A_651 : i32 to vector<8x1024xi32>
      %select_n3A_653 = arith.select %lt3A_646, %broadcast_in_dim3A_652, %select_n3A_639 : vector<8x1024xi1>, vector<8x1024xi32>
      %slice3A_654 = vector.extract_strided_slice %dot_general3A_61 {offsets = [320, 0], sizes = [8, 1024], strides = [1, 1]} : vector<512x1024xf32> to vector<8x1024xf32>
      %slice3A_655 = vector.extract_strided_slice %get3A_95 {offsets = [320, 0], sizes = [8, 1], strides = [1, 1]} : vector<512x1xf32> to vector<8x1xf32>
      %add3A_656 = vector.broadcast %broadcast_in_dim3A : vector<1x1024xf32> to vector<8x1024xf32>
      %add3A_657 = vector.broadcast %slice3A_655 : vector<8x1xf32> to vector<8x1024xf32>
      %add3A_658 = arith.addf %add3A_656, %add3A_657 : vector<8x1024xf32>
      %add3A_659 = arith.addf %add3A_658, %slice3A_654 : vector<8x1024xf32>
      %lt3A_660 = arith.cmpf olt, %add3A_659, %select_n3A_647 : vector<8x1024xf32>
      %select_n3A_661 = arith.select %lt3A_660, %add3A_659, %select_n3A_647 : vector<8x1024xi1>, vector<8x1024xf32>
      %mul3A_662 = arith.constant 64 : i32
      %mul3A_663 = arith.muli %add3A_90, %mul3A_662 : i32
      %add3A_664 = arith.constant 40 : i32
      %add3A_665 = arith.addi %mul3A_663, %add3A_664 : i32
      %broadcast_in_dim3A_666 = vector.broadcast %add3A_665 : i32 to vector<8x1024xi32>
      %select_n3A_667 = arith.select %lt3A_660, %broadcast_in_dim3A_666, %select_n3A_653 : vector<8x1024xi1>, vector<8x1024xi32>
      %slice3A_668 = vector.extract_strided_slice %dot_general3A_61 {offsets = [328, 0], sizes = [8, 1024], strides = [1, 1]} : vector<512x1024xf32> to vector<8x1024xf32>
      %slice3A_669 = vector.extract_strided_slice %get3A_95 {offsets = [328, 0], sizes = [8, 1], strides = [1, 1]} : vector<512x1xf32> to vector<8x1xf32>
      %add3A_670 = vector.broadcast %broadcast_in_dim3A : vector<1x1024xf32> to vector<8x1024xf32>
      %add3A_671 = vector.broadcast %slice3A_669 : vector<8x1xf32> to vector<8x1024xf32>
      %add3A_672 = arith.addf %add3A_670, %add3A_671 : vector<8x1024xf32>
      %add3A_673 = arith.addf %add3A_672, %slice3A_668 : vector<8x1024xf32>
      %lt3A_674 = arith.cmpf olt, %add3A_673, %select_n3A_661 : vector<8x1024xf32>
      %select_n3A_675 = arith.select %lt3A_674, %add3A_673, %select_n3A_661 : vector<8x1024xi1>, vector<8x1024xf32>
      %mul3A_676 = arith.constant 64 : i32
      %mul3A_677 = arith.muli %add3A_90, %mul3A_676 : i32
      %add3A_678 = arith.constant 41 : i32
      %add3A_679 = arith.addi %mul3A_677, %add3A_678 : i32
      %broadcast_in_dim3A_680 = vector.broadcast %add3A_679 : i32 to vector<8x1024xi32>
      %select_n3A_681 = arith.select %lt3A_674, %broadcast_in_dim3A_680, %select_n3A_667 : vector<8x1024xi1>, vector<8x1024xi32>
      %slice3A_682 = vector.extract_strided_slice %dot_general3A_61 {offsets = [336, 0], sizes = [8, 1024], strides = [1, 1]} : vector<512x1024xf32> to vector<8x1024xf32>
      %slice3A_683 = vector.extract_strided_slice %get3A_95 {offsets = [336, 0], sizes = [8, 1], strides = [1, 1]} : vector<512x1xf32> to vector<8x1xf32>
      %add3A_684 = vector.broadcast %broadcast_in_dim3A : vector<1x1024xf32> to vector<8x1024xf32>
      %add3A_685 = vector.broadcast %slice3A_683 : vector<8x1xf32> to vector<8x1024xf32>
      %add3A_686 = arith.addf %add3A_684, %add3A_685 : vector<8x1024xf32>
      %add3A_687 = arith.addf %add3A_686, %slice3A_682 : vector<8x1024xf32>
      %lt3A_688 = arith.cmpf olt, %add3A_687, %select_n3A_675 : vector<8x1024xf32>
      %select_n3A_689 = arith.select %lt3A_688, %add3A_687, %select_n3A_675 : vector<8x1024xi1>, vector<8x1024xf32>
      %mul3A_690 = arith.constant 64 : i32
      %mul3A_691 = arith.muli %add3A_90, %mul3A_690 : i32
      %add3A_692 = arith.constant 42 : i32
      %add3A_693 = arith.addi %mul3A_691, %add3A_692 : i32
      %broadcast_in_dim3A_694 = vector.broadcast %add3A_693 : i32 to vector<8x1024xi32>
      %select_n3A_695 = arith.select %lt3A_688, %broadcast_in_dim3A_694, %select_n3A_681 : vector<8x1024xi1>, vector<8x1024xi32>
      %slice3A_696 = vector.extract_strided_slice %dot_general3A_61 {offsets = [344, 0], sizes = [8, 1024], strides = [1, 1]} : vector<512x1024xf32> to vector<8x1024xf32>
      %slice3A_697 = vector.extract_strided_slice %get3A_95 {offsets = [344, 0], sizes = [8, 1], strides = [1, 1]} : vector<512x1xf32> to vector<8x1xf32>
      %add3A_698 = vector.broadcast %broadcast_in_dim3A : vector<1x1024xf32> to vector<8x1024xf32>
      %add3A_699 = vector.broadcast %slice3A_697 : vector<8x1xf32> to vector<8x1024xf32>
      %add3A_700 = arith.addf %add3A_698, %add3A_699 : vector<8x1024xf32>
      %add3A_701 = arith.addf %add3A_700, %slice3A_696 : vector<8x1024xf32>
      %lt3A_702 = arith.cmpf olt, %add3A_701, %select_n3A_689 : vector<8x1024xf32>
      %select_n3A_703 = arith.select %lt3A_702, %add3A_701, %select_n3A_689 : vector<8x1024xi1>, vector<8x1024xf32>
      %mul3A_704 = arith.constant 64 : i32
      %mul3A_705 = arith.muli %add3A_90, %mul3A_704 : i32
      %add3A_706 = arith.constant 43 : i32
      %add3A_707 = arith.addi %mul3A_705, %add3A_706 : i32
      %broadcast_in_dim3A_708 = vector.broadcast %add3A_707 : i32 to vector<8x1024xi32>
      %select_n3A_709 = arith.select %lt3A_702, %broadcast_in_dim3A_708, %select_n3A_695 : vector<8x1024xi1>, vector<8x1024xi32>
      %slice3A_710 = vector.extract_strided_slice %dot_general3A_61 {offsets = [352, 0], sizes = [8, 1024], strides = [1, 1]} : vector<512x1024xf32> to vector<8x1024xf32>
      %slice3A_711 = vector.extract_strided_slice %get3A_95 {offsets = [352, 0], sizes = [8, 1], strides = [1, 1]} : vector<512x1xf32> to vector<8x1xf32>
      %add3A_712 = vector.broadcast %broadcast_in_dim3A : vector<1x1024xf32> to vector<8x1024xf32>
      %add3A_713 = vector.broadcast %slice3A_711 : vector<8x1xf32> to vector<8x1024xf32>
      %add3A_714 = arith.addf %add3A_712, %add3A_713 : vector<8x1024xf32>
      %add3A_715 = arith.addf %add3A_714, %slice3A_710 : vector<8x1024xf32>
      %lt3A_716 = arith.cmpf olt, %add3A_715, %select_n3A_703 : vector<8x1024xf32>
      %select_n3A_717 = arith.select %lt3A_716, %add3A_715, %select_n3A_703 : vector<8x1024xi1>, vector<8x1024xf32>
      %mul3A_718 = arith.constant 64 : i32
      %mul3A_719 = arith.muli %add3A_90, %mul3A_718 : i32
      %add3A_720 = arith.constant 44 : i32
      %add3A_721 = arith.addi %mul3A_719, %add3A_720 : i32
      %broadcast_in_dim3A_722 = vector.broadcast %add3A_721 : i32 to vector<8x1024xi32>
      %select_n3A_723 = arith.select %lt3A_716, %broadcast_in_dim3A_722, %select_n3A_709 : vector<8x1024xi1>, vector<8x1024xi32>
      %slice3A_724 = vector.extract_strided_slice %dot_general3A_61 {offsets = [360, 0], sizes = [8, 1024], strides = [1, 1]} : vector<512x1024xf32> to vector<8x1024xf32>
      %slice3A_725 = vector.extract_strided_slice %get3A_95 {offsets = [360, 0], sizes = [8, 1], strides = [1, 1]} : vector<512x1xf32> to vector<8x1xf32>
      %add3A_726 = vector.broadcast %broadcast_in_dim3A : vector<1x1024xf32> to vector<8x1024xf32>
      %add3A_727 = vector.broadcast %slice3A_725 : vector<8x1xf32> to vector<8x1024xf32>
      %add3A_728 = arith.addf %add3A_726, %add3A_727 : vector<8x1024xf32>
      %add3A_729 = arith.addf %add3A_728, %slice3A_724 : vector<8x1024xf32>
      %lt3A_730 = arith.cmpf olt, %add3A_729, %select_n3A_717 : vector<8x1024xf32>
      %select_n3A_731 = arith.select %lt3A_730, %add3A_729, %select_n3A_717 : vector<8x1024xi1>, vector<8x1024xf32>
      %mul3A_732 = arith.constant 64 : i32
      %mul3A_733 = arith.muli %add3A_90, %mul3A_732 : i32
      %add3A_734 = arith.constant 45 : i32
      %add3A_735 = arith.addi %mul3A_733, %add3A_734 : i32
      %broadcast_in_dim3A_736 = vector.broadcast %add3A_735 : i32 to vector<8x1024xi32>
      %select_n3A_737 = arith.select %lt3A_730, %broadcast_in_dim3A_736, %select_n3A_723 : vector<8x1024xi1>, vector<8x1024xi32>
      %slice3A_738 = vector.extract_strided_slice %dot_general3A_61 {offsets = [368, 0], sizes = [8, 1024], strides = [1, 1]} : vector<512x1024xf32> to vector<8x1024xf32>
      %slice3A_739 = vector.extract_strided_slice %get3A_95 {offsets = [368, 0], sizes = [8, 1], strides = [1, 1]} : vector<512x1xf32> to vector<8x1xf32>
      %add3A_740 = vector.broadcast %broadcast_in_dim3A : vector<1x1024xf32> to vector<8x1024xf32>
      %add3A_741 = vector.broadcast %slice3A_739 : vector<8x1xf32> to vector<8x1024xf32>
      %add3A_742 = arith.addf %add3A_740, %add3A_741 : vector<8x1024xf32>
      %add3A_743 = arith.addf %add3A_742, %slice3A_738 : vector<8x1024xf32>
      %lt3A_744 = arith.cmpf olt, %add3A_743, %select_n3A_731 : vector<8x1024xf32>
      %select_n3A_745 = arith.select %lt3A_744, %add3A_743, %select_n3A_731 : vector<8x1024xi1>, vector<8x1024xf32>
      %mul3A_746 = arith.constant 64 : i32
      %mul3A_747 = arith.muli %add3A_90, %mul3A_746 : i32
      %add3A_748 = arith.constant 46 : i32
      %add3A_749 = arith.addi %mul3A_747, %add3A_748 : i32
      %broadcast_in_dim3A_750 = vector.broadcast %add3A_749 : i32 to vector<8x1024xi32>
      %select_n3A_751 = arith.select %lt3A_744, %broadcast_in_dim3A_750, %select_n3A_737 : vector<8x1024xi1>, vector<8x1024xi32>
      %slice3A_752 = vector.extract_strided_slice %dot_general3A_61 {offsets = [376, 0], sizes = [8, 1024], strides = [1, 1]} : vector<512x1024xf32> to vector<8x1024xf32>
      %slice3A_753 = vector.extract_strided_slice %get3A_95 {offsets = [376, 0], sizes = [8, 1], strides = [1, 1]} : vector<512x1xf32> to vector<8x1xf32>
      %add3A_754 = vector.broadcast %broadcast_in_dim3A : vector<1x1024xf32> to vector<8x1024xf32>
      %add3A_755 = vector.broadcast %slice3A_753 : vector<8x1xf32> to vector<8x1024xf32>
      %add3A_756 = arith.addf %add3A_754, %add3A_755 : vector<8x1024xf32>
      %add3A_757 = arith.addf %add3A_756, %slice3A_752 : vector<8x1024xf32>
      %lt3A_758 = arith.cmpf olt, %add3A_757, %select_n3A_745 : vector<8x1024xf32>
      %select_n3A_759 = arith.select %lt3A_758, %add3A_757, %select_n3A_745 : vector<8x1024xi1>, vector<8x1024xf32>
      %mul3A_760 = arith.constant 64 : i32
      %mul3A_761 = arith.muli %add3A_90, %mul3A_760 : i32
      %add3A_762 = arith.constant 47 : i32
      %add3A_763 = arith.addi %mul3A_761, %add3A_762 : i32
      %broadcast_in_dim3A_764 = vector.broadcast %add3A_763 : i32 to vector<8x1024xi32>
      %select_n3A_765 = arith.select %lt3A_758, %broadcast_in_dim3A_764, %select_n3A_751 : vector<8x1024xi1>, vector<8x1024xi32>
      %slice3A_766 = vector.extract_strided_slice %dot_general3A_61 {offsets = [384, 0], sizes = [8, 1024], strides = [1, 1]} : vector<512x1024xf32> to vector<8x1024xf32>
      %slice3A_767 = vector.extract_strided_slice %get3A_95 {offsets = [384, 0], sizes = [8, 1], strides = [1, 1]} : vector<512x1xf32> to vector<8x1xf32>
      %add3A_768 = vector.broadcast %broadcast_in_dim3A : vector<1x1024xf32> to vector<8x1024xf32>
      %add3A_769 = vector.broadcast %slice3A_767 : vector<8x1xf32> to vector<8x1024xf32>
      %add3A_770 = arith.addf %add3A_768, %add3A_769 : vector<8x1024xf32>
      %add3A_771 = arith.addf %add3A_770, %slice3A_766 : vector<8x1024xf32>
      %lt3A_772 = arith.cmpf olt, %add3A_771, %select_n3A_759 : vector<8x1024xf32>
      %select_n3A_773 = arith.select %lt3A_772, %add3A_771, %select_n3A_759 : vector<8x1024xi1>, vector<8x1024xf32>
      %mul3A_774 = arith.constant 64 : i32
      %mul3A_775 = arith.muli %add3A_90, %mul3A_774 : i32
      %add3A_776 = arith.constant 48 : i32
      %add3A_777 = arith.addi %mul3A_775, %add3A_776 : i32
      %broadcast_in_dim3A_778 = vector.broadcast %add3A_777 : i32 to vector<8x1024xi32>
      %select_n3A_779 = arith.select %lt3A_772, %broadcast_in_dim3A_778, %select_n3A_765 : vector<8x1024xi1>, vector<8x1024xi32>
      %slice3A_780 = vector.extract_strided_slice %dot_general3A_61 {offsets = [392, 0], sizes = [8, 1024], strides = [1, 1]} : vector<512x1024xf32> to vector<8x1024xf32>
      %slice3A_781 = vector.extract_strided_slice %get3A_95 {offsets = [392, 0], sizes = [8, 1], strides = [1, 1]} : vector<512x1xf32> to vector<8x1xf32>
      %add3A_782 = vector.broadcast %broadcast_in_dim3A : vector<1x1024xf32> to vector<8x1024xf32>
      %add3A_783 = vector.broadcast %slice3A_781 : vector<8x1xf32> to vector<8x1024xf32>
      %add3A_784 = arith.addf %add3A_782, %add3A_783 : vector<8x1024xf32>
      %add3A_785 = arith.addf %add3A_784, %slice3A_780 : vector<8x1024xf32>
      %lt3A_786 = arith.cmpf olt, %add3A_785, %select_n3A_773 : vector<8x1024xf32>
      %select_n3A_787 = arith.select %lt3A_786, %add3A_785, %select_n3A_773 : vector<8x1024xi1>, vector<8x1024xf32>
      %mul3A_788 = arith.constant 64 : i32
      %mul3A_789 = arith.muli %add3A_90, %mul3A_788 : i32
      %add3A_790 = arith.constant 49 : i32
      %add3A_791 = arith.addi %mul3A_789, %add3A_790 : i32
      %broadcast_in_dim3A_792 = vector.broadcast %add3A_791 : i32 to vector<8x1024xi32>
      %select_n3A_793 = arith.select %lt3A_786, %broadcast_in_dim3A_792, %select_n3A_779 : vector<8x1024xi1>, vector<8x1024xi32>
      %slice3A_794 = vector.extract_strided_slice %dot_general3A_61 {offsets = [400, 0], sizes = [8, 1024], strides = [1, 1]} : vector<512x1024xf32> to vector<8x1024xf32>
      %slice3A_795 = vector.extract_strided_slice %get3A_95 {offsets = [400, 0], sizes = [8, 1], strides = [1, 1]} : vector<512x1xf32> to vector<8x1xf32>
      %add3A_796 = vector.broadcast %broadcast_in_dim3A : vector<1x1024xf32> to vector<8x1024xf32>
      %add3A_797 = vector.broadcast %slice3A_795 : vector<8x1xf32> to vector<8x1024xf32>
      %add3A_798 = arith.addf %add3A_796, %add3A_797 : vector<8x1024xf32>
      %add3A_799 = arith.addf %add3A_798, %slice3A_794 : vector<8x1024xf32>
      %lt3A_800 = arith.cmpf olt, %add3A_799, %select_n3A_787 : vector<8x1024xf32>
      %select_n3A_801 = arith.select %lt3A_800, %add3A_799, %select_n3A_787 : vector<8x1024xi1>, vector<8x1024xf32>
      %mul3A_802 = arith.constant 64 : i32
      %mul3A_803 = arith.muli %add3A_90, %mul3A_802 : i32
      %add3A_804 = arith.constant 50 : i32
      %add3A_805 = arith.addi %mul3A_803, %add3A_804 : i32
      %broadcast_in_dim3A_806 = vector.broadcast %add3A_805 : i32 to vector<8x1024xi32>
      %select_n3A_807 = arith.select %lt3A_800, %broadcast_in_dim3A_806, %select_n3A_793 : vector<8x1024xi1>, vector<8x1024xi32>
      %slice3A_808 = vector.extract_strided_slice %dot_general3A_61 {offsets = [408, 0], sizes = [8, 1024], strides = [1, 1]} : vector<512x1024xf32> to vector<8x1024xf32>
      %slice3A_809 = vector.extract_strided_slice %get3A_95 {offsets = [408, 0], sizes = [8, 1], strides = [1, 1]} : vector<512x1xf32> to vector<8x1xf32>
      %add3A_810 = vector.broadcast %broadcast_in_dim3A : vector<1x1024xf32> to vector<8x1024xf32>
      %add3A_811 = vector.broadcast %slice3A_809 : vector<8x1xf32> to vector<8x1024xf32>
      %add3A_812 = arith.addf %add3A_810, %add3A_811 : vector<8x1024xf32>
      %add3A_813 = arith.addf %add3A_812, %slice3A_808 : vector<8x1024xf32>
      %lt3A_814 = arith.cmpf olt, %add3A_813, %select_n3A_801 : vector<8x1024xf32>
      %select_n3A_815 = arith.select %lt3A_814, %add3A_813, %select_n3A_801 : vector<8x1024xi1>, vector<8x1024xf32>
      %mul3A_816 = arith.constant 64 : i32
      %mul3A_817 = arith.muli %add3A_90, %mul3A_816 : i32
      %add3A_818 = arith.constant 51 : i32
      %add3A_819 = arith.addi %mul3A_817, %add3A_818 : i32
      %broadcast_in_dim3A_820 = vector.broadcast %add3A_819 : i32 to vector<8x1024xi32>
      %select_n3A_821 = arith.select %lt3A_814, %broadcast_in_dim3A_820, %select_n3A_807 : vector<8x1024xi1>, vector<8x1024xi32>
      %slice3A_822 = vector.extract_strided_slice %dot_general3A_61 {offsets = [416, 0], sizes = [8, 1024], strides = [1, 1]} : vector<512x1024xf32> to vector<8x1024xf32>
      %slice3A_823 = vector.extract_strided_slice %get3A_95 {offsets = [416, 0], sizes = [8, 1], strides = [1, 1]} : vector<512x1xf32> to vector<8x1xf32>
      %add3A_824 = vector.broadcast %broadcast_in_dim3A : vector<1x1024xf32> to vector<8x1024xf32>
      %add3A_825 = vector.broadcast %slice3A_823 : vector<8x1xf32> to vector<8x1024xf32>
      %add3A_826 = arith.addf %add3A_824, %add3A_825 : vector<8x1024xf32>
      %add3A_827 = arith.addf %add3A_826, %slice3A_822 : vector<8x1024xf32>
      %lt3A_828 = arith.cmpf olt, %add3A_827, %select_n3A_815 : vector<8x1024xf32>
      %select_n3A_829 = arith.select %lt3A_828, %add3A_827, %select_n3A_815 : vector<8x1024xi1>, vector<8x1024xf32>
      %mul3A_830 = arith.constant 64 : i32
      %mul3A_831 = arith.muli %add3A_90, %mul3A_830 : i32
      %add3A_832 = arith.constant 52 : i32
      %add3A_833 = arith.addi %mul3A_831, %add3A_832 : i32
      %broadcast_in_dim3A_834 = vector.broadcast %add3A_833 : i32 to vector<8x1024xi32>
      %select_n3A_835 = arith.select %lt3A_828, %broadcast_in_dim3A_834, %select_n3A_821 : vector<8x1024xi1>, vector<8x1024xi32>
      %slice3A_836 = vector.extract_strided_slice %dot_general3A_61 {offsets = [424, 0], sizes = [8, 1024], strides = [1, 1]} : vector<512x1024xf32> to vector<8x1024xf32>
      %slice3A_837 = vector.extract_strided_slice %get3A_95 {offsets = [424, 0], sizes = [8, 1], strides = [1, 1]} : vector<512x1xf32> to vector<8x1xf32>
      %add3A_838 = vector.broadcast %broadcast_in_dim3A : vector<1x1024xf32> to vector<8x1024xf32>
      %add3A_839 = vector.broadcast %slice3A_837 : vector<8x1xf32> to vector<8x1024xf32>
      %add3A_840 = arith.addf %add3A_838, %add3A_839 : vector<8x1024xf32>
      %add3A_841 = arith.addf %add3A_840, %slice3A_836 : vector<8x1024xf32>
      %lt3A_842 = arith.cmpf olt, %add3A_841, %select_n3A_829 : vector<8x1024xf32>
      %select_n3A_843 = arith.select %lt3A_842, %add3A_841, %select_n3A_829 : vector<8x1024xi1>, vector<8x1024xf32>
      %mul3A_844 = arith.constant 64 : i32
      %mul3A_845 = arith.muli %add3A_90, %mul3A_844 : i32
      %add3A_846 = arith.constant 53 : i32
      %add3A_847 = arith.addi %mul3A_845, %add3A_846 : i32
      %broadcast_in_dim3A_848 = vector.broadcast %add3A_847 : i32 to vector<8x1024xi32>
      %select_n3A_849 = arith.select %lt3A_842, %broadcast_in_dim3A_848, %select_n3A_835 : vector<8x1024xi1>, vector<8x1024xi32>
      %slice3A_850 = vector.extract_strided_slice %dot_general3A_61 {offsets = [432, 0], sizes = [8, 1024], strides = [1, 1]} : vector<512x1024xf32> to vector<8x1024xf32>
      %slice3A_851 = vector.extract_strided_slice %get3A_95 {offsets = [432, 0], sizes = [8, 1], strides = [1, 1]} : vector<512x1xf32> to vector<8x1xf32>
      %add3A_852 = vector.broadcast %broadcast_in_dim3A : vector<1x1024xf32> to vector<8x1024xf32>
      %add3A_853 = vector.broadcast %slice3A_851 : vector<8x1xf32> to vector<8x1024xf32>
      %add3A_854 = arith.addf %add3A_852, %add3A_853 : vector<8x1024xf32>
      %add3A_855 = arith.addf %add3A_854, %slice3A_850 : vector<8x1024xf32>
      %lt3A_856 = arith.cmpf olt, %add3A_855, %select_n3A_843 : vector<8x1024xf32>
      %select_n3A_857 = arith.select %lt3A_856, %add3A_855, %select_n3A_843 : vector<8x1024xi1>, vector<8x1024xf32>
      %mul3A_858 = arith.constant 64 : i32
      %mul3A_859 = arith.muli %add3A_90, %mul3A_858 : i32
      %add3A_860 = arith.constant 54 : i32
      %add3A_861 = arith.addi %mul3A_859, %add3A_860 : i32
      %broadcast_in_dim3A_862 = vector.broadcast %add3A_861 : i32 to vector<8x1024xi32>
      %select_n3A_863 = arith.select %lt3A_856, %broadcast_in_dim3A_862, %select_n3A_849 : vector<8x1024xi1>, vector<8x1024xi32>
      %slice3A_864 = vector.extract_strided_slice %dot_general3A_61 {offsets = [440, 0], sizes = [8, 1024], strides = [1, 1]} : vector<512x1024xf32> to vector<8x1024xf32>
      %slice3A_865 = vector.extract_strided_slice %get3A_95 {offsets = [440, 0], sizes = [8, 1], strides = [1, 1]} : vector<512x1xf32> to vector<8x1xf32>
      %add3A_866 = vector.broadcast %broadcast_in_dim3A : vector<1x1024xf32> to vector<8x1024xf32>
      %add3A_867 = vector.broadcast %slice3A_865 : vector<8x1xf32> to vector<8x1024xf32>
      %add3A_868 = arith.addf %add3A_866, %add3A_867 : vector<8x1024xf32>
      %add3A_869 = arith.addf %add3A_868, %slice3A_864 : vector<8x1024xf32>
      %lt3A_870 = arith.cmpf olt, %add3A_869, %select_n3A_857 : vector<8x1024xf32>
      %select_n3A_871 = arith.select %lt3A_870, %add3A_869, %select_n3A_857 : vector<8x1024xi1>, vector<8x1024xf32>
      %mul3A_872 = arith.constant 64 : i32
      %mul3A_873 = arith.muli %add3A_90, %mul3A_872 : i32
      %add3A_874 = arith.constant 55 : i32
      %add3A_875 = arith.addi %mul3A_873, %add3A_874 : i32
      %broadcast_in_dim3A_876 = vector.broadcast %add3A_875 : i32 to vector<8x1024xi32>
      %select_n3A_877 = arith.select %lt3A_870, %broadcast_in_dim3A_876, %select_n3A_863 : vector<8x1024xi1>, vector<8x1024xi32>
      %slice3A_878 = vector.extract_strided_slice %dot_general3A_61 {offsets = [448, 0], sizes = [8, 1024], strides = [1, 1]} : vector<512x1024xf32> to vector<8x1024xf32>
      %slice3A_879 = vector.extract_strided_slice %get3A_95 {offsets = [448, 0], sizes = [8, 1], strides = [1, 1]} : vector<512x1xf32> to vector<8x1xf32>
      %add3A_880 = vector.broadcast %broadcast_in_dim3A : vector<1x1024xf32> to vector<8x1024xf32>
      %add3A_881 = vector.broadcast %slice3A_879 : vector<8x1xf32> to vector<8x1024xf32>
      %add3A_882 = arith.addf %add3A_880, %add3A_881 : vector<8x1024xf32>
      %add3A_883 = arith.addf %add3A_882, %slice3A_878 : vector<8x1024xf32>
      %lt3A_884 = arith.cmpf olt, %add3A_883, %select_n3A_871 : vector<8x1024xf32>
      %select_n3A_885 = arith.select %lt3A_884, %add3A_883, %select_n3A_871 : vector<8x1024xi1>, vector<8x1024xf32>
      %mul3A_886 = arith.constant 64 : i32
      %mul3A_887 = arith.muli %add3A_90, %mul3A_886 : i32
      %add3A_888 = arith.constant 56 : i32
      %add3A_889 = arith.addi %mul3A_887, %add3A_888 : i32
      %broadcast_in_dim3A_890 = vector.broadcast %add3A_889 : i32 to vector<8x1024xi32>
      %select_n3A_891 = arith.select %lt3A_884, %broadcast_in_dim3A_890, %select_n3A_877 : vector<8x1024xi1>, vector<8x1024xi32>
      %slice3A_892 = vector.extract_strided_slice %dot_general3A_61 {offsets = [456, 0], sizes = [8, 1024], strides = [1, 1]} : vector<512x1024xf32> to vector<8x1024xf32>
      %slice3A_893 = vector.extract_strided_slice %get3A_95 {offsets = [456, 0], sizes = [8, 1], strides = [1, 1]} : vector<512x1xf32> to vector<8x1xf32>
      %add3A_894 = vector.broadcast %broadcast_in_dim3A : vector<1x1024xf32> to vector<8x1024xf32>
      %add3A_895 = vector.broadcast %slice3A_893 : vector<8x1xf32> to vector<8x1024xf32>
      %add3A_896 = arith.addf %add3A_894, %add3A_895 : vector<8x1024xf32>
      %add3A_897 = arith.addf %add3A_896, %slice3A_892 : vector<8x1024xf32>
      %lt3A_898 = arith.cmpf olt, %add3A_897, %select_n3A_885 : vector<8x1024xf32>
      %select_n3A_899 = arith.select %lt3A_898, %add3A_897, %select_n3A_885 : vector<8x1024xi1>, vector<8x1024xf32>
      %mul3A_900 = arith.constant 64 : i32
      %mul3A_901 = arith.muli %add3A_90, %mul3A_900 : i32
      %add3A_902 = arith.constant 57 : i32
      %add3A_903 = arith.addi %mul3A_901, %add3A_902 : i32
      %broadcast_in_dim3A_904 = vector.broadcast %add3A_903 : i32 to vector<8x1024xi32>
      %select_n3A_905 = arith.select %lt3A_898, %broadcast_in_dim3A_904, %select_n3A_891 : vector<8x1024xi1>, vector<8x1024xi32>
      %slice3A_906 = vector.extract_strided_slice %dot_general3A_61 {offsets = [464, 0], sizes = [8, 1024], strides = [1, 1]} : vector<512x1024xf32> to vector<8x1024xf32>
      %slice3A_907 = vector.extract_strided_slice %get3A_95 {offsets = [464, 0], sizes = [8, 1], strides = [1, 1]} : vector<512x1xf32> to vector<8x1xf32>
      %add3A_908 = vector.broadcast %broadcast_in_dim3A : vector<1x1024xf32> to vector<8x1024xf32>
      %add3A_909 = vector.broadcast %slice3A_907 : vector<8x1xf32> to vector<8x1024xf32>
      %add3A_910 = arith.addf %add3A_908, %add3A_909 : vector<8x1024xf32>
      %add3A_911 = arith.addf %add3A_910, %slice3A_906 : vector<8x1024xf32>
      %lt3A_912 = arith.cmpf olt, %add3A_911, %select_n3A_899 : vector<8x1024xf32>
      %select_n3A_913 = arith.select %lt3A_912, %add3A_911, %select_n3A_899 : vector<8x1024xi1>, vector<8x1024xf32>
      %mul3A_914 = arith.constant 64 : i32
      %mul3A_915 = arith.muli %add3A_90, %mul3A_914 : i32
      %add3A_916 = arith.constant 58 : i32
      %add3A_917 = arith.addi %mul3A_915, %add3A_916 : i32
      %broadcast_in_dim3A_918 = vector.broadcast %add3A_917 : i32 to vector<8x1024xi32>
      %select_n3A_919 = arith.select %lt3A_912, %broadcast_in_dim3A_918, %select_n3A_905 : vector<8x1024xi1>, vector<8x1024xi32>
      %slice3A_920 = vector.extract_strided_slice %dot_general3A_61 {offsets = [472, 0], sizes = [8, 1024], strides = [1, 1]} : vector<512x1024xf32> to vector<8x1024xf32>
      %slice3A_921 = vector.extract_strided_slice %get3A_95 {offsets = [472, 0], sizes = [8, 1], strides = [1, 1]} : vector<512x1xf32> to vector<8x1xf32>
      %add3A_922 = vector.broadcast %broadcast_in_dim3A : vector<1x1024xf32> to vector<8x1024xf32>
      %add3A_923 = vector.broadcast %slice3A_921 : vector<8x1xf32> to vector<8x1024xf32>
      %add3A_924 = arith.addf %add3A_922, %add3A_923 : vector<8x1024xf32>
      %add3A_925 = arith.addf %add3A_924, %slice3A_920 : vector<8x1024xf32>
      %lt3A_926 = arith.cmpf olt, %add3A_925, %select_n3A_913 : vector<8x1024xf32>
      %select_n3A_927 = arith.select %lt3A_926, %add3A_925, %select_n3A_913 : vector<8x1024xi1>, vector<8x1024xf32>
      %mul3A_928 = arith.constant 64 : i32
      %mul3A_929 = arith.muli %add3A_90, %mul3A_928 : i32
      %add3A_930 = arith.constant 59 : i32
      %add3A_931 = arith.addi %mul3A_929, %add3A_930 : i32
      %broadcast_in_dim3A_932 = vector.broadcast %add3A_931 : i32 to vector<8x1024xi32>
      %select_n3A_933 = arith.select %lt3A_926, %broadcast_in_dim3A_932, %select_n3A_919 : vector<8x1024xi1>, vector<8x1024xi32>
      %slice3A_934 = vector.extract_strided_slice %dot_general3A_61 {offsets = [480, 0], sizes = [8, 1024], strides = [1, 1]} : vector<512x1024xf32> to vector<8x1024xf32>
      %slice3A_935 = vector.extract_strided_slice %get3A_95 {offsets = [480, 0], sizes = [8, 1], strides = [1, 1]} : vector<512x1xf32> to vector<8x1xf32>
      %add3A_936 = vector.broadcast %broadcast_in_dim3A : vector<1x1024xf32> to vector<8x1024xf32>
      %add3A_937 = vector.broadcast %slice3A_935 : vector<8x1xf32> to vector<8x1024xf32>
      %add3A_938 = arith.addf %add3A_936, %add3A_937 : vector<8x1024xf32>
      %add3A_939 = arith.addf %add3A_938, %slice3A_934 : vector<8x1024xf32>
      %lt3A_940 = arith.cmpf olt, %add3A_939, %select_n3A_927 : vector<8x1024xf32>
      %select_n3A_941 = arith.select %lt3A_940, %add3A_939, %select_n3A_927 : vector<8x1024xi1>, vector<8x1024xf32>
      %mul3A_942 = arith.constant 64 : i32
      %mul3A_943 = arith.muli %add3A_90, %mul3A_942 : i32
      %add3A_944 = arith.constant 60 : i32
      %add3A_945 = arith.addi %mul3A_943, %add3A_944 : i32
      %broadcast_in_dim3A_946 = vector.broadcast %add3A_945 : i32 to vector<8x1024xi32>
      %select_n3A_947 = arith.select %lt3A_940, %broadcast_in_dim3A_946, %select_n3A_933 : vector<8x1024xi1>, vector<8x1024xi32>
      %slice3A_948 = vector.extract_strided_slice %dot_general3A_61 {offsets = [488, 0], sizes = [8, 1024], strides = [1, 1]} : vector<512x1024xf32> to vector<8x1024xf32>
      %slice3A_949 = vector.extract_strided_slice %get3A_95 {offsets = [488, 0], sizes = [8, 1], strides = [1, 1]} : vector<512x1xf32> to vector<8x1xf32>
      %add3A_950 = vector.broadcast %broadcast_in_dim3A : vector<1x1024xf32> to vector<8x1024xf32>
      %add3A_951 = vector.broadcast %slice3A_949 : vector<8x1xf32> to vector<8x1024xf32>
      %add3A_952 = arith.addf %add3A_950, %add3A_951 : vector<8x1024xf32>
      %add3A_953 = arith.addf %add3A_952, %slice3A_948 : vector<8x1024xf32>
      %lt3A_954 = arith.cmpf olt, %add3A_953, %select_n3A_941 : vector<8x1024xf32>
      %select_n3A_955 = arith.select %lt3A_954, %add3A_953, %select_n3A_941 : vector<8x1024xi1>, vector<8x1024xf32>
      %mul3A_956 = arith.constant 64 : i32
      %mul3A_957 = arith.muli %add3A_90, %mul3A_956 : i32
      %add3A_958 = arith.constant 61 : i32
      %add3A_959 = arith.addi %mul3A_957, %add3A_958 : i32
      %broadcast_in_dim3A_960 = vector.broadcast %add3A_959 : i32 to vector<8x1024xi32>
      %select_n3A_961 = arith.select %lt3A_954, %broadcast_in_dim3A_960, %select_n3A_947 : vector<8x1024xi1>, vector<8x1024xi32>
      %slice3A_962 = vector.extract_strided_slice %dot_general3A_61 {offsets = [496, 0], sizes = [8, 1024], strides = [1, 1]} : vector<512x1024xf32> to vector<8x1024xf32>
      %slice3A_963 = vector.extract_strided_slice %get3A_95 {offsets = [496, 0], sizes = [8, 1], strides = [1, 1]} : vector<512x1xf32> to vector<8x1xf32>
      %add3A_964 = vector.broadcast %broadcast_in_dim3A : vector<1x1024xf32> to vector<8x1024xf32>
      %add3A_965 = vector.broadcast %slice3A_963 : vector<8x1xf32> to vector<8x1024xf32>
      %add3A_966 = arith.addf %add3A_964, %add3A_965 : vector<8x1024xf32>
      %add3A_967 = arith.addf %add3A_966, %slice3A_962 : vector<8x1024xf32>
      %lt3A_968 = arith.cmpf olt, %add3A_967, %select_n3A_955 : vector<8x1024xf32>
      %select_n3A_969 = arith.select %lt3A_968, %add3A_967, %select_n3A_955 : vector<8x1024xi1>, vector<8x1024xf32>
      %mul3A_970 = arith.constant 64 : i32
      %mul3A_971 = arith.muli %add3A_90, %mul3A_970 : i32
      %add3A_972 = arith.constant 62 : i32
      %add3A_973 = arith.addi %mul3A_971, %add3A_972 : i32
      %broadcast_in_dim3A_974 = vector.broadcast %add3A_973 : i32 to vector<8x1024xi32>
      %select_n3A_975 = arith.select %lt3A_968, %broadcast_in_dim3A_974, %select_n3A_961 : vector<8x1024xi1>, vector<8x1024xi32>
      %slice3A_976 = vector.extract_strided_slice %dot_general3A_61 {offsets = [504, 0], sizes = [8, 1024], strides = [1, 1]} : vector<512x1024xf32> to vector<8x1024xf32>
      %slice3A_977 = vector.extract_strided_slice %get3A_95 {offsets = [504, 0], sizes = [8, 1], strides = [1, 1]} : vector<512x1xf32> to vector<8x1xf32>
      %add3A_978 = vector.broadcast %broadcast_in_dim3A : vector<1x1024xf32> to vector<8x1024xf32>
      %add3A_979 = vector.broadcast %slice3A_977 : vector<8x1xf32> to vector<8x1024xf32>
      %add3A_980 = arith.addf %add3A_978, %add3A_979 : vector<8x1024xf32>
      %add3A_981 = arith.addf %add3A_980, %slice3A_976 : vector<8x1024xf32>
      %lt3A_982 = arith.cmpf olt, %add3A_981, %select_n3A_969 : vector<8x1024xf32>
      %select_n3A_983 = arith.select %lt3A_982, %add3A_981, %select_n3A_969 : vector<8x1024xi1>, vector<8x1024xf32>
      %mul3A_984 = arith.constant 64 : i32
      %mul3A_985 = arith.muli %add3A_90, %mul3A_984 : i32
      %add3A_986 = arith.constant 63 : i32
      %add3A_987 = arith.addi %mul3A_985, %add3A_986 : i32
      %broadcast_in_dim3A_988 = vector.broadcast %add3A_987 : i32 to vector<8x1024xi32>
      %select_n3A_989 = arith.select %lt3A_982, %broadcast_in_dim3A_988, %select_n3A_975 : vector<8x1024xi1>, vector<8x1024xi32>
      %add3A_990 = arith.constant 1 : i32
      %add3A_991 = arith.addi %mul3A_53, %add3A_990 : i32
      %mul3A_992 = arith.constant 512 : i32
      %mul3A_993 = arith.muli %add3A_991, %mul3A_992 : i32
      %get3A_994 = arith.index_cast %mul3A_993 : i32 to index
      %get3A_995 = arith.constant 0 : index
      %get3A_996 = vector.load %arg5[%get3A_994, %get3A_995] : memref<8192x1xf32, #tpu.memory_space<vmem>>, vector<512x1xf32>
      %slice3A_997 = vector.extract_strided_slice %dot_general3A_70 {offsets = [0, 0], sizes = [8, 1024], strides = [1, 1]} : vector<512x1024xf32> to vector<8x1024xf32>
      %slice3A_998 = vector.extract_strided_slice %get3A_996 {offsets = [0, 0], sizes = [8, 1], strides = [1, 1]} : vector<512x1xf32> to vector<8x1xf32>
      %add3A_999 = vector.broadcast %broadcast_in_dim3A : vector<1x1024xf32> to vector<8x1024xf32>
      %add3A_1000 = vector.broadcast %slice3A_998 : vector<8x1xf32> to vector<8x1024xf32>
      %add3A_1001 = arith.addf %add3A_999, %add3A_1000 : vector<8x1024xf32>
      %add3A_1002 = arith.addf %add3A_1001, %slice3A_997 : vector<8x1024xf32>
      %lt3A_1003 = arith.cmpf olt, %add3A_1002, %select_n3A_983 : vector<8x1024xf32>
      %select_n3A_1004 = arith.select %lt3A_1003, %add3A_1002, %select_n3A_983 : vector<8x1024xi1>, vector<8x1024xf32>
      %mul3A_1005 = arith.constant 64 : i32
      %mul3A_1006 = arith.muli %add3A_991, %mul3A_1005 : i32
      %add3A_1007 = arith.constant 0 : i32
      %add3A_1008 = arith.addi %mul3A_1006, %add3A_1007 : i32
      %broadcast_in_dim3A_1009 = vector.broadcast %add3A_1008 : i32 to vector<8x1024xi32>
      %select_n3A_1010 = arith.select %lt3A_1003, %broadcast_in_dim3A_1009, %select_n3A_989 : vector<8x1024xi1>, vector<8x1024xi32>
      %slice3A_1011 = vector.extract_strided_slice %dot_general3A_70 {offsets = [8, 0], sizes = [8, 1024], strides = [1, 1]} : vector<512x1024xf32> to vector<8x1024xf32>
      %slice3A_1012 = vector.extract_strided_slice %get3A_996 {offsets = [8, 0], sizes = [8, 1], strides = [1, 1]} : vector<512x1xf32> to vector<8x1xf32>
      %add3A_1013 = vector.broadcast %broadcast_in_dim3A : vector<1x1024xf32> to vector<8x1024xf32>
      %add3A_1014 = vector.broadcast %slice3A_1012 : vector<8x1xf32> to vector<8x1024xf32>
      %add3A_1015 = arith.addf %add3A_1013, %add3A_1014 : vector<8x1024xf32>
      %add3A_1016 = arith.addf %add3A_1015, %slice3A_1011 : vector<8x1024xf32>
      %lt3A_1017 = arith.cmpf olt, %add3A_1016, %select_n3A_1004 : vector<8x1024xf32>
      %select_n3A_1018 = arith.select %lt3A_1017, %add3A_1016, %select_n3A_1004 : vector<8x1024xi1>, vector<8x1024xf32>
      %mul3A_1019 = arith.constant 64 : i32
      %mul3A_1020 = arith.muli %add3A_991, %mul3A_1019 : i32
      %add3A_1021 = arith.constant 1 : i32
      %add3A_1022 = arith.addi %mul3A_1020, %add3A_1021 : i32
      %broadcast_in_dim3A_1023 = vector.broadcast %add3A_1022 : i32 to vector<8x1024xi32>
      %select_n3A_1024 = arith.select %lt3A_1017, %broadcast_in_dim3A_1023, %select_n3A_1010 : vector<8x1024xi1>, vector<8x1024xi32>
      %slice3A_1025 = vector.extract_strided_slice %dot_general3A_70 {offsets = [16, 0], sizes = [8, 1024], strides = [1, 1]} : vector<512x1024xf32> to vector<8x1024xf32>
      %slice3A_1026 = vector.extract_strided_slice %get3A_996 {offsets = [16, 0], sizes = [8, 1], strides = [1, 1]} : vector<512x1xf32> to vector<8x1xf32>
      %add3A_1027 = vector.broadcast %broadcast_in_dim3A : vector<1x1024xf32> to vector<8x1024xf32>
      %add3A_1028 = vector.broadcast %slice3A_1026 : vector<8x1xf32> to vector<8x1024xf32>
      %add3A_1029 = arith.addf %add3A_1027, %add3A_1028 : vector<8x1024xf32>
      %add3A_1030 = arith.addf %add3A_1029, %slice3A_1025 : vector<8x1024xf32>
      %lt3A_1031 = arith.cmpf olt, %add3A_1030, %select_n3A_1018 : vector<8x1024xf32>
      %select_n3A_1032 = arith.select %lt3A_1031, %add3A_1030, %select_n3A_1018 : vector<8x1024xi1>, vector<8x1024xf32>
      %mul3A_1033 = arith.constant 64 : i32
      %mul3A_1034 = arith.muli %add3A_991, %mul3A_1033 : i32
      %add3A_1035 = arith.constant 2 : i32
      %add3A_1036 = arith.addi %mul3A_1034, %add3A_1035 : i32
      %broadcast_in_dim3A_1037 = vector.broadcast %add3A_1036 : i32 to vector<8x1024xi32>
      %select_n3A_1038 = arith.select %lt3A_1031, %broadcast_in_dim3A_1037, %select_n3A_1024 : vector<8x1024xi1>, vector<8x1024xi32>
      %slice3A_1039 = vector.extract_strided_slice %dot_general3A_70 {offsets = [24, 0], sizes = [8, 1024], strides = [1, 1]} : vector<512x1024xf32> to vector<8x1024xf32>
      %slice3A_1040 = vector.extract_strided_slice %get3A_996 {offsets = [24, 0], sizes = [8, 1], strides = [1, 1]} : vector<512x1xf32> to vector<8x1xf32>
      %add3A_1041 = vector.broadcast %broadcast_in_dim3A : vector<1x1024xf32> to vector<8x1024xf32>
      %add3A_1042 = vector.broadcast %slice3A_1040 : vector<8x1xf32> to vector<8x1024xf32>
      %add3A_1043 = arith.addf %add3A_1041, %add3A_1042 : vector<8x1024xf32>
      %add3A_1044 = arith.addf %add3A_1043, %slice3A_1039 : vector<8x1024xf32>
      %lt3A_1045 = arith.cmpf olt, %add3A_1044, %select_n3A_1032 : vector<8x1024xf32>
      %select_n3A_1046 = arith.select %lt3A_1045, %add3A_1044, %select_n3A_1032 : vector<8x1024xi1>, vector<8x1024xf32>
      %mul3A_1047 = arith.constant 64 : i32
      %mul3A_1048 = arith.muli %add3A_991, %mul3A_1047 : i32
      %add3A_1049 = arith.constant 3 : i32
      %add3A_1050 = arith.addi %mul3A_1048, %add3A_1049 : i32
      %broadcast_in_dim3A_1051 = vector.broadcast %add3A_1050 : i32 to vector<8x1024xi32>
      %select_n3A_1052 = arith.select %lt3A_1045, %broadcast_in_dim3A_1051, %select_n3A_1038 : vector<8x1024xi1>, vector<8x1024xi32>
      %slice3A_1053 = vector.extract_strided_slice %dot_general3A_70 {offsets = [32, 0], sizes = [8, 1024], strides = [1, 1]} : vector<512x1024xf32> to vector<8x1024xf32>
      %slice3A_1054 = vector.extract_strided_slice %get3A_996 {offsets = [32, 0], sizes = [8, 1], strides = [1, 1]} : vector<512x1xf32> to vector<8x1xf32>
      %add3A_1055 = vector.broadcast %broadcast_in_dim3A : vector<1x1024xf32> to vector<8x1024xf32>
      %add3A_1056 = vector.broadcast %slice3A_1054 : vector<8x1xf32> to vector<8x1024xf32>
      %add3A_1057 = arith.addf %add3A_1055, %add3A_1056 : vector<8x1024xf32>
      %add3A_1058 = arith.addf %add3A_1057, %slice3A_1053 : vector<8x1024xf32>
      %lt3A_1059 = arith.cmpf olt, %add3A_1058, %select_n3A_1046 : vector<8x1024xf32>
      %select_n3A_1060 = arith.select %lt3A_1059, %add3A_1058, %select_n3A_1046 : vector<8x1024xi1>, vector<8x1024xf32>
      %mul3A_1061 = arith.constant 64 : i32
      %mul3A_1062 = arith.muli %add3A_991, %mul3A_1061 : i32
      %add3A_1063 = arith.constant 4 : i32
      %add3A_1064 = arith.addi %mul3A_1062, %add3A_1063 : i32
      %broadcast_in_dim3A_1065 = vector.broadcast %add3A_1064 : i32 to vector<8x1024xi32>
      %select_n3A_1066 = arith.select %lt3A_1059, %broadcast_in_dim3A_1065, %select_n3A_1052 : vector<8x1024xi1>, vector<8x1024xi32>
      %slice3A_1067 = vector.extract_strided_slice %dot_general3A_70 {offsets = [40, 0], sizes = [8, 1024], strides = [1, 1]} : vector<512x1024xf32> to vector<8x1024xf32>
      %slice3A_1068 = vector.extract_strided_slice %get3A_996 {offsets = [40, 0], sizes = [8, 1], strides = [1, 1]} : vector<512x1xf32> to vector<8x1xf32>
      %add3A_1069 = vector.broadcast %broadcast_in_dim3A : vector<1x1024xf32> to vector<8x1024xf32>
      %add3A_1070 = vector.broadcast %slice3A_1068 : vector<8x1xf32> to vector<8x1024xf32>
      %add3A_1071 = arith.addf %add3A_1069, %add3A_1070 : vector<8x1024xf32>
      %add3A_1072 = arith.addf %add3A_1071, %slice3A_1067 : vector<8x1024xf32>
      %lt3A_1073 = arith.cmpf olt, %add3A_1072, %select_n3A_1060 : vector<8x1024xf32>
      %select_n3A_1074 = arith.select %lt3A_1073, %add3A_1072, %select_n3A_1060 : vector<8x1024xi1>, vector<8x1024xf32>
      %mul3A_1075 = arith.constant 64 : i32
      %mul3A_1076 = arith.muli %add3A_991, %mul3A_1075 : i32
      %add3A_1077 = arith.constant 5 : i32
      %add3A_1078 = arith.addi %mul3A_1076, %add3A_1077 : i32
      %broadcast_in_dim3A_1079 = vector.broadcast %add3A_1078 : i32 to vector<8x1024xi32>
      %select_n3A_1080 = arith.select %lt3A_1073, %broadcast_in_dim3A_1079, %select_n3A_1066 : vector<8x1024xi1>, vector<8x1024xi32>
      %slice3A_1081 = vector.extract_strided_slice %dot_general3A_70 {offsets = [48, 0], sizes = [8, 1024], strides = [1, 1]} : vector<512x1024xf32> to vector<8x1024xf32>
      %slice3A_1082 = vector.extract_strided_slice %get3A_996 {offsets = [48, 0], sizes = [8, 1], strides = [1, 1]} : vector<512x1xf32> to vector<8x1xf32>
      %add3A_1083 = vector.broadcast %broadcast_in_dim3A : vector<1x1024xf32> to vector<8x1024xf32>
      %add3A_1084 = vector.broadcast %slice3A_1082 : vector<8x1xf32> to vector<8x1024xf32>
      %add3A_1085 = arith.addf %add3A_1083, %add3A_1084 : vector<8x1024xf32>
      %add3A_1086 = arith.addf %add3A_1085, %slice3A_1081 : vector<8x1024xf32>
      %lt3A_1087 = arith.cmpf olt, %add3A_1086, %select_n3A_1074 : vector<8x1024xf32>
      %select_n3A_1088 = arith.select %lt3A_1087, %add3A_1086, %select_n3A_1074 : vector<8x1024xi1>, vector<8x1024xf32>
      %mul3A_1089 = arith.constant 64 : i32
      %mul3A_1090 = arith.muli %add3A_991, %mul3A_1089 : i32
      %add3A_1091 = arith.constant 6 : i32
      %add3A_1092 = arith.addi %mul3A_1090, %add3A_1091 : i32
      %broadcast_in_dim3A_1093 = vector.broadcast %add3A_1092 : i32 to vector<8x1024xi32>
      %select_n3A_1094 = arith.select %lt3A_1087, %broadcast_in_dim3A_1093, %select_n3A_1080 : vector<8x1024xi1>, vector<8x1024xi32>
      %slice3A_1095 = vector.extract_strided_slice %dot_general3A_70 {offsets = [56, 0], sizes = [8, 1024], strides = [1, 1]} : vector<512x1024xf32> to vector<8x1024xf32>
      %slice3A_1096 = vector.extract_strided_slice %get3A_996 {offsets = [56, 0], sizes = [8, 1], strides = [1, 1]} : vector<512x1xf32> to vector<8x1xf32>
      %add3A_1097 = vector.broadcast %broadcast_in_dim3A : vector<1x1024xf32> to vector<8x1024xf32>
      %add3A_1098 = vector.broadcast %slice3A_1096 : vector<8x1xf32> to vector<8x1024xf32>
      %add3A_1099 = arith.addf %add3A_1097, %add3A_1098 : vector<8x1024xf32>
      %add3A_1100 = arith.addf %add3A_1099, %slice3A_1095 : vector<8x1024xf32>
      %lt3A_1101 = arith.cmpf olt, %add3A_1100, %select_n3A_1088 : vector<8x1024xf32>
      %select_n3A_1102 = arith.select %lt3A_1101, %add3A_1100, %select_n3A_1088 : vector<8x1024xi1>, vector<8x1024xf32>
      %mul3A_1103 = arith.constant 64 : i32
      %mul3A_1104 = arith.muli %add3A_991, %mul3A_1103 : i32
      %add3A_1105 = arith.constant 7 : i32
      %add3A_1106 = arith.addi %mul3A_1104, %add3A_1105 : i32
      %broadcast_in_dim3A_1107 = vector.broadcast %add3A_1106 : i32 to vector<8x1024xi32>
      %select_n3A_1108 = arith.select %lt3A_1101, %broadcast_in_dim3A_1107, %select_n3A_1094 : vector<8x1024xi1>, vector<8x1024xi32>
      %slice3A_1109 = vector.extract_strided_slice %dot_general3A_70 {offsets = [64, 0], sizes = [8, 1024], strides = [1, 1]} : vector<512x1024xf32> to vector<8x1024xf32>
      %slice3A_1110 = vector.extract_strided_slice %get3A_996 {offsets = [64, 0], sizes = [8, 1], strides = [1, 1]} : vector<512x1xf32> to vector<8x1xf32>
      %add3A_1111 = vector.broadcast %broadcast_in_dim3A : vector<1x1024xf32> to vector<8x1024xf32>
      %add3A_1112 = vector.broadcast %slice3A_1110 : vector<8x1xf32> to vector<8x1024xf32>
      %add3A_1113 = arith.addf %add3A_1111, %add3A_1112 : vector<8x1024xf32>
      %add3A_1114 = arith.addf %add3A_1113, %slice3A_1109 : vector<8x1024xf32>
      %lt3A_1115 = arith.cmpf olt, %add3A_1114, %select_n3A_1102 : vector<8x1024xf32>
      %select_n3A_1116 = arith.select %lt3A_1115, %add3A_1114, %select_n3A_1102 : vector<8x1024xi1>, vector<8x1024xf32>
      %mul3A_1117 = arith.constant 64 : i32
      %mul3A_1118 = arith.muli %add3A_991, %mul3A_1117 : i32
      %add3A_1119 = arith.constant 8 : i32
      %add3A_1120 = arith.addi %mul3A_1118, %add3A_1119 : i32
      %broadcast_in_dim3A_1121 = vector.broadcast %add3A_1120 : i32 to vector<8x1024xi32>
      %select_n3A_1122 = arith.select %lt3A_1115, %broadcast_in_dim3A_1121, %select_n3A_1108 : vector<8x1024xi1>, vector<8x1024xi32>
      %slice3A_1123 = vector.extract_strided_slice %dot_general3A_70 {offsets = [72, 0], sizes = [8, 1024], strides = [1, 1]} : vector<512x1024xf32> to vector<8x1024xf32>
      %slice3A_1124 = vector.extract_strided_slice %get3A_996 {offsets = [72, 0], sizes = [8, 1], strides = [1, 1]} : vector<512x1xf32> to vector<8x1xf32>
      %add3A_1125 = vector.broadcast %broadcast_in_dim3A : vector<1x1024xf32> to vector<8x1024xf32>
      %add3A_1126 = vector.broadcast %slice3A_1124 : vector<8x1xf32> to vector<8x1024xf32>
      %add3A_1127 = arith.addf %add3A_1125, %add3A_1126 : vector<8x1024xf32>
      %add3A_1128 = arith.addf %add3A_1127, %slice3A_1123 : vector<8x1024xf32>
      %lt3A_1129 = arith.cmpf olt, %add3A_1128, %select_n3A_1116 : vector<8x1024xf32>
      %select_n3A_1130 = arith.select %lt3A_1129, %add3A_1128, %select_n3A_1116 : vector<8x1024xi1>, vector<8x1024xf32>
      %mul3A_1131 = arith.constant 64 : i32
      %mul3A_1132 = arith.muli %add3A_991, %mul3A_1131 : i32
      %add3A_1133 = arith.constant 9 : i32
      %add3A_1134 = arith.addi %mul3A_1132, %add3A_1133 : i32
      %broadcast_in_dim3A_1135 = vector.broadcast %add3A_1134 : i32 to vector<8x1024xi32>
      %select_n3A_1136 = arith.select %lt3A_1129, %broadcast_in_dim3A_1135, %select_n3A_1122 : vector<8x1024xi1>, vector<8x1024xi32>
      %slice3A_1137 = vector.extract_strided_slice %dot_general3A_70 {offsets = [80, 0], sizes = [8, 1024], strides = [1, 1]} : vector<512x1024xf32> to vector<8x1024xf32>
      %slice3A_1138 = vector.extract_strided_slice %get3A_996 {offsets = [80, 0], sizes = [8, 1], strides = [1, 1]} : vector<512x1xf32> to vector<8x1xf32>
      %add3A_1139 = vector.broadcast %broadcast_in_dim3A : vector<1x1024xf32> to vector<8x1024xf32>
      %add3A_1140 = vector.broadcast %slice3A_1138 : vector<8x1xf32> to vector<8x1024xf32>
      %add3A_1141 = arith.addf %add3A_1139, %add3A_1140 : vector<8x1024xf32>
      %add3A_1142 = arith.addf %add3A_1141, %slice3A_1137 : vector<8x1024xf32>
      %lt3A_1143 = arith.cmpf olt, %add3A_1142, %select_n3A_1130 : vector<8x1024xf32>
      %select_n3A_1144 = arith.select %lt3A_1143, %add3A_1142, %select_n3A_1130 : vector<8x1024xi1>, vector<8x1024xf32>
      %mul3A_1145 = arith.constant 64 : i32
      %mul3A_1146 = arith.muli %add3A_991, %mul3A_1145 : i32
      %add3A_1147 = arith.constant 10 : i32
      %add3A_1148 = arith.addi %mul3A_1146, %add3A_1147 : i32
      %broadcast_in_dim3A_1149 = vector.broadcast %add3A_1148 : i32 to vector<8x1024xi32>
      %select_n3A_1150 = arith.select %lt3A_1143, %broadcast_in_dim3A_1149, %select_n3A_1136 : vector<8x1024xi1>, vector<8x1024xi32>
      %slice3A_1151 = vector.extract_strided_slice %dot_general3A_70 {offsets = [88, 0], sizes = [8, 1024], strides = [1, 1]} : vector<512x1024xf32> to vector<8x1024xf32>
      %slice3A_1152 = vector.extract_strided_slice %get3A_996 {offsets = [88, 0], sizes = [8, 1], strides = [1, 1]} : vector<512x1xf32> to vector<8x1xf32>
      %add3A_1153 = vector.broadcast %broadcast_in_dim3A : vector<1x1024xf32> to vector<8x1024xf32>
      %add3A_1154 = vector.broadcast %slice3A_1152 : vector<8x1xf32> to vector<8x1024xf32>
      %add3A_1155 = arith.addf %add3A_1153, %add3A_1154 : vector<8x1024xf32>
      %add3A_1156 = arith.addf %add3A_1155, %slice3A_1151 : vector<8x1024xf32>
      %lt3A_1157 = arith.cmpf olt, %add3A_1156, %select_n3A_1144 : vector<8x1024xf32>
      %select_n3A_1158 = arith.select %lt3A_1157, %add3A_1156, %select_n3A_1144 : vector<8x1024xi1>, vector<8x1024xf32>
      %mul3A_1159 = arith.constant 64 : i32
      %mul3A_1160 = arith.muli %add3A_991, %mul3A_1159 : i32
      %add3A_1161 = arith.constant 11 : i32
      %add3A_1162 = arith.addi %mul3A_1160, %add3A_1161 : i32
      %broadcast_in_dim3A_1163 = vector.broadcast %add3A_1162 : i32 to vector<8x1024xi32>
      %select_n3A_1164 = arith.select %lt3A_1157, %broadcast_in_dim3A_1163, %select_n3A_1150 : vector<8x1024xi1>, vector<8x1024xi32>
      %slice3A_1165 = vector.extract_strided_slice %dot_general3A_70 {offsets = [96, 0], sizes = [8, 1024], strides = [1, 1]} : vector<512x1024xf32> to vector<8x1024xf32>
      %slice3A_1166 = vector.extract_strided_slice %get3A_996 {offsets = [96, 0], sizes = [8, 1], strides = [1, 1]} : vector<512x1xf32> to vector<8x1xf32>
      %add3A_1167 = vector.broadcast %broadcast_in_dim3A : vector<1x1024xf32> to vector<8x1024xf32>
      %add3A_1168 = vector.broadcast %slice3A_1166 : vector<8x1xf32> to vector<8x1024xf32>
      %add3A_1169 = arith.addf %add3A_1167, %add3A_1168 : vector<8x1024xf32>
      %add3A_1170 = arith.addf %add3A_1169, %slice3A_1165 : vector<8x1024xf32>
      %lt3A_1171 = arith.cmpf olt, %add3A_1170, %select_n3A_1158 : vector<8x1024xf32>
      %select_n3A_1172 = arith.select %lt3A_1171, %add3A_1170, %select_n3A_1158 : vector<8x1024xi1>, vector<8x1024xf32>
      %mul3A_1173 = arith.constant 64 : i32
      %mul3A_1174 = arith.muli %add3A_991, %mul3A_1173 : i32
      %add3A_1175 = arith.constant 12 : i32
      %add3A_1176 = arith.addi %mul3A_1174, %add3A_1175 : i32
      %broadcast_in_dim3A_1177 = vector.broadcast %add3A_1176 : i32 to vector<8x1024xi32>
      %select_n3A_1178 = arith.select %lt3A_1171, %broadcast_in_dim3A_1177, %select_n3A_1164 : vector<8x1024xi1>, vector<8x1024xi32>
      %slice3A_1179 = vector.extract_strided_slice %dot_general3A_70 {offsets = [104, 0], sizes = [8, 1024], strides = [1, 1]} : vector<512x1024xf32> to vector<8x1024xf32>
      %slice3A_1180 = vector.extract_strided_slice %get3A_996 {offsets = [104, 0], sizes = [8, 1], strides = [1, 1]} : vector<512x1xf32> to vector<8x1xf32>
      %add3A_1181 = vector.broadcast %broadcast_in_dim3A : vector<1x1024xf32> to vector<8x1024xf32>
      %add3A_1182 = vector.broadcast %slice3A_1180 : vector<8x1xf32> to vector<8x1024xf32>
      %add3A_1183 = arith.addf %add3A_1181, %add3A_1182 : vector<8x1024xf32>
      %add3A_1184 = arith.addf %add3A_1183, %slice3A_1179 : vector<8x1024xf32>
      %lt3A_1185 = arith.cmpf olt, %add3A_1184, %select_n3A_1172 : vector<8x1024xf32>
      %select_n3A_1186 = arith.select %lt3A_1185, %add3A_1184, %select_n3A_1172 : vector<8x1024xi1>, vector<8x1024xf32>
      %mul3A_1187 = arith.constant 64 : i32
      %mul3A_1188 = arith.muli %add3A_991, %mul3A_1187 : i32
      %add3A_1189 = arith.constant 13 : i32
      %add3A_1190 = arith.addi %mul3A_1188, %add3A_1189 : i32
      %broadcast_in_dim3A_1191 = vector.broadcast %add3A_1190 : i32 to vector<8x1024xi32>
      %select_n3A_1192 = arith.select %lt3A_1185, %broadcast_in_dim3A_1191, %select_n3A_1178 : vector<8x1024xi1>, vector<8x1024xi32>
      %slice3A_1193 = vector.extract_strided_slice %dot_general3A_70 {offsets = [112, 0], sizes = [8, 1024], strides = [1, 1]} : vector<512x1024xf32> to vector<8x1024xf32>
      %slice3A_1194 = vector.extract_strided_slice %get3A_996 {offsets = [112, 0], sizes = [8, 1], strides = [1, 1]} : vector<512x1xf32> to vector<8x1xf32>
      %add3A_1195 = vector.broadcast %broadcast_in_dim3A : vector<1x1024xf32> to vector<8x1024xf32>
      %add3A_1196 = vector.broadcast %slice3A_1194 : vector<8x1xf32> to vector<8x1024xf32>
      %add3A_1197 = arith.addf %add3A_1195, %add3A_1196 : vector<8x1024xf32>
      %add3A_1198 = arith.addf %add3A_1197, %slice3A_1193 : vector<8x1024xf32>
      %lt3A_1199 = arith.cmpf olt, %add3A_1198, %select_n3A_1186 : vector<8x1024xf32>
      %select_n3A_1200 = arith.select %lt3A_1199, %add3A_1198, %select_n3A_1186 : vector<8x1024xi1>, vector<8x1024xf32>
      %mul3A_1201 = arith.constant 64 : i32
      %mul3A_1202 = arith.muli %add3A_991, %mul3A_1201 : i32
      %add3A_1203 = arith.constant 14 : i32
      %add3A_1204 = arith.addi %mul3A_1202, %add3A_1203 : i32
      %broadcast_in_dim3A_1205 = vector.broadcast %add3A_1204 : i32 to vector<8x1024xi32>
      %select_n3A_1206 = arith.select %lt3A_1199, %broadcast_in_dim3A_1205, %select_n3A_1192 : vector<8x1024xi1>, vector<8x1024xi32>
      %slice3A_1207 = vector.extract_strided_slice %dot_general3A_70 {offsets = [120, 0], sizes = [8, 1024], strides = [1, 1]} : vector<512x1024xf32> to vector<8x1024xf32>
      %slice3A_1208 = vector.extract_strided_slice %get3A_996 {offsets = [120, 0], sizes = [8, 1], strides = [1, 1]} : vector<512x1xf32> to vector<8x1xf32>
      %add3A_1209 = vector.broadcast %broadcast_in_dim3A : vector<1x1024xf32> to vector<8x1024xf32>
      %add3A_1210 = vector.broadcast %slice3A_1208 : vector<8x1xf32> to vector<8x1024xf32>
      %add3A_1211 = arith.addf %add3A_1209, %add3A_1210 : vector<8x1024xf32>
      %add3A_1212 = arith.addf %add3A_1211, %slice3A_1207 : vector<8x1024xf32>
      %lt3A_1213 = arith.cmpf olt, %add3A_1212, %select_n3A_1200 : vector<8x1024xf32>
      %select_n3A_1214 = arith.select %lt3A_1213, %add3A_1212, %select_n3A_1200 : vector<8x1024xi1>, vector<8x1024xf32>
      %mul3A_1215 = arith.constant 64 : i32
      %mul3A_1216 = arith.muli %add3A_991, %mul3A_1215 : i32
      %add3A_1217 = arith.constant 15 : i32
      %add3A_1218 = arith.addi %mul3A_1216, %add3A_1217 : i32
      %broadcast_in_dim3A_1219 = vector.broadcast %add3A_1218 : i32 to vector<8x1024xi32>
      %select_n3A_1220 = arith.select %lt3A_1213, %broadcast_in_dim3A_1219, %select_n3A_1206 : vector<8x1024xi1>, vector<8x1024xi32>
      %slice3A_1221 = vector.extract_strided_slice %dot_general3A_70 {offsets = [128, 0], sizes = [8, 1024], strides = [1, 1]} : vector<512x1024xf32> to vector<8x1024xf32>
      %slice3A_1222 = vector.extract_strided_slice %get3A_996 {offsets = [128, 0], sizes = [8, 1], strides = [1, 1]} : vector<512x1xf32> to vector<8x1xf32>
      %add3A_1223 = vector.broadcast %broadcast_in_dim3A : vector<1x1024xf32> to vector<8x1024xf32>
      %add3A_1224 = vector.broadcast %slice3A_1222 : vector<8x1xf32> to vector<8x1024xf32>
      %add3A_1225 = arith.addf %add3A_1223, %add3A_1224 : vector<8x1024xf32>
      %add3A_1226 = arith.addf %add3A_1225, %slice3A_1221 : vector<8x1024xf32>
      %lt3A_1227 = arith.cmpf olt, %add3A_1226, %select_n3A_1214 : vector<8x1024xf32>
      %select_n3A_1228 = arith.select %lt3A_1227, %add3A_1226, %select_n3A_1214 : vector<8x1024xi1>, vector<8x1024xf32>
      %mul3A_1229 = arith.constant 64 : i32
      %mul3A_1230 = arith.muli %add3A_991, %mul3A_1229 : i32
      %add3A_1231 = arith.constant 16 : i32
      %add3A_1232 = arith.addi %mul3A_1230, %add3A_1231 : i32
      %broadcast_in_dim3A_1233 = vector.broadcast %add3A_1232 : i32 to vector<8x1024xi32>
      %select_n3A_1234 = arith.select %lt3A_1227, %broadcast_in_dim3A_1233, %select_n3A_1220 : vector<8x1024xi1>, vector<8x1024xi32>
      %slice3A_1235 = vector.extract_strided_slice %dot_general3A_70 {offsets = [136, 0], sizes = [8, 1024], strides = [1, 1]} : vector<512x1024xf32> to vector<8x1024xf32>
      %slice3A_1236 = vector.extract_strided_slice %get3A_996 {offsets = [136, 0], sizes = [8, 1], strides = [1, 1]} : vector<512x1xf32> to vector<8x1xf32>
      %add3A_1237 = vector.broadcast %broadcast_in_dim3A : vector<1x1024xf32> to vector<8x1024xf32>
      %add3A_1238 = vector.broadcast %slice3A_1236 : vector<8x1xf32> to vector<8x1024xf32>
      %add3A_1239 = arith.addf %add3A_1237, %add3A_1238 : vector<8x1024xf32>
      %add3A_1240 = arith.addf %add3A_1239, %slice3A_1235 : vector<8x1024xf32>
      %lt3A_1241 = arith.cmpf olt, %add3A_1240, %select_n3A_1228 : vector<8x1024xf32>
      %select_n3A_1242 = arith.select %lt3A_1241, %add3A_1240, %select_n3A_1228 : vector<8x1024xi1>, vector<8x1024xf32>
      %mul3A_1243 = arith.constant 64 : i32
      %mul3A_1244 = arith.muli %add3A_991, %mul3A_1243 : i32
      %add3A_1245 = arith.constant 17 : i32
      %add3A_1246 = arith.addi %mul3A_1244, %add3A_1245 : i32
      %broadcast_in_dim3A_1247 = vector.broadcast %add3A_1246 : i32 to vector<8x1024xi32>
      %select_n3A_1248 = arith.select %lt3A_1241, %broadcast_in_dim3A_1247, %select_n3A_1234 : vector<8x1024xi1>, vector<8x1024xi32>
      %slice3A_1249 = vector.extract_strided_slice %dot_general3A_70 {offsets = [144, 0], sizes = [8, 1024], strides = [1, 1]} : vector<512x1024xf32> to vector<8x1024xf32>
      %slice3A_1250 = vector.extract_strided_slice %get3A_996 {offsets = [144, 0], sizes = [8, 1], strides = [1, 1]} : vector<512x1xf32> to vector<8x1xf32>
      %add3A_1251 = vector.broadcast %broadcast_in_dim3A : vector<1x1024xf32> to vector<8x1024xf32>
      %add3A_1252 = vector.broadcast %slice3A_1250 : vector<8x1xf32> to vector<8x1024xf32>
      %add3A_1253 = arith.addf %add3A_1251, %add3A_1252 : vector<8x1024xf32>
      %add3A_1254 = arith.addf %add3A_1253, %slice3A_1249 : vector<8x1024xf32>
      %lt3A_1255 = arith.cmpf olt, %add3A_1254, %select_n3A_1242 : vector<8x1024xf32>
      %select_n3A_1256 = arith.select %lt3A_1255, %add3A_1254, %select_n3A_1242 : vector<8x1024xi1>, vector<8x1024xf32>
      %mul3A_1257 = arith.constant 64 : i32
      %mul3A_1258 = arith.muli %add3A_991, %mul3A_1257 : i32
      %add3A_1259 = arith.constant 18 : i32
      %add3A_1260 = arith.addi %mul3A_1258, %add3A_1259 : i32
      %broadcast_in_dim3A_1261 = vector.broadcast %add3A_1260 : i32 to vector<8x1024xi32>
      %select_n3A_1262 = arith.select %lt3A_1255, %broadcast_in_dim3A_1261, %select_n3A_1248 : vector<8x1024xi1>, vector<8x1024xi32>
      %slice3A_1263 = vector.extract_strided_slice %dot_general3A_70 {offsets = [152, 0], sizes = [8, 1024], strides = [1, 1]} : vector<512x1024xf32> to vector<8x1024xf32>
      %slice3A_1264 = vector.extract_strided_slice %get3A_996 {offsets = [152, 0], sizes = [8, 1], strides = [1, 1]} : vector<512x1xf32> to vector<8x1xf32>
      %add3A_1265 = vector.broadcast %broadcast_in_dim3A : vector<1x1024xf32> to vector<8x1024xf32>
      %add3A_1266 = vector.broadcast %slice3A_1264 : vector<8x1xf32> to vector<8x1024xf32>
      %add3A_1267 = arith.addf %add3A_1265, %add3A_1266 : vector<8x1024xf32>
      %add3A_1268 = arith.addf %add3A_1267, %slice3A_1263 : vector<8x1024xf32>
      %lt3A_1269 = arith.cmpf olt, %add3A_1268, %select_n3A_1256 : vector<8x1024xf32>
      %select_n3A_1270 = arith.select %lt3A_1269, %add3A_1268, %select_n3A_1256 : vector<8x1024xi1>, vector<8x1024xf32>
      %mul3A_1271 = arith.constant 64 : i32
      %mul3A_1272 = arith.muli %add3A_991, %mul3A_1271 : i32
      %add3A_1273 = arith.constant 19 : i32
      %add3A_1274 = arith.addi %mul3A_1272, %add3A_1273 : i32
      %broadcast_in_dim3A_1275 = vector.broadcast %add3A_1274 : i32 to vector<8x1024xi32>
      %select_n3A_1276 = arith.select %lt3A_1269, %broadcast_in_dim3A_1275, %select_n3A_1262 : vector<8x1024xi1>, vector<8x1024xi32>
      %slice3A_1277 = vector.extract_strided_slice %dot_general3A_70 {offsets = [160, 0], sizes = [8, 1024], strides = [1, 1]} : vector<512x1024xf32> to vector<8x1024xf32>
      %slice3A_1278 = vector.extract_strided_slice %get3A_996 {offsets = [160, 0], sizes = [8, 1], strides = [1, 1]} : vector<512x1xf32> to vector<8x1xf32>
      %add3A_1279 = vector.broadcast %broadcast_in_dim3A : vector<1x1024xf32> to vector<8x1024xf32>
      %add3A_1280 = vector.broadcast %slice3A_1278 : vector<8x1xf32> to vector<8x1024xf32>
      %add3A_1281 = arith.addf %add3A_1279, %add3A_1280 : vector<8x1024xf32>
      %add3A_1282 = arith.addf %add3A_1281, %slice3A_1277 : vector<8x1024xf32>
      %lt3A_1283 = arith.cmpf olt, %add3A_1282, %select_n3A_1270 : vector<8x1024xf32>
      %select_n3A_1284 = arith.select %lt3A_1283, %add3A_1282, %select_n3A_1270 : vector<8x1024xi1>, vector<8x1024xf32>
      %mul3A_1285 = arith.constant 64 : i32
      %mul3A_1286 = arith.muli %add3A_991, %mul3A_1285 : i32
      %add3A_1287 = arith.constant 20 : i32
      %add3A_1288 = arith.addi %mul3A_1286, %add3A_1287 : i32
      %broadcast_in_dim3A_1289 = vector.broadcast %add3A_1288 : i32 to vector<8x1024xi32>
      %select_n3A_1290 = arith.select %lt3A_1283, %broadcast_in_dim3A_1289, %select_n3A_1276 : vector<8x1024xi1>, vector<8x1024xi32>
      %slice3A_1291 = vector.extract_strided_slice %dot_general3A_70 {offsets = [168, 0], sizes = [8, 1024], strides = [1, 1]} : vector<512x1024xf32> to vector<8x1024xf32>
      %slice3A_1292 = vector.extract_strided_slice %get3A_996 {offsets = [168, 0], sizes = [8, 1], strides = [1, 1]} : vector<512x1xf32> to vector<8x1xf32>
      %add3A_1293 = vector.broadcast %broadcast_in_dim3A : vector<1x1024xf32> to vector<8x1024xf32>
      %add3A_1294 = vector.broadcast %slice3A_1292 : vector<8x1xf32> to vector<8x1024xf32>
      %add3A_1295 = arith.addf %add3A_1293, %add3A_1294 : vector<8x1024xf32>
      %add3A_1296 = arith.addf %add3A_1295, %slice3A_1291 : vector<8x1024xf32>
      %lt3A_1297 = arith.cmpf olt, %add3A_1296, %select_n3A_1284 : vector<8x1024xf32>
      %select_n3A_1298 = arith.select %lt3A_1297, %add3A_1296, %select_n3A_1284 : vector<8x1024xi1>, vector<8x1024xf32>
      %mul3A_1299 = arith.constant 64 : i32
      %mul3A_1300 = arith.muli %add3A_991, %mul3A_1299 : i32
      %add3A_1301 = arith.constant 21 : i32
      %add3A_1302 = arith.addi %mul3A_1300, %add3A_1301 : i32
      %broadcast_in_dim3A_1303 = vector.broadcast %add3A_1302 : i32 to vector<8x1024xi32>
      %select_n3A_1304 = arith.select %lt3A_1297, %broadcast_in_dim3A_1303, %select_n3A_1290 : vector<8x1024xi1>, vector<8x1024xi32>
      %slice3A_1305 = vector.extract_strided_slice %dot_general3A_70 {offsets = [176, 0], sizes = [8, 1024], strides = [1, 1]} : vector<512x1024xf32> to vector<8x1024xf32>
      %slice3A_1306 = vector.extract_strided_slice %get3A_996 {offsets = [176, 0], sizes = [8, 1], strides = [1, 1]} : vector<512x1xf32> to vector<8x1xf32>
      %add3A_1307 = vector.broadcast %broadcast_in_dim3A : vector<1x1024xf32> to vector<8x1024xf32>
      %add3A_1308 = vector.broadcast %slice3A_1306 : vector<8x1xf32> to vector<8x1024xf32>
      %add3A_1309 = arith.addf %add3A_1307, %add3A_1308 : vector<8x1024xf32>
      %add3A_1310 = arith.addf %add3A_1309, %slice3A_1305 : vector<8x1024xf32>
      %lt3A_1311 = arith.cmpf olt, %add3A_1310, %select_n3A_1298 : vector<8x1024xf32>
      %select_n3A_1312 = arith.select %lt3A_1311, %add3A_1310, %select_n3A_1298 : vector<8x1024xi1>, vector<8x1024xf32>
      %mul3A_1313 = arith.constant 64 : i32
      %mul3A_1314 = arith.muli %add3A_991, %mul3A_1313 : i32
      %add3A_1315 = arith.constant 22 : i32
      %add3A_1316 = arith.addi %mul3A_1314, %add3A_1315 : i32
      %broadcast_in_dim3A_1317 = vector.broadcast %add3A_1316 : i32 to vector<8x1024xi32>
      %select_n3A_1318 = arith.select %lt3A_1311, %broadcast_in_dim3A_1317, %select_n3A_1304 : vector<8x1024xi1>, vector<8x1024xi32>
      %slice3A_1319 = vector.extract_strided_slice %dot_general3A_70 {offsets = [184, 0], sizes = [8, 1024], strides = [1, 1]} : vector<512x1024xf32> to vector<8x1024xf32>
      %slice3A_1320 = vector.extract_strided_slice %get3A_996 {offsets = [184, 0], sizes = [8, 1], strides = [1, 1]} : vector<512x1xf32> to vector<8x1xf32>
      %add3A_1321 = vector.broadcast %broadcast_in_dim3A : vector<1x1024xf32> to vector<8x1024xf32>
      %add3A_1322 = vector.broadcast %slice3A_1320 : vector<8x1xf32> to vector<8x1024xf32>
      %add3A_1323 = arith.addf %add3A_1321, %add3A_1322 : vector<8x1024xf32>
      %add3A_1324 = arith.addf %add3A_1323, %slice3A_1319 : vector<8x1024xf32>
      %lt3A_1325 = arith.cmpf olt, %add3A_1324, %select_n3A_1312 : vector<8x1024xf32>
      %select_n3A_1326 = arith.select %lt3A_1325, %add3A_1324, %select_n3A_1312 : vector<8x1024xi1>, vector<8x1024xf32>
      %mul3A_1327 = arith.constant 64 : i32
      %mul3A_1328 = arith.muli %add3A_991, %mul3A_1327 : i32
      %add3A_1329 = arith.constant 23 : i32
      %add3A_1330 = arith.addi %mul3A_1328, %add3A_1329 : i32
      %broadcast_in_dim3A_1331 = vector.broadcast %add3A_1330 : i32 to vector<8x1024xi32>
      %select_n3A_1332 = arith.select %lt3A_1325, %broadcast_in_dim3A_1331, %select_n3A_1318 : vector<8x1024xi1>, vector<8x1024xi32>
      %slice3A_1333 = vector.extract_strided_slice %dot_general3A_70 {offsets = [192, 0], sizes = [8, 1024], strides = [1, 1]} : vector<512x1024xf32> to vector<8x1024xf32>
      %slice3A_1334 = vector.extract_strided_slice %get3A_996 {offsets = [192, 0], sizes = [8, 1], strides = [1, 1]} : vector<512x1xf32> to vector<8x1xf32>
      %add3A_1335 = vector.broadcast %broadcast_in_dim3A : vector<1x1024xf32> to vector<8x1024xf32>
      %add3A_1336 = vector.broadcast %slice3A_1334 : vector<8x1xf32> to vector<8x1024xf32>
      %add3A_1337 = arith.addf %add3A_1335, %add3A_1336 : vector<8x1024xf32>
      %add3A_1338 = arith.addf %add3A_1337, %slice3A_1333 : vector<8x1024xf32>
      %lt3A_1339 = arith.cmpf olt, %add3A_1338, %select_n3A_1326 : vector<8x1024xf32>
      %select_n3A_1340 = arith.select %lt3A_1339, %add3A_1338, %select_n3A_1326 : vector<8x1024xi1>, vector<8x1024xf32>
      %mul3A_1341 = arith.constant 64 : i32
      %mul3A_1342 = arith.muli %add3A_991, %mul3A_1341 : i32
      %add3A_1343 = arith.constant 24 : i32
      %add3A_1344 = arith.addi %mul3A_1342, %add3A_1343 : i32
      %broadcast_in_dim3A_1345 = vector.broadcast %add3A_1344 : i32 to vector<8x1024xi32>
      %select_n3A_1346 = arith.select %lt3A_1339, %broadcast_in_dim3A_1345, %select_n3A_1332 : vector<8x1024xi1>, vector<8x1024xi32>
      %slice3A_1347 = vector.extract_strided_slice %dot_general3A_70 {offsets = [200, 0], sizes = [8, 1024], strides = [1, 1]} : vector<512x1024xf32> to vector<8x1024xf32>
      %slice3A_1348 = vector.extract_strided_slice %get3A_996 {offsets = [200, 0], sizes = [8, 1], strides = [1, 1]} : vector<512x1xf32> to vector<8x1xf32>
      %add3A_1349 = vector.broadcast %broadcast_in_dim3A : vector<1x1024xf32> to vector<8x1024xf32>
      %add3A_1350 = vector.broadcast %slice3A_1348 : vector<8x1xf32> to vector<8x1024xf32>
      %add3A_1351 = arith.addf %add3A_1349, %add3A_1350 : vector<8x1024xf32>
      %add3A_1352 = arith.addf %add3A_1351, %slice3A_1347 : vector<8x1024xf32>
      %lt3A_1353 = arith.cmpf olt, %add3A_1352, %select_n3A_1340 : vector<8x1024xf32>
      %select_n3A_1354 = arith.select %lt3A_1353, %add3A_1352, %select_n3A_1340 : vector<8x1024xi1>, vector<8x1024xf32>
      %mul3A_1355 = arith.constant 64 : i32
      %mul3A_1356 = arith.muli %add3A_991, %mul3A_1355 : i32
      %add3A_1357 = arith.constant 25 : i32
      %add3A_1358 = arith.addi %mul3A_1356, %add3A_1357 : i32
      %broadcast_in_dim3A_1359 = vector.broadcast %add3A_1358 : i32 to vector<8x1024xi32>
      %select_n3A_1360 = arith.select %lt3A_1353, %broadcast_in_dim3A_1359, %select_n3A_1346 : vector<8x1024xi1>, vector<8x1024xi32>
      %slice3A_1361 = vector.extract_strided_slice %dot_general3A_70 {offsets = [208, 0], sizes = [8, 1024], strides = [1, 1]} : vector<512x1024xf32> to vector<8x1024xf32>
      %slice3A_1362 = vector.extract_strided_slice %get3A_996 {offsets = [208, 0], sizes = [8, 1], strides = [1, 1]} : vector<512x1xf32> to vector<8x1xf32>
      %add3A_1363 = vector.broadcast %broadcast_in_dim3A : vector<1x1024xf32> to vector<8x1024xf32>
      %add3A_1364 = vector.broadcast %slice3A_1362 : vector<8x1xf32> to vector<8x1024xf32>
      %add3A_1365 = arith.addf %add3A_1363, %add3A_1364 : vector<8x1024xf32>
      %add3A_1366 = arith.addf %add3A_1365, %slice3A_1361 : vector<8x1024xf32>
      %lt3A_1367 = arith.cmpf olt, %add3A_1366, %select_n3A_1354 : vector<8x1024xf32>
      %select_n3A_1368 = arith.select %lt3A_1367, %add3A_1366, %select_n3A_1354 : vector<8x1024xi1>, vector<8x1024xf32>
      %mul3A_1369 = arith.constant 64 : i32
      %mul3A_1370 = arith.muli %add3A_991, %mul3A_1369 : i32
      %add3A_1371 = arith.constant 26 : i32
      %add3A_1372 = arith.addi %mul3A_1370, %add3A_1371 : i32
      %broadcast_in_dim3A_1373 = vector.broadcast %add3A_1372 : i32 to vector<8x1024xi32>
      %select_n3A_1374 = arith.select %lt3A_1367, %broadcast_in_dim3A_1373, %select_n3A_1360 : vector<8x1024xi1>, vector<8x1024xi32>
      %slice3A_1375 = vector.extract_strided_slice %dot_general3A_70 {offsets = [216, 0], sizes = [8, 1024], strides = [1, 1]} : vector<512x1024xf32> to vector<8x1024xf32>
      %slice3A_1376 = vector.extract_strided_slice %get3A_996 {offsets = [216, 0], sizes = [8, 1], strides = [1, 1]} : vector<512x1xf32> to vector<8x1xf32>
      %add3A_1377 = vector.broadcast %broadcast_in_dim3A : vector<1x1024xf32> to vector<8x1024xf32>
      %add3A_1378 = vector.broadcast %slice3A_1376 : vector<8x1xf32> to vector<8x1024xf32>
      %add3A_1379 = arith.addf %add3A_1377, %add3A_1378 : vector<8x1024xf32>
      %add3A_1380 = arith.addf %add3A_1379, %slice3A_1375 : vector<8x1024xf32>
      %lt3A_1381 = arith.cmpf olt, %add3A_1380, %select_n3A_1368 : vector<8x1024xf32>
      %select_n3A_1382 = arith.select %lt3A_1381, %add3A_1380, %select_n3A_1368 : vector<8x1024xi1>, vector<8x1024xf32>
      %mul3A_1383 = arith.constant 64 : i32
      %mul3A_1384 = arith.muli %add3A_991, %mul3A_1383 : i32
      %add3A_1385 = arith.constant 27 : i32
      %add3A_1386 = arith.addi %mul3A_1384, %add3A_1385 : i32
      %broadcast_in_dim3A_1387 = vector.broadcast %add3A_1386 : i32 to vector<8x1024xi32>
      %select_n3A_1388 = arith.select %lt3A_1381, %broadcast_in_dim3A_1387, %select_n3A_1374 : vector<8x1024xi1>, vector<8x1024xi32>
      %slice3A_1389 = vector.extract_strided_slice %dot_general3A_70 {offsets = [224, 0], sizes = [8, 1024], strides = [1, 1]} : vector<512x1024xf32> to vector<8x1024xf32>
      %slice3A_1390 = vector.extract_strided_slice %get3A_996 {offsets = [224, 0], sizes = [8, 1], strides = [1, 1]} : vector<512x1xf32> to vector<8x1xf32>
      %add3A_1391 = vector.broadcast %broadcast_in_dim3A : vector<1x1024xf32> to vector<8x1024xf32>
      %add3A_1392 = vector.broadcast %slice3A_1390 : vector<8x1xf32> to vector<8x1024xf32>
      %add3A_1393 = arith.addf %add3A_1391, %add3A_1392 : vector<8x1024xf32>
      %add3A_1394 = arith.addf %add3A_1393, %slice3A_1389 : vector<8x1024xf32>
      %lt3A_1395 = arith.cmpf olt, %add3A_1394, %select_n3A_1382 : vector<8x1024xf32>
      %select_n3A_1396 = arith.select %lt3A_1395, %add3A_1394, %select_n3A_1382 : vector<8x1024xi1>, vector<8x1024xf32>
      %mul3A_1397 = arith.constant 64 : i32
      %mul3A_1398 = arith.muli %add3A_991, %mul3A_1397 : i32
      %add3A_1399 = arith.constant 28 : i32
      %add3A_1400 = arith.addi %mul3A_1398, %add3A_1399 : i32
      %broadcast_in_dim3A_1401 = vector.broadcast %add3A_1400 : i32 to vector<8x1024xi32>
      %select_n3A_1402 = arith.select %lt3A_1395, %broadcast_in_dim3A_1401, %select_n3A_1388 : vector<8x1024xi1>, vector<8x1024xi32>
      %slice3A_1403 = vector.extract_strided_slice %dot_general3A_70 {offsets = [232, 0], sizes = [8, 1024], strides = [1, 1]} : vector<512x1024xf32> to vector<8x1024xf32>
      %slice3A_1404 = vector.extract_strided_slice %get3A_996 {offsets = [232, 0], sizes = [8, 1], strides = [1, 1]} : vector<512x1xf32> to vector<8x1xf32>
      %add3A_1405 = vector.broadcast %broadcast_in_dim3A : vector<1x1024xf32> to vector<8x1024xf32>
      %add3A_1406 = vector.broadcast %slice3A_1404 : vector<8x1xf32> to vector<8x1024xf32>
      %add3A_1407 = arith.addf %add3A_1405, %add3A_1406 : vector<8x1024xf32>
      %add3A_1408 = arith.addf %add3A_1407, %slice3A_1403 : vector<8x1024xf32>
      %lt3A_1409 = arith.cmpf olt, %add3A_1408, %select_n3A_1396 : vector<8x1024xf32>
      %select_n3A_1410 = arith.select %lt3A_1409, %add3A_1408, %select_n3A_1396 : vector<8x1024xi1>, vector<8x1024xf32>
      %mul3A_1411 = arith.constant 64 : i32
      %mul3A_1412 = arith.muli %add3A_991, %mul3A_1411 : i32
      %add3A_1413 = arith.constant 29 : i32
      %add3A_1414 = arith.addi %mul3A_1412, %add3A_1413 : i32
      %broadcast_in_dim3A_1415 = vector.broadcast %add3A_1414 : i32 to vector<8x1024xi32>
      %select_n3A_1416 = arith.select %lt3A_1409, %broadcast_in_dim3A_1415, %select_n3A_1402 : vector<8x1024xi1>, vector<8x1024xi32>
      %slice3A_1417 = vector.extract_strided_slice %dot_general3A_70 {offsets = [240, 0], sizes = [8, 1024], strides = [1, 1]} : vector<512x1024xf32> to vector<8x1024xf32>
      %slice3A_1418 = vector.extract_strided_slice %get3A_996 {offsets = [240, 0], sizes = [8, 1], strides = [1, 1]} : vector<512x1xf32> to vector<8x1xf32>
      %add3A_1419 = vector.broadcast %broadcast_in_dim3A : vector<1x1024xf32> to vector<8x1024xf32>
      %add3A_1420 = vector.broadcast %slice3A_1418 : vector<8x1xf32> to vector<8x1024xf32>
      %add3A_1421 = arith.addf %add3A_1419, %add3A_1420 : vector<8x1024xf32>
      %add3A_1422 = arith.addf %add3A_1421, %slice3A_1417 : vector<8x1024xf32>
      %lt3A_1423 = arith.cmpf olt, %add3A_1422, %select_n3A_1410 : vector<8x1024xf32>
      %select_n3A_1424 = arith.select %lt3A_1423, %add3A_1422, %select_n3A_1410 : vector<8x1024xi1>, vector<8x1024xf32>
      %mul3A_1425 = arith.constant 64 : i32
      %mul3A_1426 = arith.muli %add3A_991, %mul3A_1425 : i32
      %add3A_1427 = arith.constant 30 : i32
      %add3A_1428 = arith.addi %mul3A_1426, %add3A_1427 : i32
      %broadcast_in_dim3A_1429 = vector.broadcast %add3A_1428 : i32 to vector<8x1024xi32>
      %select_n3A_1430 = arith.select %lt3A_1423, %broadcast_in_dim3A_1429, %select_n3A_1416 : vector<8x1024xi1>, vector<8x1024xi32>
      %slice3A_1431 = vector.extract_strided_slice %dot_general3A_70 {offsets = [248, 0], sizes = [8, 1024], strides = [1, 1]} : vector<512x1024xf32> to vector<8x1024xf32>
      %slice3A_1432 = vector.extract_strided_slice %get3A_996 {offsets = [248, 0], sizes = [8, 1], strides = [1, 1]} : vector<512x1xf32> to vector<8x1xf32>
      %add3A_1433 = vector.broadcast %broadcast_in_dim3A : vector<1x1024xf32> to vector<8x1024xf32>
      %add3A_1434 = vector.broadcast %slice3A_1432 : vector<8x1xf32> to vector<8x1024xf32>
      %add3A_1435 = arith.addf %add3A_1433, %add3A_1434 : vector<8x1024xf32>
      %add3A_1436 = arith.addf %add3A_1435, %slice3A_1431 : vector<8x1024xf32>
      %lt3A_1437 = arith.cmpf olt, %add3A_1436, %select_n3A_1424 : vector<8x1024xf32>
      %select_n3A_1438 = arith.select %lt3A_1437, %add3A_1436, %select_n3A_1424 : vector<8x1024xi1>, vector<8x1024xf32>
      %mul3A_1439 = arith.constant 64 : i32
      %mul3A_1440 = arith.muli %add3A_991, %mul3A_1439 : i32
      %add3A_1441 = arith.constant 31 : i32
      %add3A_1442 = arith.addi %mul3A_1440, %add3A_1441 : i32
      %broadcast_in_dim3A_1443 = vector.broadcast %add3A_1442 : i32 to vector<8x1024xi32>
      %select_n3A_1444 = arith.select %lt3A_1437, %broadcast_in_dim3A_1443, %select_n3A_1430 : vector<8x1024xi1>, vector<8x1024xi32>
      %slice3A_1445 = vector.extract_strided_slice %dot_general3A_70 {offsets = [256, 0], sizes = [8, 1024], strides = [1, 1]} : vector<512x1024xf32> to vector<8x1024xf32>
      %slice3A_1446 = vector.extract_strided_slice %get3A_996 {offsets = [256, 0], sizes = [8, 1], strides = [1, 1]} : vector<512x1xf32> to vector<8x1xf32>
      %add3A_1447 = vector.broadcast %broadcast_in_dim3A : vector<1x1024xf32> to vector<8x1024xf32>
      %add3A_1448 = vector.broadcast %slice3A_1446 : vector<8x1xf32> to vector<8x1024xf32>
      %add3A_1449 = arith.addf %add3A_1447, %add3A_1448 : vector<8x1024xf32>
      %add3A_1450 = arith.addf %add3A_1449, %slice3A_1445 : vector<8x1024xf32>
      %lt3A_1451 = arith.cmpf olt, %add3A_1450, %select_n3A_1438 : vector<8x1024xf32>
      %select_n3A_1452 = arith.select %lt3A_1451, %add3A_1450, %select_n3A_1438 : vector<8x1024xi1>, vector<8x1024xf32>
      %mul3A_1453 = arith.constant 64 : i32
      %mul3A_1454 = arith.muli %add3A_991, %mul3A_1453 : i32
      %add3A_1455 = arith.constant 32 : i32
      %add3A_1456 = arith.addi %mul3A_1454, %add3A_1455 : i32
      %broadcast_in_dim3A_1457 = vector.broadcast %add3A_1456 : i32 to vector<8x1024xi32>
      %select_n3A_1458 = arith.select %lt3A_1451, %broadcast_in_dim3A_1457, %select_n3A_1444 : vector<8x1024xi1>, vector<8x1024xi32>
      %slice3A_1459 = vector.extract_strided_slice %dot_general3A_70 {offsets = [264, 0], sizes = [8, 1024], strides = [1, 1]} : vector<512x1024xf32> to vector<8x1024xf32>
      %slice3A_1460 = vector.extract_strided_slice %get3A_996 {offsets = [264, 0], sizes = [8, 1], strides = [1, 1]} : vector<512x1xf32> to vector<8x1xf32>
      %add3A_1461 = vector.broadcast %broadcast_in_dim3A : vector<1x1024xf32> to vector<8x1024xf32>
      %add3A_1462 = vector.broadcast %slice3A_1460 : vector<8x1xf32> to vector<8x1024xf32>
      %add3A_1463 = arith.addf %add3A_1461, %add3A_1462 : vector<8x1024xf32>
      %add3A_1464 = arith.addf %add3A_1463, %slice3A_1459 : vector<8x1024xf32>
      %lt3A_1465 = arith.cmpf olt, %add3A_1464, %select_n3A_1452 : vector<8x1024xf32>
      %select_n3A_1466 = arith.select %lt3A_1465, %add3A_1464, %select_n3A_1452 : vector<8x1024xi1>, vector<8x1024xf32>
      %mul3A_1467 = arith.constant 64 : i32
      %mul3A_1468 = arith.muli %add3A_991, %mul3A_1467 : i32
      %add3A_1469 = arith.constant 33 : i32
      %add3A_1470 = arith.addi %mul3A_1468, %add3A_1469 : i32
      %broadcast_in_dim3A_1471 = vector.broadcast %add3A_1470 : i32 to vector<8x1024xi32>
      %select_n3A_1472 = arith.select %lt3A_1465, %broadcast_in_dim3A_1471, %select_n3A_1458 : vector<8x1024xi1>, vector<8x1024xi32>
      %slice3A_1473 = vector.extract_strided_slice %dot_general3A_70 {offsets = [272, 0], sizes = [8, 1024], strides = [1, 1]} : vector<512x1024xf32> to vector<8x1024xf32>
      %slice3A_1474 = vector.extract_strided_slice %get3A_996 {offsets = [272, 0], sizes = [8, 1], strides = [1, 1]} : vector<512x1xf32> to vector<8x1xf32>
      %add3A_1475 = vector.broadcast %broadcast_in_dim3A : vector<1x1024xf32> to vector<8x1024xf32>
      %add3A_1476 = vector.broadcast %slice3A_1474 : vector<8x1xf32> to vector<8x1024xf32>
      %add3A_1477 = arith.addf %add3A_1475, %add3A_1476 : vector<8x1024xf32>
      %add3A_1478 = arith.addf %add3A_1477, %slice3A_1473 : vector<8x1024xf32>
      %lt3A_1479 = arith.cmpf olt, %add3A_1478, %select_n3A_1466 : vector<8x1024xf32>
      %select_n3A_1480 = arith.select %lt3A_1479, %add3A_1478, %select_n3A_1466 : vector<8x1024xi1>, vector<8x1024xf32>
      %mul3A_1481 = arith.constant 64 : i32
      %mul3A_1482 = arith.muli %add3A_991, %mul3A_1481 : i32
      %add3A_1483 = arith.constant 34 : i32
      %add3A_1484 = arith.addi %mul3A_1482, %add3A_1483 : i32
      %broadcast_in_dim3A_1485 = vector.broadcast %add3A_1484 : i32 to vector<8x1024xi32>
      %select_n3A_1486 = arith.select %lt3A_1479, %broadcast_in_dim3A_1485, %select_n3A_1472 : vector<8x1024xi1>, vector<8x1024xi32>
      %slice3A_1487 = vector.extract_strided_slice %dot_general3A_70 {offsets = [280, 0], sizes = [8, 1024], strides = [1, 1]} : vector<512x1024xf32> to vector<8x1024xf32>
      %slice3A_1488 = vector.extract_strided_slice %get3A_996 {offsets = [280, 0], sizes = [8, 1], strides = [1, 1]} : vector<512x1xf32> to vector<8x1xf32>
      %add3A_1489 = vector.broadcast %broadcast_in_dim3A : vector<1x1024xf32> to vector<8x1024xf32>
      %add3A_1490 = vector.broadcast %slice3A_1488 : vector<8x1xf32> to vector<8x1024xf32>
      %add3A_1491 = arith.addf %add3A_1489, %add3A_1490 : vector<8x1024xf32>
      %add3A_1492 = arith.addf %add3A_1491, %slice3A_1487 : vector<8x1024xf32>
      %lt3A_1493 = arith.cmpf olt, %add3A_1492, %select_n3A_1480 : vector<8x1024xf32>
      %select_n3A_1494 = arith.select %lt3A_1493, %add3A_1492, %select_n3A_1480 : vector<8x1024xi1>, vector<8x1024xf32>
      %mul3A_1495 = arith.constant 64 : i32
      %mul3A_1496 = arith.muli %add3A_991, %mul3A_1495 : i32
      %add3A_1497 = arith.constant 35 : i32
      %add3A_1498 = arith.addi %mul3A_1496, %add3A_1497 : i32
      %broadcast_in_dim3A_1499 = vector.broadcast %add3A_1498 : i32 to vector<8x1024xi32>
      %select_n3A_1500 = arith.select %lt3A_1493, %broadcast_in_dim3A_1499, %select_n3A_1486 : vector<8x1024xi1>, vector<8x1024xi32>
      %slice3A_1501 = vector.extract_strided_slice %dot_general3A_70 {offsets = [288, 0], sizes = [8, 1024], strides = [1, 1]} : vector<512x1024xf32> to vector<8x1024xf32>
      %slice3A_1502 = vector.extract_strided_slice %get3A_996 {offsets = [288, 0], sizes = [8, 1], strides = [1, 1]} : vector<512x1xf32> to vector<8x1xf32>
      %add3A_1503 = vector.broadcast %broadcast_in_dim3A : vector<1x1024xf32> to vector<8x1024xf32>
      %add3A_1504 = vector.broadcast %slice3A_1502 : vector<8x1xf32> to vector<8x1024xf32>
      %add3A_1505 = arith.addf %add3A_1503, %add3A_1504 : vector<8x1024xf32>
      %add3A_1506 = arith.addf %add3A_1505, %slice3A_1501 : vector<8x1024xf32>
      %lt3A_1507 = arith.cmpf olt, %add3A_1506, %select_n3A_1494 : vector<8x1024xf32>
      %select_n3A_1508 = arith.select %lt3A_1507, %add3A_1506, %select_n3A_1494 : vector<8x1024xi1>, vector<8x1024xf32>
      %mul3A_1509 = arith.constant 64 : i32
      %mul3A_1510 = arith.muli %add3A_991, %mul3A_1509 : i32
      %add3A_1511 = arith.constant 36 : i32
      %add3A_1512 = arith.addi %mul3A_1510, %add3A_1511 : i32
      %broadcast_in_dim3A_1513 = vector.broadcast %add3A_1512 : i32 to vector<8x1024xi32>
      %select_n3A_1514 = arith.select %lt3A_1507, %broadcast_in_dim3A_1513, %select_n3A_1500 : vector<8x1024xi1>, vector<8x1024xi32>
      %slice3A_1515 = vector.extract_strided_slice %dot_general3A_70 {offsets = [296, 0], sizes = [8, 1024], strides = [1, 1]} : vector<512x1024xf32> to vector<8x1024xf32>
      %slice3A_1516 = vector.extract_strided_slice %get3A_996 {offsets = [296, 0], sizes = [8, 1], strides = [1, 1]} : vector<512x1xf32> to vector<8x1xf32>
      %add3A_1517 = vector.broadcast %broadcast_in_dim3A : vector<1x1024xf32> to vector<8x1024xf32>
      %add3A_1518 = vector.broadcast %slice3A_1516 : vector<8x1xf32> to vector<8x1024xf32>
      %add3A_1519 = arith.addf %add3A_1517, %add3A_1518 : vector<8x1024xf32>
      %add3A_1520 = arith.addf %add3A_1519, %slice3A_1515 : vector<8x1024xf32>
      %lt3A_1521 = arith.cmpf olt, %add3A_1520, %select_n3A_1508 : vector<8x1024xf32>
      %select_n3A_1522 = arith.select %lt3A_1521, %add3A_1520, %select_n3A_1508 : vector<8x1024xi1>, vector<8x1024xf32>
      %mul3A_1523 = arith.constant 64 : i32
      %mul3A_1524 = arith.muli %add3A_991, %mul3A_1523 : i32
      %add3A_1525 = arith.constant 37 : i32
      %add3A_1526 = arith.addi %mul3A_1524, %add3A_1525 : i32
      %broadcast_in_dim3A_1527 = vector.broadcast %add3A_1526 : i32 to vector<8x1024xi32>
      %select_n3A_1528 = arith.select %lt3A_1521, %broadcast_in_dim3A_1527, %select_n3A_1514 : vector<8x1024xi1>, vector<8x1024xi32>
      %slice3A_1529 = vector.extract_strided_slice %dot_general3A_70 {offsets = [304, 0], sizes = [8, 1024], strides = [1, 1]} : vector<512x1024xf32> to vector<8x1024xf32>
      %slice3A_1530 = vector.extract_strided_slice %get3A_996 {offsets = [304, 0], sizes = [8, 1], strides = [1, 1]} : vector<512x1xf32> to vector<8x1xf32>
      %add3A_1531 = vector.broadcast %broadcast_in_dim3A : vector<1x1024xf32> to vector<8x1024xf32>
      %add3A_1532 = vector.broadcast %slice3A_1530 : vector<8x1xf32> to vector<8x1024xf32>
      %add3A_1533 = arith.addf %add3A_1531, %add3A_1532 : vector<8x1024xf32>
      %add3A_1534 = arith.addf %add3A_1533, %slice3A_1529 : vector<8x1024xf32>
      %lt3A_1535 = arith.cmpf olt, %add3A_1534, %select_n3A_1522 : vector<8x1024xf32>
      %select_n3A_1536 = arith.select %lt3A_1535, %add3A_1534, %select_n3A_1522 : vector<8x1024xi1>, vector<8x1024xf32>
      %mul3A_1537 = arith.constant 64 : i32
      %mul3A_1538 = arith.muli %add3A_991, %mul3A_1537 : i32
      %add3A_1539 = arith.constant 38 : i32
      %add3A_1540 = arith.addi %mul3A_1538, %add3A_1539 : i32
      %broadcast_in_dim3A_1541 = vector.broadcast %add3A_1540 : i32 to vector<8x1024xi32>
      %select_n3A_1542 = arith.select %lt3A_1535, %broadcast_in_dim3A_1541, %select_n3A_1528 : vector<8x1024xi1>, vector<8x1024xi32>
      %slice3A_1543 = vector.extract_strided_slice %dot_general3A_70 {offsets = [312, 0], sizes = [8, 1024], strides = [1, 1]} : vector<512x1024xf32> to vector<8x1024xf32>
      %slice3A_1544 = vector.extract_strided_slice %get3A_996 {offsets = [312, 0], sizes = [8, 1], strides = [1, 1]} : vector<512x1xf32> to vector<8x1xf32>
      %add3A_1545 = vector.broadcast %broadcast_in_dim3A : vector<1x1024xf32> to vector<8x1024xf32>
      %add3A_1546 = vector.broadcast %slice3A_1544 : vector<8x1xf32> to vector<8x1024xf32>
      %add3A_1547 = arith.addf %add3A_1545, %add3A_1546 : vector<8x1024xf32>
      %add3A_1548 = arith.addf %add3A_1547, %slice3A_1543 : vector<8x1024xf32>
      %lt3A_1549 = arith.cmpf olt, %add3A_1548, %select_n3A_1536 : vector<8x1024xf32>
      %select_n3A_1550 = arith.select %lt3A_1549, %add3A_1548, %select_n3A_1536 : vector<8x1024xi1>, vector<8x1024xf32>
      %mul3A_1551 = arith.constant 64 : i32
      %mul3A_1552 = arith.muli %add3A_991, %mul3A_1551 : i32
      %add3A_1553 = arith.constant 39 : i32
      %add3A_1554 = arith.addi %mul3A_1552, %add3A_1553 : i32
      %broadcast_in_dim3A_1555 = vector.broadcast %add3A_1554 : i32 to vector<8x1024xi32>
      %select_n3A_1556 = arith.select %lt3A_1549, %broadcast_in_dim3A_1555, %select_n3A_1542 : vector<8x1024xi1>, vector<8x1024xi32>
      %slice3A_1557 = vector.extract_strided_slice %dot_general3A_70 {offsets = [320, 0], sizes = [8, 1024], strides = [1, 1]} : vector<512x1024xf32> to vector<8x1024xf32>
      %slice3A_1558 = vector.extract_strided_slice %get3A_996 {offsets = [320, 0], sizes = [8, 1], strides = [1, 1]} : vector<512x1xf32> to vector<8x1xf32>
      %add3A_1559 = vector.broadcast %broadcast_in_dim3A : vector<1x1024xf32> to vector<8x1024xf32>
      %add3A_1560 = vector.broadcast %slice3A_1558 : vector<8x1xf32> to vector<8x1024xf32>
      %add3A_1561 = arith.addf %add3A_1559, %add3A_1560 : vector<8x1024xf32>
      %add3A_1562 = arith.addf %add3A_1561, %slice3A_1557 : vector<8x1024xf32>
      %lt3A_1563 = arith.cmpf olt, %add3A_1562, %select_n3A_1550 : vector<8x1024xf32>
      %select_n3A_1564 = arith.select %lt3A_1563, %add3A_1562, %select_n3A_1550 : vector<8x1024xi1>, vector<8x1024xf32>
      %mul3A_1565 = arith.constant 64 : i32
      %mul3A_1566 = arith.muli %add3A_991, %mul3A_1565 : i32
      %add3A_1567 = arith.constant 40 : i32
      %add3A_1568 = arith.addi %mul3A_1566, %add3A_1567 : i32
      %broadcast_in_dim3A_1569 = vector.broadcast %add3A_1568 : i32 to vector<8x1024xi32>
      %select_n3A_1570 = arith.select %lt3A_1563, %broadcast_in_dim3A_1569, %select_n3A_1556 : vector<8x1024xi1>, vector<8x1024xi32>
      %slice3A_1571 = vector.extract_strided_slice %dot_general3A_70 {offsets = [328, 0], sizes = [8, 1024], strides = [1, 1]} : vector<512x1024xf32> to vector<8x1024xf32>
      %slice3A_1572 = vector.extract_strided_slice %get3A_996 {offsets = [328, 0], sizes = [8, 1], strides = [1, 1]} : vector<512x1xf32> to vector<8x1xf32>
      %add3A_1573 = vector.broadcast %broadcast_in_dim3A : vector<1x1024xf32> to vector<8x1024xf32>
      %add3A_1574 = vector.broadcast %slice3A_1572 : vector<8x1xf32> to vector<8x1024xf32>
      %add3A_1575 = arith.addf %add3A_1573, %add3A_1574 : vector<8x1024xf32>
      %add3A_1576 = arith.addf %add3A_1575, %slice3A_1571 : vector<8x1024xf32>
      %lt3A_1577 = arith.cmpf olt, %add3A_1576, %select_n3A_1564 : vector<8x1024xf32>
      %select_n3A_1578 = arith.select %lt3A_1577, %add3A_1576, %select_n3A_1564 : vector<8x1024xi1>, vector<8x1024xf32>
      %mul3A_1579 = arith.constant 64 : i32
      %mul3A_1580 = arith.muli %add3A_991, %mul3A_1579 : i32
      %add3A_1581 = arith.constant 41 : i32
      %add3A_1582 = arith.addi %mul3A_1580, %add3A_1581 : i32
      %broadcast_in_dim3A_1583 = vector.broadcast %add3A_1582 : i32 to vector<8x1024xi32>
      %select_n3A_1584 = arith.select %lt3A_1577, %broadcast_in_dim3A_1583, %select_n3A_1570 : vector<8x1024xi1>, vector<8x1024xi32>
      %slice3A_1585 = vector.extract_strided_slice %dot_general3A_70 {offsets = [336, 0], sizes = [8, 1024], strides = [1, 1]} : vector<512x1024xf32> to vector<8x1024xf32>
      %slice3A_1586 = vector.extract_strided_slice %get3A_996 {offsets = [336, 0], sizes = [8, 1], strides = [1, 1]} : vector<512x1xf32> to vector<8x1xf32>
      %add3A_1587 = vector.broadcast %broadcast_in_dim3A : vector<1x1024xf32> to vector<8x1024xf32>
      %add3A_1588 = vector.broadcast %slice3A_1586 : vector<8x1xf32> to vector<8x1024xf32>
      %add3A_1589 = arith.addf %add3A_1587, %add3A_1588 : vector<8x1024xf32>
      %add3A_1590 = arith.addf %add3A_1589, %slice3A_1585 : vector<8x1024xf32>
      %lt3A_1591 = arith.cmpf olt, %add3A_1590, %select_n3A_1578 : vector<8x1024xf32>
      %select_n3A_1592 = arith.select %lt3A_1591, %add3A_1590, %select_n3A_1578 : vector<8x1024xi1>, vector<8x1024xf32>
      %mul3A_1593 = arith.constant 64 : i32
      %mul3A_1594 = arith.muli %add3A_991, %mul3A_1593 : i32
      %add3A_1595 = arith.constant 42 : i32
      %add3A_1596 = arith.addi %mul3A_1594, %add3A_1595 : i32
      %broadcast_in_dim3A_1597 = vector.broadcast %add3A_1596 : i32 to vector<8x1024xi32>
      %select_n3A_1598 = arith.select %lt3A_1591, %broadcast_in_dim3A_1597, %select_n3A_1584 : vector<8x1024xi1>, vector<8x1024xi32>
      %slice3A_1599 = vector.extract_strided_slice %dot_general3A_70 {offsets = [344, 0], sizes = [8, 1024], strides = [1, 1]} : vector<512x1024xf32> to vector<8x1024xf32>
      %slice3A_1600 = vector.extract_strided_slice %get3A_996 {offsets = [344, 0], sizes = [8, 1], strides = [1, 1]} : vector<512x1xf32> to vector<8x1xf32>
      %add3A_1601 = vector.broadcast %broadcast_in_dim3A : vector<1x1024xf32> to vector<8x1024xf32>
      %add3A_1602 = vector.broadcast %slice3A_1600 : vector<8x1xf32> to vector<8x1024xf32>
      %add3A_1603 = arith.addf %add3A_1601, %add3A_1602 : vector<8x1024xf32>
      %add3A_1604 = arith.addf %add3A_1603, %slice3A_1599 : vector<8x1024xf32>
      %lt3A_1605 = arith.cmpf olt, %add3A_1604, %select_n3A_1592 : vector<8x1024xf32>
      %select_n3A_1606 = arith.select %lt3A_1605, %add3A_1604, %select_n3A_1592 : vector<8x1024xi1>, vector<8x1024xf32>
      %mul3A_1607 = arith.constant 64 : i32
      %mul3A_1608 = arith.muli %add3A_991, %mul3A_1607 : i32
      %add3A_1609 = arith.constant 43 : i32
      %add3A_1610 = arith.addi %mul3A_1608, %add3A_1609 : i32
      %broadcast_in_dim3A_1611 = vector.broadcast %add3A_1610 : i32 to vector<8x1024xi32>
      %select_n3A_1612 = arith.select %lt3A_1605, %broadcast_in_dim3A_1611, %select_n3A_1598 : vector<8x1024xi1>, vector<8x1024xi32>
      %slice3A_1613 = vector.extract_strided_slice %dot_general3A_70 {offsets = [352, 0], sizes = [8, 1024], strides = [1, 1]} : vector<512x1024xf32> to vector<8x1024xf32>
      %slice3A_1614 = vector.extract_strided_slice %get3A_996 {offsets = [352, 0], sizes = [8, 1], strides = [1, 1]} : vector<512x1xf32> to vector<8x1xf32>
      %add3A_1615 = vector.broadcast %broadcast_in_dim3A : vector<1x1024xf32> to vector<8x1024xf32>
      %add3A_1616 = vector.broadcast %slice3A_1614 : vector<8x1xf32> to vector<8x1024xf32>
      %add3A_1617 = arith.addf %add3A_1615, %add3A_1616 : vector<8x1024xf32>
      %add3A_1618 = arith.addf %add3A_1617, %slice3A_1613 : vector<8x1024xf32>
      %lt3A_1619 = arith.cmpf olt, %add3A_1618, %select_n3A_1606 : vector<8x1024xf32>
      %select_n3A_1620 = arith.select %lt3A_1619, %add3A_1618, %select_n3A_1606 : vector<8x1024xi1>, vector<8x1024xf32>
      %mul3A_1621 = arith.constant 64 : i32
      %mul3A_1622 = arith.muli %add3A_991, %mul3A_1621 : i32
      %add3A_1623 = arith.constant 44 : i32
      %add3A_1624 = arith.addi %mul3A_1622, %add3A_1623 : i32
      %broadcast_in_dim3A_1625 = vector.broadcast %add3A_1624 : i32 to vector<8x1024xi32>
      %select_n3A_1626 = arith.select %lt3A_1619, %broadcast_in_dim3A_1625, %select_n3A_1612 : vector<8x1024xi1>, vector<8x1024xi32>
      %slice3A_1627 = vector.extract_strided_slice %dot_general3A_70 {offsets = [360, 0], sizes = [8, 1024], strides = [1, 1]} : vector<512x1024xf32> to vector<8x1024xf32>
      %slice3A_1628 = vector.extract_strided_slice %get3A_996 {offsets = [360, 0], sizes = [8, 1], strides = [1, 1]} : vector<512x1xf32> to vector<8x1xf32>
      %add3A_1629 = vector.broadcast %broadcast_in_dim3A : vector<1x1024xf32> to vector<8x1024xf32>
      %add3A_1630 = vector.broadcast %slice3A_1628 : vector<8x1xf32> to vector<8x1024xf32>
      %add3A_1631 = arith.addf %add3A_1629, %add3A_1630 : vector<8x1024xf32>
      %add3A_1632 = arith.addf %add3A_1631, %slice3A_1627 : vector<8x1024xf32>
      %lt3A_1633 = arith.cmpf olt, %add3A_1632, %select_n3A_1620 : vector<8x1024xf32>
      %select_n3A_1634 = arith.select %lt3A_1633, %add3A_1632, %select_n3A_1620 : vector<8x1024xi1>, vector<8x1024xf32>
      %mul3A_1635 = arith.constant 64 : i32
      %mul3A_1636 = arith.muli %add3A_991, %mul3A_1635 : i32
      %add3A_1637 = arith.constant 45 : i32
      %add3A_1638 = arith.addi %mul3A_1636, %add3A_1637 : i32
      %broadcast_in_dim3A_1639 = vector.broadcast %add3A_1638 : i32 to vector<8x1024xi32>
      %select_n3A_1640 = arith.select %lt3A_1633, %broadcast_in_dim3A_1639, %select_n3A_1626 : vector<8x1024xi1>, vector<8x1024xi32>
      %slice3A_1641 = vector.extract_strided_slice %dot_general3A_70 {offsets = [368, 0], sizes = [8, 1024], strides = [1, 1]} : vector<512x1024xf32> to vector<8x1024xf32>
      %slice3A_1642 = vector.extract_strided_slice %get3A_996 {offsets = [368, 0], sizes = [8, 1], strides = [1, 1]} : vector<512x1xf32> to vector<8x1xf32>
      %add3A_1643 = vector.broadcast %broadcast_in_dim3A : vector<1x1024xf32> to vector<8x1024xf32>
      %add3A_1644 = vector.broadcast %slice3A_1642 : vector<8x1xf32> to vector<8x1024xf32>
      %add3A_1645 = arith.addf %add3A_1643, %add3A_1644 : vector<8x1024xf32>
      %add3A_1646 = arith.addf %add3A_1645, %slice3A_1641 : vector<8x1024xf32>
      %lt3A_1647 = arith.cmpf olt, %add3A_1646, %select_n3A_1634 : vector<8x1024xf32>
      %select_n3A_1648 = arith.select %lt3A_1647, %add3A_1646, %select_n3A_1634 : vector<8x1024xi1>, vector<8x1024xf32>
      %mul3A_1649 = arith.constant 64 : i32
      %mul3A_1650 = arith.muli %add3A_991, %mul3A_1649 : i32
      %add3A_1651 = arith.constant 46 : i32
      %add3A_1652 = arith.addi %mul3A_1650, %add3A_1651 : i32
      %broadcast_in_dim3A_1653 = vector.broadcast %add3A_1652 : i32 to vector<8x1024xi32>
      %select_n3A_1654 = arith.select %lt3A_1647, %broadcast_in_dim3A_1653, %select_n3A_1640 : vector<8x1024xi1>, vector<8x1024xi32>
      %slice3A_1655 = vector.extract_strided_slice %dot_general3A_70 {offsets = [376, 0], sizes = [8, 1024], strides = [1, 1]} : vector<512x1024xf32> to vector<8x1024xf32>
      %slice3A_1656 = vector.extract_strided_slice %get3A_996 {offsets = [376, 0], sizes = [8, 1], strides = [1, 1]} : vector<512x1xf32> to vector<8x1xf32>
      %add3A_1657 = vector.broadcast %broadcast_in_dim3A : vector<1x1024xf32> to vector<8x1024xf32>
      %add3A_1658 = vector.broadcast %slice3A_1656 : vector<8x1xf32> to vector<8x1024xf32>
      %add3A_1659 = arith.addf %add3A_1657, %add3A_1658 : vector<8x1024xf32>
      %add3A_1660 = arith.addf %add3A_1659, %slice3A_1655 : vector<8x1024xf32>
      %lt3A_1661 = arith.cmpf olt, %add3A_1660, %select_n3A_1648 : vector<8x1024xf32>
      %select_n3A_1662 = arith.select %lt3A_1661, %add3A_1660, %select_n3A_1648 : vector<8x1024xi1>, vector<8x1024xf32>
      %mul3A_1663 = arith.constant 64 : i32
      %mul3A_1664 = arith.muli %add3A_991, %mul3A_1663 : i32
      %add3A_1665 = arith.constant 47 : i32
      %add3A_1666 = arith.addi %mul3A_1664, %add3A_1665 : i32
      %broadcast_in_dim3A_1667 = vector.broadcast %add3A_1666 : i32 to vector<8x1024xi32>
      %select_n3A_1668 = arith.select %lt3A_1661, %broadcast_in_dim3A_1667, %select_n3A_1654 : vector<8x1024xi1>, vector<8x1024xi32>
      %slice3A_1669 = vector.extract_strided_slice %dot_general3A_70 {offsets = [384, 0], sizes = [8, 1024], strides = [1, 1]} : vector<512x1024xf32> to vector<8x1024xf32>
      %slice3A_1670 = vector.extract_strided_slice %get3A_996 {offsets = [384, 0], sizes = [8, 1], strides = [1, 1]} : vector<512x1xf32> to vector<8x1xf32>
      %add3A_1671 = vector.broadcast %broadcast_in_dim3A : vector<1x1024xf32> to vector<8x1024xf32>
      %add3A_1672 = vector.broadcast %slice3A_1670 : vector<8x1xf32> to vector<8x1024xf32>
      %add3A_1673 = arith.addf %add3A_1671, %add3A_1672 : vector<8x1024xf32>
      %add3A_1674 = arith.addf %add3A_1673, %slice3A_1669 : vector<8x1024xf32>
      %lt3A_1675 = arith.cmpf olt, %add3A_1674, %select_n3A_1662 : vector<8x1024xf32>
      %select_n3A_1676 = arith.select %lt3A_1675, %add3A_1674, %select_n3A_1662 : vector<8x1024xi1>, vector<8x1024xf32>
      %mul3A_1677 = arith.constant 64 : i32
      %mul3A_1678 = arith.muli %add3A_991, %mul3A_1677 : i32
      %add3A_1679 = arith.constant 48 : i32
      %add3A_1680 = arith.addi %mul3A_1678, %add3A_1679 : i32
      %broadcast_in_dim3A_1681 = vector.broadcast %add3A_1680 : i32 to vector<8x1024xi32>
      %select_n3A_1682 = arith.select %lt3A_1675, %broadcast_in_dim3A_1681, %select_n3A_1668 : vector<8x1024xi1>, vector<8x1024xi32>
      %slice3A_1683 = vector.extract_strided_slice %dot_general3A_70 {offsets = [392, 0], sizes = [8, 1024], strides = [1, 1]} : vector<512x1024xf32> to vector<8x1024xf32>
      %slice3A_1684 = vector.extract_strided_slice %get3A_996 {offsets = [392, 0], sizes = [8, 1], strides = [1, 1]} : vector<512x1xf32> to vector<8x1xf32>
      %add3A_1685 = vector.broadcast %broadcast_in_dim3A : vector<1x1024xf32> to vector<8x1024xf32>
      %add3A_1686 = vector.broadcast %slice3A_1684 : vector<8x1xf32> to vector<8x1024xf32>
      %add3A_1687 = arith.addf %add3A_1685, %add3A_1686 : vector<8x1024xf32>
      %add3A_1688 = arith.addf %add3A_1687, %slice3A_1683 : vector<8x1024xf32>
      %lt3A_1689 = arith.cmpf olt, %add3A_1688, %select_n3A_1676 : vector<8x1024xf32>
      %select_n3A_1690 = arith.select %lt3A_1689, %add3A_1688, %select_n3A_1676 : vector<8x1024xi1>, vector<8x1024xf32>
      %mul3A_1691 = arith.constant 64 : i32
      %mul3A_1692 = arith.muli %add3A_991, %mul3A_1691 : i32
      %add3A_1693 = arith.constant 49 : i32
      %add3A_1694 = arith.addi %mul3A_1692, %add3A_1693 : i32
      %broadcast_in_dim3A_1695 = vector.broadcast %add3A_1694 : i32 to vector<8x1024xi32>
      %select_n3A_1696 = arith.select %lt3A_1689, %broadcast_in_dim3A_1695, %select_n3A_1682 : vector<8x1024xi1>, vector<8x1024xi32>
      %slice3A_1697 = vector.extract_strided_slice %dot_general3A_70 {offsets = [400, 0], sizes = [8, 1024], strides = [1, 1]} : vector<512x1024xf32> to vector<8x1024xf32>
      %slice3A_1698 = vector.extract_strided_slice %get3A_996 {offsets = [400, 0], sizes = [8, 1], strides = [1, 1]} : vector<512x1xf32> to vector<8x1xf32>
      %add3A_1699 = vector.broadcast %broadcast_in_dim3A : vector<1x1024xf32> to vector<8x1024xf32>
      %add3A_1700 = vector.broadcast %slice3A_1698 : vector<8x1xf32> to vector<8x1024xf32>
      %add3A_1701 = arith.addf %add3A_1699, %add3A_1700 : vector<8x1024xf32>
      %add3A_1702 = arith.addf %add3A_1701, %slice3A_1697 : vector<8x1024xf32>
      %lt3A_1703 = arith.cmpf olt, %add3A_1702, %select_n3A_1690 : vector<8x1024xf32>
      %select_n3A_1704 = arith.select %lt3A_1703, %add3A_1702, %select_n3A_1690 : vector<8x1024xi1>, vector<8x1024xf32>
      %mul3A_1705 = arith.constant 64 : i32
      %mul3A_1706 = arith.muli %add3A_991, %mul3A_1705 : i32
      %add3A_1707 = arith.constant 50 : i32
      %add3A_1708 = arith.addi %mul3A_1706, %add3A_1707 : i32
      %broadcast_in_dim3A_1709 = vector.broadcast %add3A_1708 : i32 to vector<8x1024xi32>
      %select_n3A_1710 = arith.select %lt3A_1703, %broadcast_in_dim3A_1709, %select_n3A_1696 : vector<8x1024xi1>, vector<8x1024xi32>
      %slice3A_1711 = vector.extract_strided_slice %dot_general3A_70 {offsets = [408, 0], sizes = [8, 1024], strides = [1, 1]} : vector<512x1024xf32> to vector<8x1024xf32>
      %slice3A_1712 = vector.extract_strided_slice %get3A_996 {offsets = [408, 0], sizes = [8, 1], strides = [1, 1]} : vector<512x1xf32> to vector<8x1xf32>
      %add3A_1713 = vector.broadcast %broadcast_in_dim3A : vector<1x1024xf32> to vector<8x1024xf32>
      %add3A_1714 = vector.broadcast %slice3A_1712 : vector<8x1xf32> to vector<8x1024xf32>
      %add3A_1715 = arith.addf %add3A_1713, %add3A_1714 : vector<8x1024xf32>
      %add3A_1716 = arith.addf %add3A_1715, %slice3A_1711 : vector<8x1024xf32>
      %lt3A_1717 = arith.cmpf olt, %add3A_1716, %select_n3A_1704 : vector<8x1024xf32>
      %select_n3A_1718 = arith.select %lt3A_1717, %add3A_1716, %select_n3A_1704 : vector<8x1024xi1>, vector<8x1024xf32>
      %mul3A_1719 = arith.constant 64 : i32
      %mul3A_1720 = arith.muli %add3A_991, %mul3A_1719 : i32
      %add3A_1721 = arith.constant 51 : i32
      %add3A_1722 = arith.addi %mul3A_1720, %add3A_1721 : i32
      %broadcast_in_dim3A_1723 = vector.broadcast %add3A_1722 : i32 to vector<8x1024xi32>
      %select_n3A_1724 = arith.select %lt3A_1717, %broadcast_in_dim3A_1723, %select_n3A_1710 : vector<8x1024xi1>, vector<8x1024xi32>
      %slice3A_1725 = vector.extract_strided_slice %dot_general3A_70 {offsets = [416, 0], sizes = [8, 1024], strides = [1, 1]} : vector<512x1024xf32> to vector<8x1024xf32>
      %slice3A_1726 = vector.extract_strided_slice %get3A_996 {offsets = [416, 0], sizes = [8, 1], strides = [1, 1]} : vector<512x1xf32> to vector<8x1xf32>
      %add3A_1727 = vector.broadcast %broadcast_in_dim3A : vector<1x1024xf32> to vector<8x1024xf32>
      %add3A_1728 = vector.broadcast %slice3A_1726 : vector<8x1xf32> to vector<8x1024xf32>
      %add3A_1729 = arith.addf %add3A_1727, %add3A_1728 : vector<8x1024xf32>
      %add3A_1730 = arith.addf %add3A_1729, %slice3A_1725 : vector<8x1024xf32>
      %lt3A_1731 = arith.cmpf olt, %add3A_1730, %select_n3A_1718 : vector<8x1024xf32>
      %select_n3A_1732 = arith.select %lt3A_1731, %add3A_1730, %select_n3A_1718 : vector<8x1024xi1>, vector<8x1024xf32>
      %mul3A_1733 = arith.constant 64 : i32
      %mul3A_1734 = arith.muli %add3A_991, %mul3A_1733 : i32
      %add3A_1735 = arith.constant 52 : i32
      %add3A_1736 = arith.addi %mul3A_1734, %add3A_1735 : i32
      %broadcast_in_dim3A_1737 = vector.broadcast %add3A_1736 : i32 to vector<8x1024xi32>
      %select_n3A_1738 = arith.select %lt3A_1731, %broadcast_in_dim3A_1737, %select_n3A_1724 : vector<8x1024xi1>, vector<8x1024xi32>
      %slice3A_1739 = vector.extract_strided_slice %dot_general3A_70 {offsets = [424, 0], sizes = [8, 1024], strides = [1, 1]} : vector<512x1024xf32> to vector<8x1024xf32>
      %slice3A_1740 = vector.extract_strided_slice %get3A_996 {offsets = [424, 0], sizes = [8, 1], strides = [1, 1]} : vector<512x1xf32> to vector<8x1xf32>
      %add3A_1741 = vector.broadcast %broadcast_in_dim3A : vector<1x1024xf32> to vector<8x1024xf32>
      %add3A_1742 = vector.broadcast %slice3A_1740 : vector<8x1xf32> to vector<8x1024xf32>
      %add3A_1743 = arith.addf %add3A_1741, %add3A_1742 : vector<8x1024xf32>
      %add3A_1744 = arith.addf %add3A_1743, %slice3A_1739 : vector<8x1024xf32>
      %lt3A_1745 = arith.cmpf olt, %add3A_1744, %select_n3A_1732 : vector<8x1024xf32>
      %select_n3A_1746 = arith.select %lt3A_1745, %add3A_1744, %select_n3A_1732 : vector<8x1024xi1>, vector<8x1024xf32>
      %mul3A_1747 = arith.constant 64 : i32
      %mul3A_1748 = arith.muli %add3A_991, %mul3A_1747 : i32
      %add3A_1749 = arith.constant 53 : i32
      %add3A_1750 = arith.addi %mul3A_1748, %add3A_1749 : i32
      %broadcast_in_dim3A_1751 = vector.broadcast %add3A_1750 : i32 to vector<8x1024xi32>
      %select_n3A_1752 = arith.select %lt3A_1745, %broadcast_in_dim3A_1751, %select_n3A_1738 : vector<8x1024xi1>, vector<8x1024xi32>
      %slice3A_1753 = vector.extract_strided_slice %dot_general3A_70 {offsets = [432, 0], sizes = [8, 1024], strides = [1, 1]} : vector<512x1024xf32> to vector<8x1024xf32>
      %slice3A_1754 = vector.extract_strided_slice %get3A_996 {offsets = [432, 0], sizes = [8, 1], strides = [1, 1]} : vector<512x1xf32> to vector<8x1xf32>
      %add3A_1755 = vector.broadcast %broadcast_in_dim3A : vector<1x1024xf32> to vector<8x1024xf32>
      %add3A_1756 = vector.broadcast %slice3A_1754 : vector<8x1xf32> to vector<8x1024xf32>
      %add3A_1757 = arith.addf %add3A_1755, %add3A_1756 : vector<8x1024xf32>
      %add3A_1758 = arith.addf %add3A_1757, %slice3A_1753 : vector<8x1024xf32>
      %lt3A_1759 = arith.cmpf olt, %add3A_1758, %select_n3A_1746 : vector<8x1024xf32>
      %select_n3A_1760 = arith.select %lt3A_1759, %add3A_1758, %select_n3A_1746 : vector<8x1024xi1>, vector<8x1024xf32>
      %mul3A_1761 = arith.constant 64 : i32
      %mul3A_1762 = arith.muli %add3A_991, %mul3A_1761 : i32
      %add3A_1763 = arith.constant 54 : i32
      %add3A_1764 = arith.addi %mul3A_1762, %add3A_1763 : i32
      %broadcast_in_dim3A_1765 = vector.broadcast %add3A_1764 : i32 to vector<8x1024xi32>
      %select_n3A_1766 = arith.select %lt3A_1759, %broadcast_in_dim3A_1765, %select_n3A_1752 : vector<8x1024xi1>, vector<8x1024xi32>
      %slice3A_1767 = vector.extract_strided_slice %dot_general3A_70 {offsets = [440, 0], sizes = [8, 1024], strides = [1, 1]} : vector<512x1024xf32> to vector<8x1024xf32>
      %slice3A_1768 = vector.extract_strided_slice %get3A_996 {offsets = [440, 0], sizes = [8, 1], strides = [1, 1]} : vector<512x1xf32> to vector<8x1xf32>
      %add3A_1769 = vector.broadcast %broadcast_in_dim3A : vector<1x1024xf32> to vector<8x1024xf32>
      %add3A_1770 = vector.broadcast %slice3A_1768 : vector<8x1xf32> to vector<8x1024xf32>
      %add3A_1771 = arith.addf %add3A_1769, %add3A_1770 : vector<8x1024xf32>
      %add3A_1772 = arith.addf %add3A_1771, %slice3A_1767 : vector<8x1024xf32>
      %lt3A_1773 = arith.cmpf olt, %add3A_1772, %select_n3A_1760 : vector<8x1024xf32>
      %select_n3A_1774 = arith.select %lt3A_1773, %add3A_1772, %select_n3A_1760 : vector<8x1024xi1>, vector<8x1024xf32>
      %mul3A_1775 = arith.constant 64 : i32
      %mul3A_1776 = arith.muli %add3A_991, %mul3A_1775 : i32
      %add3A_1777 = arith.constant 55 : i32
      %add3A_1778 = arith.addi %mul3A_1776, %add3A_1777 : i32
      %broadcast_in_dim3A_1779 = vector.broadcast %add3A_1778 : i32 to vector<8x1024xi32>
      %select_n3A_1780 = arith.select %lt3A_1773, %broadcast_in_dim3A_1779, %select_n3A_1766 : vector<8x1024xi1>, vector<8x1024xi32>
      %slice3A_1781 = vector.extract_strided_slice %dot_general3A_70 {offsets = [448, 0], sizes = [8, 1024], strides = [1, 1]} : vector<512x1024xf32> to vector<8x1024xf32>
      %slice3A_1782 = vector.extract_strided_slice %get3A_996 {offsets = [448, 0], sizes = [8, 1], strides = [1, 1]} : vector<512x1xf32> to vector<8x1xf32>
      %add3A_1783 = vector.broadcast %broadcast_in_dim3A : vector<1x1024xf32> to vector<8x1024xf32>
      %add3A_1784 = vector.broadcast %slice3A_1782 : vector<8x1xf32> to vector<8x1024xf32>
      %add3A_1785 = arith.addf %add3A_1783, %add3A_1784 : vector<8x1024xf32>
      %add3A_1786 = arith.addf %add3A_1785, %slice3A_1781 : vector<8x1024xf32>
      %lt3A_1787 = arith.cmpf olt, %add3A_1786, %select_n3A_1774 : vector<8x1024xf32>
      %select_n3A_1788 = arith.select %lt3A_1787, %add3A_1786, %select_n3A_1774 : vector<8x1024xi1>, vector<8x1024xf32>
      %mul3A_1789 = arith.constant 64 : i32
      %mul3A_1790 = arith.muli %add3A_991, %mul3A_1789 : i32
      %add3A_1791 = arith.constant 56 : i32
      %add3A_1792 = arith.addi %mul3A_1790, %add3A_1791 : i32
      %broadcast_in_dim3A_1793 = vector.broadcast %add3A_1792 : i32 to vector<8x1024xi32>
      %select_n3A_1794 = arith.select %lt3A_1787, %broadcast_in_dim3A_1793, %select_n3A_1780 : vector<8x1024xi1>, vector<8x1024xi32>
      %slice3A_1795 = vector.extract_strided_slice %dot_general3A_70 {offsets = [456, 0], sizes = [8, 1024], strides = [1, 1]} : vector<512x1024xf32> to vector<8x1024xf32>
      %slice3A_1796 = vector.extract_strided_slice %get3A_996 {offsets = [456, 0], sizes = [8, 1], strides = [1, 1]} : vector<512x1xf32> to vector<8x1xf32>
      %add3A_1797 = vector.broadcast %broadcast_in_dim3A : vector<1x1024xf32> to vector<8x1024xf32>
      %add3A_1798 = vector.broadcast %slice3A_1796 : vector<8x1xf32> to vector<8x1024xf32>
      %add3A_1799 = arith.addf %add3A_1797, %add3A_1798 : vector<8x1024xf32>
      %add3A_1800 = arith.addf %add3A_1799, %slice3A_1795 : vector<8x1024xf32>
      %lt3A_1801 = arith.cmpf olt, %add3A_1800, %select_n3A_1788 : vector<8x1024xf32>
      %select_n3A_1802 = arith.select %lt3A_1801, %add3A_1800, %select_n3A_1788 : vector<8x1024xi1>, vector<8x1024xf32>
      %mul3A_1803 = arith.constant 64 : i32
      %mul3A_1804 = arith.muli %add3A_991, %mul3A_1803 : i32
      %add3A_1805 = arith.constant 57 : i32
      %add3A_1806 = arith.addi %mul3A_1804, %add3A_1805 : i32
      %broadcast_in_dim3A_1807 = vector.broadcast %add3A_1806 : i32 to vector<8x1024xi32>
      %select_n3A_1808 = arith.select %lt3A_1801, %broadcast_in_dim3A_1807, %select_n3A_1794 : vector<8x1024xi1>, vector<8x1024xi32>
      %slice3A_1809 = vector.extract_strided_slice %dot_general3A_70 {offsets = [464, 0], sizes = [8, 1024], strides = [1, 1]} : vector<512x1024xf32> to vector<8x1024xf32>
      %slice3A_1810 = vector.extract_strided_slice %get3A_996 {offsets = [464, 0], sizes = [8, 1], strides = [1, 1]} : vector<512x1xf32> to vector<8x1xf32>
      %add3A_1811 = vector.broadcast %broadcast_in_dim3A : vector<1x1024xf32> to vector<8x1024xf32>
      %add3A_1812 = vector.broadcast %slice3A_1810 : vector<8x1xf32> to vector<8x1024xf32>
      %add3A_1813 = arith.addf %add3A_1811, %add3A_1812 : vector<8x1024xf32>
      %add3A_1814 = arith.addf %add3A_1813, %slice3A_1809 : vector<8x1024xf32>
      %lt3A_1815 = arith.cmpf olt, %add3A_1814, %select_n3A_1802 : vector<8x1024xf32>
      %select_n3A_1816 = arith.select %lt3A_1815, %add3A_1814, %select_n3A_1802 : vector<8x1024xi1>, vector<8x1024xf32>
      %mul3A_1817 = arith.constant 64 : i32
      %mul3A_1818 = arith.muli %add3A_991, %mul3A_1817 : i32
      %add3A_1819 = arith.constant 58 : i32
      %add3A_1820 = arith.addi %mul3A_1818, %add3A_1819 : i32
      %broadcast_in_dim3A_1821 = vector.broadcast %add3A_1820 : i32 to vector<8x1024xi32>
      %select_n3A_1822 = arith.select %lt3A_1815, %broadcast_in_dim3A_1821, %select_n3A_1808 : vector<8x1024xi1>, vector<8x1024xi32>
      %slice3A_1823 = vector.extract_strided_slice %dot_general3A_70 {offsets = [472, 0], sizes = [8, 1024], strides = [1, 1]} : vector<512x1024xf32> to vector<8x1024xf32>
      %slice3A_1824 = vector.extract_strided_slice %get3A_996 {offsets = [472, 0], sizes = [8, 1], strides = [1, 1]} : vector<512x1xf32> to vector<8x1xf32>
      %add3A_1825 = vector.broadcast %broadcast_in_dim3A : vector<1x1024xf32> to vector<8x1024xf32>
      %add3A_1826 = vector.broadcast %slice3A_1824 : vector<8x1xf32> to vector<8x1024xf32>
      %add3A_1827 = arith.addf %add3A_1825, %add3A_1826 : vector<8x1024xf32>
      %add3A_1828 = arith.addf %add3A_1827, %slice3A_1823 : vector<8x1024xf32>
      %lt3A_1829 = arith.cmpf olt, %add3A_1828, %select_n3A_1816 : vector<8x1024xf32>
      %select_n3A_1830 = arith.select %lt3A_1829, %add3A_1828, %select_n3A_1816 : vector<8x1024xi1>, vector<8x1024xf32>
      %mul3A_1831 = arith.constant 64 : i32
      %mul3A_1832 = arith.muli %add3A_991, %mul3A_1831 : i32
      %add3A_1833 = arith.constant 59 : i32
      %add3A_1834 = arith.addi %mul3A_1832, %add3A_1833 : i32
      %broadcast_in_dim3A_1835 = vector.broadcast %add3A_1834 : i32 to vector<8x1024xi32>
      %select_n3A_1836 = arith.select %lt3A_1829, %broadcast_in_dim3A_1835, %select_n3A_1822 : vector<8x1024xi1>, vector<8x1024xi32>
      %slice3A_1837 = vector.extract_strided_slice %dot_general3A_70 {offsets = [480, 0], sizes = [8, 1024], strides = [1, 1]} : vector<512x1024xf32> to vector<8x1024xf32>
      %slice3A_1838 = vector.extract_strided_slice %get3A_996 {offsets = [480, 0], sizes = [8, 1], strides = [1, 1]} : vector<512x1xf32> to vector<8x1xf32>
      %add3A_1839 = vector.broadcast %broadcast_in_dim3A : vector<1x1024xf32> to vector<8x1024xf32>
      %add3A_1840 = vector.broadcast %slice3A_1838 : vector<8x1xf32> to vector<8x1024xf32>
      %add3A_1841 = arith.addf %add3A_1839, %add3A_1840 : vector<8x1024xf32>
      %add3A_1842 = arith.addf %add3A_1841, %slice3A_1837 : vector<8x1024xf32>
      %lt3A_1843 = arith.cmpf olt, %add3A_1842, %select_n3A_1830 : vector<8x1024xf32>
      %select_n3A_1844 = arith.select %lt3A_1843, %add3A_1842, %select_n3A_1830 : vector<8x1024xi1>, vector<8x1024xf32>
      %mul3A_1845 = arith.constant 64 : i32
      %mul3A_1846 = arith.muli %add3A_991, %mul3A_1845 : i32
      %add3A_1847 = arith.constant 60 : i32
      %add3A_1848 = arith.addi %mul3A_1846, %add3A_1847 : i32
      %broadcast_in_dim3A_1849 = vector.broadcast %add3A_1848 : i32 to vector<8x1024xi32>
      %select_n3A_1850 = arith.select %lt3A_1843, %broadcast_in_dim3A_1849, %select_n3A_1836 : vector<8x1024xi1>, vector<8x1024xi32>
      %slice3A_1851 = vector.extract_strided_slice %dot_general3A_70 {offsets = [488, 0], sizes = [8, 1024], strides = [1, 1]} : vector<512x1024xf32> to vector<8x1024xf32>
      %slice3A_1852 = vector.extract_strided_slice %get3A_996 {offsets = [488, 0], sizes = [8, 1], strides = [1, 1]} : vector<512x1xf32> to vector<8x1xf32>
      %add3A_1853 = vector.broadcast %broadcast_in_dim3A : vector<1x1024xf32> to vector<8x1024xf32>
      %add3A_1854 = vector.broadcast %slice3A_1852 : vector<8x1xf32> to vector<8x1024xf32>
      %add3A_1855 = arith.addf %add3A_1853, %add3A_1854 : vector<8x1024xf32>
      %add3A_1856 = arith.addf %add3A_1855, %slice3A_1851 : vector<8x1024xf32>
      %lt3A_1857 = arith.cmpf olt, %add3A_1856, %select_n3A_1844 : vector<8x1024xf32>
      %select_n3A_1858 = arith.select %lt3A_1857, %add3A_1856, %select_n3A_1844 : vector<8x1024xi1>, vector<8x1024xf32>
      %mul3A_1859 = arith.constant 64 : i32
      %mul3A_1860 = arith.muli %add3A_991, %mul3A_1859 : i32
      %add3A_1861 = arith.constant 61 : i32
      %add3A_1862 = arith.addi %mul3A_1860, %add3A_1861 : i32
      %broadcast_in_dim3A_1863 = vector.broadcast %add3A_1862 : i32 to vector<8x1024xi32>
      %select_n3A_1864 = arith.select %lt3A_1857, %broadcast_in_dim3A_1863, %select_n3A_1850 : vector<8x1024xi1>, vector<8x1024xi32>
      %slice3A_1865 = vector.extract_strided_slice %dot_general3A_70 {offsets = [496, 0], sizes = [8, 1024], strides = [1, 1]} : vector<512x1024xf32> to vector<8x1024xf32>
      %slice3A_1866 = vector.extract_strided_slice %get3A_996 {offsets = [496, 0], sizes = [8, 1], strides = [1, 1]} : vector<512x1xf32> to vector<8x1xf32>
      %add3A_1867 = vector.broadcast %broadcast_in_dim3A : vector<1x1024xf32> to vector<8x1024xf32>
      %add3A_1868 = vector.broadcast %slice3A_1866 : vector<8x1xf32> to vector<8x1024xf32>
      %add3A_1869 = arith.addf %add3A_1867, %add3A_1868 : vector<8x1024xf32>
      %add3A_1870 = arith.addf %add3A_1869, %slice3A_1865 : vector<8x1024xf32>
      %lt3A_1871 = arith.cmpf olt, %add3A_1870, %select_n3A_1858 : vector<8x1024xf32>
      %select_n3A_1872 = arith.select %lt3A_1871, %add3A_1870, %select_n3A_1858 : vector<8x1024xi1>, vector<8x1024xf32>
      %mul3A_1873 = arith.constant 64 : i32
      %mul3A_1874 = arith.muli %add3A_991, %mul3A_1873 : i32
      %add3A_1875 = arith.constant 62 : i32
      %add3A_1876 = arith.addi %mul3A_1874, %add3A_1875 : i32
      %broadcast_in_dim3A_1877 = vector.broadcast %add3A_1876 : i32 to vector<8x1024xi32>
      %select_n3A_1878 = arith.select %lt3A_1871, %broadcast_in_dim3A_1877, %select_n3A_1864 : vector<8x1024xi1>, vector<8x1024xi32>
      %slice3A_1879 = vector.extract_strided_slice %dot_general3A_70 {offsets = [504, 0], sizes = [8, 1024], strides = [1, 1]} : vector<512x1024xf32> to vector<8x1024xf32>
      %slice3A_1880 = vector.extract_strided_slice %get3A_996 {offsets = [504, 0], sizes = [8, 1], strides = [1, 1]} : vector<512x1xf32> to vector<8x1xf32>
      %add3A_1881 = vector.broadcast %broadcast_in_dim3A : vector<1x1024xf32> to vector<8x1024xf32>
      %add3A_1882 = vector.broadcast %slice3A_1880 : vector<8x1xf32> to vector<8x1024xf32>
      %add3A_1883 = arith.addf %add3A_1881, %add3A_1882 : vector<8x1024xf32>
      %add3A_1884 = arith.addf %add3A_1883, %slice3A_1879 : vector<8x1024xf32>
      %lt3A_1885 = arith.cmpf olt, %add3A_1884, %select_n3A_1872 : vector<8x1024xf32>
      %select_n3A_1886 = arith.select %lt3A_1885, %add3A_1884, %select_n3A_1872 : vector<8x1024xi1>, vector<8x1024xf32>
      %mul3A_1887 = arith.constant 64 : i32
      %mul3A_1888 = arith.muli %add3A_991, %mul3A_1887 : i32
      %add3A_1889 = arith.constant 63 : i32
      %add3A_1890 = arith.addi %mul3A_1888, %add3A_1889 : i32
      %broadcast_in_dim3A_1891 = vector.broadcast %add3A_1890 : i32 to vector<8x1024xi32>
      %select_n3A_1892 = arith.select %lt3A_1885, %broadcast_in_dim3A_1891, %select_n3A_1878 : vector<8x1024xi1>, vector<8x1024xi32>
      %add3A_1893 = arith.constant 2 : i32
      %add3A_1894 = arith.addi %mul3A_53, %add3A_1893 : i32
      %mul3A_1895 = arith.constant 512 : i32
      %mul3A_1896 = arith.muli %add3A_1894, %mul3A_1895 : i32
      %get3A_1897 = arith.index_cast %mul3A_1896 : i32 to index
      %get3A_1898 = arith.constant 0 : index
      %get3A_1899 = vector.load %arg5[%get3A_1897, %get3A_1898] : memref<8192x1xf32, #tpu.memory_space<vmem>>, vector<512x1xf32>
      %slice3A_1900 = vector.extract_strided_slice %dot_general3A_79 {offsets = [0, 0], sizes = [8, 1024], strides = [1, 1]} : vector<512x1024xf32> to vector<8x1024xf32>
      %slice3A_1901 = vector.extract_strided_slice %get3A_1899 {offsets = [0, 0], sizes = [8, 1], strides = [1, 1]} : vector<512x1xf32> to vector<8x1xf32>
      %add3A_1902 = vector.broadcast %broadcast_in_dim3A : vector<1x1024xf32> to vector<8x1024xf32>
      %add3A_1903 = vector.broadcast %slice3A_1901 : vector<8x1xf32> to vector<8x1024xf32>
      %add3A_1904 = arith.addf %add3A_1902, %add3A_1903 : vector<8x1024xf32>
      %add3A_1905 = arith.addf %add3A_1904, %slice3A_1900 : vector<8x1024xf32>
      %lt3A_1906 = arith.cmpf olt, %add3A_1905, %select_n3A_1886 : vector<8x1024xf32>
      %select_n3A_1907 = arith.select %lt3A_1906, %add3A_1905, %select_n3A_1886 : vector<8x1024xi1>, vector<8x1024xf32>
      %mul3A_1908 = arith.constant 64 : i32
      %mul3A_1909 = arith.muli %add3A_1894, %mul3A_1908 : i32
      %add3A_1910 = arith.constant 0 : i32
      %add3A_1911 = arith.addi %mul3A_1909, %add3A_1910 : i32
      %broadcast_in_dim3A_1912 = vector.broadcast %add3A_1911 : i32 to vector<8x1024xi32>
      %select_n3A_1913 = arith.select %lt3A_1906, %broadcast_in_dim3A_1912, %select_n3A_1892 : vector<8x1024xi1>, vector<8x1024xi32>
      %slice3A_1914 = vector.extract_strided_slice %dot_general3A_79 {offsets = [8, 0], sizes = [8, 1024], strides = [1, 1]} : vector<512x1024xf32> to vector<8x1024xf32>
      %slice3A_1915 = vector.extract_strided_slice %get3A_1899 {offsets = [8, 0], sizes = [8, 1], strides = [1, 1]} : vector<512x1xf32> to vector<8x1xf32>
      %add3A_1916 = vector.broadcast %broadcast_in_dim3A : vector<1x1024xf32> to vector<8x1024xf32>
      %add3A_1917 = vector.broadcast %slice3A_1915 : vector<8x1xf32> to vector<8x1024xf32>
      %add3A_1918 = arith.addf %add3A_1916, %add3A_1917 : vector<8x1024xf32>
      %add3A_1919 = arith.addf %add3A_1918, %slice3A_1914 : vector<8x1024xf32>
      %lt3A_1920 = arith.cmpf olt, %add3A_1919, %select_n3A_1907 : vector<8x1024xf32>
      %select_n3A_1921 = arith.select %lt3A_1920, %add3A_1919, %select_n3A_1907 : vector<8x1024xi1>, vector<8x1024xf32>
      %mul3A_1922 = arith.constant 64 : i32
      %mul3A_1923 = arith.muli %add3A_1894, %mul3A_1922 : i32
      %add3A_1924 = arith.constant 1 : i32
      %add3A_1925 = arith.addi %mul3A_1923, %add3A_1924 : i32
      %broadcast_in_dim3A_1926 = vector.broadcast %add3A_1925 : i32 to vector<8x1024xi32>
      %select_n3A_1927 = arith.select %lt3A_1920, %broadcast_in_dim3A_1926, %select_n3A_1913 : vector<8x1024xi1>, vector<8x1024xi32>
      %slice3A_1928 = vector.extract_strided_slice %dot_general3A_79 {offsets = [16, 0], sizes = [8, 1024], strides = [1, 1]} : vector<512x1024xf32> to vector<8x1024xf32>
      %slice3A_1929 = vector.extract_strided_slice %get3A_1899 {offsets = [16, 0], sizes = [8, 1], strides = [1, 1]} : vector<512x1xf32> to vector<8x1xf32>
      %add3A_1930 = vector.broadcast %broadcast_in_dim3A : vector<1x1024xf32> to vector<8x1024xf32>
      %add3A_1931 = vector.broadcast %slice3A_1929 : vector<8x1xf32> to vector<8x1024xf32>
      %add3A_1932 = arith.addf %add3A_1930, %add3A_1931 : vector<8x1024xf32>
      %add3A_1933 = arith.addf %add3A_1932, %slice3A_1928 : vector<8x1024xf32>
      %lt3A_1934 = arith.cmpf olt, %add3A_1933, %select_n3A_1921 : vector<8x1024xf32>
      %select_n3A_1935 = arith.select %lt3A_1934, %add3A_1933, %select_n3A_1921 : vector<8x1024xi1>, vector<8x1024xf32>
      %mul3A_1936 = arith.constant 64 : i32
      %mul3A_1937 = arith.muli %add3A_1894, %mul3A_1936 : i32
      %add3A_1938 = arith.constant 2 : i32
      %add3A_1939 = arith.addi %mul3A_1937, %add3A_1938 : i32
      %broadcast_in_dim3A_1940 = vector.broadcast %add3A_1939 : i32 to vector<8x1024xi32>
      %select_n3A_1941 = arith.select %lt3A_1934, %broadcast_in_dim3A_1940, %select_n3A_1927 : vector<8x1024xi1>, vector<8x1024xi32>
      %slice3A_1942 = vector.extract_strided_slice %dot_general3A_79 {offsets = [24, 0], sizes = [8, 1024], strides = [1, 1]} : vector<512x1024xf32> to vector<8x1024xf32>
      %slice3A_1943 = vector.extract_strided_slice %get3A_1899 {offsets = [24, 0], sizes = [8, 1], strides = [1, 1]} : vector<512x1xf32> to vector<8x1xf32>
      %add3A_1944 = vector.broadcast %broadcast_in_dim3A : vector<1x1024xf32> to vector<8x1024xf32>
      %add3A_1945 = vector.broadcast %slice3A_1943 : vector<8x1xf32> to vector<8x1024xf32>
      %add3A_1946 = arith.addf %add3A_1944, %add3A_1945 : vector<8x1024xf32>
      %add3A_1947 = arith.addf %add3A_1946, %slice3A_1942 : vector<8x1024xf32>
      %lt3A_1948 = arith.cmpf olt, %add3A_1947, %select_n3A_1935 : vector<8x1024xf32>
      %select_n3A_1949 = arith.select %lt3A_1948, %add3A_1947, %select_n3A_1935 : vector<8x1024xi1>, vector<8x1024xf32>
      %mul3A_1950 = arith.constant 64 : i32
      %mul3A_1951 = arith.muli %add3A_1894, %mul3A_1950 : i32
      %add3A_1952 = arith.constant 3 : i32
      %add3A_1953 = arith.addi %mul3A_1951, %add3A_1952 : i32
      %broadcast_in_dim3A_1954 = vector.broadcast %add3A_1953 : i32 to vector<8x1024xi32>
      %select_n3A_1955 = arith.select %lt3A_1948, %broadcast_in_dim3A_1954, %select_n3A_1941 : vector<8x1024xi1>, vector<8x1024xi32>
      %slice3A_1956 = vector.extract_strided_slice %dot_general3A_79 {offsets = [32, 0], sizes = [8, 1024], strides = [1, 1]} : vector<512x1024xf32> to vector<8x1024xf32>
      %slice3A_1957 = vector.extract_strided_slice %get3A_1899 {offsets = [32, 0], sizes = [8, 1], strides = [1, 1]} : vector<512x1xf32> to vector<8x1xf32>
      %add3A_1958 = vector.broadcast %broadcast_in_dim3A : vector<1x1024xf32> to vector<8x1024xf32>
      %add3A_1959 = vector.broadcast %slice3A_1957 : vector<8x1xf32> to vector<8x1024xf32>
      %add3A_1960 = arith.addf %add3A_1958, %add3A_1959 : vector<8x1024xf32>
      %add3A_1961 = arith.addf %add3A_1960, %slice3A_1956 : vector<8x1024xf32>
      %lt3A_1962 = arith.cmpf olt, %add3A_1961, %select_n3A_1949 : vector<8x1024xf32>
      %select_n3A_1963 = arith.select %lt3A_1962, %add3A_1961, %select_n3A_1949 : vector<8x1024xi1>, vector<8x1024xf32>
      %mul3A_1964 = arith.constant 64 : i32
      %mul3A_1965 = arith.muli %add3A_1894, %mul3A_1964 : i32
      %add3A_1966 = arith.constant 4 : i32
      %add3A_1967 = arith.addi %mul3A_1965, %add3A_1966 : i32
      %broadcast_in_dim3A_1968 = vector.broadcast %add3A_1967 : i32 to vector<8x1024xi32>
      %select_n3A_1969 = arith.select %lt3A_1962, %broadcast_in_dim3A_1968, %select_n3A_1955 : vector<8x1024xi1>, vector<8x1024xi32>
      %slice3A_1970 = vector.extract_strided_slice %dot_general3A_79 {offsets = [40, 0], sizes = [8, 1024], strides = [1, 1]} : vector<512x1024xf32> to vector<8x1024xf32>
      %slice3A_1971 = vector.extract_strided_slice %get3A_1899 {offsets = [40, 0], sizes = [8, 1], strides = [1, 1]} : vector<512x1xf32> to vector<8x1xf32>
      %add3A_1972 = vector.broadcast %broadcast_in_dim3A : vector<1x1024xf32> to vector<8x1024xf32>
      %add3A_1973 = vector.broadcast %slice3A_1971 : vector<8x1xf32> to vector<8x1024xf32>
      %add3A_1974 = arith.addf %add3A_1972, %add3A_1973 : vector<8x1024xf32>
      %add3A_1975 = arith.addf %add3A_1974, %slice3A_1970 : vector<8x1024xf32>
      %lt3A_1976 = arith.cmpf olt, %add3A_1975, %select_n3A_1963 : vector<8x1024xf32>
      %select_n3A_1977 = arith.select %lt3A_1976, %add3A_1975, %select_n3A_1963 : vector<8x1024xi1>, vector<8x1024xf32>
      %mul3A_1978 = arith.constant 64 : i32
      %mul3A_1979 = arith.muli %add3A_1894, %mul3A_1978 : i32
      %add3A_1980 = arith.constant 5 : i32
      %add3A_1981 = arith.addi %mul3A_1979, %add3A_1980 : i32
      %broadcast_in_dim3A_1982 = vector.broadcast %add3A_1981 : i32 to vector<8x1024xi32>
      %select_n3A_1983 = arith.select %lt3A_1976, %broadcast_in_dim3A_1982, %select_n3A_1969 : vector<8x1024xi1>, vector<8x1024xi32>
      %slice3A_1984 = vector.extract_strided_slice %dot_general3A_79 {offsets = [48, 0], sizes = [8, 1024], strides = [1, 1]} : vector<512x1024xf32> to vector<8x1024xf32>
      %slice3A_1985 = vector.extract_strided_slice %get3A_1899 {offsets = [48, 0], sizes = [8, 1], strides = [1, 1]} : vector<512x1xf32> to vector<8x1xf32>
      %add3A_1986 = vector.broadcast %broadcast_in_dim3A : vector<1x1024xf32> to vector<8x1024xf32>
      %add3A_1987 = vector.broadcast %slice3A_1985 : vector<8x1xf32> to vector<8x1024xf32>
      %add3A_1988 = arith.addf %add3A_1986, %add3A_1987 : vector<8x1024xf32>
      %add3A_1989 = arith.addf %add3A_1988, %slice3A_1984 : vector<8x1024xf32>
      %lt3A_1990 = arith.cmpf olt, %add3A_1989, %select_n3A_1977 : vector<8x1024xf32>
      %select_n3A_1991 = arith.select %lt3A_1990, %add3A_1989, %select_n3A_1977 : vector<8x1024xi1>, vector<8x1024xf32>
      %mul3A_1992 = arith.constant 64 : i32
      %mul3A_1993 = arith.muli %add3A_1894, %mul3A_1992 : i32
      %add3A_1994 = arith.constant 6 : i32
      %add3A_1995 = arith.addi %mul3A_1993, %add3A_1994 : i32
      %broadcast_in_dim3A_1996 = vector.broadcast %add3A_1995 : i32 to vector<8x1024xi32>
      %select_n3A_1997 = arith.select %lt3A_1990, %broadcast_in_dim3A_1996, %select_n3A_1983 : vector<8x1024xi1>, vector<8x1024xi32>
      %slice3A_1998 = vector.extract_strided_slice %dot_general3A_79 {offsets = [56, 0], sizes = [8, 1024], strides = [1, 1]} : vector<512x1024xf32> to vector<8x1024xf32>
      %slice3A_1999 = vector.extract_strided_slice %get3A_1899 {offsets = [56, 0], sizes = [8, 1], strides = [1, 1]} : vector<512x1xf32> to vector<8x1xf32>
      %add3A_2000 = vector.broadcast %broadcast_in_dim3A : vector<1x1024xf32> to vector<8x1024xf32>
      %add3A_2001 = vector.broadcast %slice3A_1999 : vector<8x1xf32> to vector<8x1024xf32>
      %add3A_2002 = arith.addf %add3A_2000, %add3A_2001 : vector<8x1024xf32>
      %add3A_2003 = arith.addf %add3A_2002, %slice3A_1998 : vector<8x1024xf32>
      %lt3A_2004 = arith.cmpf olt, %add3A_2003, %select_n3A_1991 : vector<8x1024xf32>
      %select_n3A_2005 = arith.select %lt3A_2004, %add3A_2003, %select_n3A_1991 : vector<8x1024xi1>, vector<8x1024xf32>
      %mul3A_2006 = arith.constant 64 : i32
      %mul3A_2007 = arith.muli %add3A_1894, %mul3A_2006 : i32
      %add3A_2008 = arith.constant 7 : i32
      %add3A_2009 = arith.addi %mul3A_2007, %add3A_2008 : i32
      %broadcast_in_dim3A_2010 = vector.broadcast %add3A_2009 : i32 to vector<8x1024xi32>
      %select_n3A_2011 = arith.select %lt3A_2004, %broadcast_in_dim3A_2010, %select_n3A_1997 : vector<8x1024xi1>, vector<8x1024xi32>
      %slice3A_2012 = vector.extract_strided_slice %dot_general3A_79 {offsets = [64, 0], sizes = [8, 1024], strides = [1, 1]} : vector<512x1024xf32> to vector<8x1024xf32>
      %slice3A_2013 = vector.extract_strided_slice %get3A_1899 {offsets = [64, 0], sizes = [8, 1], strides = [1, 1]} : vector<512x1xf32> to vector<8x1xf32>
      %add3A_2014 = vector.broadcast %broadcast_in_dim3A : vector<1x1024xf32> to vector<8x1024xf32>
      %add3A_2015 = vector.broadcast %slice3A_2013 : vector<8x1xf32> to vector<8x1024xf32>
      %add3A_2016 = arith.addf %add3A_2014, %add3A_2015 : vector<8x1024xf32>
      %add3A_2017 = arith.addf %add3A_2016, %slice3A_2012 : vector<8x1024xf32>
      %lt3A_2018 = arith.cmpf olt, %add3A_2017, %select_n3A_2005 : vector<8x1024xf32>
      %select_n3A_2019 = arith.select %lt3A_2018, %add3A_2017, %select_n3A_2005 : vector<8x1024xi1>, vector<8x1024xf32>
      %mul3A_2020 = arith.constant 64 : i32
      %mul3A_2021 = arith.muli %add3A_1894, %mul3A_2020 : i32
      %add3A_2022 = arith.constant 8 : i32
      %add3A_2023 = arith.addi %mul3A_2021, %add3A_2022 : i32
      %broadcast_in_dim3A_2024 = vector.broadcast %add3A_2023 : i32 to vector<8x1024xi32>
      %select_n3A_2025 = arith.select %lt3A_2018, %broadcast_in_dim3A_2024, %select_n3A_2011 : vector<8x1024xi1>, vector<8x1024xi32>
      %slice3A_2026 = vector.extract_strided_slice %dot_general3A_79 {offsets = [72, 0], sizes = [8, 1024], strides = [1, 1]} : vector<512x1024xf32> to vector<8x1024xf32>
      %slice3A_2027 = vector.extract_strided_slice %get3A_1899 {offsets = [72, 0], sizes = [8, 1], strides = [1, 1]} : vector<512x1xf32> to vector<8x1xf32>
      %add3A_2028 = vector.broadcast %broadcast_in_dim3A : vector<1x1024xf32> to vector<8x1024xf32>
      %add3A_2029 = vector.broadcast %slice3A_2027 : vector<8x1xf32> to vector<8x1024xf32>
      %add3A_2030 = arith.addf %add3A_2028, %add3A_2029 : vector<8x1024xf32>
      %add3A_2031 = arith.addf %add3A_2030, %slice3A_2026 : vector<8x1024xf32>
      %lt3A_2032 = arith.cmpf olt, %add3A_2031, %select_n3A_2019 : vector<8x1024xf32>
      %select_n3A_2033 = arith.select %lt3A_2032, %add3A_2031, %select_n3A_2019 : vector<8x1024xi1>, vector<8x1024xf32>
      %mul3A_2034 = arith.constant 64 : i32
      %mul3A_2035 = arith.muli %add3A_1894, %mul3A_2034 : i32
      %add3A_2036 = arith.constant 9 : i32
      %add3A_2037 = arith.addi %mul3A_2035, %add3A_2036 : i32
      %broadcast_in_dim3A_2038 = vector.broadcast %add3A_2037 : i32 to vector<8x1024xi32>
      %select_n3A_2039 = arith.select %lt3A_2032, %broadcast_in_dim3A_2038, %select_n3A_2025 : vector<8x1024xi1>, vector<8x1024xi32>
      %slice3A_2040 = vector.extract_strided_slice %dot_general3A_79 {offsets = [80, 0], sizes = [8, 1024], strides = [1, 1]} : vector<512x1024xf32> to vector<8x1024xf32>
      %slice3A_2041 = vector.extract_strided_slice %get3A_1899 {offsets = [80, 0], sizes = [8, 1], strides = [1, 1]} : vector<512x1xf32> to vector<8x1xf32>
      %add3A_2042 = vector.broadcast %broadcast_in_dim3A : vector<1x1024xf32> to vector<8x1024xf32>
      %add3A_2043 = vector.broadcast %slice3A_2041 : vector<8x1xf32> to vector<8x1024xf32>
      %add3A_2044 = arith.addf %add3A_2042, %add3A_2043 : vector<8x1024xf32>
      %add3A_2045 = arith.addf %add3A_2044, %slice3A_2040 : vector<8x1024xf32>
      %lt3A_2046 = arith.cmpf olt, %add3A_2045, %select_n3A_2033 : vector<8x1024xf32>
      %select_n3A_2047 = arith.select %lt3A_2046, %add3A_2045, %select_n3A_2033 : vector<8x1024xi1>, vector<8x1024xf32>
      %mul3A_2048 = arith.constant 64 : i32
      %mul3A_2049 = arith.muli %add3A_1894, %mul3A_2048 : i32
      %add3A_2050 = arith.constant 10 : i32
      %add3A_2051 = arith.addi %mul3A_2049, %add3A_2050 : i32
      %broadcast_in_dim3A_2052 = vector.broadcast %add3A_2051 : i32 to vector<8x1024xi32>
      %select_n3A_2053 = arith.select %lt3A_2046, %broadcast_in_dim3A_2052, %select_n3A_2039 : vector<8x1024xi1>, vector<8x1024xi32>
      %slice3A_2054 = vector.extract_strided_slice %dot_general3A_79 {offsets = [88, 0], sizes = [8, 1024], strides = [1, 1]} : vector<512x1024xf32> to vector<8x1024xf32>
      %slice3A_2055 = vector.extract_strided_slice %get3A_1899 {offsets = [88, 0], sizes = [8, 1], strides = [1, 1]} : vector<512x1xf32> to vector<8x1xf32>
      %add3A_2056 = vector.broadcast %broadcast_in_dim3A : vector<1x1024xf32> to vector<8x1024xf32>
      %add3A_2057 = vector.broadcast %slice3A_2055 : vector<8x1xf32> to vector<8x1024xf32>
      %add3A_2058 = arith.addf %add3A_2056, %add3A_2057 : vector<8x1024xf32>
      %add3A_2059 = arith.addf %add3A_2058, %slice3A_2054 : vector<8x1024xf32>
      %lt3A_2060 = arith.cmpf olt, %add3A_2059, %select_n3A_2047 : vector<8x1024xf32>
      %select_n3A_2061 = arith.select %lt3A_2060, %add3A_2059, %select_n3A_2047 : vector<8x1024xi1>, vector<8x1024xf32>
      %mul3A_2062 = arith.constant 64 : i32
      %mul3A_2063 = arith.muli %add3A_1894, %mul3A_2062 : i32
      %add3A_2064 = arith.constant 11 : i32
      %add3A_2065 = arith.addi %mul3A_2063, %add3A_2064 : i32
      %broadcast_in_dim3A_2066 = vector.broadcast %add3A_2065 : i32 to vector<8x1024xi32>
      %select_n3A_2067 = arith.select %lt3A_2060, %broadcast_in_dim3A_2066, %select_n3A_2053 : vector<8x1024xi1>, vector<8x1024xi32>
      %slice3A_2068 = vector.extract_strided_slice %dot_general3A_79 {offsets = [96, 0], sizes = [8, 1024], strides = [1, 1]} : vector<512x1024xf32> to vector<8x1024xf32>
      %slice3A_2069 = vector.extract_strided_slice %get3A_1899 {offsets = [96, 0], sizes = [8, 1], strides = [1, 1]} : vector<512x1xf32> to vector<8x1xf32>
      %add3A_2070 = vector.broadcast %broadcast_in_dim3A : vector<1x1024xf32> to vector<8x1024xf32>
      %add3A_2071 = vector.broadcast %slice3A_2069 : vector<8x1xf32> to vector<8x1024xf32>
      %add3A_2072 = arith.addf %add3A_2070, %add3A_2071 : vector<8x1024xf32>
      %add3A_2073 = arith.addf %add3A_2072, %slice3A_2068 : vector<8x1024xf32>
      %lt3A_2074 = arith.cmpf olt, %add3A_2073, %select_n3A_2061 : vector<8x1024xf32>
      %select_n3A_2075 = arith.select %lt3A_2074, %add3A_2073, %select_n3A_2061 : vector<8x1024xi1>, vector<8x1024xf32>
      %mul3A_2076 = arith.constant 64 : i32
      %mul3A_2077 = arith.muli %add3A_1894, %mul3A_2076 : i32
      %add3A_2078 = arith.constant 12 : i32
      %add3A_2079 = arith.addi %mul3A_2077, %add3A_2078 : i32
      %broadcast_in_dim3A_2080 = vector.broadcast %add3A_2079 : i32 to vector<8x1024xi32>
      %select_n3A_2081 = arith.select %lt3A_2074, %broadcast_in_dim3A_2080, %select_n3A_2067 : vector<8x1024xi1>, vector<8x1024xi32>
      %slice3A_2082 = vector.extract_strided_slice %dot_general3A_79 {offsets = [104, 0], sizes = [8, 1024], strides = [1, 1]} : vector<512x1024xf32> to vector<8x1024xf32>
      %slice3A_2083 = vector.extract_strided_slice %get3A_1899 {offsets = [104, 0], sizes = [8, 1], strides = [1, 1]} : vector<512x1xf32> to vector<8x1xf32>
      %add3A_2084 = vector.broadcast %broadcast_in_dim3A : vector<1x1024xf32> to vector<8x1024xf32>
      %add3A_2085 = vector.broadcast %slice3A_2083 : vector<8x1xf32> to vector<8x1024xf32>
      %add3A_2086 = arith.addf %add3A_2084, %add3A_2085 : vector<8x1024xf32>
      %add3A_2087 = arith.addf %add3A_2086, %slice3A_2082 : vector<8x1024xf32>
      %lt3A_2088 = arith.cmpf olt, %add3A_2087, %select_n3A_2075 : vector<8x1024xf32>
      %select_n3A_2089 = arith.select %lt3A_2088, %add3A_2087, %select_n3A_2075 : vector<8x1024xi1>, vector<8x1024xf32>
      %mul3A_2090 = arith.constant 64 : i32
      %mul3A_2091 = arith.muli %add3A_1894, %mul3A_2090 : i32
      %add3A_2092 = arith.constant 13 : i32
      %add3A_2093 = arith.addi %mul3A_2091, %add3A_2092 : i32
      %broadcast_in_dim3A_2094 = vector.broadcast %add3A_2093 : i32 to vector<8x1024xi32>
      %select_n3A_2095 = arith.select %lt3A_2088, %broadcast_in_dim3A_2094, %select_n3A_2081 : vector<8x1024xi1>, vector<8x1024xi32>
      %slice3A_2096 = vector.extract_strided_slice %dot_general3A_79 {offsets = [112, 0], sizes = [8, 1024], strides = [1, 1]} : vector<512x1024xf32> to vector<8x1024xf32>
      %slice3A_2097 = vector.extract_strided_slice %get3A_1899 {offsets = [112, 0], sizes = [8, 1], strides = [1, 1]} : vector<512x1xf32> to vector<8x1xf32>
      %add3A_2098 = vector.broadcast %broadcast_in_dim3A : vector<1x1024xf32> to vector<8x1024xf32>
      %add3A_2099 = vector.broadcast %slice3A_2097 : vector<8x1xf32> to vector<8x1024xf32>
      %add3A_2100 = arith.addf %add3A_2098, %add3A_2099 : vector<8x1024xf32>
      %add3A_2101 = arith.addf %add3A_2100, %slice3A_2096 : vector<8x1024xf32>
      %lt3A_2102 = arith.cmpf olt, %add3A_2101, %select_n3A_2089 : vector<8x1024xf32>
      %select_n3A_2103 = arith.select %lt3A_2102, %add3A_2101, %select_n3A_2089 : vector<8x1024xi1>, vector<8x1024xf32>
      %mul3A_2104 = arith.constant 64 : i32
      %mul3A_2105 = arith.muli %add3A_1894, %mul3A_2104 : i32
      %add3A_2106 = arith.constant 14 : i32
      %add3A_2107 = arith.addi %mul3A_2105, %add3A_2106 : i32
      %broadcast_in_dim3A_2108 = vector.broadcast %add3A_2107 : i32 to vector<8x1024xi32>
      %select_n3A_2109 = arith.select %lt3A_2102, %broadcast_in_dim3A_2108, %select_n3A_2095 : vector<8x1024xi1>, vector<8x1024xi32>
      %slice3A_2110 = vector.extract_strided_slice %dot_general3A_79 {offsets = [120, 0], sizes = [8, 1024], strides = [1, 1]} : vector<512x1024xf32> to vector<8x1024xf32>
      %slice3A_2111 = vector.extract_strided_slice %get3A_1899 {offsets = [120, 0], sizes = [8, 1], strides = [1, 1]} : vector<512x1xf32> to vector<8x1xf32>
      %add3A_2112 = vector.broadcast %broadcast_in_dim3A : vector<1x1024xf32> to vector<8x1024xf32>
      %add3A_2113 = vector.broadcast %slice3A_2111 : vector<8x1xf32> to vector<8x1024xf32>
      %add3A_2114 = arith.addf %add3A_2112, %add3A_2113 : vector<8x1024xf32>
      %add3A_2115 = arith.addf %add3A_2114, %slice3A_2110 : vector<8x1024xf32>
      %lt3A_2116 = arith.cmpf olt, %add3A_2115, %select_n3A_2103 : vector<8x1024xf32>
      %select_n3A_2117 = arith.select %lt3A_2116, %add3A_2115, %select_n3A_2103 : vector<8x1024xi1>, vector<8x1024xf32>
      %mul3A_2118 = arith.constant 64 : i32
      %mul3A_2119 = arith.muli %add3A_1894, %mul3A_2118 : i32
      %add3A_2120 = arith.constant 15 : i32
      %add3A_2121 = arith.addi %mul3A_2119, %add3A_2120 : i32
      %broadcast_in_dim3A_2122 = vector.broadcast %add3A_2121 : i32 to vector<8x1024xi32>
      %select_n3A_2123 = arith.select %lt3A_2116, %broadcast_in_dim3A_2122, %select_n3A_2109 : vector<8x1024xi1>, vector<8x1024xi32>
      %slice3A_2124 = vector.extract_strided_slice %dot_general3A_79 {offsets = [128, 0], sizes = [8, 1024], strides = [1, 1]} : vector<512x1024xf32> to vector<8x1024xf32>
      %slice3A_2125 = vector.extract_strided_slice %get3A_1899 {offsets = [128, 0], sizes = [8, 1], strides = [1, 1]} : vector<512x1xf32> to vector<8x1xf32>
      %add3A_2126 = vector.broadcast %broadcast_in_dim3A : vector<1x1024xf32> to vector<8x1024xf32>
      %add3A_2127 = vector.broadcast %slice3A_2125 : vector<8x1xf32> to vector<8x1024xf32>
      %add3A_2128 = arith.addf %add3A_2126, %add3A_2127 : vector<8x1024xf32>
      %add3A_2129 = arith.addf %add3A_2128, %slice3A_2124 : vector<8x1024xf32>
      %lt3A_2130 = arith.cmpf olt, %add3A_2129, %select_n3A_2117 : vector<8x1024xf32>
      %select_n3A_2131 = arith.select %lt3A_2130, %add3A_2129, %select_n3A_2117 : vector<8x1024xi1>, vector<8x1024xf32>
      %mul3A_2132 = arith.constant 64 : i32
      %mul3A_2133 = arith.muli %add3A_1894, %mul3A_2132 : i32
      %add3A_2134 = arith.constant 16 : i32
      %add3A_2135 = arith.addi %mul3A_2133, %add3A_2134 : i32
      %broadcast_in_dim3A_2136 = vector.broadcast %add3A_2135 : i32 to vector<8x1024xi32>
      %select_n3A_2137 = arith.select %lt3A_2130, %broadcast_in_dim3A_2136, %select_n3A_2123 : vector<8x1024xi1>, vector<8x1024xi32>
      %slice3A_2138 = vector.extract_strided_slice %dot_general3A_79 {offsets = [136, 0], sizes = [8, 1024], strides = [1, 1]} : vector<512x1024xf32> to vector<8x1024xf32>
      %slice3A_2139 = vector.extract_strided_slice %get3A_1899 {offsets = [136, 0], sizes = [8, 1], strides = [1, 1]} : vector<512x1xf32> to vector<8x1xf32>
      %add3A_2140 = vector.broadcast %broadcast_in_dim3A : vector<1x1024xf32> to vector<8x1024xf32>
      %add3A_2141 = vector.broadcast %slice3A_2139 : vector<8x1xf32> to vector<8x1024xf32>
      %add3A_2142 = arith.addf %add3A_2140, %add3A_2141 : vector<8x1024xf32>
      %add3A_2143 = arith.addf %add3A_2142, %slice3A_2138 : vector<8x1024xf32>
      %lt3A_2144 = arith.cmpf olt, %add3A_2143, %select_n3A_2131 : vector<8x1024xf32>
      %select_n3A_2145 = arith.select %lt3A_2144, %add3A_2143, %select_n3A_2131 : vector<8x1024xi1>, vector<8x1024xf32>
      %mul3A_2146 = arith.constant 64 : i32
      %mul3A_2147 = arith.muli %add3A_1894, %mul3A_2146 : i32
      %add3A_2148 = arith.constant 17 : i32
      %add3A_2149 = arith.addi %mul3A_2147, %add3A_2148 : i32
      %broadcast_in_dim3A_2150 = vector.broadcast %add3A_2149 : i32 to vector<8x1024xi32>
      %select_n3A_2151 = arith.select %lt3A_2144, %broadcast_in_dim3A_2150, %select_n3A_2137 : vector<8x1024xi1>, vector<8x1024xi32>
      %slice3A_2152 = vector.extract_strided_slice %dot_general3A_79 {offsets = [144, 0], sizes = [8, 1024], strides = [1, 1]} : vector<512x1024xf32> to vector<8x1024xf32>
      %slice3A_2153 = vector.extract_strided_slice %get3A_1899 {offsets = [144, 0], sizes = [8, 1], strides = [1, 1]} : vector<512x1xf32> to vector<8x1xf32>
      %add3A_2154 = vector.broadcast %broadcast_in_dim3A : vector<1x1024xf32> to vector<8x1024xf32>
      %add3A_2155 = vector.broadcast %slice3A_2153 : vector<8x1xf32> to vector<8x1024xf32>
      %add3A_2156 = arith.addf %add3A_2154, %add3A_2155 : vector<8x1024xf32>
      %add3A_2157 = arith.addf %add3A_2156, %slice3A_2152 : vector<8x1024xf32>
      %lt3A_2158 = arith.cmpf olt, %add3A_2157, %select_n3A_2145 : vector<8x1024xf32>
      %select_n3A_2159 = arith.select %lt3A_2158, %add3A_2157, %select_n3A_2145 : vector<8x1024xi1>, vector<8x1024xf32>
      %mul3A_2160 = arith.constant 64 : i32
      %mul3A_2161 = arith.muli %add3A_1894, %mul3A_2160 : i32
      %add3A_2162 = arith.constant 18 : i32
      %add3A_2163 = arith.addi %mul3A_2161, %add3A_2162 : i32
      %broadcast_in_dim3A_2164 = vector.broadcast %add3A_2163 : i32 to vector<8x1024xi32>
      %select_n3A_2165 = arith.select %lt3A_2158, %broadcast_in_dim3A_2164, %select_n3A_2151 : vector<8x1024xi1>, vector<8x1024xi32>
      %slice3A_2166 = vector.extract_strided_slice %dot_general3A_79 {offsets = [152, 0], sizes = [8, 1024], strides = [1, 1]} : vector<512x1024xf32> to vector<8x1024xf32>
      %slice3A_2167 = vector.extract_strided_slice %get3A_1899 {offsets = [152, 0], sizes = [8, 1], strides = [1, 1]} : vector<512x1xf32> to vector<8x1xf32>
      %add3A_2168 = vector.broadcast %broadcast_in_dim3A : vector<1x1024xf32> to vector<8x1024xf32>
      %add3A_2169 = vector.broadcast %slice3A_2167 : vector<8x1xf32> to vector<8x1024xf32>
      %add3A_2170 = arith.addf %add3A_2168, %add3A_2169 : vector<8x1024xf32>
      %add3A_2171 = arith.addf %add3A_2170, %slice3A_2166 : vector<8x1024xf32>
      %lt3A_2172 = arith.cmpf olt, %add3A_2171, %select_n3A_2159 : vector<8x1024xf32>
      %select_n3A_2173 = arith.select %lt3A_2172, %add3A_2171, %select_n3A_2159 : vector<8x1024xi1>, vector<8x1024xf32>
      %mul3A_2174 = arith.constant 64 : i32
      %mul3A_2175 = arith.muli %add3A_1894, %mul3A_2174 : i32
      %add3A_2176 = arith.constant 19 : i32
      %add3A_2177 = arith.addi %mul3A_2175, %add3A_2176 : i32
      %broadcast_in_dim3A_2178 = vector.broadcast %add3A_2177 : i32 to vector<8x1024xi32>
      %select_n3A_2179 = arith.select %lt3A_2172, %broadcast_in_dim3A_2178, %select_n3A_2165 : vector<8x1024xi1>, vector<8x1024xi32>
      %slice3A_2180 = vector.extract_strided_slice %dot_general3A_79 {offsets = [160, 0], sizes = [8, 1024], strides = [1, 1]} : vector<512x1024xf32> to vector<8x1024xf32>
      %slice3A_2181 = vector.extract_strided_slice %get3A_1899 {offsets = [160, 0], sizes = [8, 1], strides = [1, 1]} : vector<512x1xf32> to vector<8x1xf32>
      %add3A_2182 = vector.broadcast %broadcast_in_dim3A : vector<1x1024xf32> to vector<8x1024xf32>
      %add3A_2183 = vector.broadcast %slice3A_2181 : vector<8x1xf32> to vector<8x1024xf32>
      %add3A_2184 = arith.addf %add3A_2182, %add3A_2183 : vector<8x1024xf32>
      %add3A_2185 = arith.addf %add3A_2184, %slice3A_2180 : vector<8x1024xf32>
      %lt3A_2186 = arith.cmpf olt, %add3A_2185, %select_n3A_2173 : vector<8x1024xf32>
      %select_n3A_2187 = arith.select %lt3A_2186, %add3A_2185, %select_n3A_2173 : vector<8x1024xi1>, vector<8x1024xf32>
      %mul3A_2188 = arith.constant 64 : i32
      %mul3A_2189 = arith.muli %add3A_1894, %mul3A_2188 : i32
      %add3A_2190 = arith.constant 20 : i32
      %add3A_2191 = arith.addi %mul3A_2189, %add3A_2190 : i32
      %broadcast_in_dim3A_2192 = vector.broadcast %add3A_2191 : i32 to vector<8x1024xi32>
      %select_n3A_2193 = arith.select %lt3A_2186, %broadcast_in_dim3A_2192, %select_n3A_2179 : vector<8x1024xi1>, vector<8x1024xi32>
      %slice3A_2194 = vector.extract_strided_slice %dot_general3A_79 {offsets = [168, 0], sizes = [8, 1024], strides = [1, 1]} : vector<512x1024xf32> to vector<8x1024xf32>
      %slice3A_2195 = vector.extract_strided_slice %get3A_1899 {offsets = [168, 0], sizes = [8, 1], strides = [1, 1]} : vector<512x1xf32> to vector<8x1xf32>
      %add3A_2196 = vector.broadcast %broadcast_in_dim3A : vector<1x1024xf32> to vector<8x1024xf32>
      %add3A_2197 = vector.broadcast %slice3A_2195 : vector<8x1xf32> to vector<8x1024xf32>
      %add3A_2198 = arith.addf %add3A_2196, %add3A_2197 : vector<8x1024xf32>
      %add3A_2199 = arith.addf %add3A_2198, %slice3A_2194 : vector<8x1024xf32>
      %lt3A_2200 = arith.cmpf olt, %add3A_2199, %select_n3A_2187 : vector<8x1024xf32>
      %select_n3A_2201 = arith.select %lt3A_2200, %add3A_2199, %select_n3A_2187 : vector<8x1024xi1>, vector<8x1024xf32>
      %mul3A_2202 = arith.constant 64 : i32
      %mul3A_2203 = arith.muli %add3A_1894, %mul3A_2202 : i32
      %add3A_2204 = arith.constant 21 : i32
      %add3A_2205 = arith.addi %mul3A_2203, %add3A_2204 : i32
      %broadcast_in_dim3A_2206 = vector.broadcast %add3A_2205 : i32 to vector<8x1024xi32>
      %select_n3A_2207 = arith.select %lt3A_2200, %broadcast_in_dim3A_2206, %select_n3A_2193 : vector<8x1024xi1>, vector<8x1024xi32>
      %slice3A_2208 = vector.extract_strided_slice %dot_general3A_79 {offsets = [176, 0], sizes = [8, 1024], strides = [1, 1]} : vector<512x1024xf32> to vector<8x1024xf32>
      %slice3A_2209 = vector.extract_strided_slice %get3A_1899 {offsets = [176, 0], sizes = [8, 1], strides = [1, 1]} : vector<512x1xf32> to vector<8x1xf32>
      %add3A_2210 = vector.broadcast %broadcast_in_dim3A : vector<1x1024xf32> to vector<8x1024xf32>
      %add3A_2211 = vector.broadcast %slice3A_2209 : vector<8x1xf32> to vector<8x1024xf32>
      %add3A_2212 = arith.addf %add3A_2210, %add3A_2211 : vector<8x1024xf32>
      %add3A_2213 = arith.addf %add3A_2212, %slice3A_2208 : vector<8x1024xf32>
      %lt3A_2214 = arith.cmpf olt, %add3A_2213, %select_n3A_2201 : vector<8x1024xf32>
      %select_n3A_2215 = arith.select %lt3A_2214, %add3A_2213, %select_n3A_2201 : vector<8x1024xi1>, vector<8x1024xf32>
      %mul3A_2216 = arith.constant 64 : i32
      %mul3A_2217 = arith.muli %add3A_1894, %mul3A_2216 : i32
      %add3A_2218 = arith.constant 22 : i32
      %add3A_2219 = arith.addi %mul3A_2217, %add3A_2218 : i32
      %broadcast_in_dim3A_2220 = vector.broadcast %add3A_2219 : i32 to vector<8x1024xi32>
      %select_n3A_2221 = arith.select %lt3A_2214, %broadcast_in_dim3A_2220, %select_n3A_2207 : vector<8x1024xi1>, vector<8x1024xi32>
      %slice3A_2222 = vector.extract_strided_slice %dot_general3A_79 {offsets = [184, 0], sizes = [8, 1024], strides = [1, 1]} : vector<512x1024xf32> to vector<8x1024xf32>
      %slice3A_2223 = vector.extract_strided_slice %get3A_1899 {offsets = [184, 0], sizes = [8, 1], strides = [1, 1]} : vector<512x1xf32> to vector<8x1xf32>
      %add3A_2224 = vector.broadcast %broadcast_in_dim3A : vector<1x1024xf32> to vector<8x1024xf32>
      %add3A_2225 = vector.broadcast %slice3A_2223 : vector<8x1xf32> to vector<8x1024xf32>
      %add3A_2226 = arith.addf %add3A_2224, %add3A_2225 : vector<8x1024xf32>
      %add3A_2227 = arith.addf %add3A_2226, %slice3A_2222 : vector<8x1024xf32>
      %lt3A_2228 = arith.cmpf olt, %add3A_2227, %select_n3A_2215 : vector<8x1024xf32>
      %select_n3A_2229 = arith.select %lt3A_2228, %add3A_2227, %select_n3A_2215 : vector<8x1024xi1>, vector<8x1024xf32>
      %mul3A_2230 = arith.constant 64 : i32
      %mul3A_2231 = arith.muli %add3A_1894, %mul3A_2230 : i32
      %add3A_2232 = arith.constant 23 : i32
      %add3A_2233 = arith.addi %mul3A_2231, %add3A_2232 : i32
      %broadcast_in_dim3A_2234 = vector.broadcast %add3A_2233 : i32 to vector<8x1024xi32>
      %select_n3A_2235 = arith.select %lt3A_2228, %broadcast_in_dim3A_2234, %select_n3A_2221 : vector<8x1024xi1>, vector<8x1024xi32>
      %slice3A_2236 = vector.extract_strided_slice %dot_general3A_79 {offsets = [192, 0], sizes = [8, 1024], strides = [1, 1]} : vector<512x1024xf32> to vector<8x1024xf32>
      %slice3A_2237 = vector.extract_strided_slice %get3A_1899 {offsets = [192, 0], sizes = [8, 1], strides = [1, 1]} : vector<512x1xf32> to vector<8x1xf32>
      %add3A_2238 = vector.broadcast %broadcast_in_dim3A : vector<1x1024xf32> to vector<8x1024xf32>
      %add3A_2239 = vector.broadcast %slice3A_2237 : vector<8x1xf32> to vector<8x1024xf32>
      %add3A_2240 = arith.addf %add3A_2238, %add3A_2239 : vector<8x1024xf32>
      %add3A_2241 = arith.addf %add3A_2240, %slice3A_2236 : vector<8x1024xf32>
      %lt3A_2242 = arith.cmpf olt, %add3A_2241, %select_n3A_2229 : vector<8x1024xf32>
      %select_n3A_2243 = arith.select %lt3A_2242, %add3A_2241, %select_n3A_2229 : vector<8x1024xi1>, vector<8x1024xf32>
      %mul3A_2244 = arith.constant 64 : i32
      %mul3A_2245 = arith.muli %add3A_1894, %mul3A_2244 : i32
      %add3A_2246 = arith.constant 24 : i32
      %add3A_2247 = arith.addi %mul3A_2245, %add3A_2246 : i32
      %broadcast_in_dim3A_2248 = vector.broadcast %add3A_2247 : i32 to vector<8x1024xi32>
      %select_n3A_2249 = arith.select %lt3A_2242, %broadcast_in_dim3A_2248, %select_n3A_2235 : vector<8x1024xi1>, vector<8x1024xi32>
      %slice3A_2250 = vector.extract_strided_slice %dot_general3A_79 {offsets = [200, 0], sizes = [8, 1024], strides = [1, 1]} : vector<512x1024xf32> to vector<8x1024xf32>
      %slice3A_2251 = vector.extract_strided_slice %get3A_1899 {offsets = [200, 0], sizes = [8, 1], strides = [1, 1]} : vector<512x1xf32> to vector<8x1xf32>
      %add3A_2252 = vector.broadcast %broadcast_in_dim3A : vector<1x1024xf32> to vector<8x1024xf32>
      %add3A_2253 = vector.broadcast %slice3A_2251 : vector<8x1xf32> to vector<8x1024xf32>
      %add3A_2254 = arith.addf %add3A_2252, %add3A_2253 : vector<8x1024xf32>
      %add3A_2255 = arith.addf %add3A_2254, %slice3A_2250 : vector<8x1024xf32>
      %lt3A_2256 = arith.cmpf olt, %add3A_2255, %select_n3A_2243 : vector<8x1024xf32>
      %select_n3A_2257 = arith.select %lt3A_2256, %add3A_2255, %select_n3A_2243 : vector<8x1024xi1>, vector<8x1024xf32>
      %mul3A_2258 = arith.constant 64 : i32
      %mul3A_2259 = arith.muli %add3A_1894, %mul3A_2258 : i32
      %add3A_2260 = arith.constant 25 : i32
      %add3A_2261 = arith.addi %mul3A_2259, %add3A_2260 : i32
      %broadcast_in_dim3A_2262 = vector.broadcast %add3A_2261 : i32 to vector<8x1024xi32>
      %select_n3A_2263 = arith.select %lt3A_2256, %broadcast_in_dim3A_2262, %select_n3A_2249 : vector<8x1024xi1>, vector<8x1024xi32>
      %slice3A_2264 = vector.extract_strided_slice %dot_general3A_79 {offsets = [208, 0], sizes = [8, 1024], strides = [1, 1]} : vector<512x1024xf32> to vector<8x1024xf32>
      %slice3A_2265 = vector.extract_strided_slice %get3A_1899 {offsets = [208, 0], sizes = [8, 1], strides = [1, 1]} : vector<512x1xf32> to vector<8x1xf32>
      %add3A_2266 = vector.broadcast %broadcast_in_dim3A : vector<1x1024xf32> to vector<8x1024xf32>
      %add3A_2267 = vector.broadcast %slice3A_2265 : vector<8x1xf32> to vector<8x1024xf32>
      %add3A_2268 = arith.addf %add3A_2266, %add3A_2267 : vector<8x1024xf32>
      %add3A_2269 = arith.addf %add3A_2268, %slice3A_2264 : vector<8x1024xf32>
      %lt3A_2270 = arith.cmpf olt, %add3A_2269, %select_n3A_2257 : vector<8x1024xf32>
      %select_n3A_2271 = arith.select %lt3A_2270, %add3A_2269, %select_n3A_2257 : vector<8x1024xi1>, vector<8x1024xf32>
      %mul3A_2272 = arith.constant 64 : i32
      %mul3A_2273 = arith.muli %add3A_1894, %mul3A_2272 : i32
      %add3A_2274 = arith.constant 26 : i32
      %add3A_2275 = arith.addi %mul3A_2273, %add3A_2274 : i32
      %broadcast_in_dim3A_2276 = vector.broadcast %add3A_2275 : i32 to vector<8x1024xi32>
      %select_n3A_2277 = arith.select %lt3A_2270, %broadcast_in_dim3A_2276, %select_n3A_2263 : vector<8x1024xi1>, vector<8x1024xi32>
      %slice3A_2278 = vector.extract_strided_slice %dot_general3A_79 {offsets = [216, 0], sizes = [8, 1024], strides = [1, 1]} : vector<512x1024xf32> to vector<8x1024xf32>
      %slice3A_2279 = vector.extract_strided_slice %get3A_1899 {offsets = [216, 0], sizes = [8, 1], strides = [1, 1]} : vector<512x1xf32> to vector<8x1xf32>
      %add3A_2280 = vector.broadcast %broadcast_in_dim3A : vector<1x1024xf32> to vector<8x1024xf32>
      %add3A_2281 = vector.broadcast %slice3A_2279 : vector<8x1xf32> to vector<8x1024xf32>
      %add3A_2282 = arith.addf %add3A_2280, %add3A_2281 : vector<8x1024xf32>
      %add3A_2283 = arith.addf %add3A_2282, %slice3A_2278 : vector<8x1024xf32>
      %lt3A_2284 = arith.cmpf olt, %add3A_2283, %select_n3A_2271 : vector<8x1024xf32>
      %select_n3A_2285 = arith.select %lt3A_2284, %add3A_2283, %select_n3A_2271 : vector<8x1024xi1>, vector<8x1024xf32>
      %mul3A_2286 = arith.constant 64 : i32
      %mul3A_2287 = arith.muli %add3A_1894, %mul3A_2286 : i32
      %add3A_2288 = arith.constant 27 : i32
      %add3A_2289 = arith.addi %mul3A_2287, %add3A_2288 : i32
      %broadcast_in_dim3A_2290 = vector.broadcast %add3A_2289 : i32 to vector<8x1024xi32>
      %select_n3A_2291 = arith.select %lt3A_2284, %broadcast_in_dim3A_2290, %select_n3A_2277 : vector<8x1024xi1>, vector<8x1024xi32>
      %slice3A_2292 = vector.extract_strided_slice %dot_general3A_79 {offsets = [224, 0], sizes = [8, 1024], strides = [1, 1]} : vector<512x1024xf32> to vector<8x1024xf32>
      %slice3A_2293 = vector.extract_strided_slice %get3A_1899 {offsets = [224, 0], sizes = [8, 1], strides = [1, 1]} : vector<512x1xf32> to vector<8x1xf32>
      %add3A_2294 = vector.broadcast %broadcast_in_dim3A : vector<1x1024xf32> to vector<8x1024xf32>
      %add3A_2295 = vector.broadcast %slice3A_2293 : vector<8x1xf32> to vector<8x1024xf32>
      %add3A_2296 = arith.addf %add3A_2294, %add3A_2295 : vector<8x1024xf32>
      %add3A_2297 = arith.addf %add3A_2296, %slice3A_2292 : vector<8x1024xf32>
      %lt3A_2298 = arith.cmpf olt, %add3A_2297, %select_n3A_2285 : vector<8x1024xf32>
      %select_n3A_2299 = arith.select %lt3A_2298, %add3A_2297, %select_n3A_2285 : vector<8x1024xi1>, vector<8x1024xf32>
      %mul3A_2300 = arith.constant 64 : i32
      %mul3A_2301 = arith.muli %add3A_1894, %mul3A_2300 : i32
      %add3A_2302 = arith.constant 28 : i32
      %add3A_2303 = arith.addi %mul3A_2301, %add3A_2302 : i32
      %broadcast_in_dim3A_2304 = vector.broadcast %add3A_2303 : i32 to vector<8x1024xi32>
      %select_n3A_2305 = arith.select %lt3A_2298, %broadcast_in_dim3A_2304, %select_n3A_2291 : vector<8x1024xi1>, vector<8x1024xi32>
      %slice3A_2306 = vector.extract_strided_slice %dot_general3A_79 {offsets = [232, 0], sizes = [8, 1024], strides = [1, 1]} : vector<512x1024xf32> to vector<8x1024xf32>
      %slice3A_2307 = vector.extract_strided_slice %get3A_1899 {offsets = [232, 0], sizes = [8, 1], strides = [1, 1]} : vector<512x1xf32> to vector<8x1xf32>
      %add3A_2308 = vector.broadcast %broadcast_in_dim3A : vector<1x1024xf32> to vector<8x1024xf32>
      %add3A_2309 = vector.broadcast %slice3A_2307 : vector<8x1xf32> to vector<8x1024xf32>
      %add3A_2310 = arith.addf %add3A_2308, %add3A_2309 : vector<8x1024xf32>
      %add3A_2311 = arith.addf %add3A_2310, %slice3A_2306 : vector<8x1024xf32>
      %lt3A_2312 = arith.cmpf olt, %add3A_2311, %select_n3A_2299 : vector<8x1024xf32>
      %select_n3A_2313 = arith.select %lt3A_2312, %add3A_2311, %select_n3A_2299 : vector<8x1024xi1>, vector<8x1024xf32>
      %mul3A_2314 = arith.constant 64 : i32
      %mul3A_2315 = arith.muli %add3A_1894, %mul3A_2314 : i32
      %add3A_2316 = arith.constant 29 : i32
      %add3A_2317 = arith.addi %mul3A_2315, %add3A_2316 : i32
      %broadcast_in_dim3A_2318 = vector.broadcast %add3A_2317 : i32 to vector<8x1024xi32>
      %select_n3A_2319 = arith.select %lt3A_2312, %broadcast_in_dim3A_2318, %select_n3A_2305 : vector<8x1024xi1>, vector<8x1024xi32>
      %slice3A_2320 = vector.extract_strided_slice %dot_general3A_79 {offsets = [240, 0], sizes = [8, 1024], strides = [1, 1]} : vector<512x1024xf32> to vector<8x1024xf32>
      %slice3A_2321 = vector.extract_strided_slice %get3A_1899 {offsets = [240, 0], sizes = [8, 1], strides = [1, 1]} : vector<512x1xf32> to vector<8x1xf32>
      %add3A_2322 = vector.broadcast %broadcast_in_dim3A : vector<1x1024xf32> to vector<8x1024xf32>
      %add3A_2323 = vector.broadcast %slice3A_2321 : vector<8x1xf32> to vector<8x1024xf32>
      %add3A_2324 = arith.addf %add3A_2322, %add3A_2323 : vector<8x1024xf32>
      %add3A_2325 = arith.addf %add3A_2324, %slice3A_2320 : vector<8x1024xf32>
      %lt3A_2326 = arith.cmpf olt, %add3A_2325, %select_n3A_2313 : vector<8x1024xf32>
      %select_n3A_2327 = arith.select %lt3A_2326, %add3A_2325, %select_n3A_2313 : vector<8x1024xi1>, vector<8x1024xf32>
      %mul3A_2328 = arith.constant 64 : i32
      %mul3A_2329 = arith.muli %add3A_1894, %mul3A_2328 : i32
      %add3A_2330 = arith.constant 30 : i32
      %add3A_2331 = arith.addi %mul3A_2329, %add3A_2330 : i32
      %broadcast_in_dim3A_2332 = vector.broadcast %add3A_2331 : i32 to vector<8x1024xi32>
      %select_n3A_2333 = arith.select %lt3A_2326, %broadcast_in_dim3A_2332, %select_n3A_2319 : vector<8x1024xi1>, vector<8x1024xi32>
      %slice3A_2334 = vector.extract_strided_slice %dot_general3A_79 {offsets = [248, 0], sizes = [8, 1024], strides = [1, 1]} : vector<512x1024xf32> to vector<8x1024xf32>
      %slice3A_2335 = vector.extract_strided_slice %get3A_1899 {offsets = [248, 0], sizes = [8, 1], strides = [1, 1]} : vector<512x1xf32> to vector<8x1xf32>
      %add3A_2336 = vector.broadcast %broadcast_in_dim3A : vector<1x1024xf32> to vector<8x1024xf32>
      %add3A_2337 = vector.broadcast %slice3A_2335 : vector<8x1xf32> to vector<8x1024xf32>
      %add3A_2338 = arith.addf %add3A_2336, %add3A_2337 : vector<8x1024xf32>
      %add3A_2339 = arith.addf %add3A_2338, %slice3A_2334 : vector<8x1024xf32>
      %lt3A_2340 = arith.cmpf olt, %add3A_2339, %select_n3A_2327 : vector<8x1024xf32>
      %select_n3A_2341 = arith.select %lt3A_2340, %add3A_2339, %select_n3A_2327 : vector<8x1024xi1>, vector<8x1024xf32>
      %mul3A_2342 = arith.constant 64 : i32
      %mul3A_2343 = arith.muli %add3A_1894, %mul3A_2342 : i32
      %add3A_2344 = arith.constant 31 : i32
      %add3A_2345 = arith.addi %mul3A_2343, %add3A_2344 : i32
      %broadcast_in_dim3A_2346 = vector.broadcast %add3A_2345 : i32 to vector<8x1024xi32>
      %select_n3A_2347 = arith.select %lt3A_2340, %broadcast_in_dim3A_2346, %select_n3A_2333 : vector<8x1024xi1>, vector<8x1024xi32>
      %slice3A_2348 = vector.extract_strided_slice %dot_general3A_79 {offsets = [256, 0], sizes = [8, 1024], strides = [1, 1]} : vector<512x1024xf32> to vector<8x1024xf32>
      %slice3A_2349 = vector.extract_strided_slice %get3A_1899 {offsets = [256, 0], sizes = [8, 1], strides = [1, 1]} : vector<512x1xf32> to vector<8x1xf32>
      %add3A_2350 = vector.broadcast %broadcast_in_dim3A : vector<1x1024xf32> to vector<8x1024xf32>
      %add3A_2351 = vector.broadcast %slice3A_2349 : vector<8x1xf32> to vector<8x1024xf32>
      %add3A_2352 = arith.addf %add3A_2350, %add3A_2351 : vector<8x1024xf32>
      %add3A_2353 = arith.addf %add3A_2352, %slice3A_2348 : vector<8x1024xf32>
      %lt3A_2354 = arith.cmpf olt, %add3A_2353, %select_n3A_2341 : vector<8x1024xf32>
      %select_n3A_2355 = arith.select %lt3A_2354, %add3A_2353, %select_n3A_2341 : vector<8x1024xi1>, vector<8x1024xf32>
      %mul3A_2356 = arith.constant 64 : i32
      %mul3A_2357 = arith.muli %add3A_1894, %mul3A_2356 : i32
      %add3A_2358 = arith.constant 32 : i32
      %add3A_2359 = arith.addi %mul3A_2357, %add3A_2358 : i32
      %broadcast_in_dim3A_2360 = vector.broadcast %add3A_2359 : i32 to vector<8x1024xi32>
      %select_n3A_2361 = arith.select %lt3A_2354, %broadcast_in_dim3A_2360, %select_n3A_2347 : vector<8x1024xi1>, vector<8x1024xi32>
      %slice3A_2362 = vector.extract_strided_slice %dot_general3A_79 {offsets = [264, 0], sizes = [8, 1024], strides = [1, 1]} : vector<512x1024xf32> to vector<8x1024xf32>
      %slice3A_2363 = vector.extract_strided_slice %get3A_1899 {offsets = [264, 0], sizes = [8, 1], strides = [1, 1]} : vector<512x1xf32> to vector<8x1xf32>
      %add3A_2364 = vector.broadcast %broadcast_in_dim3A : vector<1x1024xf32> to vector<8x1024xf32>
      %add3A_2365 = vector.broadcast %slice3A_2363 : vector<8x1xf32> to vector<8x1024xf32>
      %add3A_2366 = arith.addf %add3A_2364, %add3A_2365 : vector<8x1024xf32>
      %add3A_2367 = arith.addf %add3A_2366, %slice3A_2362 : vector<8x1024xf32>
      %lt3A_2368 = arith.cmpf olt, %add3A_2367, %select_n3A_2355 : vector<8x1024xf32>
      %select_n3A_2369 = arith.select %lt3A_2368, %add3A_2367, %select_n3A_2355 : vector<8x1024xi1>, vector<8x1024xf32>
      %mul3A_2370 = arith.constant 64 : i32
      %mul3A_2371 = arith.muli %add3A_1894, %mul3A_2370 : i32
      %add3A_2372 = arith.constant 33 : i32
      %add3A_2373 = arith.addi %mul3A_2371, %add3A_2372 : i32
      %broadcast_in_dim3A_2374 = vector.broadcast %add3A_2373 : i32 to vector<8x1024xi32>
      %select_n3A_2375 = arith.select %lt3A_2368, %broadcast_in_dim3A_2374, %select_n3A_2361 : vector<8x1024xi1>, vector<8x1024xi32>
      %slice3A_2376 = vector.extract_strided_slice %dot_general3A_79 {offsets = [272, 0], sizes = [8, 1024], strides = [1, 1]} : vector<512x1024xf32> to vector<8x1024xf32>
      %slice3A_2377 = vector.extract_strided_slice %get3A_1899 {offsets = [272, 0], sizes = [8, 1], strides = [1, 1]} : vector<512x1xf32> to vector<8x1xf32>
      %add3A_2378 = vector.broadcast %broadcast_in_dim3A : vector<1x1024xf32> to vector<8x1024xf32>
      %add3A_2379 = vector.broadcast %slice3A_2377 : vector<8x1xf32> to vector<8x1024xf32>
      %add3A_2380 = arith.addf %add3A_2378, %add3A_2379 : vector<8x1024xf32>
      %add3A_2381 = arith.addf %add3A_2380, %slice3A_2376 : vector<8x1024xf32>
      %lt3A_2382 = arith.cmpf olt, %add3A_2381, %select_n3A_2369 : vector<8x1024xf32>
      %select_n3A_2383 = arith.select %lt3A_2382, %add3A_2381, %select_n3A_2369 : vector<8x1024xi1>, vector<8x1024xf32>
      %mul3A_2384 = arith.constant 64 : i32
      %mul3A_2385 = arith.muli %add3A_1894, %mul3A_2384 : i32
      %add3A_2386 = arith.constant 34 : i32
      %add3A_2387 = arith.addi %mul3A_2385, %add3A_2386 : i32
      %broadcast_in_dim3A_2388 = vector.broadcast %add3A_2387 : i32 to vector<8x1024xi32>
      %select_n3A_2389 = arith.select %lt3A_2382, %broadcast_in_dim3A_2388, %select_n3A_2375 : vector<8x1024xi1>, vector<8x1024xi32>
      %slice3A_2390 = vector.extract_strided_slice %dot_general3A_79 {offsets = [280, 0], sizes = [8, 1024], strides = [1, 1]} : vector<512x1024xf32> to vector<8x1024xf32>
      %slice3A_2391 = vector.extract_strided_slice %get3A_1899 {offsets = [280, 0], sizes = [8, 1], strides = [1, 1]} : vector<512x1xf32> to vector<8x1xf32>
      %add3A_2392 = vector.broadcast %broadcast_in_dim3A : vector<1x1024xf32> to vector<8x1024xf32>
      %add3A_2393 = vector.broadcast %slice3A_2391 : vector<8x1xf32> to vector<8x1024xf32>
      %add3A_2394 = arith.addf %add3A_2392, %add3A_2393 : vector<8x1024xf32>
      %add3A_2395 = arith.addf %add3A_2394, %slice3A_2390 : vector<8x1024xf32>
      %lt3A_2396 = arith.cmpf olt, %add3A_2395, %select_n3A_2383 : vector<8x1024xf32>
      %select_n3A_2397 = arith.select %lt3A_2396, %add3A_2395, %select_n3A_2383 : vector<8x1024xi1>, vector<8x1024xf32>
      %mul3A_2398 = arith.constant 64 : i32
      %mul3A_2399 = arith.muli %add3A_1894, %mul3A_2398 : i32
      %add3A_2400 = arith.constant 35 : i32
      %add3A_2401 = arith.addi %mul3A_2399, %add3A_2400 : i32
      %broadcast_in_dim3A_2402 = vector.broadcast %add3A_2401 : i32 to vector<8x1024xi32>
      %select_n3A_2403 = arith.select %lt3A_2396, %broadcast_in_dim3A_2402, %select_n3A_2389 : vector<8x1024xi1>, vector<8x1024xi32>
      %slice3A_2404 = vector.extract_strided_slice %dot_general3A_79 {offsets = [288, 0], sizes = [8, 1024], strides = [1, 1]} : vector<512x1024xf32> to vector<8x1024xf32>
      %slice3A_2405 = vector.extract_strided_slice %get3A_1899 {offsets = [288, 0], sizes = [8, 1], strides = [1, 1]} : vector<512x1xf32> to vector<8x1xf32>
      %add3A_2406 = vector.broadcast %broadcast_in_dim3A : vector<1x1024xf32> to vector<8x1024xf32>
      %add3A_2407 = vector.broadcast %slice3A_2405 : vector<8x1xf32> to vector<8x1024xf32>
      %add3A_2408 = arith.addf %add3A_2406, %add3A_2407 : vector<8x1024xf32>
      %add3A_2409 = arith.addf %add3A_2408, %slice3A_2404 : vector<8x1024xf32>
      %lt3A_2410 = arith.cmpf olt, %add3A_2409, %select_n3A_2397 : vector<8x1024xf32>
      %select_n3A_2411 = arith.select %lt3A_2410, %add3A_2409, %select_n3A_2397 : vector<8x1024xi1>, vector<8x1024xf32>
      %mul3A_2412 = arith.constant 64 : i32
      %mul3A_2413 = arith.muli %add3A_1894, %mul3A_2412 : i32
      %add3A_2414 = arith.constant 36 : i32
      %add3A_2415 = arith.addi %mul3A_2413, %add3A_2414 : i32
      %broadcast_in_dim3A_2416 = vector.broadcast %add3A_2415 : i32 to vector<8x1024xi32>
      %select_n3A_2417 = arith.select %lt3A_2410, %broadcast_in_dim3A_2416, %select_n3A_2403 : vector<8x1024xi1>, vector<8x1024xi32>
      %slice3A_2418 = vector.extract_strided_slice %dot_general3A_79 {offsets = [296, 0], sizes = [8, 1024], strides = [1, 1]} : vector<512x1024xf32> to vector<8x1024xf32>
      %slice3A_2419 = vector.extract_strided_slice %get3A_1899 {offsets = [296, 0], sizes = [8, 1], strides = [1, 1]} : vector<512x1xf32> to vector<8x1xf32>
      %add3A_2420 = vector.broadcast %broadcast_in_dim3A : vector<1x1024xf32> to vector<8x1024xf32>
      %add3A_2421 = vector.broadcast %slice3A_2419 : vector<8x1xf32> to vector<8x1024xf32>
      %add3A_2422 = arith.addf %add3A_2420, %add3A_2421 : vector<8x1024xf32>
      %add3A_2423 = arith.addf %add3A_2422, %slice3A_2418 : vector<8x1024xf32>
      %lt3A_2424 = arith.cmpf olt, %add3A_2423, %select_n3A_2411 : vector<8x1024xf32>
      %select_n3A_2425 = arith.select %lt3A_2424, %add3A_2423, %select_n3A_2411 : vector<8x1024xi1>, vector<8x1024xf32>
      %mul3A_2426 = arith.constant 64 : i32
      %mul3A_2427 = arith.muli %add3A_1894, %mul3A_2426 : i32
      %add3A_2428 = arith.constant 37 : i32
      %add3A_2429 = arith.addi %mul3A_2427, %add3A_2428 : i32
      %broadcast_in_dim3A_2430 = vector.broadcast %add3A_2429 : i32 to vector<8x1024xi32>
      %select_n3A_2431 = arith.select %lt3A_2424, %broadcast_in_dim3A_2430, %select_n3A_2417 : vector<8x1024xi1>, vector<8x1024xi32>
      %slice3A_2432 = vector.extract_strided_slice %dot_general3A_79 {offsets = [304, 0], sizes = [8, 1024], strides = [1, 1]} : vector<512x1024xf32> to vector<8x1024xf32>
      %slice3A_2433 = vector.extract_strided_slice %get3A_1899 {offsets = [304, 0], sizes = [8, 1], strides = [1, 1]} : vector<512x1xf32> to vector<8x1xf32>
      %add3A_2434 = vector.broadcast %broadcast_in_dim3A : vector<1x1024xf32> to vector<8x1024xf32>
      %add3A_2435 = vector.broadcast %slice3A_2433 : vector<8x1xf32> to vector<8x1024xf32>
      %add3A_2436 = arith.addf %add3A_2434, %add3A_2435 : vector<8x1024xf32>
      %add3A_2437 = arith.addf %add3A_2436, %slice3A_2432 : vector<8x1024xf32>
      %lt3A_2438 = arith.cmpf olt, %add3A_2437, %select_n3A_2425 : vector<8x1024xf32>
      %select_n3A_2439 = arith.select %lt3A_2438, %add3A_2437, %select_n3A_2425 : vector<8x1024xi1>, vector<8x1024xf32>
      %mul3A_2440 = arith.constant 64 : i32
      %mul3A_2441 = arith.muli %add3A_1894, %mul3A_2440 : i32
      %add3A_2442 = arith.constant 38 : i32
      %add3A_2443 = arith.addi %mul3A_2441, %add3A_2442 : i32
      %broadcast_in_dim3A_2444 = vector.broadcast %add3A_2443 : i32 to vector<8x1024xi32>
      %select_n3A_2445 = arith.select %lt3A_2438, %broadcast_in_dim3A_2444, %select_n3A_2431 : vector<8x1024xi1>, vector<8x1024xi32>
      %slice3A_2446 = vector.extract_strided_slice %dot_general3A_79 {offsets = [312, 0], sizes = [8, 1024], strides = [1, 1]} : vector<512x1024xf32> to vector<8x1024xf32>
      %slice3A_2447 = vector.extract_strided_slice %get3A_1899 {offsets = [312, 0], sizes = [8, 1], strides = [1, 1]} : vector<512x1xf32> to vector<8x1xf32>
      %add3A_2448 = vector.broadcast %broadcast_in_dim3A : vector<1x1024xf32> to vector<8x1024xf32>
      %add3A_2449 = vector.broadcast %slice3A_2447 : vector<8x1xf32> to vector<8x1024xf32>
      %add3A_2450 = arith.addf %add3A_2448, %add3A_2449 : vector<8x1024xf32>
      %add3A_2451 = arith.addf %add3A_2450, %slice3A_2446 : vector<8x1024xf32>
      %lt3A_2452 = arith.cmpf olt, %add3A_2451, %select_n3A_2439 : vector<8x1024xf32>
      %select_n3A_2453 = arith.select %lt3A_2452, %add3A_2451, %select_n3A_2439 : vector<8x1024xi1>, vector<8x1024xf32>
      %mul3A_2454 = arith.constant 64 : i32
      %mul3A_2455 = arith.muli %add3A_1894, %mul3A_2454 : i32
      %add3A_2456 = arith.constant 39 : i32
      %add3A_2457 = arith.addi %mul3A_2455, %add3A_2456 : i32
      %broadcast_in_dim3A_2458 = vector.broadcast %add3A_2457 : i32 to vector<8x1024xi32>
      %select_n3A_2459 = arith.select %lt3A_2452, %broadcast_in_dim3A_2458, %select_n3A_2445 : vector<8x1024xi1>, vector<8x1024xi32>
      %slice3A_2460 = vector.extract_strided_slice %dot_general3A_79 {offsets = [320, 0], sizes = [8, 1024], strides = [1, 1]} : vector<512x1024xf32> to vector<8x1024xf32>
      %slice3A_2461 = vector.extract_strided_slice %get3A_1899 {offsets = [320, 0], sizes = [8, 1], strides = [1, 1]} : vector<512x1xf32> to vector<8x1xf32>
      %add3A_2462 = vector.broadcast %broadcast_in_dim3A : vector<1x1024xf32> to vector<8x1024xf32>
      %add3A_2463 = vector.broadcast %slice3A_2461 : vector<8x1xf32> to vector<8x1024xf32>
      %add3A_2464 = arith.addf %add3A_2462, %add3A_2463 : vector<8x1024xf32>
      %add3A_2465 = arith.addf %add3A_2464, %slice3A_2460 : vector<8x1024xf32>
      %lt3A_2466 = arith.cmpf olt, %add3A_2465, %select_n3A_2453 : vector<8x1024xf32>
      %select_n3A_2467 = arith.select %lt3A_2466, %add3A_2465, %select_n3A_2453 : vector<8x1024xi1>, vector<8x1024xf32>
      %mul3A_2468 = arith.constant 64 : i32
      %mul3A_2469 = arith.muli %add3A_1894, %mul3A_2468 : i32
      %add3A_2470 = arith.constant 40 : i32
      %add3A_2471 = arith.addi %mul3A_2469, %add3A_2470 : i32
      %broadcast_in_dim3A_2472 = vector.broadcast %add3A_2471 : i32 to vector<8x1024xi32>
      %select_n3A_2473 = arith.select %lt3A_2466, %broadcast_in_dim3A_2472, %select_n3A_2459 : vector<8x1024xi1>, vector<8x1024xi32>
      %slice3A_2474 = vector.extract_strided_slice %dot_general3A_79 {offsets = [328, 0], sizes = [8, 1024], strides = [1, 1]} : vector<512x1024xf32> to vector<8x1024xf32>
      %slice3A_2475 = vector.extract_strided_slice %get3A_1899 {offsets = [328, 0], sizes = [8, 1], strides = [1, 1]} : vector<512x1xf32> to vector<8x1xf32>
      %add3A_2476 = vector.broadcast %broadcast_in_dim3A : vector<1x1024xf32> to vector<8x1024xf32>
      %add3A_2477 = vector.broadcast %slice3A_2475 : vector<8x1xf32> to vector<8x1024xf32>
      %add3A_2478 = arith.addf %add3A_2476, %add3A_2477 : vector<8x1024xf32>
      %add3A_2479 = arith.addf %add3A_2478, %slice3A_2474 : vector<8x1024xf32>
      %lt3A_2480 = arith.cmpf olt, %add3A_2479, %select_n3A_2467 : vector<8x1024xf32>
      %select_n3A_2481 = arith.select %lt3A_2480, %add3A_2479, %select_n3A_2467 : vector<8x1024xi1>, vector<8x1024xf32>
      %mul3A_2482 = arith.constant 64 : i32
      %mul3A_2483 = arith.muli %add3A_1894, %mul3A_2482 : i32
      %add3A_2484 = arith.constant 41 : i32
      %add3A_2485 = arith.addi %mul3A_2483, %add3A_2484 : i32
      %broadcast_in_dim3A_2486 = vector.broadcast %add3A_2485 : i32 to vector<8x1024xi32>
      %select_n3A_2487 = arith.select %lt3A_2480, %broadcast_in_dim3A_2486, %select_n3A_2473 : vector<8x1024xi1>, vector<8x1024xi32>
      %slice3A_2488 = vector.extract_strided_slice %dot_general3A_79 {offsets = [336, 0], sizes = [8, 1024], strides = [1, 1]} : vector<512x1024xf32> to vector<8x1024xf32>
      %slice3A_2489 = vector.extract_strided_slice %get3A_1899 {offsets = [336, 0], sizes = [8, 1], strides = [1, 1]} : vector<512x1xf32> to vector<8x1xf32>
      %add3A_2490 = vector.broadcast %broadcast_in_dim3A : vector<1x1024xf32> to vector<8x1024xf32>
      %add3A_2491 = vector.broadcast %slice3A_2489 : vector<8x1xf32> to vector<8x1024xf32>
      %add3A_2492 = arith.addf %add3A_2490, %add3A_2491 : vector<8x1024xf32>
      %add3A_2493 = arith.addf %add3A_2492, %slice3A_2488 : vector<8x1024xf32>
      %lt3A_2494 = arith.cmpf olt, %add3A_2493, %select_n3A_2481 : vector<8x1024xf32>
      %select_n3A_2495 = arith.select %lt3A_2494, %add3A_2493, %select_n3A_2481 : vector<8x1024xi1>, vector<8x1024xf32>
      %mul3A_2496 = arith.constant 64 : i32
      %mul3A_2497 = arith.muli %add3A_1894, %mul3A_2496 : i32
      %add3A_2498 = arith.constant 42 : i32
      %add3A_2499 = arith.addi %mul3A_2497, %add3A_2498 : i32
      %broadcast_in_dim3A_2500 = vector.broadcast %add3A_2499 : i32 to vector<8x1024xi32>
      %select_n3A_2501 = arith.select %lt3A_2494, %broadcast_in_dim3A_2500, %select_n3A_2487 : vector<8x1024xi1>, vector<8x1024xi32>
      %slice3A_2502 = vector.extract_strided_slice %dot_general3A_79 {offsets = [344, 0], sizes = [8, 1024], strides = [1, 1]} : vector<512x1024xf32> to vector<8x1024xf32>
      %slice3A_2503 = vector.extract_strided_slice %get3A_1899 {offsets = [344, 0], sizes = [8, 1], strides = [1, 1]} : vector<512x1xf32> to vector<8x1xf32>
      %add3A_2504 = vector.broadcast %broadcast_in_dim3A : vector<1x1024xf32> to vector<8x1024xf32>
      %add3A_2505 = vector.broadcast %slice3A_2503 : vector<8x1xf32> to vector<8x1024xf32>
      %add3A_2506 = arith.addf %add3A_2504, %add3A_2505 : vector<8x1024xf32>
      %add3A_2507 = arith.addf %add3A_2506, %slice3A_2502 : vector<8x1024xf32>
      %lt3A_2508 = arith.cmpf olt, %add3A_2507, %select_n3A_2495 : vector<8x1024xf32>
      %select_n3A_2509 = arith.select %lt3A_2508, %add3A_2507, %select_n3A_2495 : vector<8x1024xi1>, vector<8x1024xf32>
      %mul3A_2510 = arith.constant 64 : i32
      %mul3A_2511 = arith.muli %add3A_1894, %mul3A_2510 : i32
      %add3A_2512 = arith.constant 43 : i32
      %add3A_2513 = arith.addi %mul3A_2511, %add3A_2512 : i32
      %broadcast_in_dim3A_2514 = vector.broadcast %add3A_2513 : i32 to vector<8x1024xi32>
      %select_n3A_2515 = arith.select %lt3A_2508, %broadcast_in_dim3A_2514, %select_n3A_2501 : vector<8x1024xi1>, vector<8x1024xi32>
      %slice3A_2516 = vector.extract_strided_slice %dot_general3A_79 {offsets = [352, 0], sizes = [8, 1024], strides = [1, 1]} : vector<512x1024xf32> to vector<8x1024xf32>
      %slice3A_2517 = vector.extract_strided_slice %get3A_1899 {offsets = [352, 0], sizes = [8, 1], strides = [1, 1]} : vector<512x1xf32> to vector<8x1xf32>
      %add3A_2518 = vector.broadcast %broadcast_in_dim3A : vector<1x1024xf32> to vector<8x1024xf32>
      %add3A_2519 = vector.broadcast %slice3A_2517 : vector<8x1xf32> to vector<8x1024xf32>
      %add3A_2520 = arith.addf %add3A_2518, %add3A_2519 : vector<8x1024xf32>
      %add3A_2521 = arith.addf %add3A_2520, %slice3A_2516 : vector<8x1024xf32>
      %lt3A_2522 = arith.cmpf olt, %add3A_2521, %select_n3A_2509 : vector<8x1024xf32>
      %select_n3A_2523 = arith.select %lt3A_2522, %add3A_2521, %select_n3A_2509 : vector<8x1024xi1>, vector<8x1024xf32>
      %mul3A_2524 = arith.constant 64 : i32
      %mul3A_2525 = arith.muli %add3A_1894, %mul3A_2524 : i32
      %add3A_2526 = arith.constant 44 : i32
      %add3A_2527 = arith.addi %mul3A_2525, %add3A_2526 : i32
      %broadcast_in_dim3A_2528 = vector.broadcast %add3A_2527 : i32 to vector<8x1024xi32>
      %select_n3A_2529 = arith.select %lt3A_2522, %broadcast_in_dim3A_2528, %select_n3A_2515 : vector<8x1024xi1>, vector<8x1024xi32>
      %slice3A_2530 = vector.extract_strided_slice %dot_general3A_79 {offsets = [360, 0], sizes = [8, 1024], strides = [1, 1]} : vector<512x1024xf32> to vector<8x1024xf32>
      %slice3A_2531 = vector.extract_strided_slice %get3A_1899 {offsets = [360, 0], sizes = [8, 1], strides = [1, 1]} : vector<512x1xf32> to vector<8x1xf32>
      %add3A_2532 = vector.broadcast %broadcast_in_dim3A : vector<1x1024xf32> to vector<8x1024xf32>
      %add3A_2533 = vector.broadcast %slice3A_2531 : vector<8x1xf32> to vector<8x1024xf32>
      %add3A_2534 = arith.addf %add3A_2532, %add3A_2533 : vector<8x1024xf32>
      %add3A_2535 = arith.addf %add3A_2534, %slice3A_2530 : vector<8x1024xf32>
      %lt3A_2536 = arith.cmpf olt, %add3A_2535, %select_n3A_2523 : vector<8x1024xf32>
      %select_n3A_2537 = arith.select %lt3A_2536, %add3A_2535, %select_n3A_2523 : vector<8x1024xi1>, vector<8x1024xf32>
      %mul3A_2538 = arith.constant 64 : i32
      %mul3A_2539 = arith.muli %add3A_1894, %mul3A_2538 : i32
      %add3A_2540 = arith.constant 45 : i32
      %add3A_2541 = arith.addi %mul3A_2539, %add3A_2540 : i32
      %broadcast_in_dim3A_2542 = vector.broadcast %add3A_2541 : i32 to vector<8x1024xi32>
      %select_n3A_2543 = arith.select %lt3A_2536, %broadcast_in_dim3A_2542, %select_n3A_2529 : vector<8x1024xi1>, vector<8x1024xi32>
      %slice3A_2544 = vector.extract_strided_slice %dot_general3A_79 {offsets = [368, 0], sizes = [8, 1024], strides = [1, 1]} : vector<512x1024xf32> to vector<8x1024xf32>
      %slice3A_2545 = vector.extract_strided_slice %get3A_1899 {offsets = [368, 0], sizes = [8, 1], strides = [1, 1]} : vector<512x1xf32> to vector<8x1xf32>
      %add3A_2546 = vector.broadcast %broadcast_in_dim3A : vector<1x1024xf32> to vector<8x1024xf32>
      %add3A_2547 = vector.broadcast %slice3A_2545 : vector<8x1xf32> to vector<8x1024xf32>
      %add3A_2548 = arith.addf %add3A_2546, %add3A_2547 : vector<8x1024xf32>
      %add3A_2549 = arith.addf %add3A_2548, %slice3A_2544 : vector<8x1024xf32>
      %lt3A_2550 = arith.cmpf olt, %add3A_2549, %select_n3A_2537 : vector<8x1024xf32>
      %select_n3A_2551 = arith.select %lt3A_2550, %add3A_2549, %select_n3A_2537 : vector<8x1024xi1>, vector<8x1024xf32>
      %mul3A_2552 = arith.constant 64 : i32
      %mul3A_2553 = arith.muli %add3A_1894, %mul3A_2552 : i32
      %add3A_2554 = arith.constant 46 : i32
      %add3A_2555 = arith.addi %mul3A_2553, %add3A_2554 : i32
      %broadcast_in_dim3A_2556 = vector.broadcast %add3A_2555 : i32 to vector<8x1024xi32>
      %select_n3A_2557 = arith.select %lt3A_2550, %broadcast_in_dim3A_2556, %select_n3A_2543 : vector<8x1024xi1>, vector<8x1024xi32>
      %slice3A_2558 = vector.extract_strided_slice %dot_general3A_79 {offsets = [376, 0], sizes = [8, 1024], strides = [1, 1]} : vector<512x1024xf32> to vector<8x1024xf32>
      %slice3A_2559 = vector.extract_strided_slice %get3A_1899 {offsets = [376, 0], sizes = [8, 1], strides = [1, 1]} : vector<512x1xf32> to vector<8x1xf32>
      %add3A_2560 = vector.broadcast %broadcast_in_dim3A : vector<1x1024xf32> to vector<8x1024xf32>
      %add3A_2561 = vector.broadcast %slice3A_2559 : vector<8x1xf32> to vector<8x1024xf32>
      %add3A_2562 = arith.addf %add3A_2560, %add3A_2561 : vector<8x1024xf32>
      %add3A_2563 = arith.addf %add3A_2562, %slice3A_2558 : vector<8x1024xf32>
      %lt3A_2564 = arith.cmpf olt, %add3A_2563, %select_n3A_2551 : vector<8x1024xf32>
      %select_n3A_2565 = arith.select %lt3A_2564, %add3A_2563, %select_n3A_2551 : vector<8x1024xi1>, vector<8x1024xf32>
      %mul3A_2566 = arith.constant 64 : i32
      %mul3A_2567 = arith.muli %add3A_1894, %mul3A_2566 : i32
      %add3A_2568 = arith.constant 47 : i32
      %add3A_2569 = arith.addi %mul3A_2567, %add3A_2568 : i32
      %broadcast_in_dim3A_2570 = vector.broadcast %add3A_2569 : i32 to vector<8x1024xi32>
      %select_n3A_2571 = arith.select %lt3A_2564, %broadcast_in_dim3A_2570, %select_n3A_2557 : vector<8x1024xi1>, vector<8x1024xi32>
      %slice3A_2572 = vector.extract_strided_slice %dot_general3A_79 {offsets = [384, 0], sizes = [8, 1024], strides = [1, 1]} : vector<512x1024xf32> to vector<8x1024xf32>
      %slice3A_2573 = vector.extract_strided_slice %get3A_1899 {offsets = [384, 0], sizes = [8, 1], strides = [1, 1]} : vector<512x1xf32> to vector<8x1xf32>
      %add3A_2574 = vector.broadcast %broadcast_in_dim3A : vector<1x1024xf32> to vector<8x1024xf32>
      %add3A_2575 = vector.broadcast %slice3A_2573 : vector<8x1xf32> to vector<8x1024xf32>
      %add3A_2576 = arith.addf %add3A_2574, %add3A_2575 : vector<8x1024xf32>
      %add3A_2577 = arith.addf %add3A_2576, %slice3A_2572 : vector<8x1024xf32>
      %lt3A_2578 = arith.cmpf olt, %add3A_2577, %select_n3A_2565 : vector<8x1024xf32>
      %select_n3A_2579 = arith.select %lt3A_2578, %add3A_2577, %select_n3A_2565 : vector<8x1024xi1>, vector<8x1024xf32>
      %mul3A_2580 = arith.constant 64 : i32
      %mul3A_2581 = arith.muli %add3A_1894, %mul3A_2580 : i32
      %add3A_2582 = arith.constant 48 : i32
      %add3A_2583 = arith.addi %mul3A_2581, %add3A_2582 : i32
      %broadcast_in_dim3A_2584 = vector.broadcast %add3A_2583 : i32 to vector<8x1024xi32>
      %select_n3A_2585 = arith.select %lt3A_2578, %broadcast_in_dim3A_2584, %select_n3A_2571 : vector<8x1024xi1>, vector<8x1024xi32>
      %slice3A_2586 = vector.extract_strided_slice %dot_general3A_79 {offsets = [392, 0], sizes = [8, 1024], strides = [1, 1]} : vector<512x1024xf32> to vector<8x1024xf32>
      %slice3A_2587 = vector.extract_strided_slice %get3A_1899 {offsets = [392, 0], sizes = [8, 1], strides = [1, 1]} : vector<512x1xf32> to vector<8x1xf32>
      %add3A_2588 = vector.broadcast %broadcast_in_dim3A : vector<1x1024xf32> to vector<8x1024xf32>
      %add3A_2589 = vector.broadcast %slice3A_2587 : vector<8x1xf32> to vector<8x1024xf32>
      %add3A_2590 = arith.addf %add3A_2588, %add3A_2589 : vector<8x1024xf32>
      %add3A_2591 = arith.addf %add3A_2590, %slice3A_2586 : vector<8x1024xf32>
      %lt3A_2592 = arith.cmpf olt, %add3A_2591, %select_n3A_2579 : vector<8x1024xf32>
      %select_n3A_2593 = arith.select %lt3A_2592, %add3A_2591, %select_n3A_2579 : vector<8x1024xi1>, vector<8x1024xf32>
      %mul3A_2594 = arith.constant 64 : i32
      %mul3A_2595 = arith.muli %add3A_1894, %mul3A_2594 : i32
      %add3A_2596 = arith.constant 49 : i32
      %add3A_2597 = arith.addi %mul3A_2595, %add3A_2596 : i32
      %broadcast_in_dim3A_2598 = vector.broadcast %add3A_2597 : i32 to vector<8x1024xi32>
      %select_n3A_2599 = arith.select %lt3A_2592, %broadcast_in_dim3A_2598, %select_n3A_2585 : vector<8x1024xi1>, vector<8x1024xi32>
      %slice3A_2600 = vector.extract_strided_slice %dot_general3A_79 {offsets = [400, 0], sizes = [8, 1024], strides = [1, 1]} : vector<512x1024xf32> to vector<8x1024xf32>
      %slice3A_2601 = vector.extract_strided_slice %get3A_1899 {offsets = [400, 0], sizes = [8, 1], strides = [1, 1]} : vector<512x1xf32> to vector<8x1xf32>
      %add3A_2602 = vector.broadcast %broadcast_in_dim3A : vector<1x1024xf32> to vector<8x1024xf32>
      %add3A_2603 = vector.broadcast %slice3A_2601 : vector<8x1xf32> to vector<8x1024xf32>
      %add3A_2604 = arith.addf %add3A_2602, %add3A_2603 : vector<8x1024xf32>
      %add3A_2605 = arith.addf %add3A_2604, %slice3A_2600 : vector<8x1024xf32>
      %lt3A_2606 = arith.cmpf olt, %add3A_2605, %select_n3A_2593 : vector<8x1024xf32>
      %select_n3A_2607 = arith.select %lt3A_2606, %add3A_2605, %select_n3A_2593 : vector<8x1024xi1>, vector<8x1024xf32>
      %mul3A_2608 = arith.constant 64 : i32
      %mul3A_2609 = arith.muli %add3A_1894, %mul3A_2608 : i32
      %add3A_2610 = arith.constant 50 : i32
      %add3A_2611 = arith.addi %mul3A_2609, %add3A_2610 : i32
      %broadcast_in_dim3A_2612 = vector.broadcast %add3A_2611 : i32 to vector<8x1024xi32>
      %select_n3A_2613 = arith.select %lt3A_2606, %broadcast_in_dim3A_2612, %select_n3A_2599 : vector<8x1024xi1>, vector<8x1024xi32>
      %slice3A_2614 = vector.extract_strided_slice %dot_general3A_79 {offsets = [408, 0], sizes = [8, 1024], strides = [1, 1]} : vector<512x1024xf32> to vector<8x1024xf32>
      %slice3A_2615 = vector.extract_strided_slice %get3A_1899 {offsets = [408, 0], sizes = [8, 1], strides = [1, 1]} : vector<512x1xf32> to vector<8x1xf32>
      %add3A_2616 = vector.broadcast %broadcast_in_dim3A : vector<1x1024xf32> to vector<8x1024xf32>
      %add3A_2617 = vector.broadcast %slice3A_2615 : vector<8x1xf32> to vector<8x1024xf32>
      %add3A_2618 = arith.addf %add3A_2616, %add3A_2617 : vector<8x1024xf32>
      %add3A_2619 = arith.addf %add3A_2618, %slice3A_2614 : vector<8x1024xf32>
      %lt3A_2620 = arith.cmpf olt, %add3A_2619, %select_n3A_2607 : vector<8x1024xf32>
      %select_n3A_2621 = arith.select %lt3A_2620, %add3A_2619, %select_n3A_2607 : vector<8x1024xi1>, vector<8x1024xf32>
      %mul3A_2622 = arith.constant 64 : i32
      %mul3A_2623 = arith.muli %add3A_1894, %mul3A_2622 : i32
      %add3A_2624 = arith.constant 51 : i32
      %add3A_2625 = arith.addi %mul3A_2623, %add3A_2624 : i32
      %broadcast_in_dim3A_2626 = vector.broadcast %add3A_2625 : i32 to vector<8x1024xi32>
      %select_n3A_2627 = arith.select %lt3A_2620, %broadcast_in_dim3A_2626, %select_n3A_2613 : vector<8x1024xi1>, vector<8x1024xi32>
      %slice3A_2628 = vector.extract_strided_slice %dot_general3A_79 {offsets = [416, 0], sizes = [8, 1024], strides = [1, 1]} : vector<512x1024xf32> to vector<8x1024xf32>
      %slice3A_2629 = vector.extract_strided_slice %get3A_1899 {offsets = [416, 0], sizes = [8, 1], strides = [1, 1]} : vector<512x1xf32> to vector<8x1xf32>
      %add3A_2630 = vector.broadcast %broadcast_in_dim3A : vector<1x1024xf32> to vector<8x1024xf32>
      %add3A_2631 = vector.broadcast %slice3A_2629 : vector<8x1xf32> to vector<8x1024xf32>
      %add3A_2632 = arith.addf %add3A_2630, %add3A_2631 : vector<8x1024xf32>
      %add3A_2633 = arith.addf %add3A_2632, %slice3A_2628 : vector<8x1024xf32>
      %lt3A_2634 = arith.cmpf olt, %add3A_2633, %select_n3A_2621 : vector<8x1024xf32>
      %select_n3A_2635 = arith.select %lt3A_2634, %add3A_2633, %select_n3A_2621 : vector<8x1024xi1>, vector<8x1024xf32>
      %mul3A_2636 = arith.constant 64 : i32
      %mul3A_2637 = arith.muli %add3A_1894, %mul3A_2636 : i32
      %add3A_2638 = arith.constant 52 : i32
      %add3A_2639 = arith.addi %mul3A_2637, %add3A_2638 : i32
      %broadcast_in_dim3A_2640 = vector.broadcast %add3A_2639 : i32 to vector<8x1024xi32>
      %select_n3A_2641 = arith.select %lt3A_2634, %broadcast_in_dim3A_2640, %select_n3A_2627 : vector<8x1024xi1>, vector<8x1024xi32>
      %slice3A_2642 = vector.extract_strided_slice %dot_general3A_79 {offsets = [424, 0], sizes = [8, 1024], strides = [1, 1]} : vector<512x1024xf32> to vector<8x1024xf32>
      %slice3A_2643 = vector.extract_strided_slice %get3A_1899 {offsets = [424, 0], sizes = [8, 1], strides = [1, 1]} : vector<512x1xf32> to vector<8x1xf32>
      %add3A_2644 = vector.broadcast %broadcast_in_dim3A : vector<1x1024xf32> to vector<8x1024xf32>
      %add3A_2645 = vector.broadcast %slice3A_2643 : vector<8x1xf32> to vector<8x1024xf32>
      %add3A_2646 = arith.addf %add3A_2644, %add3A_2645 : vector<8x1024xf32>
      %add3A_2647 = arith.addf %add3A_2646, %slice3A_2642 : vector<8x1024xf32>
      %lt3A_2648 = arith.cmpf olt, %add3A_2647, %select_n3A_2635 : vector<8x1024xf32>
      %select_n3A_2649 = arith.select %lt3A_2648, %add3A_2647, %select_n3A_2635 : vector<8x1024xi1>, vector<8x1024xf32>
      %mul3A_2650 = arith.constant 64 : i32
      %mul3A_2651 = arith.muli %add3A_1894, %mul3A_2650 : i32
      %add3A_2652 = arith.constant 53 : i32
      %add3A_2653 = arith.addi %mul3A_2651, %add3A_2652 : i32
      %broadcast_in_dim3A_2654 = vector.broadcast %add3A_2653 : i32 to vector<8x1024xi32>
      %select_n3A_2655 = arith.select %lt3A_2648, %broadcast_in_dim3A_2654, %select_n3A_2641 : vector<8x1024xi1>, vector<8x1024xi32>
      %slice3A_2656 = vector.extract_strided_slice %dot_general3A_79 {offsets = [432, 0], sizes = [8, 1024], strides = [1, 1]} : vector<512x1024xf32> to vector<8x1024xf32>
      %slice3A_2657 = vector.extract_strided_slice %get3A_1899 {offsets = [432, 0], sizes = [8, 1], strides = [1, 1]} : vector<512x1xf32> to vector<8x1xf32>
      %add3A_2658 = vector.broadcast %broadcast_in_dim3A : vector<1x1024xf32> to vector<8x1024xf32>
      %add3A_2659 = vector.broadcast %slice3A_2657 : vector<8x1xf32> to vector<8x1024xf32>
      %add3A_2660 = arith.addf %add3A_2658, %add3A_2659 : vector<8x1024xf32>
      %add3A_2661 = arith.addf %add3A_2660, %slice3A_2656 : vector<8x1024xf32>
      %lt3A_2662 = arith.cmpf olt, %add3A_2661, %select_n3A_2649 : vector<8x1024xf32>
      %select_n3A_2663 = arith.select %lt3A_2662, %add3A_2661, %select_n3A_2649 : vector<8x1024xi1>, vector<8x1024xf32>
      %mul3A_2664 = arith.constant 64 : i32
      %mul3A_2665 = arith.muli %add3A_1894, %mul3A_2664 : i32
      %add3A_2666 = arith.constant 54 : i32
      %add3A_2667 = arith.addi %mul3A_2665, %add3A_2666 : i32
      %broadcast_in_dim3A_2668 = vector.broadcast %add3A_2667 : i32 to vector<8x1024xi32>
      %select_n3A_2669 = arith.select %lt3A_2662, %broadcast_in_dim3A_2668, %select_n3A_2655 : vector<8x1024xi1>, vector<8x1024xi32>
      %slice3A_2670 = vector.extract_strided_slice %dot_general3A_79 {offsets = [440, 0], sizes = [8, 1024], strides = [1, 1]} : vector<512x1024xf32> to vector<8x1024xf32>
      %slice3A_2671 = vector.extract_strided_slice %get3A_1899 {offsets = [440, 0], sizes = [8, 1], strides = [1, 1]} : vector<512x1xf32> to vector<8x1xf32>
      %add3A_2672 = vector.broadcast %broadcast_in_dim3A : vector<1x1024xf32> to vector<8x1024xf32>
      %add3A_2673 = vector.broadcast %slice3A_2671 : vector<8x1xf32> to vector<8x1024xf32>
      %add3A_2674 = arith.addf %add3A_2672, %add3A_2673 : vector<8x1024xf32>
      %add3A_2675 = arith.addf %add3A_2674, %slice3A_2670 : vector<8x1024xf32>
      %lt3A_2676 = arith.cmpf olt, %add3A_2675, %select_n3A_2663 : vector<8x1024xf32>
      %select_n3A_2677 = arith.select %lt3A_2676, %add3A_2675, %select_n3A_2663 : vector<8x1024xi1>, vector<8x1024xf32>
      %mul3A_2678 = arith.constant 64 : i32
      %mul3A_2679 = arith.muli %add3A_1894, %mul3A_2678 : i32
      %add3A_2680 = arith.constant 55 : i32
      %add3A_2681 = arith.addi %mul3A_2679, %add3A_2680 : i32
      %broadcast_in_dim3A_2682 = vector.broadcast %add3A_2681 : i32 to vector<8x1024xi32>
      %select_n3A_2683 = arith.select %lt3A_2676, %broadcast_in_dim3A_2682, %select_n3A_2669 : vector<8x1024xi1>, vector<8x1024xi32>
      %slice3A_2684 = vector.extract_strided_slice %dot_general3A_79 {offsets = [448, 0], sizes = [8, 1024], strides = [1, 1]} : vector<512x1024xf32> to vector<8x1024xf32>
      %slice3A_2685 = vector.extract_strided_slice %get3A_1899 {offsets = [448, 0], sizes = [8, 1], strides = [1, 1]} : vector<512x1xf32> to vector<8x1xf32>
      %add3A_2686 = vector.broadcast %broadcast_in_dim3A : vector<1x1024xf32> to vector<8x1024xf32>
      %add3A_2687 = vector.broadcast %slice3A_2685 : vector<8x1xf32> to vector<8x1024xf32>
      %add3A_2688 = arith.addf %add3A_2686, %add3A_2687 : vector<8x1024xf32>
      %add3A_2689 = arith.addf %add3A_2688, %slice3A_2684 : vector<8x1024xf32>
      %lt3A_2690 = arith.cmpf olt, %add3A_2689, %select_n3A_2677 : vector<8x1024xf32>
      %select_n3A_2691 = arith.select %lt3A_2690, %add3A_2689, %select_n3A_2677 : vector<8x1024xi1>, vector<8x1024xf32>
      %mul3A_2692 = arith.constant 64 : i32
      %mul3A_2693 = arith.muli %add3A_1894, %mul3A_2692 : i32
      %add3A_2694 = arith.constant 56 : i32
      %add3A_2695 = arith.addi %mul3A_2693, %add3A_2694 : i32
      %broadcast_in_dim3A_2696 = vector.broadcast %add3A_2695 : i32 to vector<8x1024xi32>
      %select_n3A_2697 = arith.select %lt3A_2690, %broadcast_in_dim3A_2696, %select_n3A_2683 : vector<8x1024xi1>, vector<8x1024xi32>
      %slice3A_2698 = vector.extract_strided_slice %dot_general3A_79 {offsets = [456, 0], sizes = [8, 1024], strides = [1, 1]} : vector<512x1024xf32> to vector<8x1024xf32>
      %slice3A_2699 = vector.extract_strided_slice %get3A_1899 {offsets = [456, 0], sizes = [8, 1], strides = [1, 1]} : vector<512x1xf32> to vector<8x1xf32>
      %add3A_2700 = vector.broadcast %broadcast_in_dim3A : vector<1x1024xf32> to vector<8x1024xf32>
      %add3A_2701 = vector.broadcast %slice3A_2699 : vector<8x1xf32> to vector<8x1024xf32>
      %add3A_2702 = arith.addf %add3A_2700, %add3A_2701 : vector<8x1024xf32>
      %add3A_2703 = arith.addf %add3A_2702, %slice3A_2698 : vector<8x1024xf32>
      %lt3A_2704 = arith.cmpf olt, %add3A_2703, %select_n3A_2691 : vector<8x1024xf32>
      %select_n3A_2705 = arith.select %lt3A_2704, %add3A_2703, %select_n3A_2691 : vector<8x1024xi1>, vector<8x1024xf32>
      %mul3A_2706 = arith.constant 64 : i32
      %mul3A_2707 = arith.muli %add3A_1894, %mul3A_2706 : i32
      %add3A_2708 = arith.constant 57 : i32
      %add3A_2709 = arith.addi %mul3A_2707, %add3A_2708 : i32
      %broadcast_in_dim3A_2710 = vector.broadcast %add3A_2709 : i32 to vector<8x1024xi32>
      %select_n3A_2711 = arith.select %lt3A_2704, %broadcast_in_dim3A_2710, %select_n3A_2697 : vector<8x1024xi1>, vector<8x1024xi32>
      %slice3A_2712 = vector.extract_strided_slice %dot_general3A_79 {offsets = [464, 0], sizes = [8, 1024], strides = [1, 1]} : vector<512x1024xf32> to vector<8x1024xf32>
      %slice3A_2713 = vector.extract_strided_slice %get3A_1899 {offsets = [464, 0], sizes = [8, 1], strides = [1, 1]} : vector<512x1xf32> to vector<8x1xf32>
      %add3A_2714 = vector.broadcast %broadcast_in_dim3A : vector<1x1024xf32> to vector<8x1024xf32>
      %add3A_2715 = vector.broadcast %slice3A_2713 : vector<8x1xf32> to vector<8x1024xf32>
      %add3A_2716 = arith.addf %add3A_2714, %add3A_2715 : vector<8x1024xf32>
      %add3A_2717 = arith.addf %add3A_2716, %slice3A_2712 : vector<8x1024xf32>
      %lt3A_2718 = arith.cmpf olt, %add3A_2717, %select_n3A_2705 : vector<8x1024xf32>
      %select_n3A_2719 = arith.select %lt3A_2718, %add3A_2717, %select_n3A_2705 : vector<8x1024xi1>, vector<8x1024xf32>
      %mul3A_2720 = arith.constant 64 : i32
      %mul3A_2721 = arith.muli %add3A_1894, %mul3A_2720 : i32
      %add3A_2722 = arith.constant 58 : i32
      %add3A_2723 = arith.addi %mul3A_2721, %add3A_2722 : i32
      %broadcast_in_dim3A_2724 = vector.broadcast %add3A_2723 : i32 to vector<8x1024xi32>
      %select_n3A_2725 = arith.select %lt3A_2718, %broadcast_in_dim3A_2724, %select_n3A_2711 : vector<8x1024xi1>, vector<8x1024xi32>
      %slice3A_2726 = vector.extract_strided_slice %dot_general3A_79 {offsets = [472, 0], sizes = [8, 1024], strides = [1, 1]} : vector<512x1024xf32> to vector<8x1024xf32>
      %slice3A_2727 = vector.extract_strided_slice %get3A_1899 {offsets = [472, 0], sizes = [8, 1], strides = [1, 1]} : vector<512x1xf32> to vector<8x1xf32>
      %add3A_2728 = vector.broadcast %broadcast_in_dim3A : vector<1x1024xf32> to vector<8x1024xf32>
      %add3A_2729 = vector.broadcast %slice3A_2727 : vector<8x1xf32> to vector<8x1024xf32>
      %add3A_2730 = arith.addf %add3A_2728, %add3A_2729 : vector<8x1024xf32>
      %add3A_2731 = arith.addf %add3A_2730, %slice3A_2726 : vector<8x1024xf32>
      %lt3A_2732 = arith.cmpf olt, %add3A_2731, %select_n3A_2719 : vector<8x1024xf32>
      %select_n3A_2733 = arith.select %lt3A_2732, %add3A_2731, %select_n3A_2719 : vector<8x1024xi1>, vector<8x1024xf32>
      %mul3A_2734 = arith.constant 64 : i32
      %mul3A_2735 = arith.muli %add3A_1894, %mul3A_2734 : i32
      %add3A_2736 = arith.constant 59 : i32
      %add3A_2737 = arith.addi %mul3A_2735, %add3A_2736 : i32
      %broadcast_in_dim3A_2738 = vector.broadcast %add3A_2737 : i32 to vector<8x1024xi32>
      %select_n3A_2739 = arith.select %lt3A_2732, %broadcast_in_dim3A_2738, %select_n3A_2725 : vector<8x1024xi1>, vector<8x1024xi32>
      %slice3A_2740 = vector.extract_strided_slice %dot_general3A_79 {offsets = [480, 0], sizes = [8, 1024], strides = [1, 1]} : vector<512x1024xf32> to vector<8x1024xf32>
      %slice3A_2741 = vector.extract_strided_slice %get3A_1899 {offsets = [480, 0], sizes = [8, 1], strides = [1, 1]} : vector<512x1xf32> to vector<8x1xf32>
      %add3A_2742 = vector.broadcast %broadcast_in_dim3A : vector<1x1024xf32> to vector<8x1024xf32>
      %add3A_2743 = vector.broadcast %slice3A_2741 : vector<8x1xf32> to vector<8x1024xf32>
      %add3A_2744 = arith.addf %add3A_2742, %add3A_2743 : vector<8x1024xf32>
      %add3A_2745 = arith.addf %add3A_2744, %slice3A_2740 : vector<8x1024xf32>
      %lt3A_2746 = arith.cmpf olt, %add3A_2745, %select_n3A_2733 : vector<8x1024xf32>
      %select_n3A_2747 = arith.select %lt3A_2746, %add3A_2745, %select_n3A_2733 : vector<8x1024xi1>, vector<8x1024xf32>
      %mul3A_2748 = arith.constant 64 : i32
      %mul3A_2749 = arith.muli %add3A_1894, %mul3A_2748 : i32
      %add3A_2750 = arith.constant 60 : i32
      %add3A_2751 = arith.addi %mul3A_2749, %add3A_2750 : i32
      %broadcast_in_dim3A_2752 = vector.broadcast %add3A_2751 : i32 to vector<8x1024xi32>
      %select_n3A_2753 = arith.select %lt3A_2746, %broadcast_in_dim3A_2752, %select_n3A_2739 : vector<8x1024xi1>, vector<8x1024xi32>
      %slice3A_2754 = vector.extract_strided_slice %dot_general3A_79 {offsets = [488, 0], sizes = [8, 1024], strides = [1, 1]} : vector<512x1024xf32> to vector<8x1024xf32>
      %slice3A_2755 = vector.extract_strided_slice %get3A_1899 {offsets = [488, 0], sizes = [8, 1], strides = [1, 1]} : vector<512x1xf32> to vector<8x1xf32>
      %add3A_2756 = vector.broadcast %broadcast_in_dim3A : vector<1x1024xf32> to vector<8x1024xf32>
      %add3A_2757 = vector.broadcast %slice3A_2755 : vector<8x1xf32> to vector<8x1024xf32>
      %add3A_2758 = arith.addf %add3A_2756, %add3A_2757 : vector<8x1024xf32>
      %add3A_2759 = arith.addf %add3A_2758, %slice3A_2754 : vector<8x1024xf32>
      %lt3A_2760 = arith.cmpf olt, %add3A_2759, %select_n3A_2747 : vector<8x1024xf32>
      %select_n3A_2761 = arith.select %lt3A_2760, %add3A_2759, %select_n3A_2747 : vector<8x1024xi1>, vector<8x1024xf32>
      %mul3A_2762 = arith.constant 64 : i32
      %mul3A_2763 = arith.muli %add3A_1894, %mul3A_2762 : i32
      %add3A_2764 = arith.constant 61 : i32
      %add3A_2765 = arith.addi %mul3A_2763, %add3A_2764 : i32
      %broadcast_in_dim3A_2766 = vector.broadcast %add3A_2765 : i32 to vector<8x1024xi32>
      %select_n3A_2767 = arith.select %lt3A_2760, %broadcast_in_dim3A_2766, %select_n3A_2753 : vector<8x1024xi1>, vector<8x1024xi32>
      %slice3A_2768 = vector.extract_strided_slice %dot_general3A_79 {offsets = [496, 0], sizes = [8, 1024], strides = [1, 1]} : vector<512x1024xf32> to vector<8x1024xf32>
      %slice3A_2769 = vector.extract_strided_slice %get3A_1899 {offsets = [496, 0], sizes = [8, 1], strides = [1, 1]} : vector<512x1xf32> to vector<8x1xf32>
      %add3A_2770 = vector.broadcast %broadcast_in_dim3A : vector<1x1024xf32> to vector<8x1024xf32>
      %add3A_2771 = vector.broadcast %slice3A_2769 : vector<8x1xf32> to vector<8x1024xf32>
      %add3A_2772 = arith.addf %add3A_2770, %add3A_2771 : vector<8x1024xf32>
      %add3A_2773 = arith.addf %add3A_2772, %slice3A_2768 : vector<8x1024xf32>
      %lt3A_2774 = arith.cmpf olt, %add3A_2773, %select_n3A_2761 : vector<8x1024xf32>
      %select_n3A_2775 = arith.select %lt3A_2774, %add3A_2773, %select_n3A_2761 : vector<8x1024xi1>, vector<8x1024xf32>
      %mul3A_2776 = arith.constant 64 : i32
      %mul3A_2777 = arith.muli %add3A_1894, %mul3A_2776 : i32
      %add3A_2778 = arith.constant 62 : i32
      %add3A_2779 = arith.addi %mul3A_2777, %add3A_2778 : i32
      %broadcast_in_dim3A_2780 = vector.broadcast %add3A_2779 : i32 to vector<8x1024xi32>
      %select_n3A_2781 = arith.select %lt3A_2774, %broadcast_in_dim3A_2780, %select_n3A_2767 : vector<8x1024xi1>, vector<8x1024xi32>
      %slice3A_2782 = vector.extract_strided_slice %dot_general3A_79 {offsets = [504, 0], sizes = [8, 1024], strides = [1, 1]} : vector<512x1024xf32> to vector<8x1024xf32>
      %slice3A_2783 = vector.extract_strided_slice %get3A_1899 {offsets = [504, 0], sizes = [8, 1], strides = [1, 1]} : vector<512x1xf32> to vector<8x1xf32>
      %add3A_2784 = vector.broadcast %broadcast_in_dim3A : vector<1x1024xf32> to vector<8x1024xf32>
      %add3A_2785 = vector.broadcast %slice3A_2783 : vector<8x1xf32> to vector<8x1024xf32>
      %add3A_2786 = arith.addf %add3A_2784, %add3A_2785 : vector<8x1024xf32>
      %add3A_2787 = arith.addf %add3A_2786, %slice3A_2782 : vector<8x1024xf32>
      %lt3A_2788 = arith.cmpf olt, %add3A_2787, %select_n3A_2775 : vector<8x1024xf32>
      %select_n3A_2789 = arith.select %lt3A_2788, %add3A_2787, %select_n3A_2775 : vector<8x1024xi1>, vector<8x1024xf32>
      %mul3A_2790 = arith.constant 64 : i32
      %mul3A_2791 = arith.muli %add3A_1894, %mul3A_2790 : i32
      %add3A_2792 = arith.constant 63 : i32
      %add3A_2793 = arith.addi %mul3A_2791, %add3A_2792 : i32
      %broadcast_in_dim3A_2794 = vector.broadcast %add3A_2793 : i32 to vector<8x1024xi32>
      %select_n3A_2795 = arith.select %lt3A_2788, %broadcast_in_dim3A_2794, %select_n3A_2781 : vector<8x1024xi1>, vector<8x1024xi32>
      %add3A_2796 = arith.constant 3 : i32
      %add3A_2797 = arith.addi %mul3A_53, %add3A_2796 : i32
      %mul3A_2798 = arith.constant 512 : i32
      %mul3A_2799 = arith.muli %add3A_2797, %mul3A_2798 : i32
      %get3A_2800 = arith.index_cast %mul3A_2799 : i32 to index
      %get3A_2801 = arith.constant 0 : index
      %get3A_2802 = vector.load %arg5[%get3A_2800, %get3A_2801] : memref<8192x1xf32, #tpu.memory_space<vmem>>, vector<512x1xf32>
      %slice3A_2803 = vector.extract_strided_slice %dot_general3A_88 {offsets = [0, 0], sizes = [8, 1024], strides = [1, 1]} : vector<512x1024xf32> to vector<8x1024xf32>
      %slice3A_2804 = vector.extract_strided_slice %get3A_2802 {offsets = [0, 0], sizes = [8, 1], strides = [1, 1]} : vector<512x1xf32> to vector<8x1xf32>
      %add3A_2805 = vector.broadcast %broadcast_in_dim3A : vector<1x1024xf32> to vector<8x1024xf32>
      %add3A_2806 = vector.broadcast %slice3A_2804 : vector<8x1xf32> to vector<8x1024xf32>
      %add3A_2807 = arith.addf %add3A_2805, %add3A_2806 : vector<8x1024xf32>
      %add3A_2808 = arith.addf %add3A_2807, %slice3A_2803 : vector<8x1024xf32>
      %lt3A_2809 = arith.cmpf olt, %add3A_2808, %select_n3A_2789 : vector<8x1024xf32>
      %select_n3A_2810 = arith.select %lt3A_2809, %add3A_2808, %select_n3A_2789 : vector<8x1024xi1>, vector<8x1024xf32>
      %mul3A_2811 = arith.constant 64 : i32
      %mul3A_2812 = arith.muli %add3A_2797, %mul3A_2811 : i32
      %add3A_2813 = arith.constant 0 : i32
      %add3A_2814 = arith.addi %mul3A_2812, %add3A_2813 : i32
      %broadcast_in_dim3A_2815 = vector.broadcast %add3A_2814 : i32 to vector<8x1024xi32>
      %select_n3A_2816 = arith.select %lt3A_2809, %broadcast_in_dim3A_2815, %select_n3A_2795 : vector<8x1024xi1>, vector<8x1024xi32>
      %slice3A_2817 = vector.extract_strided_slice %dot_general3A_88 {offsets = [8, 0], sizes = [8, 1024], strides = [1, 1]} : vector<512x1024xf32> to vector<8x1024xf32>
      %slice3A_2818 = vector.extract_strided_slice %get3A_2802 {offsets = [8, 0], sizes = [8, 1], strides = [1, 1]} : vector<512x1xf32> to vector<8x1xf32>
      %add3A_2819 = vector.broadcast %broadcast_in_dim3A : vector<1x1024xf32> to vector<8x1024xf32>
      %add3A_2820 = vector.broadcast %slice3A_2818 : vector<8x1xf32> to vector<8x1024xf32>
      %add3A_2821 = arith.addf %add3A_2819, %add3A_2820 : vector<8x1024xf32>
      %add3A_2822 = arith.addf %add3A_2821, %slice3A_2817 : vector<8x1024xf32>
      %lt3A_2823 = arith.cmpf olt, %add3A_2822, %select_n3A_2810 : vector<8x1024xf32>
      %select_n3A_2824 = arith.select %lt3A_2823, %add3A_2822, %select_n3A_2810 : vector<8x1024xi1>, vector<8x1024xf32>
      %mul3A_2825 = arith.constant 64 : i32
      %mul3A_2826 = arith.muli %add3A_2797, %mul3A_2825 : i32
      %add3A_2827 = arith.constant 1 : i32
      %add3A_2828 = arith.addi %mul3A_2826, %add3A_2827 : i32
      %broadcast_in_dim3A_2829 = vector.broadcast %add3A_2828 : i32 to vector<8x1024xi32>
      %select_n3A_2830 = arith.select %lt3A_2823, %broadcast_in_dim3A_2829, %select_n3A_2816 : vector<8x1024xi1>, vector<8x1024xi32>
      %slice3A_2831 = vector.extract_strided_slice %dot_general3A_88 {offsets = [16, 0], sizes = [8, 1024], strides = [1, 1]} : vector<512x1024xf32> to vector<8x1024xf32>
      %slice3A_2832 = vector.extract_strided_slice %get3A_2802 {offsets = [16, 0], sizes = [8, 1], strides = [1, 1]} : vector<512x1xf32> to vector<8x1xf32>
      %add3A_2833 = vector.broadcast %broadcast_in_dim3A : vector<1x1024xf32> to vector<8x1024xf32>
      %add3A_2834 = vector.broadcast %slice3A_2832 : vector<8x1xf32> to vector<8x1024xf32>
      %add3A_2835 = arith.addf %add3A_2833, %add3A_2834 : vector<8x1024xf32>
      %add3A_2836 = arith.addf %add3A_2835, %slice3A_2831 : vector<8x1024xf32>
      %lt3A_2837 = arith.cmpf olt, %add3A_2836, %select_n3A_2824 : vector<8x1024xf32>
      %select_n3A_2838 = arith.select %lt3A_2837, %add3A_2836, %select_n3A_2824 : vector<8x1024xi1>, vector<8x1024xf32>
      %mul3A_2839 = arith.constant 64 : i32
      %mul3A_2840 = arith.muli %add3A_2797, %mul3A_2839 : i32
      %add3A_2841 = arith.constant 2 : i32
      %add3A_2842 = arith.addi %mul3A_2840, %add3A_2841 : i32
      %broadcast_in_dim3A_2843 = vector.broadcast %add3A_2842 : i32 to vector<8x1024xi32>
      %select_n3A_2844 = arith.select %lt3A_2837, %broadcast_in_dim3A_2843, %select_n3A_2830 : vector<8x1024xi1>, vector<8x1024xi32>
      %slice3A_2845 = vector.extract_strided_slice %dot_general3A_88 {offsets = [24, 0], sizes = [8, 1024], strides = [1, 1]} : vector<512x1024xf32> to vector<8x1024xf32>
      %slice3A_2846 = vector.extract_strided_slice %get3A_2802 {offsets = [24, 0], sizes = [8, 1], strides = [1, 1]} : vector<512x1xf32> to vector<8x1xf32>
      %add3A_2847 = vector.broadcast %broadcast_in_dim3A : vector<1x1024xf32> to vector<8x1024xf32>
      %add3A_2848 = vector.broadcast %slice3A_2846 : vector<8x1xf32> to vector<8x1024xf32>
      %add3A_2849 = arith.addf %add3A_2847, %add3A_2848 : vector<8x1024xf32>
      %add3A_2850 = arith.addf %add3A_2849, %slice3A_2845 : vector<8x1024xf32>
      %lt3A_2851 = arith.cmpf olt, %add3A_2850, %select_n3A_2838 : vector<8x1024xf32>
      %select_n3A_2852 = arith.select %lt3A_2851, %add3A_2850, %select_n3A_2838 : vector<8x1024xi1>, vector<8x1024xf32>
      %mul3A_2853 = arith.constant 64 : i32
      %mul3A_2854 = arith.muli %add3A_2797, %mul3A_2853 : i32
      %add3A_2855 = arith.constant 3 : i32
      %add3A_2856 = arith.addi %mul3A_2854, %add3A_2855 : i32
      %broadcast_in_dim3A_2857 = vector.broadcast %add3A_2856 : i32 to vector<8x1024xi32>
      %select_n3A_2858 = arith.select %lt3A_2851, %broadcast_in_dim3A_2857, %select_n3A_2844 : vector<8x1024xi1>, vector<8x1024xi32>
      %slice3A_2859 = vector.extract_strided_slice %dot_general3A_88 {offsets = [32, 0], sizes = [8, 1024], strides = [1, 1]} : vector<512x1024xf32> to vector<8x1024xf32>
      %slice3A_2860 = vector.extract_strided_slice %get3A_2802 {offsets = [32, 0], sizes = [8, 1], strides = [1, 1]} : vector<512x1xf32> to vector<8x1xf32>
      %add3A_2861 = vector.broadcast %broadcast_in_dim3A : vector<1x1024xf32> to vector<8x1024xf32>
      %add3A_2862 = vector.broadcast %slice3A_2860 : vector<8x1xf32> to vector<8x1024xf32>
      %add3A_2863 = arith.addf %add3A_2861, %add3A_2862 : vector<8x1024xf32>
      %add3A_2864 = arith.addf %add3A_2863, %slice3A_2859 : vector<8x1024xf32>
      %lt3A_2865 = arith.cmpf olt, %add3A_2864, %select_n3A_2852 : vector<8x1024xf32>
      %select_n3A_2866 = arith.select %lt3A_2865, %add3A_2864, %select_n3A_2852 : vector<8x1024xi1>, vector<8x1024xf32>
      %mul3A_2867 = arith.constant 64 : i32
      %mul3A_2868 = arith.muli %add3A_2797, %mul3A_2867 : i32
      %add3A_2869 = arith.constant 4 : i32
      %add3A_2870 = arith.addi %mul3A_2868, %add3A_2869 : i32
      %broadcast_in_dim3A_2871 = vector.broadcast %add3A_2870 : i32 to vector<8x1024xi32>
      %select_n3A_2872 = arith.select %lt3A_2865, %broadcast_in_dim3A_2871, %select_n3A_2858 : vector<8x1024xi1>, vector<8x1024xi32>
      %slice3A_2873 = vector.extract_strided_slice %dot_general3A_88 {offsets = [40, 0], sizes = [8, 1024], strides = [1, 1]} : vector<512x1024xf32> to vector<8x1024xf32>
      %slice3A_2874 = vector.extract_strided_slice %get3A_2802 {offsets = [40, 0], sizes = [8, 1], strides = [1, 1]} : vector<512x1xf32> to vector<8x1xf32>
      %add3A_2875 = vector.broadcast %broadcast_in_dim3A : vector<1x1024xf32> to vector<8x1024xf32>
      %add3A_2876 = vector.broadcast %slice3A_2874 : vector<8x1xf32> to vector<8x1024xf32>
      %add3A_2877 = arith.addf %add3A_2875, %add3A_2876 : vector<8x1024xf32>
      %add3A_2878 = arith.addf %add3A_2877, %slice3A_2873 : vector<8x1024xf32>
      %lt3A_2879 = arith.cmpf olt, %add3A_2878, %select_n3A_2866 : vector<8x1024xf32>
      %select_n3A_2880 = arith.select %lt3A_2879, %add3A_2878, %select_n3A_2866 : vector<8x1024xi1>, vector<8x1024xf32>
      %mul3A_2881 = arith.constant 64 : i32
      %mul3A_2882 = arith.muli %add3A_2797, %mul3A_2881 : i32
      %add3A_2883 = arith.constant 5 : i32
      %add3A_2884 = arith.addi %mul3A_2882, %add3A_2883 : i32
      %broadcast_in_dim3A_2885 = vector.broadcast %add3A_2884 : i32 to vector<8x1024xi32>
      %select_n3A_2886 = arith.select %lt3A_2879, %broadcast_in_dim3A_2885, %select_n3A_2872 : vector<8x1024xi1>, vector<8x1024xi32>
      %slice3A_2887 = vector.extract_strided_slice %dot_general3A_88 {offsets = [48, 0], sizes = [8, 1024], strides = [1, 1]} : vector<512x1024xf32> to vector<8x1024xf32>
      %slice3A_2888 = vector.extract_strided_slice %get3A_2802 {offsets = [48, 0], sizes = [8, 1], strides = [1, 1]} : vector<512x1xf32> to vector<8x1xf32>
      %add3A_2889 = vector.broadcast %broadcast_in_dim3A : vector<1x1024xf32> to vector<8x1024xf32>
      %add3A_2890 = vector.broadcast %slice3A_2888 : vector<8x1xf32> to vector<8x1024xf32>
      %add3A_2891 = arith.addf %add3A_2889, %add3A_2890 : vector<8x1024xf32>
      %add3A_2892 = arith.addf %add3A_2891, %slice3A_2887 : vector<8x1024xf32>
      %lt3A_2893 = arith.cmpf olt, %add3A_2892, %select_n3A_2880 : vector<8x1024xf32>
      %select_n3A_2894 = arith.select %lt3A_2893, %add3A_2892, %select_n3A_2880 : vector<8x1024xi1>, vector<8x1024xf32>
      %mul3A_2895 = arith.constant 64 : i32
      %mul3A_2896 = arith.muli %add3A_2797, %mul3A_2895 : i32
      %add3A_2897 = arith.constant 6 : i32
      %add3A_2898 = arith.addi %mul3A_2896, %add3A_2897 : i32
      %broadcast_in_dim3A_2899 = vector.broadcast %add3A_2898 : i32 to vector<8x1024xi32>
      %select_n3A_2900 = arith.select %lt3A_2893, %broadcast_in_dim3A_2899, %select_n3A_2886 : vector<8x1024xi1>, vector<8x1024xi32>
      %slice3A_2901 = vector.extract_strided_slice %dot_general3A_88 {offsets = [56, 0], sizes = [8, 1024], strides = [1, 1]} : vector<512x1024xf32> to vector<8x1024xf32>
      %slice3A_2902 = vector.extract_strided_slice %get3A_2802 {offsets = [56, 0], sizes = [8, 1], strides = [1, 1]} : vector<512x1xf32> to vector<8x1xf32>
      %add3A_2903 = vector.broadcast %broadcast_in_dim3A : vector<1x1024xf32> to vector<8x1024xf32>
      %add3A_2904 = vector.broadcast %slice3A_2902 : vector<8x1xf32> to vector<8x1024xf32>
      %add3A_2905 = arith.addf %add3A_2903, %add3A_2904 : vector<8x1024xf32>
      %add3A_2906 = arith.addf %add3A_2905, %slice3A_2901 : vector<8x1024xf32>
      %lt3A_2907 = arith.cmpf olt, %add3A_2906, %select_n3A_2894 : vector<8x1024xf32>
      %select_n3A_2908 = arith.select %lt3A_2907, %add3A_2906, %select_n3A_2894 : vector<8x1024xi1>, vector<8x1024xf32>
      %mul3A_2909 = arith.constant 64 : i32
      %mul3A_2910 = arith.muli %add3A_2797, %mul3A_2909 : i32
      %add3A_2911 = arith.constant 7 : i32
      %add3A_2912 = arith.addi %mul3A_2910, %add3A_2911 : i32
      %broadcast_in_dim3A_2913 = vector.broadcast %add3A_2912 : i32 to vector<8x1024xi32>
      %select_n3A_2914 = arith.select %lt3A_2907, %broadcast_in_dim3A_2913, %select_n3A_2900 : vector<8x1024xi1>, vector<8x1024xi32>
      %slice3A_2915 = vector.extract_strided_slice %dot_general3A_88 {offsets = [64, 0], sizes = [8, 1024], strides = [1, 1]} : vector<512x1024xf32> to vector<8x1024xf32>
      %slice3A_2916 = vector.extract_strided_slice %get3A_2802 {offsets = [64, 0], sizes = [8, 1], strides = [1, 1]} : vector<512x1xf32> to vector<8x1xf32>
      %add3A_2917 = vector.broadcast %broadcast_in_dim3A : vector<1x1024xf32> to vector<8x1024xf32>
      %add3A_2918 = vector.broadcast %slice3A_2916 : vector<8x1xf32> to vector<8x1024xf32>
      %add3A_2919 = arith.addf %add3A_2917, %add3A_2918 : vector<8x1024xf32>
      %add3A_2920 = arith.addf %add3A_2919, %slice3A_2915 : vector<8x1024xf32>
      %lt3A_2921 = arith.cmpf olt, %add3A_2920, %select_n3A_2908 : vector<8x1024xf32>
      %select_n3A_2922 = arith.select %lt3A_2921, %add3A_2920, %select_n3A_2908 : vector<8x1024xi1>, vector<8x1024xf32>
      %mul3A_2923 = arith.constant 64 : i32
      %mul3A_2924 = arith.muli %add3A_2797, %mul3A_2923 : i32
      %add3A_2925 = arith.constant 8 : i32
      %add3A_2926 = arith.addi %mul3A_2924, %add3A_2925 : i32
      %broadcast_in_dim3A_2927 = vector.broadcast %add3A_2926 : i32 to vector<8x1024xi32>
      %select_n3A_2928 = arith.select %lt3A_2921, %broadcast_in_dim3A_2927, %select_n3A_2914 : vector<8x1024xi1>, vector<8x1024xi32>
      %slice3A_2929 = vector.extract_strided_slice %dot_general3A_88 {offsets = [72, 0], sizes = [8, 1024], strides = [1, 1]} : vector<512x1024xf32> to vector<8x1024xf32>
      %slice3A_2930 = vector.extract_strided_slice %get3A_2802 {offsets = [72, 0], sizes = [8, 1], strides = [1, 1]} : vector<512x1xf32> to vector<8x1xf32>
      %add3A_2931 = vector.broadcast %broadcast_in_dim3A : vector<1x1024xf32> to vector<8x1024xf32>
      %add3A_2932 = vector.broadcast %slice3A_2930 : vector<8x1xf32> to vector<8x1024xf32>
      %add3A_2933 = arith.addf %add3A_2931, %add3A_2932 : vector<8x1024xf32>
      %add3A_2934 = arith.addf %add3A_2933, %slice3A_2929 : vector<8x1024xf32>
      %lt3A_2935 = arith.cmpf olt, %add3A_2934, %select_n3A_2922 : vector<8x1024xf32>
      %select_n3A_2936 = arith.select %lt3A_2935, %add3A_2934, %select_n3A_2922 : vector<8x1024xi1>, vector<8x1024xf32>
      %mul3A_2937 = arith.constant 64 : i32
      %mul3A_2938 = arith.muli %add3A_2797, %mul3A_2937 : i32
      %add3A_2939 = arith.constant 9 : i32
      %add3A_2940 = arith.addi %mul3A_2938, %add3A_2939 : i32
      %broadcast_in_dim3A_2941 = vector.broadcast %add3A_2940 : i32 to vector<8x1024xi32>
      %select_n3A_2942 = arith.select %lt3A_2935, %broadcast_in_dim3A_2941, %select_n3A_2928 : vector<8x1024xi1>, vector<8x1024xi32>
      %slice3A_2943 = vector.extract_strided_slice %dot_general3A_88 {offsets = [80, 0], sizes = [8, 1024], strides = [1, 1]} : vector<512x1024xf32> to vector<8x1024xf32>
      %slice3A_2944 = vector.extract_strided_slice %get3A_2802 {offsets = [80, 0], sizes = [8, 1], strides = [1, 1]} : vector<512x1xf32> to vector<8x1xf32>
      %add3A_2945 = vector.broadcast %broadcast_in_dim3A : vector<1x1024xf32> to vector<8x1024xf32>
      %add3A_2946 = vector.broadcast %slice3A_2944 : vector<8x1xf32> to vector<8x1024xf32>
      %add3A_2947 = arith.addf %add3A_2945, %add3A_2946 : vector<8x1024xf32>
      %add3A_2948 = arith.addf %add3A_2947, %slice3A_2943 : vector<8x1024xf32>
      %lt3A_2949 = arith.cmpf olt, %add3A_2948, %select_n3A_2936 : vector<8x1024xf32>
      %select_n3A_2950 = arith.select %lt3A_2949, %add3A_2948, %select_n3A_2936 : vector<8x1024xi1>, vector<8x1024xf32>
      %mul3A_2951 = arith.constant 64 : i32
      %mul3A_2952 = arith.muli %add3A_2797, %mul3A_2951 : i32
      %add3A_2953 = arith.constant 10 : i32
      %add3A_2954 = arith.addi %mul3A_2952, %add3A_2953 : i32
      %broadcast_in_dim3A_2955 = vector.broadcast %add3A_2954 : i32 to vector<8x1024xi32>
      %select_n3A_2956 = arith.select %lt3A_2949, %broadcast_in_dim3A_2955, %select_n3A_2942 : vector<8x1024xi1>, vector<8x1024xi32>
      %slice3A_2957 = vector.extract_strided_slice %dot_general3A_88 {offsets = [88, 0], sizes = [8, 1024], strides = [1, 1]} : vector<512x1024xf32> to vector<8x1024xf32>
      %slice3A_2958 = vector.extract_strided_slice %get3A_2802 {offsets = [88, 0], sizes = [8, 1], strides = [1, 1]} : vector<512x1xf32> to vector<8x1xf32>
      %add3A_2959 = vector.broadcast %broadcast_in_dim3A : vector<1x1024xf32> to vector<8x1024xf32>
      %add3A_2960 = vector.broadcast %slice3A_2958 : vector<8x1xf32> to vector<8x1024xf32>
      %add3A_2961 = arith.addf %add3A_2959, %add3A_2960 : vector<8x1024xf32>
      %add3A_2962 = arith.addf %add3A_2961, %slice3A_2957 : vector<8x1024xf32>
      %lt3A_2963 = arith.cmpf olt, %add3A_2962, %select_n3A_2950 : vector<8x1024xf32>
      %select_n3A_2964 = arith.select %lt3A_2963, %add3A_2962, %select_n3A_2950 : vector<8x1024xi1>, vector<8x1024xf32>
      %mul3A_2965 = arith.constant 64 : i32
      %mul3A_2966 = arith.muli %add3A_2797, %mul3A_2965 : i32
      %add3A_2967 = arith.constant 11 : i32
      %add3A_2968 = arith.addi %mul3A_2966, %add3A_2967 : i32
      %broadcast_in_dim3A_2969 = vector.broadcast %add3A_2968 : i32 to vector<8x1024xi32>
      %select_n3A_2970 = arith.select %lt3A_2963, %broadcast_in_dim3A_2969, %select_n3A_2956 : vector<8x1024xi1>, vector<8x1024xi32>
      %slice3A_2971 = vector.extract_strided_slice %dot_general3A_88 {offsets = [96, 0], sizes = [8, 1024], strides = [1, 1]} : vector<512x1024xf32> to vector<8x1024xf32>
      %slice3A_2972 = vector.extract_strided_slice %get3A_2802 {offsets = [96, 0], sizes = [8, 1], strides = [1, 1]} : vector<512x1xf32> to vector<8x1xf32>
      %add3A_2973 = vector.broadcast %broadcast_in_dim3A : vector<1x1024xf32> to vector<8x1024xf32>
      %add3A_2974 = vector.broadcast %slice3A_2972 : vector<8x1xf32> to vector<8x1024xf32>
      %add3A_2975 = arith.addf %add3A_2973, %add3A_2974 : vector<8x1024xf32>
      %add3A_2976 = arith.addf %add3A_2975, %slice3A_2971 : vector<8x1024xf32>
      %lt3A_2977 = arith.cmpf olt, %add3A_2976, %select_n3A_2964 : vector<8x1024xf32>
      %select_n3A_2978 = arith.select %lt3A_2977, %add3A_2976, %select_n3A_2964 : vector<8x1024xi1>, vector<8x1024xf32>
      %mul3A_2979 = arith.constant 64 : i32
      %mul3A_2980 = arith.muli %add3A_2797, %mul3A_2979 : i32
      %add3A_2981 = arith.constant 12 : i32
      %add3A_2982 = arith.addi %mul3A_2980, %add3A_2981 : i32
      %broadcast_in_dim3A_2983 = vector.broadcast %add3A_2982 : i32 to vector<8x1024xi32>
      %select_n3A_2984 = arith.select %lt3A_2977, %broadcast_in_dim3A_2983, %select_n3A_2970 : vector<8x1024xi1>, vector<8x1024xi32>
      %slice3A_2985 = vector.extract_strided_slice %dot_general3A_88 {offsets = [104, 0], sizes = [8, 1024], strides = [1, 1]} : vector<512x1024xf32> to vector<8x1024xf32>
      %slice3A_2986 = vector.extract_strided_slice %get3A_2802 {offsets = [104, 0], sizes = [8, 1], strides = [1, 1]} : vector<512x1xf32> to vector<8x1xf32>
      %add3A_2987 = vector.broadcast %broadcast_in_dim3A : vector<1x1024xf32> to vector<8x1024xf32>
      %add3A_2988 = vector.broadcast %slice3A_2986 : vector<8x1xf32> to vector<8x1024xf32>
      %add3A_2989 = arith.addf %add3A_2987, %add3A_2988 : vector<8x1024xf32>
      %add3A_2990 = arith.addf %add3A_2989, %slice3A_2985 : vector<8x1024xf32>
      %lt3A_2991 = arith.cmpf olt, %add3A_2990, %select_n3A_2978 : vector<8x1024xf32>
      %select_n3A_2992 = arith.select %lt3A_2991, %add3A_2990, %select_n3A_2978 : vector<8x1024xi1>, vector<8x1024xf32>
      %mul3A_2993 = arith.constant 64 : i32
      %mul3A_2994 = arith.muli %add3A_2797, %mul3A_2993 : i32
      %add3A_2995 = arith.constant 13 : i32
      %add3A_2996 = arith.addi %mul3A_2994, %add3A_2995 : i32
      %broadcast_in_dim3A_2997 = vector.broadcast %add3A_2996 : i32 to vector<8x1024xi32>
      %select_n3A_2998 = arith.select %lt3A_2991, %broadcast_in_dim3A_2997, %select_n3A_2984 : vector<8x1024xi1>, vector<8x1024xi32>
      %slice3A_2999 = vector.extract_strided_slice %dot_general3A_88 {offsets = [112, 0], sizes = [8, 1024], strides = [1, 1]} : vector<512x1024xf32> to vector<8x1024xf32>
      %slice3A_3000 = vector.extract_strided_slice %get3A_2802 {offsets = [112, 0], sizes = [8, 1], strides = [1, 1]} : vector<512x1xf32> to vector<8x1xf32>
      %add3A_3001 = vector.broadcast %broadcast_in_dim3A : vector<1x1024xf32> to vector<8x1024xf32>
      %add3A_3002 = vector.broadcast %slice3A_3000 : vector<8x1xf32> to vector<8x1024xf32>
      %add3A_3003 = arith.addf %add3A_3001, %add3A_3002 : vector<8x1024xf32>
      %add3A_3004 = arith.addf %add3A_3003, %slice3A_2999 : vector<8x1024xf32>
      %lt3A_3005 = arith.cmpf olt, %add3A_3004, %select_n3A_2992 : vector<8x1024xf32>
      %select_n3A_3006 = arith.select %lt3A_3005, %add3A_3004, %select_n3A_2992 : vector<8x1024xi1>, vector<8x1024xf32>
      %mul3A_3007 = arith.constant 64 : i32
      %mul3A_3008 = arith.muli %add3A_2797, %mul3A_3007 : i32
      %add3A_3009 = arith.constant 14 : i32
      %add3A_3010 = arith.addi %mul3A_3008, %add3A_3009 : i32
      %broadcast_in_dim3A_3011 = vector.broadcast %add3A_3010 : i32 to vector<8x1024xi32>
      %select_n3A_3012 = arith.select %lt3A_3005, %broadcast_in_dim3A_3011, %select_n3A_2998 : vector<8x1024xi1>, vector<8x1024xi32>
      %slice3A_3013 = vector.extract_strided_slice %dot_general3A_88 {offsets = [120, 0], sizes = [8, 1024], strides = [1, 1]} : vector<512x1024xf32> to vector<8x1024xf32>
      %slice3A_3014 = vector.extract_strided_slice %get3A_2802 {offsets = [120, 0], sizes = [8, 1], strides = [1, 1]} : vector<512x1xf32> to vector<8x1xf32>
      %add3A_3015 = vector.broadcast %broadcast_in_dim3A : vector<1x1024xf32> to vector<8x1024xf32>
      %add3A_3016 = vector.broadcast %slice3A_3014 : vector<8x1xf32> to vector<8x1024xf32>
      %add3A_3017 = arith.addf %add3A_3015, %add3A_3016 : vector<8x1024xf32>
      %add3A_3018 = arith.addf %add3A_3017, %slice3A_3013 : vector<8x1024xf32>
      %lt3A_3019 = arith.cmpf olt, %add3A_3018, %select_n3A_3006 : vector<8x1024xf32>
      %select_n3A_3020 = arith.select %lt3A_3019, %add3A_3018, %select_n3A_3006 : vector<8x1024xi1>, vector<8x1024xf32>
      %mul3A_3021 = arith.constant 64 : i32
      %mul3A_3022 = arith.muli %add3A_2797, %mul3A_3021 : i32
      %add3A_3023 = arith.constant 15 : i32
      %add3A_3024 = arith.addi %mul3A_3022, %add3A_3023 : i32
      %broadcast_in_dim3A_3025 = vector.broadcast %add3A_3024 : i32 to vector<8x1024xi32>
      %select_n3A_3026 = arith.select %lt3A_3019, %broadcast_in_dim3A_3025, %select_n3A_3012 : vector<8x1024xi1>, vector<8x1024xi32>
      %slice3A_3027 = vector.extract_strided_slice %dot_general3A_88 {offsets = [128, 0], sizes = [8, 1024], strides = [1, 1]} : vector<512x1024xf32> to vector<8x1024xf32>
      %slice3A_3028 = vector.extract_strided_slice %get3A_2802 {offsets = [128, 0], sizes = [8, 1], strides = [1, 1]} : vector<512x1xf32> to vector<8x1xf32>
      %add3A_3029 = vector.broadcast %broadcast_in_dim3A : vector<1x1024xf32> to vector<8x1024xf32>
      %add3A_3030 = vector.broadcast %slice3A_3028 : vector<8x1xf32> to vector<8x1024xf32>
      %add3A_3031 = arith.addf %add3A_3029, %add3A_3030 : vector<8x1024xf32>
      %add3A_3032 = arith.addf %add3A_3031, %slice3A_3027 : vector<8x1024xf32>
      %lt3A_3033 = arith.cmpf olt, %add3A_3032, %select_n3A_3020 : vector<8x1024xf32>
      %select_n3A_3034 = arith.select %lt3A_3033, %add3A_3032, %select_n3A_3020 : vector<8x1024xi1>, vector<8x1024xf32>
      %mul3A_3035 = arith.constant 64 : i32
      %mul3A_3036 = arith.muli %add3A_2797, %mul3A_3035 : i32
      %add3A_3037 = arith.constant 16 : i32
      %add3A_3038 = arith.addi %mul3A_3036, %add3A_3037 : i32
      %broadcast_in_dim3A_3039 = vector.broadcast %add3A_3038 : i32 to vector<8x1024xi32>
      %select_n3A_3040 = arith.select %lt3A_3033, %broadcast_in_dim3A_3039, %select_n3A_3026 : vector<8x1024xi1>, vector<8x1024xi32>
      %slice3A_3041 = vector.extract_strided_slice %dot_general3A_88 {offsets = [136, 0], sizes = [8, 1024], strides = [1, 1]} : vector<512x1024xf32> to vector<8x1024xf32>
      %slice3A_3042 = vector.extract_strided_slice %get3A_2802 {offsets = [136, 0], sizes = [8, 1], strides = [1, 1]} : vector<512x1xf32> to vector<8x1xf32>
      %add3A_3043 = vector.broadcast %broadcast_in_dim3A : vector<1x1024xf32> to vector<8x1024xf32>
      %add3A_3044 = vector.broadcast %slice3A_3042 : vector<8x1xf32> to vector<8x1024xf32>
      %add3A_3045 = arith.addf %add3A_3043, %add3A_3044 : vector<8x1024xf32>
      %add3A_3046 = arith.addf %add3A_3045, %slice3A_3041 : vector<8x1024xf32>
      %lt3A_3047 = arith.cmpf olt, %add3A_3046, %select_n3A_3034 : vector<8x1024xf32>
      %select_n3A_3048 = arith.select %lt3A_3047, %add3A_3046, %select_n3A_3034 : vector<8x1024xi1>, vector<8x1024xf32>
      %mul3A_3049 = arith.constant 64 : i32
      %mul3A_3050 = arith.muli %add3A_2797, %mul3A_3049 : i32
      %add3A_3051 = arith.constant 17 : i32
      %add3A_3052 = arith.addi %mul3A_3050, %add3A_3051 : i32
      %broadcast_in_dim3A_3053 = vector.broadcast %add3A_3052 : i32 to vector<8x1024xi32>
      %select_n3A_3054 = arith.select %lt3A_3047, %broadcast_in_dim3A_3053, %select_n3A_3040 : vector<8x1024xi1>, vector<8x1024xi32>
      %slice3A_3055 = vector.extract_strided_slice %dot_general3A_88 {offsets = [144, 0], sizes = [8, 1024], strides = [1, 1]} : vector<512x1024xf32> to vector<8x1024xf32>
      %slice3A_3056 = vector.extract_strided_slice %get3A_2802 {offsets = [144, 0], sizes = [8, 1], strides = [1, 1]} : vector<512x1xf32> to vector<8x1xf32>
      %add3A_3057 = vector.broadcast %broadcast_in_dim3A : vector<1x1024xf32> to vector<8x1024xf32>
      %add3A_3058 = vector.broadcast %slice3A_3056 : vector<8x1xf32> to vector<8x1024xf32>
      %add3A_3059 = arith.addf %add3A_3057, %add3A_3058 : vector<8x1024xf32>
      %add3A_3060 = arith.addf %add3A_3059, %slice3A_3055 : vector<8x1024xf32>
      %lt3A_3061 = arith.cmpf olt, %add3A_3060, %select_n3A_3048 : vector<8x1024xf32>
      %select_n3A_3062 = arith.select %lt3A_3061, %add3A_3060, %select_n3A_3048 : vector<8x1024xi1>, vector<8x1024xf32>
      %mul3A_3063 = arith.constant 64 : i32
      %mul3A_3064 = arith.muli %add3A_2797, %mul3A_3063 : i32
      %add3A_3065 = arith.constant 18 : i32
      %add3A_3066 = arith.addi %mul3A_3064, %add3A_3065 : i32
      %broadcast_in_dim3A_3067 = vector.broadcast %add3A_3066 : i32 to vector<8x1024xi32>
      %select_n3A_3068 = arith.select %lt3A_3061, %broadcast_in_dim3A_3067, %select_n3A_3054 : vector<8x1024xi1>, vector<8x1024xi32>
      %slice3A_3069 = vector.extract_strided_slice %dot_general3A_88 {offsets = [152, 0], sizes = [8, 1024], strides = [1, 1]} : vector<512x1024xf32> to vector<8x1024xf32>
      %slice3A_3070 = vector.extract_strided_slice %get3A_2802 {offsets = [152, 0], sizes = [8, 1], strides = [1, 1]} : vector<512x1xf32> to vector<8x1xf32>
      %add3A_3071 = vector.broadcast %broadcast_in_dim3A : vector<1x1024xf32> to vector<8x1024xf32>
      %add3A_3072 = vector.broadcast %slice3A_3070 : vector<8x1xf32> to vector<8x1024xf32>
      %add3A_3073 = arith.addf %add3A_3071, %add3A_3072 : vector<8x1024xf32>
      %add3A_3074 = arith.addf %add3A_3073, %slice3A_3069 : vector<8x1024xf32>
      %lt3A_3075 = arith.cmpf olt, %add3A_3074, %select_n3A_3062 : vector<8x1024xf32>
      %select_n3A_3076 = arith.select %lt3A_3075, %add3A_3074, %select_n3A_3062 : vector<8x1024xi1>, vector<8x1024xf32>
      %mul3A_3077 = arith.constant 64 : i32
      %mul3A_3078 = arith.muli %add3A_2797, %mul3A_3077 : i32
      %add3A_3079 = arith.constant 19 : i32
      %add3A_3080 = arith.addi %mul3A_3078, %add3A_3079 : i32
      %broadcast_in_dim3A_3081 = vector.broadcast %add3A_3080 : i32 to vector<8x1024xi32>
      %select_n3A_3082 = arith.select %lt3A_3075, %broadcast_in_dim3A_3081, %select_n3A_3068 : vector<8x1024xi1>, vector<8x1024xi32>
      %slice3A_3083 = vector.extract_strided_slice %dot_general3A_88 {offsets = [160, 0], sizes = [8, 1024], strides = [1, 1]} : vector<512x1024xf32> to vector<8x1024xf32>
      %slice3A_3084 = vector.extract_strided_slice %get3A_2802 {offsets = [160, 0], sizes = [8, 1], strides = [1, 1]} : vector<512x1xf32> to vector<8x1xf32>
      %add3A_3085 = vector.broadcast %broadcast_in_dim3A : vector<1x1024xf32> to vector<8x1024xf32>
      %add3A_3086 = vector.broadcast %slice3A_3084 : vector<8x1xf32> to vector<8x1024xf32>
      %add3A_3087 = arith.addf %add3A_3085, %add3A_3086 : vector<8x1024xf32>
      %add3A_3088 = arith.addf %add3A_3087, %slice3A_3083 : vector<8x1024xf32>
      %lt3A_3089 = arith.cmpf olt, %add3A_3088, %select_n3A_3076 : vector<8x1024xf32>
      %select_n3A_3090 = arith.select %lt3A_3089, %add3A_3088, %select_n3A_3076 : vector<8x1024xi1>, vector<8x1024xf32>
      %mul3A_3091 = arith.constant 64 : i32
      %mul3A_3092 = arith.muli %add3A_2797, %mul3A_3091 : i32
      %add3A_3093 = arith.constant 20 : i32
      %add3A_3094 = arith.addi %mul3A_3092, %add3A_3093 : i32
      %broadcast_in_dim3A_3095 = vector.broadcast %add3A_3094 : i32 to vector<8x1024xi32>
      %select_n3A_3096 = arith.select %lt3A_3089, %broadcast_in_dim3A_3095, %select_n3A_3082 : vector<8x1024xi1>, vector<8x1024xi32>
      %slice3A_3097 = vector.extract_strided_slice %dot_general3A_88 {offsets = [168, 0], sizes = [8, 1024], strides = [1, 1]} : vector<512x1024xf32> to vector<8x1024xf32>
      %slice3A_3098 = vector.extract_strided_slice %get3A_2802 {offsets = [168, 0], sizes = [8, 1], strides = [1, 1]} : vector<512x1xf32> to vector<8x1xf32>
      %add3A_3099 = vector.broadcast %broadcast_in_dim3A : vector<1x1024xf32> to vector<8x1024xf32>
      %add3A_3100 = vector.broadcast %slice3A_3098 : vector<8x1xf32> to vector<8x1024xf32>
      %add3A_3101 = arith.addf %add3A_3099, %add3A_3100 : vector<8x1024xf32>
      %add3A_3102 = arith.addf %add3A_3101, %slice3A_3097 : vector<8x1024xf32>
      %lt3A_3103 = arith.cmpf olt, %add3A_3102, %select_n3A_3090 : vector<8x1024xf32>
      %select_n3A_3104 = arith.select %lt3A_3103, %add3A_3102, %select_n3A_3090 : vector<8x1024xi1>, vector<8x1024xf32>
      %mul3A_3105 = arith.constant 64 : i32
      %mul3A_3106 = arith.muli %add3A_2797, %mul3A_3105 : i32
      %add3A_3107 = arith.constant 21 : i32
      %add3A_3108 = arith.addi %mul3A_3106, %add3A_3107 : i32
      %broadcast_in_dim3A_3109 = vector.broadcast %add3A_3108 : i32 to vector<8x1024xi32>
      %select_n3A_3110 = arith.select %lt3A_3103, %broadcast_in_dim3A_3109, %select_n3A_3096 : vector<8x1024xi1>, vector<8x1024xi32>
      %slice3A_3111 = vector.extract_strided_slice %dot_general3A_88 {offsets = [176, 0], sizes = [8, 1024], strides = [1, 1]} : vector<512x1024xf32> to vector<8x1024xf32>
      %slice3A_3112 = vector.extract_strided_slice %get3A_2802 {offsets = [176, 0], sizes = [8, 1], strides = [1, 1]} : vector<512x1xf32> to vector<8x1xf32>
      %add3A_3113 = vector.broadcast %broadcast_in_dim3A : vector<1x1024xf32> to vector<8x1024xf32>
      %add3A_3114 = vector.broadcast %slice3A_3112 : vector<8x1xf32> to vector<8x1024xf32>
      %add3A_3115 = arith.addf %add3A_3113, %add3A_3114 : vector<8x1024xf32>
      %add3A_3116 = arith.addf %add3A_3115, %slice3A_3111 : vector<8x1024xf32>
      %lt3A_3117 = arith.cmpf olt, %add3A_3116, %select_n3A_3104 : vector<8x1024xf32>
      %select_n3A_3118 = arith.select %lt3A_3117, %add3A_3116, %select_n3A_3104 : vector<8x1024xi1>, vector<8x1024xf32>
      %mul3A_3119 = arith.constant 64 : i32
      %mul3A_3120 = arith.muli %add3A_2797, %mul3A_3119 : i32
      %add3A_3121 = arith.constant 22 : i32
      %add3A_3122 = arith.addi %mul3A_3120, %add3A_3121 : i32
      %broadcast_in_dim3A_3123 = vector.broadcast %add3A_3122 : i32 to vector<8x1024xi32>
      %select_n3A_3124 = arith.select %lt3A_3117, %broadcast_in_dim3A_3123, %select_n3A_3110 : vector<8x1024xi1>, vector<8x1024xi32>
      %slice3A_3125 = vector.extract_strided_slice %dot_general3A_88 {offsets = [184, 0], sizes = [8, 1024], strides = [1, 1]} : vector<512x1024xf32> to vector<8x1024xf32>
      %slice3A_3126 = vector.extract_strided_slice %get3A_2802 {offsets = [184, 0], sizes = [8, 1], strides = [1, 1]} : vector<512x1xf32> to vector<8x1xf32>
      %add3A_3127 = vector.broadcast %broadcast_in_dim3A : vector<1x1024xf32> to vector<8x1024xf32>
      %add3A_3128 = vector.broadcast %slice3A_3126 : vector<8x1xf32> to vector<8x1024xf32>
      %add3A_3129 = arith.addf %add3A_3127, %add3A_3128 : vector<8x1024xf32>
      %add3A_3130 = arith.addf %add3A_3129, %slice3A_3125 : vector<8x1024xf32>
      %lt3A_3131 = arith.cmpf olt, %add3A_3130, %select_n3A_3118 : vector<8x1024xf32>
      %select_n3A_3132 = arith.select %lt3A_3131, %add3A_3130, %select_n3A_3118 : vector<8x1024xi1>, vector<8x1024xf32>
      %mul3A_3133 = arith.constant 64 : i32
      %mul3A_3134 = arith.muli %add3A_2797, %mul3A_3133 : i32
      %add3A_3135 = arith.constant 23 : i32
      %add3A_3136 = arith.addi %mul3A_3134, %add3A_3135 : i32
      %broadcast_in_dim3A_3137 = vector.broadcast %add3A_3136 : i32 to vector<8x1024xi32>
      %select_n3A_3138 = arith.select %lt3A_3131, %broadcast_in_dim3A_3137, %select_n3A_3124 : vector<8x1024xi1>, vector<8x1024xi32>
      %slice3A_3139 = vector.extract_strided_slice %dot_general3A_88 {offsets = [192, 0], sizes = [8, 1024], strides = [1, 1]} : vector<512x1024xf32> to vector<8x1024xf32>
      %slice3A_3140 = vector.extract_strided_slice %get3A_2802 {offsets = [192, 0], sizes = [8, 1], strides = [1, 1]} : vector<512x1xf32> to vector<8x1xf32>
      %add3A_3141 = vector.broadcast %broadcast_in_dim3A : vector<1x1024xf32> to vector<8x1024xf32>
      %add3A_3142 = vector.broadcast %slice3A_3140 : vector<8x1xf32> to vector<8x1024xf32>
      %add3A_3143 = arith.addf %add3A_3141, %add3A_3142 : vector<8x1024xf32>
      %add3A_3144 = arith.addf %add3A_3143, %slice3A_3139 : vector<8x1024xf32>
      %lt3A_3145 = arith.cmpf olt, %add3A_3144, %select_n3A_3132 : vector<8x1024xf32>
      %select_n3A_3146 = arith.select %lt3A_3145, %add3A_3144, %select_n3A_3132 : vector<8x1024xi1>, vector<8x1024xf32>
      %mul3A_3147 = arith.constant 64 : i32
      %mul3A_3148 = arith.muli %add3A_2797, %mul3A_3147 : i32
      %add3A_3149 = arith.constant 24 : i32
      %add3A_3150 = arith.addi %mul3A_3148, %add3A_3149 : i32
      %broadcast_in_dim3A_3151 = vector.broadcast %add3A_3150 : i32 to vector<8x1024xi32>
      %select_n3A_3152 = arith.select %lt3A_3145, %broadcast_in_dim3A_3151, %select_n3A_3138 : vector<8x1024xi1>, vector<8x1024xi32>
      %slice3A_3153 = vector.extract_strided_slice %dot_general3A_88 {offsets = [200, 0], sizes = [8, 1024], strides = [1, 1]} : vector<512x1024xf32> to vector<8x1024xf32>
      %slice3A_3154 = vector.extract_strided_slice %get3A_2802 {offsets = [200, 0], sizes = [8, 1], strides = [1, 1]} : vector<512x1xf32> to vector<8x1xf32>
      %add3A_3155 = vector.broadcast %broadcast_in_dim3A : vector<1x1024xf32> to vector<8x1024xf32>
      %add3A_3156 = vector.broadcast %slice3A_3154 : vector<8x1xf32> to vector<8x1024xf32>
      %add3A_3157 = arith.addf %add3A_3155, %add3A_3156 : vector<8x1024xf32>
      %add3A_3158 = arith.addf %add3A_3157, %slice3A_3153 : vector<8x1024xf32>
      %lt3A_3159 = arith.cmpf olt, %add3A_3158, %select_n3A_3146 : vector<8x1024xf32>
      %select_n3A_3160 = arith.select %lt3A_3159, %add3A_3158, %select_n3A_3146 : vector<8x1024xi1>, vector<8x1024xf32>
      %mul3A_3161 = arith.constant 64 : i32
      %mul3A_3162 = arith.muli %add3A_2797, %mul3A_3161 : i32
      %add3A_3163 = arith.constant 25 : i32
      %add3A_3164 = arith.addi %mul3A_3162, %add3A_3163 : i32
      %broadcast_in_dim3A_3165 = vector.broadcast %add3A_3164 : i32 to vector<8x1024xi32>
      %select_n3A_3166 = arith.select %lt3A_3159, %broadcast_in_dim3A_3165, %select_n3A_3152 : vector<8x1024xi1>, vector<8x1024xi32>
      %slice3A_3167 = vector.extract_strided_slice %dot_general3A_88 {offsets = [208, 0], sizes = [8, 1024], strides = [1, 1]} : vector<512x1024xf32> to vector<8x1024xf32>
      %slice3A_3168 = vector.extract_strided_slice %get3A_2802 {offsets = [208, 0], sizes = [8, 1], strides = [1, 1]} : vector<512x1xf32> to vector<8x1xf32>
      %add3A_3169 = vector.broadcast %broadcast_in_dim3A : vector<1x1024xf32> to vector<8x1024xf32>
      %add3A_3170 = vector.broadcast %slice3A_3168 : vector<8x1xf32> to vector<8x1024xf32>
      %add3A_3171 = arith.addf %add3A_3169, %add3A_3170 : vector<8x1024xf32>
      %add3A_3172 = arith.addf %add3A_3171, %slice3A_3167 : vector<8x1024xf32>
      %lt3A_3173 = arith.cmpf olt, %add3A_3172, %select_n3A_3160 : vector<8x1024xf32>
      %select_n3A_3174 = arith.select %lt3A_3173, %add3A_3172, %select_n3A_3160 : vector<8x1024xi1>, vector<8x1024xf32>
      %mul3A_3175 = arith.constant 64 : i32
      %mul3A_3176 = arith.muli %add3A_2797, %mul3A_3175 : i32
      %add3A_3177 = arith.constant 26 : i32
      %add3A_3178 = arith.addi %mul3A_3176, %add3A_3177 : i32
      %broadcast_in_dim3A_3179 = vector.broadcast %add3A_3178 : i32 to vector<8x1024xi32>
      %select_n3A_3180 = arith.select %lt3A_3173, %broadcast_in_dim3A_3179, %select_n3A_3166 : vector<8x1024xi1>, vector<8x1024xi32>
      %slice3A_3181 = vector.extract_strided_slice %dot_general3A_88 {offsets = [216, 0], sizes = [8, 1024], strides = [1, 1]} : vector<512x1024xf32> to vector<8x1024xf32>
      %slice3A_3182 = vector.extract_strided_slice %get3A_2802 {offsets = [216, 0], sizes = [8, 1], strides = [1, 1]} : vector<512x1xf32> to vector<8x1xf32>
      %add3A_3183 = vector.broadcast %broadcast_in_dim3A : vector<1x1024xf32> to vector<8x1024xf32>
      %add3A_3184 = vector.broadcast %slice3A_3182 : vector<8x1xf32> to vector<8x1024xf32>
      %add3A_3185 = arith.addf %add3A_3183, %add3A_3184 : vector<8x1024xf32>
      %add3A_3186 = arith.addf %add3A_3185, %slice3A_3181 : vector<8x1024xf32>
      %lt3A_3187 = arith.cmpf olt, %add3A_3186, %select_n3A_3174 : vector<8x1024xf32>
      %select_n3A_3188 = arith.select %lt3A_3187, %add3A_3186, %select_n3A_3174 : vector<8x1024xi1>, vector<8x1024xf32>
      %mul3A_3189 = arith.constant 64 : i32
      %mul3A_3190 = arith.muli %add3A_2797, %mul3A_3189 : i32
      %add3A_3191 = arith.constant 27 : i32
      %add3A_3192 = arith.addi %mul3A_3190, %add3A_3191 : i32
      %broadcast_in_dim3A_3193 = vector.broadcast %add3A_3192 : i32 to vector<8x1024xi32>
      %select_n3A_3194 = arith.select %lt3A_3187, %broadcast_in_dim3A_3193, %select_n3A_3180 : vector<8x1024xi1>, vector<8x1024xi32>
      %slice3A_3195 = vector.extract_strided_slice %dot_general3A_88 {offsets = [224, 0], sizes = [8, 1024], strides = [1, 1]} : vector<512x1024xf32> to vector<8x1024xf32>
      %slice3A_3196 = vector.extract_strided_slice %get3A_2802 {offsets = [224, 0], sizes = [8, 1], strides = [1, 1]} : vector<512x1xf32> to vector<8x1xf32>
      %add3A_3197 = vector.broadcast %broadcast_in_dim3A : vector<1x1024xf32> to vector<8x1024xf32>
      %add3A_3198 = vector.broadcast %slice3A_3196 : vector<8x1xf32> to vector<8x1024xf32>
      %add3A_3199 = arith.addf %add3A_3197, %add3A_3198 : vector<8x1024xf32>
      %add3A_3200 = arith.addf %add3A_3199, %slice3A_3195 : vector<8x1024xf32>
      %lt3A_3201 = arith.cmpf olt, %add3A_3200, %select_n3A_3188 : vector<8x1024xf32>
      %select_n3A_3202 = arith.select %lt3A_3201, %add3A_3200, %select_n3A_3188 : vector<8x1024xi1>, vector<8x1024xf32>
      %mul3A_3203 = arith.constant 64 : i32
      %mul3A_3204 = arith.muli %add3A_2797, %mul3A_3203 : i32
      %add3A_3205 = arith.constant 28 : i32
      %add3A_3206 = arith.addi %mul3A_3204, %add3A_3205 : i32
      %broadcast_in_dim3A_3207 = vector.broadcast %add3A_3206 : i32 to vector<8x1024xi32>
      %select_n3A_3208 = arith.select %lt3A_3201, %broadcast_in_dim3A_3207, %select_n3A_3194 : vector<8x1024xi1>, vector<8x1024xi32>
      %slice3A_3209 = vector.extract_strided_slice %dot_general3A_88 {offsets = [232, 0], sizes = [8, 1024], strides = [1, 1]} : vector<512x1024xf32> to vector<8x1024xf32>
      %slice3A_3210 = vector.extract_strided_slice %get3A_2802 {offsets = [232, 0], sizes = [8, 1], strides = [1, 1]} : vector<512x1xf32> to vector<8x1xf32>
      %add3A_3211 = vector.broadcast %broadcast_in_dim3A : vector<1x1024xf32> to vector<8x1024xf32>
      %add3A_3212 = vector.broadcast %slice3A_3210 : vector<8x1xf32> to vector<8x1024xf32>
      %add3A_3213 = arith.addf %add3A_3211, %add3A_3212 : vector<8x1024xf32>
      %add3A_3214 = arith.addf %add3A_3213, %slice3A_3209 : vector<8x1024xf32>
      %lt3A_3215 = arith.cmpf olt, %add3A_3214, %select_n3A_3202 : vector<8x1024xf32>
      %select_n3A_3216 = arith.select %lt3A_3215, %add3A_3214, %select_n3A_3202 : vector<8x1024xi1>, vector<8x1024xf32>
      %mul3A_3217 = arith.constant 64 : i32
      %mul3A_3218 = arith.muli %add3A_2797, %mul3A_3217 : i32
      %add3A_3219 = arith.constant 29 : i32
      %add3A_3220 = arith.addi %mul3A_3218, %add3A_3219 : i32
      %broadcast_in_dim3A_3221 = vector.broadcast %add3A_3220 : i32 to vector<8x1024xi32>
      %select_n3A_3222 = arith.select %lt3A_3215, %broadcast_in_dim3A_3221, %select_n3A_3208 : vector<8x1024xi1>, vector<8x1024xi32>
      %slice3A_3223 = vector.extract_strided_slice %dot_general3A_88 {offsets = [240, 0], sizes = [8, 1024], strides = [1, 1]} : vector<512x1024xf32> to vector<8x1024xf32>
      %slice3A_3224 = vector.extract_strided_slice %get3A_2802 {offsets = [240, 0], sizes = [8, 1], strides = [1, 1]} : vector<512x1xf32> to vector<8x1xf32>
      %add3A_3225 = vector.broadcast %broadcast_in_dim3A : vector<1x1024xf32> to vector<8x1024xf32>
      %add3A_3226 = vector.broadcast %slice3A_3224 : vector<8x1xf32> to vector<8x1024xf32>
      %add3A_3227 = arith.addf %add3A_3225, %add3A_3226 : vector<8x1024xf32>
      %add3A_3228 = arith.addf %add3A_3227, %slice3A_3223 : vector<8x1024xf32>
      %lt3A_3229 = arith.cmpf olt, %add3A_3228, %select_n3A_3216 : vector<8x1024xf32>
      %select_n3A_3230 = arith.select %lt3A_3229, %add3A_3228, %select_n3A_3216 : vector<8x1024xi1>, vector<8x1024xf32>
      %mul3A_3231 = arith.constant 64 : i32
      %mul3A_3232 = arith.muli %add3A_2797, %mul3A_3231 : i32
      %add3A_3233 = arith.constant 30 : i32
      %add3A_3234 = arith.addi %mul3A_3232, %add3A_3233 : i32
      %broadcast_in_dim3A_3235 = vector.broadcast %add3A_3234 : i32 to vector<8x1024xi32>
      %select_n3A_3236 = arith.select %lt3A_3229, %broadcast_in_dim3A_3235, %select_n3A_3222 : vector<8x1024xi1>, vector<8x1024xi32>
      %slice3A_3237 = vector.extract_strided_slice %dot_general3A_88 {offsets = [248, 0], sizes = [8, 1024], strides = [1, 1]} : vector<512x1024xf32> to vector<8x1024xf32>
      %slice3A_3238 = vector.extract_strided_slice %get3A_2802 {offsets = [248, 0], sizes = [8, 1], strides = [1, 1]} : vector<512x1xf32> to vector<8x1xf32>
      %add3A_3239 = vector.broadcast %broadcast_in_dim3A : vector<1x1024xf32> to vector<8x1024xf32>
      %add3A_3240 = vector.broadcast %slice3A_3238 : vector<8x1xf32> to vector<8x1024xf32>
      %add3A_3241 = arith.addf %add3A_3239, %add3A_3240 : vector<8x1024xf32>
      %add3A_3242 = arith.addf %add3A_3241, %slice3A_3237 : vector<8x1024xf32>
      %lt3A_3243 = arith.cmpf olt, %add3A_3242, %select_n3A_3230 : vector<8x1024xf32>
      %select_n3A_3244 = arith.select %lt3A_3243, %add3A_3242, %select_n3A_3230 : vector<8x1024xi1>, vector<8x1024xf32>
      %mul3A_3245 = arith.constant 64 : i32
      %mul3A_3246 = arith.muli %add3A_2797, %mul3A_3245 : i32
      %add3A_3247 = arith.constant 31 : i32
      %add3A_3248 = arith.addi %mul3A_3246, %add3A_3247 : i32
      %broadcast_in_dim3A_3249 = vector.broadcast %add3A_3248 : i32 to vector<8x1024xi32>
      %select_n3A_3250 = arith.select %lt3A_3243, %broadcast_in_dim3A_3249, %select_n3A_3236 : vector<8x1024xi1>, vector<8x1024xi32>
      %slice3A_3251 = vector.extract_strided_slice %dot_general3A_88 {offsets = [256, 0], sizes = [8, 1024], strides = [1, 1]} : vector<512x1024xf32> to vector<8x1024xf32>
      %slice3A_3252 = vector.extract_strided_slice %get3A_2802 {offsets = [256, 0], sizes = [8, 1], strides = [1, 1]} : vector<512x1xf32> to vector<8x1xf32>
      %add3A_3253 = vector.broadcast %broadcast_in_dim3A : vector<1x1024xf32> to vector<8x1024xf32>
      %add3A_3254 = vector.broadcast %slice3A_3252 : vector<8x1xf32> to vector<8x1024xf32>
      %add3A_3255 = arith.addf %add3A_3253, %add3A_3254 : vector<8x1024xf32>
      %add3A_3256 = arith.addf %add3A_3255, %slice3A_3251 : vector<8x1024xf32>
      %lt3A_3257 = arith.cmpf olt, %add3A_3256, %select_n3A_3244 : vector<8x1024xf32>
      %select_n3A_3258 = arith.select %lt3A_3257, %add3A_3256, %select_n3A_3244 : vector<8x1024xi1>, vector<8x1024xf32>
      %mul3A_3259 = arith.constant 64 : i32
      %mul3A_3260 = arith.muli %add3A_2797, %mul3A_3259 : i32
      %add3A_3261 = arith.constant 32 : i32
      %add3A_3262 = arith.addi %mul3A_3260, %add3A_3261 : i32
      %broadcast_in_dim3A_3263 = vector.broadcast %add3A_3262 : i32 to vector<8x1024xi32>
      %select_n3A_3264 = arith.select %lt3A_3257, %broadcast_in_dim3A_3263, %select_n3A_3250 : vector<8x1024xi1>, vector<8x1024xi32>
      %slice3A_3265 = vector.extract_strided_slice %dot_general3A_88 {offsets = [264, 0], sizes = [8, 1024], strides = [1, 1]} : vector<512x1024xf32> to vector<8x1024xf32>
      %slice3A_3266 = vector.extract_strided_slice %get3A_2802 {offsets = [264, 0], sizes = [8, 1], strides = [1, 1]} : vector<512x1xf32> to vector<8x1xf32>
      %add3A_3267 = vector.broadcast %broadcast_in_dim3A : vector<1x1024xf32> to vector<8x1024xf32>
      %add3A_3268 = vector.broadcast %slice3A_3266 : vector<8x1xf32> to vector<8x1024xf32>
      %add3A_3269 = arith.addf %add3A_3267, %add3A_3268 : vector<8x1024xf32>
      %add3A_3270 = arith.addf %add3A_3269, %slice3A_3265 : vector<8x1024xf32>
      %lt3A_3271 = arith.cmpf olt, %add3A_3270, %select_n3A_3258 : vector<8x1024xf32>
      %select_n3A_3272 = arith.select %lt3A_3271, %add3A_3270, %select_n3A_3258 : vector<8x1024xi1>, vector<8x1024xf32>
      %mul3A_3273 = arith.constant 64 : i32
      %mul3A_3274 = arith.muli %add3A_2797, %mul3A_3273 : i32
      %add3A_3275 = arith.constant 33 : i32
      %add3A_3276 = arith.addi %mul3A_3274, %add3A_3275 : i32
      %broadcast_in_dim3A_3277 = vector.broadcast %add3A_3276 : i32 to vector<8x1024xi32>
      %select_n3A_3278 = arith.select %lt3A_3271, %broadcast_in_dim3A_3277, %select_n3A_3264 : vector<8x1024xi1>, vector<8x1024xi32>
      %slice3A_3279 = vector.extract_strided_slice %dot_general3A_88 {offsets = [272, 0], sizes = [8, 1024], strides = [1, 1]} : vector<512x1024xf32> to vector<8x1024xf32>
      %slice3A_3280 = vector.extract_strided_slice %get3A_2802 {offsets = [272, 0], sizes = [8, 1], strides = [1, 1]} : vector<512x1xf32> to vector<8x1xf32>
      %add3A_3281 = vector.broadcast %broadcast_in_dim3A : vector<1x1024xf32> to vector<8x1024xf32>
      %add3A_3282 = vector.broadcast %slice3A_3280 : vector<8x1xf32> to vector<8x1024xf32>
      %add3A_3283 = arith.addf %add3A_3281, %add3A_3282 : vector<8x1024xf32>
      %add3A_3284 = arith.addf %add3A_3283, %slice3A_3279 : vector<8x1024xf32>
      %lt3A_3285 = arith.cmpf olt, %add3A_3284, %select_n3A_3272 : vector<8x1024xf32>
      %select_n3A_3286 = arith.select %lt3A_3285, %add3A_3284, %select_n3A_3272 : vector<8x1024xi1>, vector<8x1024xf32>
      %mul3A_3287 = arith.constant 64 : i32
      %mul3A_3288 = arith.muli %add3A_2797, %mul3A_3287 : i32
      %add3A_3289 = arith.constant 34 : i32
      %add3A_3290 = arith.addi %mul3A_3288, %add3A_3289 : i32
      %broadcast_in_dim3A_3291 = vector.broadcast %add3A_3290 : i32 to vector<8x1024xi32>
      %select_n3A_3292 = arith.select %lt3A_3285, %broadcast_in_dim3A_3291, %select_n3A_3278 : vector<8x1024xi1>, vector<8x1024xi32>
      %slice3A_3293 = vector.extract_strided_slice %dot_general3A_88 {offsets = [280, 0], sizes = [8, 1024], strides = [1, 1]} : vector<512x1024xf32> to vector<8x1024xf32>
      %slice3A_3294 = vector.extract_strided_slice %get3A_2802 {offsets = [280, 0], sizes = [8, 1], strides = [1, 1]} : vector<512x1xf32> to vector<8x1xf32>
      %add3A_3295 = vector.broadcast %broadcast_in_dim3A : vector<1x1024xf32> to vector<8x1024xf32>
      %add3A_3296 = vector.broadcast %slice3A_3294 : vector<8x1xf32> to vector<8x1024xf32>
      %add3A_3297 = arith.addf %add3A_3295, %add3A_3296 : vector<8x1024xf32>
      %add3A_3298 = arith.addf %add3A_3297, %slice3A_3293 : vector<8x1024xf32>
      %lt3A_3299 = arith.cmpf olt, %add3A_3298, %select_n3A_3286 : vector<8x1024xf32>
      %select_n3A_3300 = arith.select %lt3A_3299, %add3A_3298, %select_n3A_3286 : vector<8x1024xi1>, vector<8x1024xf32>
      %mul3A_3301 = arith.constant 64 : i32
      %mul3A_3302 = arith.muli %add3A_2797, %mul3A_3301 : i32
      %add3A_3303 = arith.constant 35 : i32
      %add3A_3304 = arith.addi %mul3A_3302, %add3A_3303 : i32
      %broadcast_in_dim3A_3305 = vector.broadcast %add3A_3304 : i32 to vector<8x1024xi32>
      %select_n3A_3306 = arith.select %lt3A_3299, %broadcast_in_dim3A_3305, %select_n3A_3292 : vector<8x1024xi1>, vector<8x1024xi32>
      %slice3A_3307 = vector.extract_strided_slice %dot_general3A_88 {offsets = [288, 0], sizes = [8, 1024], strides = [1, 1]} : vector<512x1024xf32> to vector<8x1024xf32>
      %slice3A_3308 = vector.extract_strided_slice %get3A_2802 {offsets = [288, 0], sizes = [8, 1], strides = [1, 1]} : vector<512x1xf32> to vector<8x1xf32>
      %add3A_3309 = vector.broadcast %broadcast_in_dim3A : vector<1x1024xf32> to vector<8x1024xf32>
      %add3A_3310 = vector.broadcast %slice3A_3308 : vector<8x1xf32> to vector<8x1024xf32>
      %add3A_3311 = arith.addf %add3A_3309, %add3A_3310 : vector<8x1024xf32>
      %add3A_3312 = arith.addf %add3A_3311, %slice3A_3307 : vector<8x1024xf32>
      %lt3A_3313 = arith.cmpf olt, %add3A_3312, %select_n3A_3300 : vector<8x1024xf32>
      %select_n3A_3314 = arith.select %lt3A_3313, %add3A_3312, %select_n3A_3300 : vector<8x1024xi1>, vector<8x1024xf32>
      %mul3A_3315 = arith.constant 64 : i32
      %mul3A_3316 = arith.muli %add3A_2797, %mul3A_3315 : i32
      %add3A_3317 = arith.constant 36 : i32
      %add3A_3318 = arith.addi %mul3A_3316, %add3A_3317 : i32
      %broadcast_in_dim3A_3319 = vector.broadcast %add3A_3318 : i32 to vector<8x1024xi32>
      %select_n3A_3320 = arith.select %lt3A_3313, %broadcast_in_dim3A_3319, %select_n3A_3306 : vector<8x1024xi1>, vector<8x1024xi32>
      %slice3A_3321 = vector.extract_strided_slice %dot_general3A_88 {offsets = [296, 0], sizes = [8, 1024], strides = [1, 1]} : vector<512x1024xf32> to vector<8x1024xf32>
      %slice3A_3322 = vector.extract_strided_slice %get3A_2802 {offsets = [296, 0], sizes = [8, 1], strides = [1, 1]} : vector<512x1xf32> to vector<8x1xf32>
      %add3A_3323 = vector.broadcast %broadcast_in_dim3A : vector<1x1024xf32> to vector<8x1024xf32>
      %add3A_3324 = vector.broadcast %slice3A_3322 : vector<8x1xf32> to vector<8x1024xf32>
      %add3A_3325 = arith.addf %add3A_3323, %add3A_3324 : vector<8x1024xf32>
      %add3A_3326 = arith.addf %add3A_3325, %slice3A_3321 : vector<8x1024xf32>
      %lt3A_3327 = arith.cmpf olt, %add3A_3326, %select_n3A_3314 : vector<8x1024xf32>
      %select_n3A_3328 = arith.select %lt3A_3327, %add3A_3326, %select_n3A_3314 : vector<8x1024xi1>, vector<8x1024xf32>
      %mul3A_3329 = arith.constant 64 : i32
      %mul3A_3330 = arith.muli %add3A_2797, %mul3A_3329 : i32
      %add3A_3331 = arith.constant 37 : i32
      %add3A_3332 = arith.addi %mul3A_3330, %add3A_3331 : i32
      %broadcast_in_dim3A_3333 = vector.broadcast %add3A_3332 : i32 to vector<8x1024xi32>
      %select_n3A_3334 = arith.select %lt3A_3327, %broadcast_in_dim3A_3333, %select_n3A_3320 : vector<8x1024xi1>, vector<8x1024xi32>
      %slice3A_3335 = vector.extract_strided_slice %dot_general3A_88 {offsets = [304, 0], sizes = [8, 1024], strides = [1, 1]} : vector<512x1024xf32> to vector<8x1024xf32>
      %slice3A_3336 = vector.extract_strided_slice %get3A_2802 {offsets = [304, 0], sizes = [8, 1], strides = [1, 1]} : vector<512x1xf32> to vector<8x1xf32>
      %add3A_3337 = vector.broadcast %broadcast_in_dim3A : vector<1x1024xf32> to vector<8x1024xf32>
      %add3A_3338 = vector.broadcast %slice3A_3336 : vector<8x1xf32> to vector<8x1024xf32>
      %add3A_3339 = arith.addf %add3A_3337, %add3A_3338 : vector<8x1024xf32>
      %add3A_3340 = arith.addf %add3A_3339, %slice3A_3335 : vector<8x1024xf32>
      %lt3A_3341 = arith.cmpf olt, %add3A_3340, %select_n3A_3328 : vector<8x1024xf32>
      %select_n3A_3342 = arith.select %lt3A_3341, %add3A_3340, %select_n3A_3328 : vector<8x1024xi1>, vector<8x1024xf32>
      %mul3A_3343 = arith.constant 64 : i32
      %mul3A_3344 = arith.muli %add3A_2797, %mul3A_3343 : i32
      %add3A_3345 = arith.constant 38 : i32
      %add3A_3346 = arith.addi %mul3A_3344, %add3A_3345 : i32
      %broadcast_in_dim3A_3347 = vector.broadcast %add3A_3346 : i32 to vector<8x1024xi32>
      %select_n3A_3348 = arith.select %lt3A_3341, %broadcast_in_dim3A_3347, %select_n3A_3334 : vector<8x1024xi1>, vector<8x1024xi32>
      %slice3A_3349 = vector.extract_strided_slice %dot_general3A_88 {offsets = [312, 0], sizes = [8, 1024], strides = [1, 1]} : vector<512x1024xf32> to vector<8x1024xf32>
      %slice3A_3350 = vector.extract_strided_slice %get3A_2802 {offsets = [312, 0], sizes = [8, 1], strides = [1, 1]} : vector<512x1xf32> to vector<8x1xf32>
      %add3A_3351 = vector.broadcast %broadcast_in_dim3A : vector<1x1024xf32> to vector<8x1024xf32>
      %add3A_3352 = vector.broadcast %slice3A_3350 : vector<8x1xf32> to vector<8x1024xf32>
      %add3A_3353 = arith.addf %add3A_3351, %add3A_3352 : vector<8x1024xf32>
      %add3A_3354 = arith.addf %add3A_3353, %slice3A_3349 : vector<8x1024xf32>
      %lt3A_3355 = arith.cmpf olt, %add3A_3354, %select_n3A_3342 : vector<8x1024xf32>
      %select_n3A_3356 = arith.select %lt3A_3355, %add3A_3354, %select_n3A_3342 : vector<8x1024xi1>, vector<8x1024xf32>
      %mul3A_3357 = arith.constant 64 : i32
      %mul3A_3358 = arith.muli %add3A_2797, %mul3A_3357 : i32
      %add3A_3359 = arith.constant 39 : i32
      %add3A_3360 = arith.addi %mul3A_3358, %add3A_3359 : i32
      %broadcast_in_dim3A_3361 = vector.broadcast %add3A_3360 : i32 to vector<8x1024xi32>
      %select_n3A_3362 = arith.select %lt3A_3355, %broadcast_in_dim3A_3361, %select_n3A_3348 : vector<8x1024xi1>, vector<8x1024xi32>
      %slice3A_3363 = vector.extract_strided_slice %dot_general3A_88 {offsets = [320, 0], sizes = [8, 1024], strides = [1, 1]} : vector<512x1024xf32> to vector<8x1024xf32>
      %slice3A_3364 = vector.extract_strided_slice %get3A_2802 {offsets = [320, 0], sizes = [8, 1], strides = [1, 1]} : vector<512x1xf32> to vector<8x1xf32>
      %add3A_3365 = vector.broadcast %broadcast_in_dim3A : vector<1x1024xf32> to vector<8x1024xf32>
      %add3A_3366 = vector.broadcast %slice3A_3364 : vector<8x1xf32> to vector<8x1024xf32>
      %add3A_3367 = arith.addf %add3A_3365, %add3A_3366 : vector<8x1024xf32>
      %add3A_3368 = arith.addf %add3A_3367, %slice3A_3363 : vector<8x1024xf32>
      %lt3A_3369 = arith.cmpf olt, %add3A_3368, %select_n3A_3356 : vector<8x1024xf32>
      %select_n3A_3370 = arith.select %lt3A_3369, %add3A_3368, %select_n3A_3356 : vector<8x1024xi1>, vector<8x1024xf32>
      %mul3A_3371 = arith.constant 64 : i32
      %mul3A_3372 = arith.muli %add3A_2797, %mul3A_3371 : i32
      %add3A_3373 = arith.constant 40 : i32
      %add3A_3374 = arith.addi %mul3A_3372, %add3A_3373 : i32
      %broadcast_in_dim3A_3375 = vector.broadcast %add3A_3374 : i32 to vector<8x1024xi32>
      %select_n3A_3376 = arith.select %lt3A_3369, %broadcast_in_dim3A_3375, %select_n3A_3362 : vector<8x1024xi1>, vector<8x1024xi32>
      %slice3A_3377 = vector.extract_strided_slice %dot_general3A_88 {offsets = [328, 0], sizes = [8, 1024], strides = [1, 1]} : vector<512x1024xf32> to vector<8x1024xf32>
      %slice3A_3378 = vector.extract_strided_slice %get3A_2802 {offsets = [328, 0], sizes = [8, 1], strides = [1, 1]} : vector<512x1xf32> to vector<8x1xf32>
      %add3A_3379 = vector.broadcast %broadcast_in_dim3A : vector<1x1024xf32> to vector<8x1024xf32>
      %add3A_3380 = vector.broadcast %slice3A_3378 : vector<8x1xf32> to vector<8x1024xf32>
      %add3A_3381 = arith.addf %add3A_3379, %add3A_3380 : vector<8x1024xf32>
      %add3A_3382 = arith.addf %add3A_3381, %slice3A_3377 : vector<8x1024xf32>
      %lt3A_3383 = arith.cmpf olt, %add3A_3382, %select_n3A_3370 : vector<8x1024xf32>
      %select_n3A_3384 = arith.select %lt3A_3383, %add3A_3382, %select_n3A_3370 : vector<8x1024xi1>, vector<8x1024xf32>
      %mul3A_3385 = arith.constant 64 : i32
      %mul3A_3386 = arith.muli %add3A_2797, %mul3A_3385 : i32
      %add3A_3387 = arith.constant 41 : i32
      %add3A_3388 = arith.addi %mul3A_3386, %add3A_3387 : i32
      %broadcast_in_dim3A_3389 = vector.broadcast %add3A_3388 : i32 to vector<8x1024xi32>
      %select_n3A_3390 = arith.select %lt3A_3383, %broadcast_in_dim3A_3389, %select_n3A_3376 : vector<8x1024xi1>, vector<8x1024xi32>
      %slice3A_3391 = vector.extract_strided_slice %dot_general3A_88 {offsets = [336, 0], sizes = [8, 1024], strides = [1, 1]} : vector<512x1024xf32> to vector<8x1024xf32>
      %slice3A_3392 = vector.extract_strided_slice %get3A_2802 {offsets = [336, 0], sizes = [8, 1], strides = [1, 1]} : vector<512x1xf32> to vector<8x1xf32>
      %add3A_3393 = vector.broadcast %broadcast_in_dim3A : vector<1x1024xf32> to vector<8x1024xf32>
      %add3A_3394 = vector.broadcast %slice3A_3392 : vector<8x1xf32> to vector<8x1024xf32>
      %add3A_3395 = arith.addf %add3A_3393, %add3A_3394 : vector<8x1024xf32>
      %add3A_3396 = arith.addf %add3A_3395, %slice3A_3391 : vector<8x1024xf32>
      %lt3A_3397 = arith.cmpf olt, %add3A_3396, %select_n3A_3384 : vector<8x1024xf32>
      %select_n3A_3398 = arith.select %lt3A_3397, %add3A_3396, %select_n3A_3384 : vector<8x1024xi1>, vector<8x1024xf32>
      %mul3A_3399 = arith.constant 64 : i32
      %mul3A_3400 = arith.muli %add3A_2797, %mul3A_3399 : i32
      %add3A_3401 = arith.constant 42 : i32
      %add3A_3402 = arith.addi %mul3A_3400, %add3A_3401 : i32
      %broadcast_in_dim3A_3403 = vector.broadcast %add3A_3402 : i32 to vector<8x1024xi32>
      %select_n3A_3404 = arith.select %lt3A_3397, %broadcast_in_dim3A_3403, %select_n3A_3390 : vector<8x1024xi1>, vector<8x1024xi32>
      %slice3A_3405 = vector.extract_strided_slice %dot_general3A_88 {offsets = [344, 0], sizes = [8, 1024], strides = [1, 1]} : vector<512x1024xf32> to vector<8x1024xf32>
      %slice3A_3406 = vector.extract_strided_slice %get3A_2802 {offsets = [344, 0], sizes = [8, 1], strides = [1, 1]} : vector<512x1xf32> to vector<8x1xf32>
      %add3A_3407 = vector.broadcast %broadcast_in_dim3A : vector<1x1024xf32> to vector<8x1024xf32>
      %add3A_3408 = vector.broadcast %slice3A_3406 : vector<8x1xf32> to vector<8x1024xf32>
      %add3A_3409 = arith.addf %add3A_3407, %add3A_3408 : vector<8x1024xf32>
      %add3A_3410 = arith.addf %add3A_3409, %slice3A_3405 : vector<8x1024xf32>
      %lt3A_3411 = arith.cmpf olt, %add3A_3410, %select_n3A_3398 : vector<8x1024xf32>
      %select_n3A_3412 = arith.select %lt3A_3411, %add3A_3410, %select_n3A_3398 : vector<8x1024xi1>, vector<8x1024xf32>
      %mul3A_3413 = arith.constant 64 : i32
      %mul3A_3414 = arith.muli %add3A_2797, %mul3A_3413 : i32
      %add3A_3415 = arith.constant 43 : i32
      %add3A_3416 = arith.addi %mul3A_3414, %add3A_3415 : i32
      %broadcast_in_dim3A_3417 = vector.broadcast %add3A_3416 : i32 to vector<8x1024xi32>
      %select_n3A_3418 = arith.select %lt3A_3411, %broadcast_in_dim3A_3417, %select_n3A_3404 : vector<8x1024xi1>, vector<8x1024xi32>
      %slice3A_3419 = vector.extract_strided_slice %dot_general3A_88 {offsets = [352, 0], sizes = [8, 1024], strides = [1, 1]} : vector<512x1024xf32> to vector<8x1024xf32>
      %slice3A_3420 = vector.extract_strided_slice %get3A_2802 {offsets = [352, 0], sizes = [8, 1], strides = [1, 1]} : vector<512x1xf32> to vector<8x1xf32>
      %add3A_3421 = vector.broadcast %broadcast_in_dim3A : vector<1x1024xf32> to vector<8x1024xf32>
      %add3A_3422 = vector.broadcast %slice3A_3420 : vector<8x1xf32> to vector<8x1024xf32>
      %add3A_3423 = arith.addf %add3A_3421, %add3A_3422 : vector<8x1024xf32>
      %add3A_3424 = arith.addf %add3A_3423, %slice3A_3419 : vector<8x1024xf32>
      %lt3A_3425 = arith.cmpf olt, %add3A_3424, %select_n3A_3412 : vector<8x1024xf32>
      %select_n3A_3426 = arith.select %lt3A_3425, %add3A_3424, %select_n3A_3412 : vector<8x1024xi1>, vector<8x1024xf32>
      %mul3A_3427 = arith.constant 64 : i32
      %mul3A_3428 = arith.muli %add3A_2797, %mul3A_3427 : i32
      %add3A_3429 = arith.constant 44 : i32
      %add3A_3430 = arith.addi %mul3A_3428, %add3A_3429 : i32
      %broadcast_in_dim3A_3431 = vector.broadcast %add3A_3430 : i32 to vector<8x1024xi32>
      %select_n3A_3432 = arith.select %lt3A_3425, %broadcast_in_dim3A_3431, %select_n3A_3418 : vector<8x1024xi1>, vector<8x1024xi32>
      %slice3A_3433 = vector.extract_strided_slice %dot_general3A_88 {offsets = [360, 0], sizes = [8, 1024], strides = [1, 1]} : vector<512x1024xf32> to vector<8x1024xf32>
      %slice3A_3434 = vector.extract_strided_slice %get3A_2802 {offsets = [360, 0], sizes = [8, 1], strides = [1, 1]} : vector<512x1xf32> to vector<8x1xf32>
      %add3A_3435 = vector.broadcast %broadcast_in_dim3A : vector<1x1024xf32> to vector<8x1024xf32>
      %add3A_3436 = vector.broadcast %slice3A_3434 : vector<8x1xf32> to vector<8x1024xf32>
      %add3A_3437 = arith.addf %add3A_3435, %add3A_3436 : vector<8x1024xf32>
      %add3A_3438 = arith.addf %add3A_3437, %slice3A_3433 : vector<8x1024xf32>
      %lt3A_3439 = arith.cmpf olt, %add3A_3438, %select_n3A_3426 : vector<8x1024xf32>
      %select_n3A_3440 = arith.select %lt3A_3439, %add3A_3438, %select_n3A_3426 : vector<8x1024xi1>, vector<8x1024xf32>
      %mul3A_3441 = arith.constant 64 : i32
      %mul3A_3442 = arith.muli %add3A_2797, %mul3A_3441 : i32
      %add3A_3443 = arith.constant 45 : i32
      %add3A_3444 = arith.addi %mul3A_3442, %add3A_3443 : i32
      %broadcast_in_dim3A_3445 = vector.broadcast %add3A_3444 : i32 to vector<8x1024xi32>
      %select_n3A_3446 = arith.select %lt3A_3439, %broadcast_in_dim3A_3445, %select_n3A_3432 : vector<8x1024xi1>, vector<8x1024xi32>
      %slice3A_3447 = vector.extract_strided_slice %dot_general3A_88 {offsets = [368, 0], sizes = [8, 1024], strides = [1, 1]} : vector<512x1024xf32> to vector<8x1024xf32>
      %slice3A_3448 = vector.extract_strided_slice %get3A_2802 {offsets = [368, 0], sizes = [8, 1], strides = [1, 1]} : vector<512x1xf32> to vector<8x1xf32>
      %add3A_3449 = vector.broadcast %broadcast_in_dim3A : vector<1x1024xf32> to vector<8x1024xf32>
      %add3A_3450 = vector.broadcast %slice3A_3448 : vector<8x1xf32> to vector<8x1024xf32>
      %add3A_3451 = arith.addf %add3A_3449, %add3A_3450 : vector<8x1024xf32>
      %add3A_3452 = arith.addf %add3A_3451, %slice3A_3447 : vector<8x1024xf32>
      %lt3A_3453 = arith.cmpf olt, %add3A_3452, %select_n3A_3440 : vector<8x1024xf32>
      %select_n3A_3454 = arith.select %lt3A_3453, %add3A_3452, %select_n3A_3440 : vector<8x1024xi1>, vector<8x1024xf32>
      %mul3A_3455 = arith.constant 64 : i32
      %mul3A_3456 = arith.muli %add3A_2797, %mul3A_3455 : i32
      %add3A_3457 = arith.constant 46 : i32
      %add3A_3458 = arith.addi %mul3A_3456, %add3A_3457 : i32
      %broadcast_in_dim3A_3459 = vector.broadcast %add3A_3458 : i32 to vector<8x1024xi32>
      %select_n3A_3460 = arith.select %lt3A_3453, %broadcast_in_dim3A_3459, %select_n3A_3446 : vector<8x1024xi1>, vector<8x1024xi32>
      %slice3A_3461 = vector.extract_strided_slice %dot_general3A_88 {offsets = [376, 0], sizes = [8, 1024], strides = [1, 1]} : vector<512x1024xf32> to vector<8x1024xf32>
      %slice3A_3462 = vector.extract_strided_slice %get3A_2802 {offsets = [376, 0], sizes = [8, 1], strides = [1, 1]} : vector<512x1xf32> to vector<8x1xf32>
      %add3A_3463 = vector.broadcast %broadcast_in_dim3A : vector<1x1024xf32> to vector<8x1024xf32>
      %add3A_3464 = vector.broadcast %slice3A_3462 : vector<8x1xf32> to vector<8x1024xf32>
      %add3A_3465 = arith.addf %add3A_3463, %add3A_3464 : vector<8x1024xf32>
      %add3A_3466 = arith.addf %add3A_3465, %slice3A_3461 : vector<8x1024xf32>
      %lt3A_3467 = arith.cmpf olt, %add3A_3466, %select_n3A_3454 : vector<8x1024xf32>
      %select_n3A_3468 = arith.select %lt3A_3467, %add3A_3466, %select_n3A_3454 : vector<8x1024xi1>, vector<8x1024xf32>
      %mul3A_3469 = arith.constant 64 : i32
      %mul3A_3470 = arith.muli %add3A_2797, %mul3A_3469 : i32
      %add3A_3471 = arith.constant 47 : i32
      %add3A_3472 = arith.addi %mul3A_3470, %add3A_3471 : i32
      %broadcast_in_dim3A_3473 = vector.broadcast %add3A_3472 : i32 to vector<8x1024xi32>
      %select_n3A_3474 = arith.select %lt3A_3467, %broadcast_in_dim3A_3473, %select_n3A_3460 : vector<8x1024xi1>, vector<8x1024xi32>
      %slice3A_3475 = vector.extract_strided_slice %dot_general3A_88 {offsets = [384, 0], sizes = [8, 1024], strides = [1, 1]} : vector<512x1024xf32> to vector<8x1024xf32>
      %slice3A_3476 = vector.extract_strided_slice %get3A_2802 {offsets = [384, 0], sizes = [8, 1], strides = [1, 1]} : vector<512x1xf32> to vector<8x1xf32>
      %add3A_3477 = vector.broadcast %broadcast_in_dim3A : vector<1x1024xf32> to vector<8x1024xf32>
      %add3A_3478 = vector.broadcast %slice3A_3476 : vector<8x1xf32> to vector<8x1024xf32>
      %add3A_3479 = arith.addf %add3A_3477, %add3A_3478 : vector<8x1024xf32>
      %add3A_3480 = arith.addf %add3A_3479, %slice3A_3475 : vector<8x1024xf32>
      %lt3A_3481 = arith.cmpf olt, %add3A_3480, %select_n3A_3468 : vector<8x1024xf32>
      %select_n3A_3482 = arith.select %lt3A_3481, %add3A_3480, %select_n3A_3468 : vector<8x1024xi1>, vector<8x1024xf32>
      %mul3A_3483 = arith.constant 64 : i32
      %mul3A_3484 = arith.muli %add3A_2797, %mul3A_3483 : i32
      %add3A_3485 = arith.constant 48 : i32
      %add3A_3486 = arith.addi %mul3A_3484, %add3A_3485 : i32
      %broadcast_in_dim3A_3487 = vector.broadcast %add3A_3486 : i32 to vector<8x1024xi32>
      %select_n3A_3488 = arith.select %lt3A_3481, %broadcast_in_dim3A_3487, %select_n3A_3474 : vector<8x1024xi1>, vector<8x1024xi32>
      %slice3A_3489 = vector.extract_strided_slice %dot_general3A_88 {offsets = [392, 0], sizes = [8, 1024], strides = [1, 1]} : vector<512x1024xf32> to vector<8x1024xf32>
      %slice3A_3490 = vector.extract_strided_slice %get3A_2802 {offsets = [392, 0], sizes = [8, 1], strides = [1, 1]} : vector<512x1xf32> to vector<8x1xf32>
      %add3A_3491 = vector.broadcast %broadcast_in_dim3A : vector<1x1024xf32> to vector<8x1024xf32>
      %add3A_3492 = vector.broadcast %slice3A_3490 : vector<8x1xf32> to vector<8x1024xf32>
      %add3A_3493 = arith.addf %add3A_3491, %add3A_3492 : vector<8x1024xf32>
      %add3A_3494 = arith.addf %add3A_3493, %slice3A_3489 : vector<8x1024xf32>
      %lt3A_3495 = arith.cmpf olt, %add3A_3494, %select_n3A_3482 : vector<8x1024xf32>
      %select_n3A_3496 = arith.select %lt3A_3495, %add3A_3494, %select_n3A_3482 : vector<8x1024xi1>, vector<8x1024xf32>
      %mul3A_3497 = arith.constant 64 : i32
      %mul3A_3498 = arith.muli %add3A_2797, %mul3A_3497 : i32
      %add3A_3499 = arith.constant 49 : i32
      %add3A_3500 = arith.addi %mul3A_3498, %add3A_3499 : i32
      %broadcast_in_dim3A_3501 = vector.broadcast %add3A_3500 : i32 to vector<8x1024xi32>
      %select_n3A_3502 = arith.select %lt3A_3495, %broadcast_in_dim3A_3501, %select_n3A_3488 : vector<8x1024xi1>, vector<8x1024xi32>
      %slice3A_3503 = vector.extract_strided_slice %dot_general3A_88 {offsets = [400, 0], sizes = [8, 1024], strides = [1, 1]} : vector<512x1024xf32> to vector<8x1024xf32>
      %slice3A_3504 = vector.extract_strided_slice %get3A_2802 {offsets = [400, 0], sizes = [8, 1], strides = [1, 1]} : vector<512x1xf32> to vector<8x1xf32>
      %add3A_3505 = vector.broadcast %broadcast_in_dim3A : vector<1x1024xf32> to vector<8x1024xf32>
      %add3A_3506 = vector.broadcast %slice3A_3504 : vector<8x1xf32> to vector<8x1024xf32>
      %add3A_3507 = arith.addf %add3A_3505, %add3A_3506 : vector<8x1024xf32>
      %add3A_3508 = arith.addf %add3A_3507, %slice3A_3503 : vector<8x1024xf32>
      %lt3A_3509 = arith.cmpf olt, %add3A_3508, %select_n3A_3496 : vector<8x1024xf32>
      %select_n3A_3510 = arith.select %lt3A_3509, %add3A_3508, %select_n3A_3496 : vector<8x1024xi1>, vector<8x1024xf32>
      %mul3A_3511 = arith.constant 64 : i32
      %mul3A_3512 = arith.muli %add3A_2797, %mul3A_3511 : i32
      %add3A_3513 = arith.constant 50 : i32
      %add3A_3514 = arith.addi %mul3A_3512, %add3A_3513 : i32
      %broadcast_in_dim3A_3515 = vector.broadcast %add3A_3514 : i32 to vector<8x1024xi32>
      %select_n3A_3516 = arith.select %lt3A_3509, %broadcast_in_dim3A_3515, %select_n3A_3502 : vector<8x1024xi1>, vector<8x1024xi32>
      %slice3A_3517 = vector.extract_strided_slice %dot_general3A_88 {offsets = [408, 0], sizes = [8, 1024], strides = [1, 1]} : vector<512x1024xf32> to vector<8x1024xf32>
      %slice3A_3518 = vector.extract_strided_slice %get3A_2802 {offsets = [408, 0], sizes = [8, 1], strides = [1, 1]} : vector<512x1xf32> to vector<8x1xf32>
      %add3A_3519 = vector.broadcast %broadcast_in_dim3A : vector<1x1024xf32> to vector<8x1024xf32>
      %add3A_3520 = vector.broadcast %slice3A_3518 : vector<8x1xf32> to vector<8x1024xf32>
      %add3A_3521 = arith.addf %add3A_3519, %add3A_3520 : vector<8x1024xf32>
      %add3A_3522 = arith.addf %add3A_3521, %slice3A_3517 : vector<8x1024xf32>
      %lt3A_3523 = arith.cmpf olt, %add3A_3522, %select_n3A_3510 : vector<8x1024xf32>
      %select_n3A_3524 = arith.select %lt3A_3523, %add3A_3522, %select_n3A_3510 : vector<8x1024xi1>, vector<8x1024xf32>
      %mul3A_3525 = arith.constant 64 : i32
      %mul3A_3526 = arith.muli %add3A_2797, %mul3A_3525 : i32
      %add3A_3527 = arith.constant 51 : i32
      %add3A_3528 = arith.addi %mul3A_3526, %add3A_3527 : i32
      %broadcast_in_dim3A_3529 = vector.broadcast %add3A_3528 : i32 to vector<8x1024xi32>
      %select_n3A_3530 = arith.select %lt3A_3523, %broadcast_in_dim3A_3529, %select_n3A_3516 : vector<8x1024xi1>, vector<8x1024xi32>
      %slice3A_3531 = vector.extract_strided_slice %dot_general3A_88 {offsets = [416, 0], sizes = [8, 1024], strides = [1, 1]} : vector<512x1024xf32> to vector<8x1024xf32>
      %slice3A_3532 = vector.extract_strided_slice %get3A_2802 {offsets = [416, 0], sizes = [8, 1], strides = [1, 1]} : vector<512x1xf32> to vector<8x1xf32>
      %add3A_3533 = vector.broadcast %broadcast_in_dim3A : vector<1x1024xf32> to vector<8x1024xf32>
      %add3A_3534 = vector.broadcast %slice3A_3532 : vector<8x1xf32> to vector<8x1024xf32>
      %add3A_3535 = arith.addf %add3A_3533, %add3A_3534 : vector<8x1024xf32>
      %add3A_3536 = arith.addf %add3A_3535, %slice3A_3531 : vector<8x1024xf32>
      %lt3A_3537 = arith.cmpf olt, %add3A_3536, %select_n3A_3524 : vector<8x1024xf32>
      %select_n3A_3538 = arith.select %lt3A_3537, %add3A_3536, %select_n3A_3524 : vector<8x1024xi1>, vector<8x1024xf32>
      %mul3A_3539 = arith.constant 64 : i32
      %mul3A_3540 = arith.muli %add3A_2797, %mul3A_3539 : i32
      %add3A_3541 = arith.constant 52 : i32
      %add3A_3542 = arith.addi %mul3A_3540, %add3A_3541 : i32
      %broadcast_in_dim3A_3543 = vector.broadcast %add3A_3542 : i32 to vector<8x1024xi32>
      %select_n3A_3544 = arith.select %lt3A_3537, %broadcast_in_dim3A_3543, %select_n3A_3530 : vector<8x1024xi1>, vector<8x1024xi32>
      %slice3A_3545 = vector.extract_strided_slice %dot_general3A_88 {offsets = [424, 0], sizes = [8, 1024], strides = [1, 1]} : vector<512x1024xf32> to vector<8x1024xf32>
      %slice3A_3546 = vector.extract_strided_slice %get3A_2802 {offsets = [424, 0], sizes = [8, 1], strides = [1, 1]} : vector<512x1xf32> to vector<8x1xf32>
      %add3A_3547 = vector.broadcast %broadcast_in_dim3A : vector<1x1024xf32> to vector<8x1024xf32>
      %add3A_3548 = vector.broadcast %slice3A_3546 : vector<8x1xf32> to vector<8x1024xf32>
      %add3A_3549 = arith.addf %add3A_3547, %add3A_3548 : vector<8x1024xf32>
      %add3A_3550 = arith.addf %add3A_3549, %slice3A_3545 : vector<8x1024xf32>
      %lt3A_3551 = arith.cmpf olt, %add3A_3550, %select_n3A_3538 : vector<8x1024xf32>
      %select_n3A_3552 = arith.select %lt3A_3551, %add3A_3550, %select_n3A_3538 : vector<8x1024xi1>, vector<8x1024xf32>
      %mul3A_3553 = arith.constant 64 : i32
      %mul3A_3554 = arith.muli %add3A_2797, %mul3A_3553 : i32
      %add3A_3555 = arith.constant 53 : i32
      %add3A_3556 = arith.addi %mul3A_3554, %add3A_3555 : i32
      %broadcast_in_dim3A_3557 = vector.broadcast %add3A_3556 : i32 to vector<8x1024xi32>
      %select_n3A_3558 = arith.select %lt3A_3551, %broadcast_in_dim3A_3557, %select_n3A_3544 : vector<8x1024xi1>, vector<8x1024xi32>
      %slice3A_3559 = vector.extract_strided_slice %dot_general3A_88 {offsets = [432, 0], sizes = [8, 1024], strides = [1, 1]} : vector<512x1024xf32> to vector<8x1024xf32>
      %slice3A_3560 = vector.extract_strided_slice %get3A_2802 {offsets = [432, 0], sizes = [8, 1], strides = [1, 1]} : vector<512x1xf32> to vector<8x1xf32>
      %add3A_3561 = vector.broadcast %broadcast_in_dim3A : vector<1x1024xf32> to vector<8x1024xf32>
      %add3A_3562 = vector.broadcast %slice3A_3560 : vector<8x1xf32> to vector<8x1024xf32>
      %add3A_3563 = arith.addf %add3A_3561, %add3A_3562 : vector<8x1024xf32>
      %add3A_3564 = arith.addf %add3A_3563, %slice3A_3559 : vector<8x1024xf32>
      %lt3A_3565 = arith.cmpf olt, %add3A_3564, %select_n3A_3552 : vector<8x1024xf32>
      %select_n3A_3566 = arith.select %lt3A_3565, %add3A_3564, %select_n3A_3552 : vector<8x1024xi1>, vector<8x1024xf32>
      %mul3A_3567 = arith.constant 64 : i32
      %mul3A_3568 = arith.muli %add3A_2797, %mul3A_3567 : i32
      %add3A_3569 = arith.constant 54 : i32
      %add3A_3570 = arith.addi %mul3A_3568, %add3A_3569 : i32
      %broadcast_in_dim3A_3571 = vector.broadcast %add3A_3570 : i32 to vector<8x1024xi32>
      %select_n3A_3572 = arith.select %lt3A_3565, %broadcast_in_dim3A_3571, %select_n3A_3558 : vector<8x1024xi1>, vector<8x1024xi32>
      %slice3A_3573 = vector.extract_strided_slice %dot_general3A_88 {offsets = [440, 0], sizes = [8, 1024], strides = [1, 1]} : vector<512x1024xf32> to vector<8x1024xf32>
      %slice3A_3574 = vector.extract_strided_slice %get3A_2802 {offsets = [440, 0], sizes = [8, 1], strides = [1, 1]} : vector<512x1xf32> to vector<8x1xf32>
      %add3A_3575 = vector.broadcast %broadcast_in_dim3A : vector<1x1024xf32> to vector<8x1024xf32>
      %add3A_3576 = vector.broadcast %slice3A_3574 : vector<8x1xf32> to vector<8x1024xf32>
      %add3A_3577 = arith.addf %add3A_3575, %add3A_3576 : vector<8x1024xf32>
      %add3A_3578 = arith.addf %add3A_3577, %slice3A_3573 : vector<8x1024xf32>
      %lt3A_3579 = arith.cmpf olt, %add3A_3578, %select_n3A_3566 : vector<8x1024xf32>
      %select_n3A_3580 = arith.select %lt3A_3579, %add3A_3578, %select_n3A_3566 : vector<8x1024xi1>, vector<8x1024xf32>
      %mul3A_3581 = arith.constant 64 : i32
      %mul3A_3582 = arith.muli %add3A_2797, %mul3A_3581 : i32
      %add3A_3583 = arith.constant 55 : i32
      %add3A_3584 = arith.addi %mul3A_3582, %add3A_3583 : i32
      %broadcast_in_dim3A_3585 = vector.broadcast %add3A_3584 : i32 to vector<8x1024xi32>
      %select_n3A_3586 = arith.select %lt3A_3579, %broadcast_in_dim3A_3585, %select_n3A_3572 : vector<8x1024xi1>, vector<8x1024xi32>
      %slice3A_3587 = vector.extract_strided_slice %dot_general3A_88 {offsets = [448, 0], sizes = [8, 1024], strides = [1, 1]} : vector<512x1024xf32> to vector<8x1024xf32>
      %slice3A_3588 = vector.extract_strided_slice %get3A_2802 {offsets = [448, 0], sizes = [8, 1], strides = [1, 1]} : vector<512x1xf32> to vector<8x1xf32>
      %add3A_3589 = vector.broadcast %broadcast_in_dim3A : vector<1x1024xf32> to vector<8x1024xf32>
      %add3A_3590 = vector.broadcast %slice3A_3588 : vector<8x1xf32> to vector<8x1024xf32>
      %add3A_3591 = arith.addf %add3A_3589, %add3A_3590 : vector<8x1024xf32>
      %add3A_3592 = arith.addf %add3A_3591, %slice3A_3587 : vector<8x1024xf32>
      %lt3A_3593 = arith.cmpf olt, %add3A_3592, %select_n3A_3580 : vector<8x1024xf32>
      %select_n3A_3594 = arith.select %lt3A_3593, %add3A_3592, %select_n3A_3580 : vector<8x1024xi1>, vector<8x1024xf32>
      %mul3A_3595 = arith.constant 64 : i32
      %mul3A_3596 = arith.muli %add3A_2797, %mul3A_3595 : i32
      %add3A_3597 = arith.constant 56 : i32
      %add3A_3598 = arith.addi %mul3A_3596, %add3A_3597 : i32
      %broadcast_in_dim3A_3599 = vector.broadcast %add3A_3598 : i32 to vector<8x1024xi32>
      %select_n3A_3600 = arith.select %lt3A_3593, %broadcast_in_dim3A_3599, %select_n3A_3586 : vector<8x1024xi1>, vector<8x1024xi32>
      %slice3A_3601 = vector.extract_strided_slice %dot_general3A_88 {offsets = [456, 0], sizes = [8, 1024], strides = [1, 1]} : vector<512x1024xf32> to vector<8x1024xf32>
      %slice3A_3602 = vector.extract_strided_slice %get3A_2802 {offsets = [456, 0], sizes = [8, 1], strides = [1, 1]} : vector<512x1xf32> to vector<8x1xf32>
      %add3A_3603 = vector.broadcast %broadcast_in_dim3A : vector<1x1024xf32> to vector<8x1024xf32>
      %add3A_3604 = vector.broadcast %slice3A_3602 : vector<8x1xf32> to vector<8x1024xf32>
      %add3A_3605 = arith.addf %add3A_3603, %add3A_3604 : vector<8x1024xf32>
      %add3A_3606 = arith.addf %add3A_3605, %slice3A_3601 : vector<8x1024xf32>
      %lt3A_3607 = arith.cmpf olt, %add3A_3606, %select_n3A_3594 : vector<8x1024xf32>
      %select_n3A_3608 = arith.select %lt3A_3607, %add3A_3606, %select_n3A_3594 : vector<8x1024xi1>, vector<8x1024xf32>
      %mul3A_3609 = arith.constant 64 : i32
      %mul3A_3610 = arith.muli %add3A_2797, %mul3A_3609 : i32
      %add3A_3611 = arith.constant 57 : i32
      %add3A_3612 = arith.addi %mul3A_3610, %add3A_3611 : i32
      %broadcast_in_dim3A_3613 = vector.broadcast %add3A_3612 : i32 to vector<8x1024xi32>
      %select_n3A_3614 = arith.select %lt3A_3607, %broadcast_in_dim3A_3613, %select_n3A_3600 : vector<8x1024xi1>, vector<8x1024xi32>
      %slice3A_3615 = vector.extract_strided_slice %dot_general3A_88 {offsets = [464, 0], sizes = [8, 1024], strides = [1, 1]} : vector<512x1024xf32> to vector<8x1024xf32>
      %slice3A_3616 = vector.extract_strided_slice %get3A_2802 {offsets = [464, 0], sizes = [8, 1], strides = [1, 1]} : vector<512x1xf32> to vector<8x1xf32>
      %add3A_3617 = vector.broadcast %broadcast_in_dim3A : vector<1x1024xf32> to vector<8x1024xf32>
      %add3A_3618 = vector.broadcast %slice3A_3616 : vector<8x1xf32> to vector<8x1024xf32>
      %add3A_3619 = arith.addf %add3A_3617, %add3A_3618 : vector<8x1024xf32>
      %add3A_3620 = arith.addf %add3A_3619, %slice3A_3615 : vector<8x1024xf32>
      %lt3A_3621 = arith.cmpf olt, %add3A_3620, %select_n3A_3608 : vector<8x1024xf32>
      %select_n3A_3622 = arith.select %lt3A_3621, %add3A_3620, %select_n3A_3608 : vector<8x1024xi1>, vector<8x1024xf32>
      %mul3A_3623 = arith.constant 64 : i32
      %mul3A_3624 = arith.muli %add3A_2797, %mul3A_3623 : i32
      %add3A_3625 = arith.constant 58 : i32
      %add3A_3626 = arith.addi %mul3A_3624, %add3A_3625 : i32
      %broadcast_in_dim3A_3627 = vector.broadcast %add3A_3626 : i32 to vector<8x1024xi32>
      %select_n3A_3628 = arith.select %lt3A_3621, %broadcast_in_dim3A_3627, %select_n3A_3614 : vector<8x1024xi1>, vector<8x1024xi32>
      %slice3A_3629 = vector.extract_strided_slice %dot_general3A_88 {offsets = [472, 0], sizes = [8, 1024], strides = [1, 1]} : vector<512x1024xf32> to vector<8x1024xf32>
      %slice3A_3630 = vector.extract_strided_slice %get3A_2802 {offsets = [472, 0], sizes = [8, 1], strides = [1, 1]} : vector<512x1xf32> to vector<8x1xf32>
      %add3A_3631 = vector.broadcast %broadcast_in_dim3A : vector<1x1024xf32> to vector<8x1024xf32>
      %add3A_3632 = vector.broadcast %slice3A_3630 : vector<8x1xf32> to vector<8x1024xf32>
      %add3A_3633 = arith.addf %add3A_3631, %add3A_3632 : vector<8x1024xf32>
      %add3A_3634 = arith.addf %add3A_3633, %slice3A_3629 : vector<8x1024xf32>
      %lt3A_3635 = arith.cmpf olt, %add3A_3634, %select_n3A_3622 : vector<8x1024xf32>
      %select_n3A_3636 = arith.select %lt3A_3635, %add3A_3634, %select_n3A_3622 : vector<8x1024xi1>, vector<8x1024xf32>
      %mul3A_3637 = arith.constant 64 : i32
      %mul3A_3638 = arith.muli %add3A_2797, %mul3A_3637 : i32
      %add3A_3639 = arith.constant 59 : i32
      %add3A_3640 = arith.addi %mul3A_3638, %add3A_3639 : i32
      %broadcast_in_dim3A_3641 = vector.broadcast %add3A_3640 : i32 to vector<8x1024xi32>
      %select_n3A_3642 = arith.select %lt3A_3635, %broadcast_in_dim3A_3641, %select_n3A_3628 : vector<8x1024xi1>, vector<8x1024xi32>
      %slice3A_3643 = vector.extract_strided_slice %dot_general3A_88 {offsets = [480, 0], sizes = [8, 1024], strides = [1, 1]} : vector<512x1024xf32> to vector<8x1024xf32>
      %slice3A_3644 = vector.extract_strided_slice %get3A_2802 {offsets = [480, 0], sizes = [8, 1], strides = [1, 1]} : vector<512x1xf32> to vector<8x1xf32>
      %add3A_3645 = vector.broadcast %broadcast_in_dim3A : vector<1x1024xf32> to vector<8x1024xf32>
      %add3A_3646 = vector.broadcast %slice3A_3644 : vector<8x1xf32> to vector<8x1024xf32>
      %add3A_3647 = arith.addf %add3A_3645, %add3A_3646 : vector<8x1024xf32>
      %add3A_3648 = arith.addf %add3A_3647, %slice3A_3643 : vector<8x1024xf32>
      %lt3A_3649 = arith.cmpf olt, %add3A_3648, %select_n3A_3636 : vector<8x1024xf32>
      %select_n3A_3650 = arith.select %lt3A_3649, %add3A_3648, %select_n3A_3636 : vector<8x1024xi1>, vector<8x1024xf32>
      %mul3A_3651 = arith.constant 64 : i32
      %mul3A_3652 = arith.muli %add3A_2797, %mul3A_3651 : i32
      %add3A_3653 = arith.constant 60 : i32
      %add3A_3654 = arith.addi %mul3A_3652, %add3A_3653 : i32
      %broadcast_in_dim3A_3655 = vector.broadcast %add3A_3654 : i32 to vector<8x1024xi32>
      %select_n3A_3656 = arith.select %lt3A_3649, %broadcast_in_dim3A_3655, %select_n3A_3642 : vector<8x1024xi1>, vector<8x1024xi32>
      %slice3A_3657 = vector.extract_strided_slice %dot_general3A_88 {offsets = [488, 0], sizes = [8, 1024], strides = [1, 1]} : vector<512x1024xf32> to vector<8x1024xf32>
      %slice3A_3658 = vector.extract_strided_slice %get3A_2802 {offsets = [488, 0], sizes = [8, 1], strides = [1, 1]} : vector<512x1xf32> to vector<8x1xf32>
      %add3A_3659 = vector.broadcast %broadcast_in_dim3A : vector<1x1024xf32> to vector<8x1024xf32>
      %add3A_3660 = vector.broadcast %slice3A_3658 : vector<8x1xf32> to vector<8x1024xf32>
      %add3A_3661 = arith.addf %add3A_3659, %add3A_3660 : vector<8x1024xf32>
      %add3A_3662 = arith.addf %add3A_3661, %slice3A_3657 : vector<8x1024xf32>
      %lt3A_3663 = arith.cmpf olt, %add3A_3662, %select_n3A_3650 : vector<8x1024xf32>
      %select_n3A_3664 = arith.select %lt3A_3663, %add3A_3662, %select_n3A_3650 : vector<8x1024xi1>, vector<8x1024xf32>
      %mul3A_3665 = arith.constant 64 : i32
      %mul3A_3666 = arith.muli %add3A_2797, %mul3A_3665 : i32
      %add3A_3667 = arith.constant 61 : i32
      %add3A_3668 = arith.addi %mul3A_3666, %add3A_3667 : i32
      %broadcast_in_dim3A_3669 = vector.broadcast %add3A_3668 : i32 to vector<8x1024xi32>
      %select_n3A_3670 = arith.select %lt3A_3663, %broadcast_in_dim3A_3669, %select_n3A_3656 : vector<8x1024xi1>, vector<8x1024xi32>
      %slice3A_3671 = vector.extract_strided_slice %dot_general3A_88 {offsets = [496, 0], sizes = [8, 1024], strides = [1, 1]} : vector<512x1024xf32> to vector<8x1024xf32>
      %slice3A_3672 = vector.extract_strided_slice %get3A_2802 {offsets = [496, 0], sizes = [8, 1], strides = [1, 1]} : vector<512x1xf32> to vector<8x1xf32>
      %add3A_3673 = vector.broadcast %broadcast_in_dim3A : vector<1x1024xf32> to vector<8x1024xf32>
      %add3A_3674 = vector.broadcast %slice3A_3672 : vector<8x1xf32> to vector<8x1024xf32>
      %add3A_3675 = arith.addf %add3A_3673, %add3A_3674 : vector<8x1024xf32>
      %add3A_3676 = arith.addf %add3A_3675, %slice3A_3671 : vector<8x1024xf32>
      %lt3A_3677 = arith.cmpf olt, %add3A_3676, %select_n3A_3664 : vector<8x1024xf32>
      %select_n3A_3678 = arith.select %lt3A_3677, %add3A_3676, %select_n3A_3664 : vector<8x1024xi1>, vector<8x1024xf32>
      %mul3A_3679 = arith.constant 64 : i32
      %mul3A_3680 = arith.muli %add3A_2797, %mul3A_3679 : i32
      %add3A_3681 = arith.constant 62 : i32
      %add3A_3682 = arith.addi %mul3A_3680, %add3A_3681 : i32
      %broadcast_in_dim3A_3683 = vector.broadcast %add3A_3682 : i32 to vector<8x1024xi32>
      %select_n3A_3684 = arith.select %lt3A_3677, %broadcast_in_dim3A_3683, %select_n3A_3670 : vector<8x1024xi1>, vector<8x1024xi32>
      %slice3A_3685 = vector.extract_strided_slice %dot_general3A_88 {offsets = [504, 0], sizes = [8, 1024], strides = [1, 1]} : vector<512x1024xf32> to vector<8x1024xf32>
      %slice3A_3686 = vector.extract_strided_slice %get3A_2802 {offsets = [504, 0], sizes = [8, 1], strides = [1, 1]} : vector<512x1xf32> to vector<8x1xf32>
      %add3A_3687 = vector.broadcast %broadcast_in_dim3A : vector<1x1024xf32> to vector<8x1024xf32>
      %add3A_3688 = vector.broadcast %slice3A_3686 : vector<8x1xf32> to vector<8x1024xf32>
      %add3A_3689 = arith.addf %add3A_3687, %add3A_3688 : vector<8x1024xf32>
      %add3A_3690 = arith.addf %add3A_3689, %slice3A_3685 : vector<8x1024xf32>
      %lt3A_3691 = arith.cmpf olt, %add3A_3690, %select_n3A_3678 : vector<8x1024xf32>
      %select_n3A_3692 = arith.select %lt3A_3691, %add3A_3690, %select_n3A_3678 : vector<8x1024xi1>, vector<8x1024xf32>
      %mul3A_3693 = arith.constant 64 : i32
      %mul3A_3694 = arith.muli %add3A_2797, %mul3A_3693 : i32
      %add3A_3695 = arith.constant 63 : i32
      %add3A_3696 = arith.addi %mul3A_3694, %add3A_3695 : i32
      %broadcast_in_dim3A_3697 = vector.broadcast %add3A_3696 : i32 to vector<8x1024xi32>
      %select_n3A_3698 = arith.select %lt3A_3691, %broadcast_in_dim3A_3697, %select_n3A_3684 : vector<8x1024xi1>, vector<8x1024xi32>
      scf.yield %select_n3A_3692, %select_n3A_3698 : vector<8x1024xf32>, vector<8x1024xi32>
    }
    %scan3A_18 = arith.constant 4 : i32
    %iota3A = tpu.iota {dimensions = array<i32: 0>} : vector<8x1024xi32>
    %mul3A_19 = arith.constant 8 : i32
    %mul3A_20 = vector.broadcast %mul3A_19 : i32 to vector<8x1024xi32>
    %mul3A_21 = arith.muli %scan3A_17#1, %mul3A_20 : vector<8x1024xi32>
    %add3A = arith.addi %mul3A_21, %iota3A : vector<8x1024xi32>
    %reduce_min3A = arith.constant dense<0x7F800000> : vector<1024xf32>
    %reduce_min3A_22 = vector.multi_reduction <minimumf>, %scan3A_17#0, %reduce_min3A [0] : vector<8x1024xf32> to vector<1024xf32>
    %broadcast_in_dim3A_23 = vector.shape_cast %reduce_min3A_22 : vector<1024xf32> to vector<1x1024xf32>
    %eq3A_24 = vector.broadcast %broadcast_in_dim3A_23 : vector<1x1024xf32> to vector<8x1024xf32>
    %eq3A_25 = arith.cmpf oeq, %scan3A_17#0, %eq3A_24 : vector<8x1024xf32>
    %jit3A = arith.constant 8192 : i32
    %broadcast_in_dim3A_26 = vector.broadcast %jit3A : i32 to vector<8x1024xi32>
    %select_n3A = arith.select %eq3A_25, %add3A, %broadcast_in_dim3A_26 : vector<8x1024xi1>, vector<8x1024xi32>
    %reduce_min3A_27 = arith.constant dense<2147483647> : vector<1024xi32>
    %reduce_min3A_28 = vector.multi_reduction <minsi>, %select_n3A, %reduce_min3A_27 [0] : vector<8x1024xi32> to vector<1024xi32>
    %swap3A = arith.constant 0 : index
    %swap3A_29 = arith.constant 0 : index
    %swap3A_30 = arith.constant 0 : index
    %swap3A_31 = vector.load %arg3[%swap3A, %swap3A_29, %swap3A_30] : memref<1x1x1024xi32, #tpu.memory_space<vmem>>, vector<1x1x1024xi32>
    %swap3A_32 = vector.shape_cast %swap3A_31 : vector<1x1x1024xi32> to vector<1024xi32>
    %swap3A_33 = vector.shape_cast %reduce_min3A_28 : vector<1024xi32> to vector<1x1x1024xi32>
    tpu.vector_store %arg3[%swap3A, %swap3A_29, %swap3A_30], %swap3A_33 {strides = array<i32>} : memref<1x1x1024xi32, #tpu.memory_space<vmem>>, vector<1x1x1024xi32>,
    %get3A_34 = arith.constant 0 : index
    %get3A_35 = memref.load %arg6[%get3A_34] : memref<1xf32, #tpu.memory_space<smem>>
    %reduce_sum3A_36 = vector.shape_cast %reduce_min3A_22 : vector<1024xf32> to vector<1x1024xf32>
    %reduce_sum3A_37 = arith.constant dense<0.000000e+00> : vector<1xf32>
    %reduce_sum3A_38 = vector.multi_reduction <add>, %reduce_sum3A_36, %reduce_sum3A_37 [1] : vector<1x1024xf32> to vector<1xf32>
    %reduce_sum3A_39 = vector.shape_cast %reduce_sum3A_38 : vector<1xf32> to vector<1x1xf32>
    %reduce_sum3A_40 = vector.extract %reduce_sum3A_39[0, 0] : f32 from vector<1x1xf32>
    %add3A_41 = arith.addf %get3A_35, %reduce_sum3A_40 : f32
    %swap3A_42 = arith.constant 0 : index
    %swap3A_43 = memref.load %arg6[%swap3A_42] : memref<1xf32, #tpu.memory_space<smem>>
    memref.store %add3A_41, %arg6[%swap3A_42] : memref<1xf32, #tpu.memory_space<smem>>
    %eq3A_44 = arith.constant 7 : i32
    %eq3A_45 = arith.cmpi eq, %arg0, %eq3A_44 : i32
    %convert_element_type3A_46 = arith.extui %eq3A_45 : i1 to i32
    %cond3A_47 = arith.constant 0 : i32
    %cond3A_48 = arith.cmpi ne, %convert_element_type3A_46, %cond3A_47 : i32
    scf.if %cond3A_48 {
      %get3A_49 = arith.constant 0 : index
      %get3A_50 = memref.load %arg6[%get3A_49] : memref<1xf32, #tpu.memory_space<smem>>
      %mul3A_51 = arith.constant 5.96046448E-7 : f32
      %mul3A_52 = arith.mulf %get3A_50, %mul3A_51 : f32
      %swap3A_53 = arith.constant 0 : index
      %swap3A_54 = arith.constant 0 : index
      %swap3A_55 = memref.load %arg4[%swap3A_53, %swap3A_54] : memref<1x1xf32, #tpu.memory_space<smem>>
      memref.store %mul3A_52, %arg4[%swap3A_53, %swap3A_54] : memref<1x1xf32, #tpu.memory_space<smem>>
    } else {
    }
    return
  }
  func.func @transform_0(%arg0: i32) -> (i32, i32, i32) {
    %c0_i32 = arith.constant 0 : i32
    %c0_i32_0 = arith.constant 0 : i32
    %c0_i32_1 = arith.constant 0 : i32
    return %arg0, %c0_i32, %c0_i32_0 : i32, i32, i32
  }
  func.func @transform_1(%arg0: i32) -> (i32, i32) {
    %c0_i32 = arith.constant 0 : i32
    %c0_i32_0 = arith.constant 0 : i32
    %c0_i32_1 = arith.constant 0 : i32
    return %c0_i32, %c0_i32_0 : i32, i32
  }
  func.func @transform_2(%arg0: i32) -> (i32, i32, i32) {
    %c0_i32 = arith.constant 0 : i32
    %c0_i32_0 = arith.constant 0 : i32
    %c0_i32_1 = arith.constant 0 : i32
    return %arg0, %c0_i32, %c0_i32_0 : i32, i32, i32
  }
  func.func @transform_3(%arg0: i32) -> (i32, i32) {
    %c0_i32 = arith.constant 0 : i32
    %c0_i32_0 = arith.constant 0 : i32
    %c0_i32_1 = arith.constant 0 : i32
    return %c0_i32, %c0_i32_0 : i32, i32
  }
}

</mosaic_0001>

<sc_bundles>
// kernel: kernel.4.cloned.1.call-start
scs
__scs_entry_jumppad:
0x0: {  	(pc) =	sbr.rel $0x88, $3  }
0x1: {  	(tag) =	ssettag $0x0;
	lr =	simm.s32 $0x1  }
0x2: {  	[smem:$0x3F9F] =	sst lr;
	_ =	strace $0xD0000000  }
0x3: {  	_ = 	snop  }
0x4: {  	_ = 	snop  }
0x5: {  	_ = 	snop  }
0x6: {  	_ = 	snop  }
0x7: {  	_ = 	snop  }
__scs_overlays_trampoline_lowered:
0x8: {  	[smem:$0x3FAE] =	sst s0  }
0x9: {  	[smem:$0x3FAF] =	sst s1  }
0xa: {  	[smem:$0x3FB0] =	sst s2  }
0xb: {  	[smem:$0x3FB1] =	sst s3  }
0xc: {  	[smem:$0x3FB2] =	sst s4  }
0xd: {  	[smem:$0x3FB3] =	sst s5  }
0xe: {  	[smem:$0x3FB4] =	sst s6  }
0xf: {  	[smem:$0x3FB5] =	sst s7  }
0x10: {  	[smem:$0x3FB6] =	sst s8  }
0x11: {  	[smem:$0x3FB7] =	sst s9;
	s0 =	simm.s32 @!p0 $0x0  }
0x12: {  	s1 =	sld [smem:$0x3F9D];
	s0 =	simm.s32 @p0 $0x1  }
0x13: {  	[smem:$0x3FB8] =	sst s0;
	s0 =	simm.s32 @!p1 $0x0  }
0x14: {  	s2 =	sld [smem:$0x3F9C];
	s0 =	simm.s32 @p1 $0x1  }
0x15: {  	[smem:$0x3FB9] =	sst s0;
	s0 =	simm.s32 @!p2 $0x0  }
0x16: {  	s3 =	sld [smem:$0x3FDB];
	s0 =	simm.s32 @p2 $0x1  }
0x17: {  	s4 =	simm.s32 $0x1BF5;
	[smem:$0x3FBB] =	sst s0  }
0x18: {  	s0 =	sld [smem:$0x3F9E];
	_ =	swait.ge [sflag:s4], $0x0  }
0x19: {  	s7 =	sld [smem:$0x3F9F]  }
0x1a: {  	s8 =	sadd.s32 $0xFFFFE003, lr  }
0x1b: {  	s9 =	sadd.s32 $0xFFFFFEF7, lr;
	s5 =	simm.s32 $0xFFFFFFFF;
	p2 =	slt.u32 s8, $0xFFFFF086  }
0x1c: {  	p1 =	slt.u32 s9, $0xF7A;
	s5 =	simm.s32 @!p2 $0x0  }
0x1d: {  	s5 =	simm.s32 @p1 $0x1;
	p0 =	seq.s32 s7, s2  }
0x1e: {  	s7 =	smul.u32 @!p0 $0xF7A, s2;
	p2 =	seq.s32 @!p0 s5, $0x0  }
0x1f: {  	s9 =	smul.u32 $0xF7A, s1;
	s8 =	simm.s32 @!p0 $0x1BF5;
	p2 =	por !p2, p0  }
0x20: {  	[sflag:s8] =	ssyncset.s32 @!p0 $0xFFFFF086;
	s6 =	sadd.s32 @!p0 s3, s7;
	s7 =	simm.s32 @!p0 $0x108  }
0x21: {  	s3 =	sadd.s32 s3, s9;
	s6 =	sadd.s32 @!p0 $0x88, s6;
	s7 =	simm.s32 @p2 $0x1082  }
0x22: {  	[simem:s7], [sflag:s8] =	dma.local @!p0 [hbm:s6], $0xF7A  }
0x23: {  	s9 =	sor.u32 $0xD0000000, s2;
	s6 =	simm.s32 $0x108;
	_ =	swait.ge @!p0 [sflag:s8], $0x0  }
0x24: {  	s3 =	sadd.s32 $0x88, s3;
	s6 =	simm.s32 @!p1 $0x1082;
	[sflag:s4] =	ssyncset.s32 $0xFFFFF086  }
0x25: {  	[simem:s6], [sflag:s4] =	dma.local [hbm:s3], $0xF7A  }
0x26: {  	[smem:$0x3F9F] =	sst s1;
	(tag) =	ssettag s2;
	_ =	strace s9  }
0x27: {  	s1 =	sld [smem:$0x3FAF]  }
0x28: {  	s2 =	sld [smem:$0x3FB0]  }
0x29: {  	s4 =	sld [smem:$0x3FB2]  }
0x2a: {  	p0 =	seq.s32 s5, $0x0;
	s5 =	sld [smem:$0x3FB3]  }
0x2b: {  	s6 =	sld [smem:$0x3FB4]  }
0x2c: {  	s7 =	sld [smem:$0x3FB5]  }
0x2d: {  	s3 =	simm.s32 $0x108;
	s8 =	sld [smem:$0x3FB6]  }
0x2e: {  	s3 =	simm.s32 @!p0 $0x1082;
	s9 =	sld [smem:$0x3FB7]  }
0x2f: {  	lr =	sadd.s32 s0, s3;
	s0 =	sld [smem:$0x3FAE]  }
0x30: {  	s3 =	sld [smem:$0x3FB1]  }
0x31: {  	[smem:$0x3FBA] =	sst s10  }
0x32: {  	s10 =	sld [smem:$0x3FB8];
	_ =	sdelay $0x3  }
0x33: {  	p0 =	seq.s32 s10, $0x1;
	s10 =	sld [smem:$0x3FBA];
	_ =	sdelay $0x3  }
0x34: {  	[smem:$0x3FBA] =	sst s10  }
0x35: {  	s10 =	sld [smem:$0x3FB9];
	_ =	sdelay $0x3  }
0x36: {  	p1 =	seq.s32 s10, $0x1;
	s10 =	sld [smem:$0x3FBA];
	_ =	sdelay $0x3  }
0x37: {  	[smem:$0x3FBA] =	sst s10  }
0x38: {  	s10 =	sld [smem:$0x3FBB]  }
0x39: {  	_ = 	snop;
	(pc) =	sbr.ind lr, $3  }
0x3a: {  	_ = 	snop  }
0x3b: {  	_ = 	snop  }
0x3c: {  	p2 =	seq.s32 s10, $0x1;
	s10 =	sld [smem:$0x3FBA]  }
0x3d: {  	_ =	shalt  }
0x3e: {  	_ =	shalt  }
0x3f: {  	_ =	shalt  }
0x40: {  	_ =	shalt  }
0x41: {  	_ =	shalt  }
0x42: {  	_ =	shalt  }
0x43: {  	_ =	shalt  }
0x44: {  	_ =	shalt  }
0x45: {  	_ =	shalt  }
0x46: {  	_ =	shalt  }
0x47: {  	_ =	shalt  }
0x48: {  	_ =	shalt  }
0x49: {  	_ =	shalt  }
0x4a: {  	_ =	shalt  }
0x4b: {  	_ =	shalt  }
0x4c: {  	_ =	shalt  }
0x4d: {  	_ =	shalt  }
0x4e: {  	_ =	shalt  }
0x4f: {  	_ =	shalt  }
0x50: {  	_ =	shalt  }
0x51: {  	_ =	shalt  }
0x52: {  	_ =	shalt  }
0x53: {  	_ =	shalt  }
0x54: {  	_ =	shalt  }
0x55: {  	_ =	shalt  }
0x56: {  	_ =	shalt  }
0x57: {  	_ =	shalt  }
0x58: {  	_ =	shalt  }
0x59: {  	_ =	shalt  }
0x5a: {  	_ =	shalt  }
0x5b: {  	_ =	shalt  }
0x5c: {  	_ =	shalt  }
0x5d: {  	_ =	shalt  }
0x5e: {  	_ =	shalt  }
0x5f: {  	_ =	shalt  }
0x60: {  	_ =	shalt  }
0x61: {  	_ =	shalt  }
0x62: {  	_ =	shalt  }
0x63: {  	_ =	shalt  }
0x64: {  	_ =	shalt  }
0x65: {  	_ =	shalt  }
0x66: {  	_ =	shalt  }
0x67: {  	_ =	shalt  }
0x68: {  	_ =	shalt  }
0x69: {  	_ =	shalt  }
0x6a: {  	_ =	shalt  }
0x6b: {  	_ =	shalt  }
0x6c: {  	_ =	shalt  }
0x6d: {  	_ =	shalt  }
0x6e: {  	_ =	shalt  }
0x6f: {  	_ =	shalt  }
0x70: {  	_ =	shalt  }
0x71: {  	_ =	shalt  }
0x72: {  	_ =	shalt  }
0x73: {  	_ =	shalt  }
0x74: {  	_ =	shalt  }
0x75: {  	_ =	shalt  }
0x76: {  	_ =	shalt  }
0x77: {  	_ =	shalt  }
0x78: {  	_ =	shalt  }
0x79: {  	_ =	shalt  }
0x7a: {  	_ =	shalt  }
0x7b: {  	_ =	shalt  }
0x7c: {  	_ =	shalt  }
0x7d: {  	_ =	shalt  }
0x7e: {  	_ =	shalt  }
0x7f: {  	_ =	shalt  }
0x80: {  	_ =	shalt  }
0x81: {  	_ =	shalt  }
0x82: {  	_ =	shalt  }
0x83: {  	_ =	shalt  }
0x84: {  	_ =	shalt  }
0x85: {  	_ =	shalt  }
0x86: {  	_ =	shalt  }
0x87: {  	_ =	shalt  }
.Lfunc_end0:
.L_simem_size_0:
called_computation_lowered:
.L_overlay_start_0:
0x88: {  	s2 =	sld [smem:$0x3FD9]  }
0x89: {  	s3 =	sld [smem:$0x3FFE];
	_ =	sdelay $0x1  }
0x8a: {  	s1 =	srdreg.scid  }
0x8b: {  	s0 =	sand.u32 $0x1, s1  }
0x8c: {  	s15 =	sshll.u32 s0, $0xA;
	s2 =	sadd.s32 s3, s2  }
0x8d: {  	s2 =	sadd.s32 s2, s15  }
0x8e: {  	[smem:$0x3FC6] =	sst s2  }
0x8f: {  	_ = 	snop  }
0x90: {  	s2 =	sld [smem:$0x3FD0];
	_ =	sdelay $0x2  }
0x91: {  	s4 =	simm.s32 $0xA;
	s5 =	simm.s32 $0x10;
	s16 =	sld [smem:$0x3FC8]  }
0x92: {  	[smem:s5], [sflag:s4] =	dma.local [hbm:s2], $0x1  }
0x93: {  	_ =	swait.eq [sflag:s4], $0x1  }
0x94: {  	[sflag:s4] =	ssyncset.done $0x0  }
0x95: {  	s17 =	sld [smem:$0x10];
	[sflag:s4] =	ssyncadd.s32 $0xFFFFFFFF  }
0x96: {  	s18 =	sld [smem:$0x12];
	(tm) =	ssettm $0x1  }
0x97: {  	s19 =	sld [smem:$0x3FFB];
	_ =	sdelay $0x3  }
0x98: {  	_ =	strace s19  }
0x99: {  	s5 =	sld [smem:$0x3FFC];
	_ =	sdelay $0x3  }
0x9a: {  	_ =	strace s5  }
0x9b: {  	s5 =	sld [smem:$0x3FFD];
	_ =	sdelay $0x3  }
0x9c: {  	_ =	strace s5  }
0x9d: {  	_ =	strace $0x8FFFFFFF  }
0x9e: {  	s20 =	sld [smem:$0x3FDB];
	_ =	sdelay $0x1  }
0x9f: {  	s6 =	simm.s32 $_scs_section_size  }
0xa0: {  	s7 =	simm.s32 $_size__tile_overlayer_lowered;
	s8 =	simm.s32 $_tile_overlayer_lowered  }
0xa1: {  	s23 =	simm.s32 $0x1BFF;
	s22 =	sshll.u32 s8, $0x1;
	s5 =	sadd.s32 s6, s20  }
0xa2: {  	s9 =	simm.s32 $0x0;
	s21 =	sshll.u32 s7, $0x1;
	s7 =	sadd.s32 s22, s5  }
0xa3: {  	[timem:s9], [sflag:s23] =	dma.local [hbm:s7], s21  }
0xa4: {  	_ =	swait.ge [sflag:s23], s21  }
0xa5: {  	s6 =	ssub.s32 $0x0, s21;
	[sflag:s23] =	ssyncset.done $0x0  }
0xa6: {  	[sflag:s23] =	ssyncadd.s32 s6;
	_ =	sdelay $0x1  }
0xa7: {  	s24 =	simm.s32 $0x1B8B  }
0xa8: {  	_ =	swait.ge [sflag:s24], $0x1  }
0xa9: {  	[sflag:s24] =	ssyncset.done $0x0  }
0xaa: {  	s25 =	simm.s32 $0x1B8E;
	[sflag:s24] =	ssyncadd.s32 $0xFFFFFFFF  }
0xab: {  	s26 =	simm.s32 $execute0_lowered;
	[smem:$0x3FD2] =	sst s25  }
0xac: {  	s6 =	sshll.u32 s26, $0x1;
	_ =	strace $0x80000046;
	[dreg:$0x1] =	wrdreg $0xFFFFFFFF  }
0xad: {  	s28 =	simm.s32 $_size_execute0_lowered;
	s5 =	sadd.s32 s5, s6;
	[dreg:$0x0] =	wrdreg $0x0  }
0xae: {  	s6 =	sshll.u32 s28, $0x1;
	[dreg:$0x2] =	wrdreg s5  }
0xaf: {  	[dreg:$0x3] =	wrdreg s6  }
0xb0: {  	[dreg:$0x4] =	wrdreg $0xC0  }
0xb1: {  	_ =	task [dreg:s9], $0x5FFFF  }
0xb2: {  	[dreg:$0x1] =	wrdreg $0xFFFFFFFF  }
0xb3: {  	[dreg:$0x0] =	wrdreg $0x60  }
0xb4: {  	[dreg:$0x2] =	wrdreg s16  }
0xb5: {  	[dreg:$0x3] =	wrdreg s18  }
0xb6: {  	[dreg:$0x4] =	wrdreg s17  }
0xb7: {  	[dreg:$0x5] =	wrdreg $0x9  }
0xb8: {  	_ =	task.clear_ibuf [dreg:s9], $0x6FFFF;
	_ =	strace $0x90000046  }
0xb9: {  	s29 =	simm.s32 $0x9;
	_ =	strace $0x80000048  }
0xba: {  	_ =	swait.ge [sflag:s29], $0x1  }
0xbb: {  	[sflag:s29] =	ssyncadd.s32 $0xFFFFFFFF  }
0xbc: {  	_ =	strace $0x90000048  }
0xbd: {  	_ =	sfence  }
0xbe: {  	s30 =	sld [smem:$0x0];
	_ =	sdelay $0x2  }
0xbf: {  	s31 =	sshll.u32 s1, $0xD;
	s1 =	sshrl.u32 s1, $0x2  }
0xc0: {  	s3 =	sand.u32 $0x4000, s31;
	s1 =	sadd.s32 s1, s30  }
0xc1: {  	s0 =	sor.u32 s3, s0;
	s1 =	sshll.u32 s1, $0x11  }
0xc2: {  	s0 =	sor.u32 s1, s0  }
0xc3: {  	s0 =	sadd.s32 $0x8F2B, s0  }
0xc4: {  	[sflag:s0] =	ssyncadd.remote.s32 $0x1  }
0xc5: {  	_ =	sfence.sel $0xFFFF  }
0xc6: {  	[dreg:$0x0] =	wrdreg $0xFFFFFFFF;
	(pc) =	sbr.abs _section_cstart, $3  }
0xc7: {  	[dreg:$0x1] =	wrdreg $0xFFFFFFFF  }
0xc8: {  	_ =	task.clear_ibuf [dreg:s9], $0x2FFFF;
	_ =	strace $0x9FFFFFFF  }
0xc9: {  	(tm) =	ssettm $0x7FFFFFFF  }
tec
execute0_lowered:
.L_overlay_start_1:
0x0: {  	(tag) =	ssettag $0x1  }
0x1: {  	s1 =	rddreg [dreg:$0x0]  }
0x2: {  	s2 =	srdreg.scid;
	s4 =	rddreg [dreg:$0x1]  }
0x3: {  	s0 =	stileid.u32;
	s5 =	rddreg [dreg:$0x2]  }
0x4: {  	s3 =	simm.s32 $0x0;
	s19 =	simm.s32 $0x900;
	s20 =	simm.s32 $0x1100  }
0x5: {  	s21 =	simm.s32 $0x1900;
	s23 =	simm.s32 $0x2100;
	s24 =	simm.s32 $0x2900  }
0x6: {  	s25 =	simm.s32 $0x3100;
	s26 =	simm.s32 $0x3900;
	s8 =	simm.s32 $0x4900  }
0x7: {  	s9 =	simm.s32 $0x5100;
	s10 =	simm.s32 $0x5900;
	s11 =	simm.s32 $0x6100  }
0x8: {  	s12 =	simm.s32 $0x6900;
	s13 =	simm.s32 $0x7100;
	[smem:$0x7FF] =	sst s3  }
0x9: {  	s14 =	simm.s32 $0x7900;
	_ =	strace $0x80000047;
	[dreg:$0x6] =	wrdreg s19  }
0xa: {  	s15 =	simm.s32 $0x8100;
	s16 =	simm.s32 $0x8900;
	[dreg:$0x7] =	wrdreg s20  }
0xb: {  	s17 =	simm.s32 $0x9100;
	s28 =	simm.s32 $0xE100;
	[dreg:$0x8] =	wrdreg s21  }
0xc: {  	s29 =	simm.s32 $0xE900;
	s30 =	simm.s32 $0xF100;
	[dreg:$0x9] =	wrdreg s23  }
0xd: {  	s31 =	simm.s32 $0xF900;
	s2 =	sand.u32 $0x1, s2;
	[dreg:$0xa] =	wrdreg s24  }
0xe: {  	s6 =	sshll.u32 s0, $0x9;
	s7 =	sshll.u32 s2, $0x8;
	[dreg:$0xb] =	wrdreg s25  }
0xf: {  	s2 =	ssub.s32 $0x2, s2;
	[dreg:$0xc] =	wrdreg s26;
	s19 =	simm.s32 $0xA100  }
0x10: {  	s20 =	simm.s32 $0xA900;
	s21 =	simm.s32 $0xB100;
	s23 =	simm.s32 $0xC100  }
0x11: {  	s24 =	simm.s32 $0xC900;
	s25 =	simm.s32 $0xD100;
	s6 =	sor.u32 s7, s6  }
0x12: {  	s26 =	simm.s32 $0xD900;
	s22 =	sshrl.u32 s2, $0x1;
	s7 =	sshrl.u32 s6, $0x3  }
0x13: {  	s6 =	sshll.u32 s6, $0x5;
	s2 =	ssub.s32 s2, s22;
	s4 =	sadd.s32 s4, s7  }
0x14: {  	v2 =	vlaneseq.u32;
	s22 =	simm.s32 $0xB900;
	s18 =	sadd.s32 s5, s6;
	[dreg:$0x4] =	wrdreg s4  }
0x15: {  	vm0 =	vmmov $0xffff;
	v1 =	vshrl.u32 v2, $0x3;
	s5 =	simm.s32 $0x2;
	s6 =	simm.s32 $0x100;
	[dreg:$0x5] =	wrdreg s18  }
0x16: {  	v0 =	vand.u32 $0x7, v2;
	v2 =	vor.u32 $0x8, v2;
	v1 =	vmul.u32 $0x8, v1;
	s4 =	smax.u32 s2, $0x1;
	s18 =	simm.s32 $0x9900;
	s2 =	simm.s32 $0x1  }
.LBB2_1:
0x17: {  	s0 =	rddreg [dreg:$0x4]  }
0x18: {  	[tilespmem:s3], [sflag:$0x2] =	stream.linear.gather [hbm4b:s0+s3], $0x100, $0x38;
	[tilespmem:$0x10100] =	vst v63  }
0x19: {  	_ =	swait.ge [sflag:s5], $0x100  }
0x1a: {  	[sflag:s5] =	ssyncset.done $0x0  }
0x1b: {  	[sflag:s5] =	ssyncadd.s32 $0xFFFFFF00  }
0x1c: {  	v3 =	vld [tilespmem:$0x0];
	_ =	sdelay $0x4  }
0x1d: {  	v4 =	vshll.u32 v3, $0x1  }
0x1e: {  	v3 =	vand.u32 $0x7, v3;
	v4 =	vand.u32 $0xFFFFFFF0, v4  }
0x1f: {  	v3 =	vor.u32 v3, v4  }
0x20: {  	v4 =	vperm.xlane v3, v0;
	_ =	sdelay $0x1  }
0x21: {  	v3 =	vperm.xlane v3, v2;
	v4 =	vadd.s32 v1, v4;
	_ =	sdelay $0x1  }
0x22: {  	v3 =	vadd.s32 v1, v3;
	_ =	sdelay $0x2  }
0x23: {  	[tilespmem:s6], [sflag:$0x1] =	stream.indirect_vreg.gather [hbm4b:s1+s3], $0x80, v4, vm0, $0xb8;
	[tilespmem:$0x10100] =	vst v63  }
0x24: {  	s7 =	rddreg [dreg:$0x6]  }
0x25: {  	[tilespmem:s7], [sflag:$0x1] =	stream.indirect_vreg.gather [hbm4b:s1+s3], $0x80, v3, vm0, $0xb8;
	[tilespmem:$0x10100] =	vst v63  }
0x26: {  	v3 =	vld [tilespmem:$0x10];
	_ =	sdelay $0x4  }
0x27: {  	v49 =	vshll.u32 v3, $0x1  }
0x28: {  	v3 =	vand.u32 $0x7, v3;
	v4 =	vand.u32 $0xFFFFFFF0, v49  }
0x29: {  	v3 =	vor.u32 v3, v4  }
0x2a: {  	v4 =	vperm.xlane v3, v0;
	_ =	sdelay $0x1  }
0x2b: {  	v3 =	vperm.xlane v3, v2;
	v4 =	vadd.s32 v1, v4;
	_ =	sdelay $0x1  }
0x2c: {  	v3 =	vadd.s32 v1, v3;
	_ =	sdelay $0x1  }
0x2d: {  	s0 =	rddreg [dreg:$0x7]  }
0x2e: {  	[tilespmem:s0], [sflag:$0x1] =	stream.indirect_vreg.gather [hbm4b:s1+s3], $0x80, v4, vm0, $0xb8;
	[tilespmem:$0x10100] =	vst v63  }
0x2f: {  	s7 =	rddreg [dreg:$0x8]  }
0x30: {  	[tilespmem:s7], [sflag:$0x1] =	stream.indirect_vreg.gather [hbm4b:s1+s3], $0x80, v3, vm0, $0xb8;
	[tilespmem:$0x10100] =	vst v63  }
0x31: {  	v3 =	vld [tilespmem:$0x20];
	_ =	sdelay $0x4  }
0x32: {  	v50 =	vshll.u32 v3, $0x1  }
0x33: {  	v3 =	vand.u32 $0x7, v3;
	v4 =	vand.u32 $0xFFFFFFF0, v50  }
0x34: {  	v3 =	vor.u32 v3, v4  }
0x35: {  	v4 =	vperm.xlane v3, v0;
	_ =	sdelay $0x1  }
0x36: {  	v3 =	vperm.xlane v3, v2;
	v4 =	vadd.s32 v1, v4;
	_ =	sdelay $0x1  }
0x37: {  	v3 =	vadd.s32 v1, v3;
	_ =	sdelay $0x1  }
0x38: {  	s0 =	rddreg [dreg:$0x9]  }
0x39: {  	[tilespmem:s0], [sflag:$0x1] =	stream.indirect_vreg.gather [hbm4b:s1+s3], $0x80, v4, vm0, $0xb8;
	[tilespmem:$0x10100] =	vst v63  }
0x3a: {  	s7 =	rddreg [dreg:$0xa]  }
0x3b: {  	[tilespmem:s7], [sflag:$0x1] =	stream.indirect_vreg.gather [hbm4b:s1+s3], $0x80, v3, vm0, $0xb8;
	[tilespmem:$0x10100] =	vst v63  }
0x3c: {  	v3 =	vld [tilespmem:$0x30];
	_ =	sdelay $0x4  }
0x3d: {  	v51 =	vshll.u32 v3, $0x1  }
0x3e: {  	v3 =	vand.u32 $0x7, v3;
	v4 =	vand.u32 $0xFFFFFFF0, v51  }
0x3f: {  	v3 =	vor.u32 v3, v4  }
0x40: {  	v4 =	vperm.xlane v3, v0;
	_ =	sdelay $0x1  }
0x41: {  	v3 =	vperm.xlane v3, v2;
	v4 =	vadd.s32 v1, v4;
	_ =	sdelay $0x1  }
0x42: {  	v3 =	vadd.s32 v1, v3;
	_ =	sdelay $0x1  }
0x43: {  	s0 =	rddreg [dreg:$0xb]  }
0x44: {  	[tilespmem:s0], [sflag:$0x1] =	stream.indirect_vreg.gather [hbm4b:s1+s3], $0x80, v4, vm0, $0xb8;
	[tilespmem:$0x10100] =	vst v63  }
0x45: {  	s7 =	rddreg [dreg:$0xc]  }
0x46: {  	[tilespmem:s7], [sflag:$0x1] =	stream.indirect_vreg.gather [hbm4b:s1+s3], $0x80, v3, vm0, $0xb8;
	[tilespmem:$0x10100] =	vst v63  }
0x47: {  	v3 =	vld [tilespmem:$0x40];
	_ =	sdelay $0x4  }
0x48: {  	v52 =	vshll.u32 v3, $0x1  }
0x49: {  	v3 =	vand.u32 $0x7, v3;
	v4 =	vand.u32 $0xFFFFFFF0, v52  }
0x4a: {  	v3 =	vor.u32 v3, v4  }
0x4b: {  	v4 =	vperm.xlane v3, v0;
	_ =	sdelay $0x1  }
0x4c: {  	v3 =	vperm.xlane v3, v2;
	v4 =	vadd.s32 v1, v4;
	_ =	sdelay $0x1  }
0x4d: {  	v3 =	vadd.s32 v1, v3;
	_ =	sdelay $0x1  }
0x4e: {  	s7 =	simm.s32 $0x4100  }
0x4f: {  	[tilespmem:s7], [sflag:$0x1] =	stream.indirect_vreg.gather [hbm4b:s1+s3], $0x80, v4, vm0, $0xb8;
	[tilespmem:$0x10100] =	vst v63  }
0x50: {  	_ = 	snop  }
0x51: {  	[tilespmem:s8], [sflag:$0x1] =	stream.indirect_vreg.gather [hbm4b:s1+s3], $0x80, v3, vm0, $0xb8;
	[tilespmem:$0x10100] =	vst v63  }
0x52: {  	v3 =	vld [tilespmem:$0x50];
	_ =	sdelay $0x4  }
0x53: {  	v53 =	vshll.u32 v3, $0x1  }
0x54: {  	v3 =	vand.u32 $0x7, v3;
	v4 =	vand.u32 $0xFFFFFFF0, v53  }
0x55: {  	v3 =	vor.u32 v3, v4  }
0x56: {  	v4 =	vperm.xlane v3, v0;
	_ =	sdelay $0x1  }
0x57: {  	v3 =	vperm.xlane v3, v2;
	v4 =	vadd.s32 v1, v4;
	_ =	sdelay $0x1  }
0x58: {  	v3 =	vadd.s32 v1, v3;
	_ =	sdelay $0x2  }
0x59: {  	[tilespmem:s9], [sflag:$0x1] =	stream.indirect_vreg.gather [hbm4b:s1+s3], $0x80, v4, vm0, $0xb8;
	[tilespmem:$0x10100] =	vst v63  }
0x5a: {  	_ = 	snop  }
0x5b: {  	[tilespmem:s10], [sflag:$0x1] =	stream.indirect_vreg.gather [hbm4b:s1+s3], $0x80, v3, vm0, $0xb8;
	[tilespmem:$0x10100] =	vst v63  }
0x5c: {  	v3 =	vld [tilespmem:$0x60];
	_ =	sdelay $0x4  }
0x5d: {  	v54 =	vshll.u32 v3, $0x1  }
0x5e: {  	v3 =	vand.u32 $0x7, v3;
	v4 =	vand.u32 $0xFFFFFFF0, v54  }
0x5f: {  	v3 =	vor.u32 v3, v4  }
0x60: {  	v4 =	vperm.xlane v3, v0;
	_ =	sdelay $0x1  }
0x61: {  	v3 =	vperm.xlane v3, v2;
	v4 =	vadd.s32 v1, v4;
	_ =	sdelay $0x1  }
0x62: {  	v3 =	vadd.s32 v1, v3;
	_ =	sdelay $0x2  }
0x63: {  	[tilespmem:s11], [sflag:$0x1] =	stream.indirect_vreg.gather [hbm4b:s1+s3], $0x80, v4, vm0, $0xb8;
	[tilespmem:$0x10100] =	vst v63  }
0x64: {  	_ = 	snop  }
0x65: {  	[tilespmem:s12], [sflag:$0x1] =	stream.indirect_vreg.gather [hbm4b:s1+s3], $0x80, v3, vm0, $0xb8;
	[tilespmem:$0x10100] =	vst v63  }
0x66: {  	v3 =	vld [tilespmem:$0x70];
	_ =	sdelay $0x4  }
0x67: {  	v55 =	vshll.u32 v3, $0x1  }
0x68: {  	v3 =	vand.u32 $0x7, v3;
	v4 =	vand.u32 $0xFFFFFFF0, v55  }
0x69: {  	v3 =	vor.u32 v3, v4  }
0x6a: {  	v4 =	vperm.xlane v3, v0;
	_ =	sdelay $0x1  }
0x6b: {  	v3 =	vperm.xlane v3, v2;
	v4 =	vadd.s32 v1, v4;
	_ =	sdelay $0x1  }
0x6c: {  	v3 =	vadd.s32 v1, v3;
	_ =	sdelay $0x2  }
0x6d: {  	[tilespmem:s13], [sflag:$0x1] =	stream.indirect_vreg.gather [hbm4b:s1+s3], $0x80, v4, vm0, $0xb8;
	[tilespmem:$0x10100] =	vst v63  }
0x6e: {  	_ = 	snop  }
0x6f: {  	[tilespmem:s14], [sflag:$0x1] =	stream.indirect_vreg.gather [hbm4b:s1+s3], $0x80, v3, vm0, $0xb8;
	[tilespmem:$0x10100] =	vst v63  }
0x70: {  	v3 =	vld [tilespmem:$0x80];
	_ =	sdelay $0x4  }
0x71: {  	v56 =	vshll.u32 v3, $0x1  }
0x72: {  	v3 =	vand.u32 $0x7, v3;
	v4 =	vand.u32 $0xFFFFFFF0, v56  }
0x73: {  	v3 =	vor.u32 v3, v4  }
0x74: {  	v4 =	vperm.xlane v3, v0;
	_ =	sdelay $0x1  }
0x75: {  	v3 =	vperm.xlane v3, v2;
	v4 =	vadd.s32 v1, v4;
	_ =	sdelay $0x1  }
0x76: {  	v3 =	vadd.s32 v1, v3;
	_ =	sdelay $0x2  }
0x77: {  	[tilespmem:s15], [sflag:$0x1] =	stream.indirect_vreg.gather [hbm4b:s1+s3], $0x80, v4, vm0, $0xb8;
	[tilespmem:$0x10100] =	vst v63  }
0x78: {  	_ = 	snop  }
0x79: {  	[tilespmem:s16], [sflag:$0x1] =	stream.indirect_vreg.gather [hbm4b:s1+s3], $0x80, v3, vm0, $0xb8;
	[tilespmem:$0x10100] =	vst v63  }
0x7a: {  	v3 =	vld [tilespmem:$0x90];
	_ =	sdelay $0x4  }
0x7b: {  	v57 =	vshll.u32 v3, $0x1  }
0x7c: {  	v3 =	vand.u32 $0x7, v3;
	v4 =	vand.u32 $0xFFFFFFF0, v57  }
0x7d: {  	v3 =	vor.u32 v3, v4  }
0x7e: {  	v4 =	vperm.xlane v3, v0;
	_ =	sdelay $0x1  }
0x7f: {  	v3 =	vperm.xlane v3, v2;
	v4 =	vadd.s32 v1, v4;
	_ =	sdelay $0x1  }
0x80: {  	v3 =	vadd.s32 v1, v3;
	_ =	sdelay $0x2  }
0x81: {  	[tilespmem:s17], [sflag:$0x1] =	stream.indirect_vreg.gather [hbm4b:s1+s3], $0x80, v4, vm0, $0xb8;
	[tilespmem:$0x10100] =	vst v63  }
0x82: {  	_ = 	snop  }
0x83: {  	[tilespmem:s18], [sflag:$0x1] =	stream.indirect_vreg.gather [hbm4b:s1+s3], $0x80, v3, vm0, $0xb8;
	[tilespmem:$0x10100] =	vst v63  }
0x84: {  	v3 =	vld [tilespmem:$0xA0];
	_ =	sdelay $0x4  }
0x85: {  	v58 =	vshll.u32 v3, $0x1  }
0x86: {  	v3 =	vand.u32 $0x7, v3;
	v4 =	vand.u32 $0xFFFFFFF0, v58  }
0x87: {  	v3 =	vor.u32 v3, v4  }
0x88: {  	v4 =	vperm.xlane v3, v0;
	_ =	sdelay $0x1  }
0x89: {  	v3 =	vperm.xlane v3, v2;
	v4 =	vadd.s32 v1, v4;
	_ =	sdelay $0x1  }
0x8a: {  	v3 =	vadd.s32 v1, v3;
	_ =	sdelay $0x2  }
0x8b: {  	[tilespmem:s19], [sflag:$0x1] =	stream.indirect_vreg.gather [hbm4b:s1+s3], $0x80, v4, vm0, $0xb8;
	[tilespmem:$0x10100] =	vst v63  }
0x8c: {  	_ = 	snop  }
0x8d: {  	[tilespmem:s20], [sflag:$0x1] =	stream.indirect_vreg.gather [hbm4b:s1+s3], $0x80, v3, vm0, $0xb8;
	[tilespmem:$0x10100] =	vst v63  }
0x8e: {  	v3 =	vld [tilespmem:$0xB0];
	_ =	sdelay $0x4  }
0x8f: {  	v59 =	vshll.u32 v3, $0x1  }
0x90: {  	v3 =	vand.u32 $0x7, v3;
	v4 =	vand.u32 $0xFFFFFFF0, v59  }
0x91: {  	v3 =	vor.u32 v3, v4  }
0x92: {  	v4 =	vperm.xlane v3, v0;
	_ =	sdelay $0x1  }
0x93: {  	v3 =	vperm.xlane v3, v2;
	v4 =	vadd.s32 v1, v4;
	_ =	sdelay $0x1  }
0x94: {  	v3 =	vadd.s32 v1, v3;
	_ =	sdelay $0x2  }
0x95: {  	[tilespmem:s21], [sflag:$0x1] =	stream.indirect_vreg.gather [hbm4b:s1+s3], $0x80, v4, vm0, $0xb8;
	[tilespmem:$0x10100] =	vst v63  }
0x96: {  	_ = 	snop  }
0x97: {  	[tilespmem:s22], [sflag:$0x1] =	stream.indirect_vreg.gather [hbm4b:s1+s3], $0x80, v3, vm0, $0xb8;
	[tilespmem:$0x10100] =	vst v63  }
0x98: {  	v3 =	vld [tilespmem:$0xC0];
	_ =	sdelay $0x4  }
0x99: {  	v60 =	vshll.u32 v3, $0x1  }
0x9a: {  	v3 =	vand.u32 $0x7, v3;
	v4 =	vand.u32 $0xFFFFFFF0, v60  }
0x9b: {  	v3 =	vor.u32 v3, v4  }
0x9c: {  	v4 =	vperm.xlane v3, v0;
	_ =	sdelay $0x1  }
0x9d: {  	v3 =	vperm.xlane v3, v2;
	v4 =	vadd.s32 v1, v4;
	_ =	sdelay $0x1  }
0x9e: {  	v3 =	vadd.s32 v1, v3;
	_ =	sdelay $0x2  }
0x9f: {  	[tilespmem:s23], [sflag:$0x1] =	stream.indirect_vreg.gather [hbm4b:s1+s3], $0x80, v4, vm0, $0xb8;
	[tilespmem:$0x10100] =	vst v63  }
0xa0: {  	_ = 	snop  }
0xa1: {  	[tilespmem:s24], [sflag:$0x1] =	stream.indirect_vreg.gather [hbm4b:s1+s3], $0x80, v3, vm0, $0xb8;
	[tilespmem:$0x10100] =	vst v63  }
0xa2: {  	v3 =	vld [tilespmem:$0xD0];
	_ =	sdelay $0x4  }
0xa3: {  	v61 =	vshll.u32 v3, $0x1  }
0xa4: {  	v3 =	vand.u32 $0x7, v3;
	v4 =	vand.u32 $0xFFFFFFF0, v61  }
0xa5: {  	v3 =	vor.u32 v3, v4  }
0xa6: {  	v4 =	vperm.xlane v3, v0;
	_ =	sdelay $0x1  }
0xa7: {  	v3 =	vperm.xlane v3, v2;
	v4 =	vadd.s32 v1, v4;
	_ =	sdelay $0x1  }
0xa8: {  	v3 =	vadd.s32 v1, v3;
	_ =	sdelay $0x2  }
0xa9: {  	[tilespmem:s25], [sflag:$0x1] =	stream.indirect_vreg.gather [hbm4b:s1+s3], $0x80, v4, vm0, $0xb8;
	[tilespmem:$0x10100] =	vst v63  }
0xaa: {  	_ = 	snop  }
0xab: {  	[tilespmem:s26], [sflag:$0x1] =	stream.indirect_vreg.gather [hbm4b:s1+s3], $0x80, v3, vm0, $0xb8;
	[tilespmem:$0x10100] =	vst v63  }
0xac: {  	v3 =	vld [tilespmem:$0xE0];
	_ =	sdelay $0x4  }
0xad: {  	v62 =	vshll.u32 v3, $0x1  }
0xae: {  	v3 =	vand.u32 $0x7, v3;
	v4 =	vand.u32 $0xFFFFFFF0, v62  }
0xaf: {  	v3 =	vor.u32 v3, v4  }
0xb0: {  	v4 =	vperm.xlane v3, v0;
	_ =	sdelay $0x1  }
0xb1: {  	v3 =	vperm.xlane v3, v2;
	v4 =	vadd.s32 v1, v4;
	_ =	sdelay $0x1  }
0xb2: {  	v3 =	vadd.s32 v1, v3;
	_ =	sdelay $0x2  }
0xb3: {  	[tilespmem:s28], [sflag:$0x1] =	stream.indirect_vreg.gather [hbm4b:s1+s3], $0x80, v4, vm0, $0xb8;
	[tilespmem:$0x10100] =	vst v63  }
0xb4: {  	_ = 	snop  }
0xb5: {  	[tilespmem:s29], [sflag:$0x1] =	stream.indirect_vreg.gather [hbm4b:s1+s3], $0x80, v3, vm0, $0xb8;
	[tilespmem:$0x10100] =	vst v63  }
0xb6: {  	v3 =	vld [tilespmem:$0xF0];
	_ =	sdelay $0x4  }
0xb7: {  	v63 =	vshll.u32 v3, $0x1  }
0xb8: {  	v3 =	vand.u32 $0x7, v3;
	v4 =	vand.u32 $0xFFFFFFF0, v63  }
0xb9: {  	v3 =	vor.u32 v3, v4  }
0xba: {  	v4 =	vperm.xlane v3, v0;
	_ =	sdelay $0x1  }
0xbb: {  	v3 =	vperm.xlane v3, v2;
	v4 =	vadd.s32 v1, v4;
	_ =	sdelay $0x1  }
0xbc: {  	v3 =	vadd.s32 v1, v3;
	_ =	sdelay $0x2  }
0xbd: {  	[tilespmem:s30], [sflag:$0x1] =	stream.indirect_vreg.gather [hbm4b:s1+s3], $0x80, v4, vm0, $0xb8;
	[tilespmem:$0x10100] =	vst v63  }
0xbe: {  	_ = 	snop  }
0xbf: {  	[tilespmem:s31], [sflag:$0x1] =	stream.indirect_vreg.gather [hbm4b:s1+s3], $0x80, v3, vm0, $0xb8;
	[tilespmem:$0x10100] =	vst v63  }
0xc0: {  	_ =	swait.ge [sflag:s2], $0x10000  }
0xc1: {  	p0 =	sne.s32 s4, $0x1;
	[sflag:s2] =	ssyncset.done $0x0  }
.Ltmp0:
0xc2: {  	s7 =	rddreg [dreg:$0x5];
	[sflag:s2] =	ssyncadd.s32 $0xFFFF0000;
	(pc) =	sbr.rel @p0 .LBB2_1-.Ltmp0, $4  }
0xc3: {  	[hbm4b:s7+s3] =	stream.linear.scatter [tilespmem:s6], [sflag:$0x2], $0x10000, $0x38;
	[tilespmem:$0x10100] =	vst v63  }
0xc4: {  	_ =	swait.ge [sflag:s5], $0x10000  }
0xc5: {  	[sflag:s5] =	ssyncset.done $0x0  }
0xc6: {  	s4 =	sadd.s32 $0xFFFFFFFF, s4;
	[sflag:s5] =	ssyncadd.s32 $0xFFFF0000  }
0xc7: {  	_ =	sfence.sel $0x180000  }
0xc8: {  	[bflag:$0x0] =	sbarrier.arrive $0xFFFF  }
0xc9: {  	_ =	strace $0x90000047  }
0xca: {  	s0 =	stileid.u32;
	[bflag:$0x2] =	sbarrier.arrive $0xFFFF  }
0xcb: {  	p0 =	sne.s32 s0, $0x0;
	s0 =	rddreg [dreg:$0x3]  }
0xcc: {  	s0 =	sadd.s32 @!p0 $0x100000, s0  }
0xcd: {  	[sflag:s0] =	ssyncadd.tile.s32 @!p0 $0x1;
	_ =	shalt  }
.Lfunc_end2:
_tile_overlayer_lowered:
.L_overlay_start_2:
0xce: {  	(tag) =	ssettag $0x2  }
0xcf: {  	s0 =	rddreg [dreg:$0x0];
	s2 =	stileid.u32  }
0xd0: {  	s1 =	rddreg [dreg:$0x1];
	p0 =	sne.s32 s2, $0x0  }
0xd1: {  	s3 =	rddreg [dreg:$0x2];
	[bflag:$0x3] =	sbarrier.arrive $0xFFFF;
	s2 =	simm.s32 @!p0 $0x1C02  }
0xd2: {  	[timem:s3], [sflag:s2] =	dma.local @!p0 [hbm:s0], s1  }
0xd3: {  	s0 =	simm.s32 @!p0 $0x2  }
0xd4: {  	_ =	swait.ge @!p0 [sflag:s0], s1  }
0xd5: {  	s1 =	ssub.s32 @!p0 $0x0, s1;
	[sflag:s0] =	ssyncset.done @!p0 $0x0  }
0xd6: {  	[sflag:s0] =	ssyncadd.s32 @!p0 s1  }
0xd7: {  	[bflag:$0x3] =	sbarrier.arrive $0xFFFF  }
0xd8: {  	_ =	shalt  }

</sc_bundles>
